<compile_context>
chip_gen: v7x
topology: tpu7x:2x2x1
jax: 0.10.2.dev20260603
libtpu: 0.0.44.dev20260713+nightly
codegen_flags: <defaults>
</compile_context>

<pallas_src>
import functools

import jax
import jax.numpy as jnp
from jax import lax
from jax.experimental import pallas as pl
from jax.experimental.pallas import tpu as pltpu
from jax.experimental.pallas import tpu_sc as plsc

N = 10000
E = 320000
NPAIRS = 50000
HID = 128

NW = 32
EPAD = 327680
EPW = EPAD // NW
ECHUNK = 128
NACC = 10112
PPAD = 53248
PPW = PPAD // NW
NBLK = 1000
NGRID = N // NBLK

_f32 = jnp.float32


def _mesh():
    return plsc.VectorSubcoreMesh(core_axis_name="c", subcore_axis_name="s",
                                  num_cores=2, num_subcores=16)



@functools.cache
def _sc_deg_kernel():
    return functools.partial(
        pl.kernel,
        out_type=jax.ShapeDtypeStruct((2, NACC, HID), _f32),
        mesh=_mesh(),
        scratch_types=[
            pltpu.VMEM((4, ECHUNK), jnp.int32),
            pltpu.VMEM((ECHUNK, HID), _f32),
            pltpu.VMEM_SHARED((NACC, HID), _f32),
        ] + [pltpu.SemaphoreType.DMA] * 4,
    )(_sc_deg_body)


def _sc_deg_body(col_hbm, ones_hbm, zeros_hbm, out_hbm, coli_v, ones_v,
                 acc_sh, *sems):
    cid = lax.axis_index("c")
    sid = lax.axis_index("s")
    wid = sid * 2 + cid
    pltpu.sync_copy(ones_hbm, ones_v)
    pltpu.sync_copy(zeros_hbm, acc_sh.at[pl.ds(sid * 632, 632)])
    plsc.subcore_barrier()

    def group(gi, c):
        for b in range(4):
            pltpu.sync_copy(col_hbm.at[wid, gi * 4 + b], coli_v.at[b])
        sd = []
        for b in range(4):
            sd.append(pltpu.async_copy(
                ones_v, acc_sh.at[coli_v.at[b]], sems[b], add=True))
        for b in range(4):
            sd[b].wait()
        return c

    lax.fori_loop(0, EPW // ECHUNK // 4, group, 0)
    plsc.subcore_barrier()
    pltpu.sync_copy(acc_sh.at[pl.ds(sid * 632, 632)],
                    out_hbm.at[cid, pl.ds(sid * 632, 632)])


NBUF = 2
NCH = EPW // ECHUNK
NGRP = NCH // NBUF


@functools.cache
def _sc_agg_kernel():
    return functools.partial(
        pl.kernel,
        out_type=jax.ShapeDtypeStruct((2, NACC, HID), _f32),
        mesh=_mesh(),
        scratch_types=[
            pltpu.VMEM((NCH, ECHUNK), jnp.int32),
            pltpu.VMEM((NBUF, ECHUNK), jnp.int32),
        ] + [pltpu.VMEM((ECHUNK, HID), _f32)] * NBUF
          + [pltpu.VMEM_SHARED((NACC, HID), _f32)]
          + [pltpu.SemaphoreType.DMA] * (2 * NBUF),
    )(_sc_agg_body)


def _sc_agg_body(tbl_hbm, row_hbm, col_hbm, zeros_hbm, out_hbm,
                 row2_v, coli_v, *rest):
    bufs = rest[:NBUF]
    acc_sh = rest[NBUF]
    gsems = rest[NBUF + 1:2 * NBUF + 1]
    ssems = rest[2 * NBUF + 1:]
    cid = lax.axis_index("c")
    sid = lax.axis_index("s")
    wid = sid * 2 + cid
    pltpu.sync_copy(row_hbm.at[wid], row2_v)
    pltpu.sync_copy(zeros_hbm, acc_sh.at[pl.ds(sid * 632, 632)])
    plsc.subcore_barrier()

    def group(gi, c):
        gd = []
        for b in range(NBUF):
            gd.append(pltpu.async_copy(
                tbl_hbm.at[row2_v.at[gi * NBUF + b]], bufs[b], gsems[b]))
        for b in range(NBUF):
            pltpu.sync_copy(col_hbm.at[wid, gi * NBUF + b], coli_v.at[b])
        sd = []
        for b in range(NBUF):
            gd[b].wait()
            sd.append(pltpu.async_copy(
                bufs[b], acc_sh.at[coli_v.at[b]], ssems[b], add=True))
        for b in range(NBUF):
            sd[b].wait()
        return c

    lax.fori_loop(0, NGRP, group, 0)
    plsc.subcore_barrier()
    pltpu.sync_copy(acc_sh.at[pl.ds(sid * 632, 632)],
                    out_hbm.at[cid, pl.ds(sid * 632, 632)])


@functools.cache
def _sc_pairs_kernel():
    return functools.partial(
        pl.kernel,
        out_type=(jax.ShapeDtypeStruct((PPAD * 16,), _f32),
                  jax.ShapeDtypeStruct((PPAD * 16,), _f32)),
        mesh=_mesh(),
        scratch_types=[
            pltpu.VMEM((PPW,), jnp.int32),
            pltpu.VMEM((PPW,), jnp.int32),
            pltpu.VMEM((128, HID), _f32),
            pltpu.VMEM((128, HID), _f32),
            pltpu.VMEM((PPW * 16,), _f32),
            pltpu.VMEM((PPW * 16,), _f32),
            pltpu.SemaphoreType.DMA,
        ],
    )(_sc_pairs_body)


def _sc_pairs_body(py_hbm, src_hbm, tgt_hbm, d_out, dl_out,
                   src_v, tgt_v, s_chunk, t_chunk, d_v, dl_v, sem):
    cid = lax.axis_index("c")
    sid = lax.axis_index("s")
    wid = sid * 2 + cid
    base = wid * PPW
    pltpu.sync_copy(src_hbm.at[pl.ds(base, PPW)], src_v)
    pltpu.sync_copy(tgt_hbm.at[pl.ds(base, PPW)], tgt_v)

    def body(i, c):
        sl = pl.ds(pl.multiple_of(i * 128, 128), 128)
        a = pltpu.async_copy(py_hbm.at[src_v.at[sl]], s_chunk, sem)
        b = pltpu.async_copy(py_hbm.at[tgt_v.at[sl]], t_chunk, sem)
        a.wait()
        b.wait()

        def inner(j, c2):
            r = pl.ds(pl.multiple_of((i * 128 + j) * 16, 16), 16)
            d_v[r] = s_chunk[j, pl.ds(0, 16)] - t_chunk[j, pl.ds(0, 16)]
            dl_v[r] = s_chunk[j, pl.ds(16, 16)] - t_chunk[j, pl.ds(16, 16)]
            return c2

        return lax.fori_loop(0, 128, inner, c)

    lax.fori_loop(0, PPW // 128, body, 0)
    pltpu.sync_copy(d_v, d_out.at[pl.ds(base * 16, PPW * 16)])
    pltpu.sync_copy(dl_v, dl_out.at[pl.ds(base * 16, PPW * 16)])



def _tc_init_body(xp_ref, wint_ref, bin_ref, deg0_ref, deg1_ref,
                  h_ref, g_ref, dis_ref):
    h0 = jnp.maximum(
        jnp.dot(xp_ref[...], wint_ref[...], preferred_element_type=_f32)
        + bin_ref[...], 0.0)
    s = jnp.sum(h0 * h0, axis=1, keepdims=True)
    h0 = h0 * lax.rsqrt(jnp.maximum(s, 1e-24))
    deg = deg0_ref[0] + deg1_ref[0] + 1.0
    dis = lax.rsqrt(deg)
    h_ref[...] = h0
    dis_ref[...] = dis
    g_ref[...] = dis * h0


def _tc_init(xp, wint, bin2, deg):
    return pl.pallas_call(
        _tc_init_body,
        grid=(NGRID,),
        in_specs=[
            pl.BlockSpec((NBLK, HID), lambda i: (i, 0)),
            pl.BlockSpec((HID, HID), lambda i: (0, 0)),
            pl.BlockSpec((1, HID), lambda i: (0, 0)),
            pl.BlockSpec((1, NBLK, HID), lambda i: (0, i, 0)),
            pl.BlockSpec((1, NBLK, HID), lambda i: (1, i, 0)),
        ],
        out_specs=[
            pl.BlockSpec((NBLK, HID), lambda i: (i, 0)),
            pl.BlockSpec((NBLK, HID), lambda i: (i, 0)),
            pl.BlockSpec((NBLK, HID), lambda i: (i, 0)),
        ],
        out_shape=[jax.ShapeDtypeStruct((N, HID), _f32)] * 3,
    )(xp, wint, bin2, deg, deg)


def _tc_gru_body(h_ref, p0_ref, p1_ref, dis_ref, wih_ref, whh_ref, hmax_ref,
                 ho_ref, go_ref, mo_ref):
    dis = dis_ref[...]
    hn = dis * (p0_ref[0] + p1_ref[0])
    h = h_ref[...]
    gi = jnp.dot(h, wih_ref[...], preferred_element_type=_f32)
    gh = jnp.dot(hn, whh_ref[...], preferred_element_type=_f32)
    r = jax.nn.sigmoid(gi[:, :HID] + gh[:, :HID])
    z = jax.nn.sigmoid(gi[:, HID:2 * HID] + gh[:, HID:2 * HID])
    nc = jnp.tanh(gi[:, 2 * HID:] + r * gh[:, 2 * HID:])
    hnew = (1.0 - z) * nc + z * hn
    s = jnp.sum(hnew * hnew, axis=1, keepdims=True)
    hnew = hnew * lax.rsqrt(jnp.maximum(s, 1e-24))
    ho_ref[...] = hnew
    go_ref[...] = dis * hnew
    mo_ref[...] = jnp.maximum(hmax_ref[...], hnew)


def _tc_gru(h, parts, dis2d, wiht, whht, hmax):
    return pl.pallas_call(
        _tc_gru_body,
        grid=(NGRID,),
        in_specs=[
            pl.BlockSpec((NBLK, HID), lambda i: (i, 0)),
            pl.BlockSpec((1, NBLK, HID), lambda i: (0, i, 0)),
            pl.BlockSpec((1, NBLK, HID), lambda i: (1, i, 0)),
            pl.BlockSpec((NBLK, HID), lambda i: (i, 0)),
            pl.BlockSpec((HID, 3 * HID), lambda i: (0, 0)),
            pl.BlockSpec((HID, 3 * HID), lambda i: (0, 0)),
            pl.BlockSpec((NBLK, HID), lambda i: (i, 0)),
        ],
        out_specs=[
            pl.BlockSpec((NBLK, HID), lambda i: (i, 0)),
            pl.BlockSpec((NBLK, HID), lambda i: (i, 0)),
            pl.BlockSpec((NBLK, HID), lambda i: (i, 0)),
        ],
        out_shape=[jax.ShapeDtypeStruct((N, HID), _f32)] * 3,
    )(h, parts, parts, dis2d, wiht, whht, hmax)


def _tc_mlp_body(hmax_ref, w1t_ref, b1_ref, w2_ref, b2_ref, y_ref,
                 out_ref, outpy_ref):
    hm = hmax_ref[...]
    s = jnp.sum(hm * hm, axis=1, keepdims=True)
    z = hm * lax.rsqrt(jnp.maximum(s, 1e-24))
    hid = jnp.maximum(
        jnp.dot(z, w1t_ref[...], preferred_element_type=_f32) + b1_ref[...],
        0.0)
    pred = jnp.sum(hid * w2_ref[...], axis=1) + b2_ref[0, 0]
    pred = jnp.maximum(pred, 0.0)
    out_ref[0, 0, :] = pred
    yb = y_ref[0, 0, :]
    outpy_ref[...] = jnp.concatenate(
        [jnp.broadcast_to(pred[:, None], (NBLK, 16)),
         jnp.broadcast_to(yb[:, None], (NBLK, 16)),
         jnp.zeros((NBLK, HID - 32), _f32)], axis=1)


def _tc_mlp(hmax, w1t, b1p, w2row, b2b, y3):
    return pl.pallas_call(
        _tc_mlp_body,
        grid=(NGRID,),
        in_specs=[
            pl.BlockSpec((NBLK, HID), lambda i: (i, 0)),
            pl.BlockSpec((HID, HID), lambda i: (0, 0)),
            pl.BlockSpec((1, HID), lambda i: (0, 0)),
            pl.BlockSpec((1, HID), lambda i: (0, 0)),
            pl.BlockSpec((1, HID), lambda i: (0, 0)),
            pl.BlockSpec((1, 1, NBLK), lambda i: (i, 0, 0)),
        ],
        out_specs=[
            pl.BlockSpec((1, 1, NBLK), lambda i: (i, 0, 0)),
            pl.BlockSpec((NBLK, HID), lambda i: (i, 0)),
        ],
        out_shape=[jax.ShapeDtypeStruct((NGRID, 1, NBLK), _f32),
                   jax.ShapeDtypeStruct((N, HID), _f32)],
    )(hmax, w1t, b1p, w2row, b2b, y3)


def _tc_loss_body(d_ref, dl_ref, out_ref):
    d = d_ref[...]
    dl = dl_ref[...]
    p = jax.nn.sigmoid(d)
    lab = jax.nn.sigmoid(dl)
    eps = 1e-12
    p = jnp.clip(p, eps, 1.0 - eps)
    rows = lax.broadcasted_iota(jnp.int32, d.shape, 0)
    lanes = lax.broadcasted_iota(jnp.int32, d.shape, 1)
    pair_idx = rows * 8 + lanes // 16
    mask = pair_idx < NPAIRS
    t = lab * jnp.log(p) + (1.0 - lab) * jnp.log(1.0 - p)
    loss = -jnp.sum(jnp.where(mask, t, 0.0)) / (16.0 * NPAIRS)
    out_ref[...] = jnp.full((8, 128), loss, _f32)


def _tc_loss(d, dl):
    return pl.pallas_call(
        _tc_loss_body,
        out_shape=jax.ShapeDtypeStruct((8, 128), _f32),
    )(d, dl)



def kernel(x, edge_index, y, pair_src, pair_tgt,
           W_in, b_in, W_ih, W_hh, W1, b1, W2, b2):
    row = edge_index[0]
    col = edge_index[1]
    rowp = jnp.concatenate([row, jnp.zeros((EPAD - E,), jnp.int32)]
                           ).reshape(NW, EPW // ECHUNK, ECHUNK)
    colp = jnp.concatenate([col, jnp.full((EPAD - E,), N, jnp.int32)]
                           ).reshape(NW, EPW // ECHUNK, ECHUNK)
    srcp = jnp.concatenate([pair_src, jnp.zeros((PPAD - NPAIRS,), jnp.int32)])
    tgtp = jnp.concatenate([pair_tgt, jnp.zeros((PPAD - NPAIRS,), jnp.int32)])

    xp = jnp.pad(x, ((0, 0), (0, HID - x.shape[1])))
    wint = jnp.pad(W_in.T, ((0, HID - x.shape[1]), (0, 0)))
    bin2 = b_in.reshape(1, HID)
    wiht = W_ih.T
    whht = W_hh.T
    w1t = jnp.pad(W1.T, ((0, 0), (0, HID - W1.shape[0])))
    b1p = jnp.pad(b1, (0, HID - b1.shape[0])).reshape(1, HID)
    w2row = jnp.pad(W2[0], (0, HID - W2.shape[1])).reshape(1, HID)
    b2b = jnp.broadcast_to(b2.reshape(1, 1), (1, HID))

    ones128 = jnp.ones((ECHUNK, HID), _f32)
    zerosh = jnp.zeros((632, HID), _f32)

    deg = _sc_deg_kernel()(colp, ones128, zerosh)
    h, g, dis2d = _tc_init(xp, wint, bin2, deg)
    hmax = h
    sc_agg = _sc_agg_kernel()
    for _ in range(5):
        parts = sc_agg(g, rowp, colp, zerosh)
        h, g, hmax = _tc_gru(h, parts, dis2d, wiht, whht, hmax)
    pred3, py128 = _tc_mlp(hmax, w1t, b1p, w2row, b2b,
                           y.reshape(NGRID, 1, NBLK))
    pred = pred3.reshape(N)
    d, dl = _sc_pairs_kernel()(py128, srcp, tgtp)
    lossm = _tc_loss(d.reshape(PPAD * 16 // 128, 128),
                     dl.reshape(PPAD * 16 // 128, 128))
    return pred, lossm[0, 0]

# --- scband reference (transcript-rebuilt; emitter-appended) ---
"""Pipeline reference for scband-dr-bc-43353399886123 (READ-ONLY COPY).

The authoritative reference and input builder live on the scoring server;
editing this copy changes nothing except your own understanding.
"""

import jax, jax.numpy as jnp
import numpy as np

NUM_L = 5
N = 10000
E = 320000
NPAIRS = 50000
HID = 128

def _normalize(h):
    n = jnp.linalg.norm(h, axis=-1, keepdims=True)
    return h / jnp.maximum(n, 1e-12)

def _gcn(x, row, col, n):
    deg = jnp.bincount(col, length=n).astype(x.dtype) + 1.0
    dis = deg ** -0.5
    norm = dis[row] * dis[col]
    msg = norm[:, None] * x[row]
    return jnp.zeros_like(x).at[col].add(msg)

def _gru(inp, hx, W_ih, W_hh):
    gi = inp @ W_ih.T
    gh = hx @ W_hh.T
    i_r, i_z, i_n = jnp.split(gi, 3, axis=-1)
    h_r, h_z, h_n = jnp.split(gh, 3, axis=-1)
    r = jax.nn.sigmoid(i_r + h_r)
    z = jax.nn.sigmoid(i_z + h_z)
    nc = jnp.tanh(i_n + r * h_n)
    return (1.0 - z) * nc + z * hx

def setup_inputs(seed: int = 0):
    key = jax.random.key(seed)
    ks = jax.random.split(key, 12)
    s = 0.1
    return {
        "x": jax.random.normal(ks[0], (N, 3), jnp.float32),
        "edge_index": jax.random.randint(ks[1], (2, E), 0, N, dtype=jnp.int32),
        "y": jax.random.uniform(ks[2], (N,), jnp.float32),
        "pair_src": jax.random.randint(ks[3], (NPAIRS,), 0, N, dtype=jnp.int32),
        "pair_tgt": jax.random.randint(ks[4], (NPAIRS,), 0, N, dtype=jnp.int32),
        "W_in": jax.random.normal(ks[5], (HID, 3), jnp.float32) * s,
        "b_in": jnp.zeros((HID,), jnp.float32),
        "W_ih": jax.random.normal(ks[6], (3 * HID, HID), jnp.float32) * s,
        "W_hh": jax.random.normal(ks[7], (3 * HID, HID), jnp.float32) * s,
        "W1": jax.random.normal(ks[8], (64, HID), jnp.float32) * s,
        "b1": jnp.zeros((64,), jnp.float32),
        "W2": jax.random.normal(ks[9], (1, 64), jnp.float32) * s,
        "b2": jnp.zeros((1,), jnp.float32),
    }

def reference(x, edge_index, y, pair_src, pair_tgt, W_in, b_in, W_ih, W_hh, W1, b1, W2, b2):
    row, col = edge_index[0], edge_index[1]
    h = jax.nn.relu(x @ W_in.T + b_in)
    h = _normalize(h)
    layers = [h]
    for _ in range(NUM_L):
        hn = _gcn(h, row, col, x.shape[0])
        h = _gru(h, hn, W_ih, W_hh)
        h = _normalize(h)
        layers.append(h)
    hmax = jnp.max(jnp.stack(layers, 0), axis=0)
    zfeat = _normalize(hmax)
    hid = jax.nn.relu(zfeat @ W1.T + b1)
    pred = jax.nn.relu(hid @ W2.T + b2)
    pred = jnp.squeeze(pred, -1)
    preds = jax.nn.sigmoid(pred[pair_src] - pred[pair_tgt])
    labels = jax.nn.sigmoid(y[pair_src] - y[pair_tgt])
    eps = 1e-12
    p = jnp.clip(preds, eps, 1.0 - eps)
    loss = -jnp.mean(labels * jnp.log(p) + (1.0 - labels) * jnp.log(1.0 - p))
    return pred, loss

if __name__ == "__main__":
    import jax
    _d = setup_inputs()
    print(jax.jit(kernel)(*tuple(_d.values())))

</pallas_src>

<mosaic_0001>
#map = affine_map<(d0, d1) -> (0, 0)>
#map1 = affine_map<(d0, d1) -> (0, 0, 0)>
module attributes {stable_mosaic.version = 14 : i64} {
  func.func @_sc_agg_body(%arg0: i32, %arg1: i32, %arg2: memref<10000x128xf32, #tpu.memory_space<hbm>>, %arg3: memref<32x80x128xi32, #tpu.memory_space<hbm>>, %arg4: memref<32x80x128xi32, #tpu.memory_space<hbm>>, %arg5: memref<632x128xf32, #tpu.memory_space<hbm>>, %arg6: memref<2x10112x128xf32, #tpu.memory_space<hbm>>, %arg7: memref<80x128xi32, #tpu.memory_space<vmem>>, %arg8: memref<2x128xi32, #tpu.memory_space<vmem>>, %arg9: memref<128x128xf32, #tpu.memory_space<vmem>>, %arg10: memref<128x128xf32, #tpu.memory_space<vmem>>, %arg11: memref<10112x128xf32, #tpu.memory_space<vmem_shared>>, %arg12: memref<!tpu.dma_semaphore, #tpu.memory_space<semaphore_mem>>, %arg13: memref<!tpu.dma_semaphore, #tpu.memory_space<semaphore_mem>>, %arg14: memref<!tpu.dma_semaphore, #tpu.memory_space<semaphore_mem>>, %arg15: memref<!tpu.dma_semaphore, #tpu.memory_space<semaphore_mem>>) attributes {dimension_semantics = [#tpu.dimension_semantics<core_parallel>, #tpu.dimension_semantics<subcore_parallel>], iteration_bounds = array<i64: 2, 16>, scalar_prefetch = 0 : i64, scratch_operands = 9 : i64, tpu.core_type = #tpu.core_type<sc_vector_subcore>, window_params = [{transform_indices = #map}, {transform_indices = #map1}, {transform_indices = #map1}, {transform_indices = #map}, {transform_indices = #map1}]} {
    %mul3A = arith.constant 2 : i32
    %mul3A_0 = arith.muli %arg1, %mul3A : i32
    %add3A = arith.addi %mul3A_0, %arg0 : i32
    "tpu.region"() ({
      %run_scoped3A = tpu.sem_alloc : memref<!tpu.dma_semaphore, #tpu.memory_space<semaphore_mem>>
      %dma_start3A = arith.constant 0 : i32
      %dma_start3A_13 = arith.constant 0 : i32
      %dma_start3A_14 = tpu.memref_slice %arg3[%add3A, %dma_start3A, %dma_start3A_13] : memref<32x80x128xi32, #tpu.memory_space<hbm>> -> memref<1x80x128xi32, #tpu.memory_space<hbm>>
      %dma_start3A_15 = tpu.memref_squeeze %dma_start3A_14 : memref<1x80x128xi32, #tpu.memory_space<hbm>> -> memref<80x128xi32, #tpu.memory_space<hbm>>
      %dma_start3A_16 = arith.constant 0 : i32
      %dma_start3A_17 = arith.constant 0 : i32
      %dma_start3A_18 = tpu.memref_slice %arg3[%add3A, %dma_start3A_16, %dma_start3A_17] : memref<32x80x128xi32, #tpu.memory_space<hbm>> -> memref<1x80x128xi32, #tpu.memory_space<hbm>>
      %dma_start3A_19 = tpu.memref_squeeze %dma_start3A_18 : memref<1x80x128xi32, #tpu.memory_space<hbm>> -> memref<80x128xi32, #tpu.memory_space<hbm>>
      tpu.enqueue_dma source(%dma_start3A_19 : memref<80x128xi32, #tpu.memory_space<hbm>>) target(%arg7 : memref<80x128xi32, #tpu.memory_space<vmem>>) target_semaphore(%run_scoped3A : memref<!tpu.dma_semaphore, #tpu.memory_space<semaphore_mem>>)
      %dma_wait3A = arith.constant 0 : i32
      %dma_wait3A_20 = arith.constant 0 : i32
      %dma_wait3A_21 = tpu.memref_slice %arg3[%add3A, %dma_wait3A, %dma_wait3A_20] : memref<32x80x128xi32, #tpu.memory_space<hbm>> -> memref<1x80x128xi32, #tpu.memory_space<hbm>>
      %dma_wait3A_22 = tpu.memref_squeeze %dma_wait3A_21 : memref<1x80x128xi32, #tpu.memory_space<hbm>> -> memref<80x128xi32, #tpu.memory_space<hbm>>
      %dma_wait3A_23 = arith.constant 0 : i32
      %dma_wait3A_24 = arith.constant 0 : i32
      %dma_wait3A_25 = tpu.memref_slice %arg3[%add3A, %dma_wait3A_23, %dma_wait3A_24] : memref<32x80x128xi32, #tpu.memory_space<hbm>> -> memref<1x80x128xi32, #tpu.memory_space<hbm>>
      %dma_wait3A_26 = tpu.memref_squeeze %dma_wait3A_25 : memref<1x80x128xi32, #tpu.memory_space<hbm>> -> memref<80x128xi32, #tpu.memory_space<hbm>>
      tpu.wait_dma2 semaphore(%run_scoped3A : memref<!tpu.dma_semaphore, #tpu.memory_space<semaphore_mem>>) src(%dma_wait3A_26 : memref<80x128xi32, #tpu.memory_space<hbm>>) dst(%arg7 : memref<80x128xi32, #tpu.memory_space<vmem>>)
      tpu.yield
    }) : () -> ()
    %mul3A_1 = arith.constant 632 : i32
    %mul3A_2 = arith.muli %arg1, %mul3A_1 : i32
    "tpu.region"() ({
      %run_scoped3A = tpu.sem_alloc : memref<!tpu.dma_semaphore, #tpu.memory_space<semaphore_mem>>
      %dma_start3A = arith.constant 0 : i32
      %dma_start3A_13 = tpu.memref_slice %arg11[%mul3A_2, %dma_start3A] : memref<10112x128xf32, #tpu.memory_space<vmem_shared>> -> memref<632x128xf32, #tpu.memory_space<vmem_shared>>
      tpu.enqueue_dma source(%arg5 : memref<632x128xf32, #tpu.memory_space<hbm>>) target(%dma_start3A_13 : memref<632x128xf32, #tpu.memory_space<vmem_shared>>) target_semaphore(%run_scoped3A : memref<!tpu.dma_semaphore, #tpu.memory_space<semaphore_mem>>)
      %dma_wait3A = arith.constant 0 : i32
      %dma_wait3A_14 = tpu.memref_slice %arg11[%mul3A_2, %dma_wait3A] : memref<10112x128xf32, #tpu.memory_space<vmem_shared>> -> memref<632x128xf32, #tpu.memory_space<vmem_shared>>
      tpu.wait_dma2 semaphore(%run_scoped3A : memref<!tpu.dma_semaphore, #tpu.memory_space<semaphore_mem>>) src(%arg5 : memref<632x128xf32, #tpu.memory_space<hbm>>) dst(%dma_wait3A_14 : memref<632x128xf32, #tpu.memory_space<vmem_shared>>)
      tpu.yield
    }) : () -> ()
    %barrier3A = arith.constant 0 : index
    tpu.barrier barrier_id(%barrier3A)
    %scan3A = arith.constant 0 : i32
    %scan3A_3 = arith.constant 0 : i32
    %scan3A_4 = arith.constant 40 : i32
    %scan3A_5 = arith.addi %scan3A_3, %scan3A_4 : i32
    %scan3A_6 = arith.constant 1 : i32
    scf.for %scan3A_13 = %scan3A_3 to %scan3A_5 step %scan3A_6  : i32 {
      %mul3A_14 = arith.constant 2 : i32
      %mul3A_15 = arith.muli %scan3A_13, %mul3A_14 : i32
      %add3A_16 = arith.constant 0 : i32
      %add3A_17 = arith.addi %mul3A_15, %add3A_16 : i32
      %dma_start3A = arith.constant 0 : i32
      %dma_start3A_18 = tpu.memref_slice %arg7[%add3A_17, %dma_start3A] : memref<80x128xi32, #tpu.memory_space<vmem>> -> memref<1x128xi32, #tpu.memory_space<vmem>>
      %dma_start3A_19 = tpu.memref_squeeze %dma_start3A_18 : memref<1x128xi32, #tpu.memory_space<vmem>> -> memref<128xi32, #tpu.memory_space<vmem>>
      %dma_start3A_20 = arith.constant 0 : i32
      %dma_start3A_21 = arith.constant 0 : i32
      %dma_start3A_22 = tpu.memref_slice %arg2[%dma_start3A_20, %dma_start3A_21] : memref<10000x128xf32, #tpu.memory_space<hbm>> -> memref<10000x128xf32, #tpu.memory_space<hbm>>
      tpu.enqueue_indirect_dma source(%dma_start3A_22 : memref<10000x128xf32, #tpu.memory_space<hbm>>) target(%arg9 : memref<128x128xf32, #tpu.memory_space<vmem>>) offsets(%dma_start3A_19 : memref<128xi32, #tpu.memory_space<vmem>>) semaphore(%arg12 : memref<!tpu.dma_semaphore, #tpu.memory_space<semaphore_mem>>)
      %mul3A_23 = arith.constant 2 : i32
      %mul3A_24 = arith.muli %scan3A_13, %mul3A_23 : i32
      %add3A_25 = arith.constant 1 : i32
      %add3A_26 = arith.addi %mul3A_24, %add3A_25 : i32
      %dma_start3A_27 = arith.constant 0 : i32
      %dma_start3A_28 = tpu.memref_slice %arg7[%add3A_26, %dma_start3A_27] : memref<80x128xi32, #tpu.memory_space<vmem>> -> memref<1x128xi32, #tpu.memory_space<vmem>>
      %dma_start3A_29 = tpu.memref_squeeze %dma_start3A_28 : memref<1x128xi32, #tpu.memory_space<vmem>> -> memref<128xi32, #tpu.memory_space<vmem>>
      %dma_start3A_30 = arith.constant 0 : i32
      %dma_start3A_31 = arith.constant 0 : i32
      %dma_start3A_32 = tpu.memref_slice %arg2[%dma_start3A_30, %dma_start3A_31] : memref<10000x128xf32, #tpu.memory_space<hbm>> -> memref<10000x128xf32, #tpu.memory_space<hbm>>
      tpu.enqueue_indirect_dma source(%dma_start3A_32 : memref<10000x128xf32, #tpu.memory_space<hbm>>) target(%arg10 : memref<128x128xf32, #tpu.memory_space<vmem>>) offsets(%dma_start3A_29 : memref<128xi32, #tpu.memory_space<vmem>>) semaphore(%arg13 : memref<!tpu.dma_semaphore, #tpu.memory_space<semaphore_mem>>)
      %mul3A_33 = arith.constant 2 : i32
      %mul3A_34 = arith.muli %scan3A_13, %mul3A_33 : i32
      %add3A_35 = arith.constant 0 : i32
      %add3A_36 = arith.addi %mul3A_34, %add3A_35 : i32
      %run_scoped3A = arith.constant 0 : i32
      "tpu.region"() ({
        %run_scoped3A_81 = tpu.sem_alloc : memref<!tpu.dma_semaphore, #tpu.memory_space<semaphore_mem>>
        %dma_start3A_82 = arith.constant 0 : i32
        %dma_start3A_83 = tpu.memref_slice %arg8[%run_scoped3A, %dma_start3A_82] : memref<2x128xi32, #tpu.memory_space<vmem>> -> memref<1x128xi32, #tpu.memory_space<vmem>>
        %dma_start3A_84 = tpu.memref_squeeze %dma_start3A_83 : memref<1x128xi32, #tpu.memory_space<vmem>> -> memref<128xi32, #tpu.memory_space<vmem>>
        %dma_start3A_85 = arith.constant 0 : i32
        %dma_start3A_86 = tpu.memref_slice %arg4[%add3A, %add3A_36, %dma_start3A_85] : memref<32x80x128xi32, #tpu.memory_space<hbm>> -> memref<1x1x128xi32, #tpu.memory_space<hbm>>
        %dma_start3A_87 = tpu.memref_squeeze %dma_start3A_86 : memref<1x1x128xi32, #tpu.memory_space<hbm>> -> memref<128xi32, #tpu.memory_space<hbm>>
        %dma_start3A_88 = arith.constant 0 : i32
        %dma_start3A_89 = tpu.memref_slice %arg8[%run_scoped3A, %dma_start3A_88] : memref<2x128xi32, #tpu.memory_space<vmem>> -> memref<1x128xi32, #tpu.memory_space<vmem>>
        %dma_start3A_90 = tpu.memref_squeeze %dma_start3A_89 : memref<1x128xi32, #tpu.memory_space<vmem>> -> memref<128xi32, #tpu.memory_space<vmem>>
        %dma_start3A_91 = arith.constant 0 : i32
        %dma_start3A_92 = tpu.memref_slice %arg4[%add3A, %add3A_36, %dma_start3A_91] : memref<32x80x128xi32, #tpu.memory_space<hbm>> -> memref<1x1x128xi32, #tpu.memory_space<hbm>>
        %dma_start3A_93 = tpu.memref_squeeze %dma_start3A_92 : memref<1x1x128xi32, #tpu.memory_space<hbm>> -> memref<128xi32, #tpu.memory_space<hbm>>
        tpu.enqueue_dma source(%dma_start3A_93 : memref<128xi32, #tpu.memory_space<hbm>>) target(%dma_start3A_90 : memref<128xi32, #tpu.memory_space<vmem>>) target_semaphore(%run_scoped3A_81 : memref<!tpu.dma_semaphore, #tpu.memory_space<semaphore_mem>>)
        %dma_wait3A_94 = arith.constant 0 : i32
        %dma_wait3A_95 = tpu.memref_slice %arg8[%run_scoped3A, %dma_wait3A_94] : memref<2x128xi32, #tpu.memory_space<vmem>> -> memref<1x128xi32, #tpu.memory_space<vmem>>
        %dma_wait3A_96 = tpu.memref_squeeze %dma_wait3A_95 : memref<1x128xi32, #tpu.memory_space<vmem>> -> memref<128xi32, #tpu.memory_space<vmem>>
        %dma_wait3A_97 = arith.constant 0 : i32
        %dma_wait3A_98 = tpu.memref_slice %arg4[%add3A, %add3A_36, %dma_wait3A_97] : memref<32x80x128xi32, #tpu.memory_space<hbm>> -> memref<1x1x128xi32, #tpu.memory_space<hbm>>
        %dma_wait3A_99 = tpu.memref_squeeze %dma_wait3A_98 : memref<1x1x128xi32, #tpu.memory_space<hbm>> -> memref<128xi32, #tpu.memory_space<hbm>>
        %dma_wait3A_100 = arith.constant 0 : i32
        %dma_wait3A_101 = tpu.memref_slice %arg8[%run_scoped3A, %dma_wait3A_100] : memref<2x128xi32, #tpu.memory_space<vmem>> -> memref<1x128xi32, #tpu.memory_space<vmem>>
        %dma_wait3A_102 = tpu.memref_squeeze %dma_wait3A_101 : memref<1x128xi32, #tpu.memory_space<vmem>> -> memref<128xi32, #tpu.memory_space<vmem>>
        %dma_wait3A_103 = arith.constant 0 : i32
        %dma_wait3A_104 = tpu.memref_slice %arg4[%add3A, %add3A_36, %dma_wait3A_103] : memref<32x80x128xi32, #tpu.memory_space<hbm>> -> memref<1x1x128xi32, #tpu.memory_space<hbm>>
        %dma_wait3A_105 = tpu.memref_squeeze %dma_wait3A_104 : memref<1x1x128xi32, #tpu.memory_space<hbm>> -> memref<128xi32, #tpu.memory_space<hbm>>
        tpu.wait_dma2 semaphore(%run_scoped3A_81 : memref<!tpu.dma_semaphore, #tpu.memory_space<semaphore_mem>>) src(%dma_wait3A_105 : memref<128xi32, #tpu.memory_space<hbm>>) dst(%dma_wait3A_102 : memref<128xi32, #tpu.memory_space<vmem>>)
        tpu.yield
      }) : () -> ()
      %mul3A_37 = arith.constant 2 : i32
      %mul3A_38 = arith.muli %scan3A_13, %mul3A_37 : i32
      %add3A_39 = arith.constant 1 : i32
      %add3A_40 = arith.addi %mul3A_38, %add3A_39 : i32
      %run_scoped3A_41 = arith.constant 1 : i32
      "tpu.region"() ({
        %run_scoped3A_81 = tpu.sem_alloc : memref<!tpu.dma_semaphore, #tpu.memory_space<semaphore_mem>>
        %dma_start3A_82 = arith.constant 0 : i32
        %dma_start3A_83 = tpu.memref_slice %arg8[%run_scoped3A_41, %dma_start3A_82] : memref<2x128xi32, #tpu.memory_space<vmem>> -> memref<1x128xi32, #tpu.memory_space<vmem>>
        %dma_start3A_84 = tpu.memref_squeeze %dma_start3A_83 : memref<1x128xi32, #tpu.memory_space<vmem>> -> memref<128xi32, #tpu.memory_space<vmem>>
        %dma_start3A_85 = arith.constant 0 : i32
        %dma_start3A_86 = tpu.memref_slice %arg4[%add3A, %add3A_40, %dma_start3A_85] : memref<32x80x128xi32, #tpu.memory_space<hbm>> -> memref<1x1x128xi32, #tpu.memory_space<hbm>>
        %dma_start3A_87 = tpu.memref_squeeze %dma_start3A_86 : memref<1x1x128xi32, #tpu.memory_space<hbm>> -> memref<128xi32, #tpu.memory_space<hbm>>
        %dma_start3A_88 = arith.constant 0 : i32
        %dma_start3A_89 = tpu.memref_slice %arg8[%run_scoped3A_41, %dma_start3A_88] : memref<2x128xi32, #tpu.memory_space<vmem>> -> memref<1x128xi32, #tpu.memory_space<vmem>>
        %dma_start3A_90 = tpu.memref_squeeze %dma_start3A_89 : memref<1x128xi32, #tpu.memory_space<vmem>> -> memref<128xi32, #tpu.memory_space<vmem>>
        %dma_start3A_91 = arith.constant 0 : i32
        %dma_start3A_92 = tpu.memref_slice %arg4[%add3A, %add3A_40, %dma_start3A_91] : memref<32x80x128xi32, #tpu.memory_space<hbm>> -> memref<1x1x128xi32, #tpu.memory_space<hbm>>
        %dma_start3A_93 = tpu.memref_squeeze %dma_start3A_92 : memref<1x1x128xi32, #tpu.memory_space<hbm>> -> memref<128xi32, #tpu.memory_space<hbm>>
        tpu.enqueue_dma source(%dma_start3A_93 : memref<128xi32, #tpu.memory_space<hbm>>) target(%dma_start3A_90 : memref<128xi32, #tpu.memory_space<vmem>>) target_semaphore(%run_scoped3A_81 : memref<!tpu.dma_semaphore, #tpu.memory_space<semaphore_mem>>)
        %dma_wait3A_94 = arith.constant 0 : i32
        %dma_wait3A_95 = tpu.memref_slice %arg8[%run_scoped3A_41, %dma_wait3A_94] : memref<2x128xi32, #tpu.memory_space<vmem>> -> memref<1x128xi32, #tpu.memory_space<vmem>>
        %dma_wait3A_96 = tpu.memref_squeeze %dma_wait3A_95 : memref<1x128xi32, #tpu.memory_space<vmem>> -> memref<128xi32, #tpu.memory_space<vmem>>
        %dma_wait3A_97 = arith.constant 0 : i32
        %dma_wait3A_98 = tpu.memref_slice %arg4[%add3A, %add3A_40, %dma_wait3A_97] : memref<32x80x128xi32, #tpu.memory_space<hbm>> -> memref<1x1x128xi32, #tpu.memory_space<hbm>>
        %dma_wait3A_99 = tpu.memref_squeeze %dma_wait3A_98 : memref<1x1x128xi32, #tpu.memory_space<hbm>> -> memref<128xi32, #tpu.memory_space<hbm>>
        %dma_wait3A_100 = arith.constant 0 : i32
        %dma_wait3A_101 = tpu.memref_slice %arg8[%run_scoped3A_41, %dma_wait3A_100] : memref<2x128xi32, #tpu.memory_space<vmem>> -> memref<1x128xi32, #tpu.memory_space<vmem>>
        %dma_wait3A_102 = tpu.memref_squeeze %dma_wait3A_101 : memref<1x128xi32, #tpu.memory_space<vmem>> -> memref<128xi32, #tpu.memory_space<vmem>>
        %dma_wait3A_103 = arith.constant 0 : i32
        %dma_wait3A_104 = tpu.memref_slice %arg4[%add3A, %add3A_40, %dma_wait3A_103] : memref<32x80x128xi32, #tpu.memory_space<hbm>> -> memref<1x1x128xi32, #tpu.memory_space<hbm>>
        %dma_wait3A_105 = tpu.memref_squeeze %dma_wait3A_104 : memref<1x1x128xi32, #tpu.memory_space<hbm>> -> memref<128xi32, #tpu.memory_space<hbm>>
        tpu.wait_dma2 semaphore(%run_scoped3A_81 : memref<!tpu.dma_semaphore, #tpu.memory_space<semaphore_mem>>) src(%dma_wait3A_105 : memref<128xi32, #tpu.memory_space<hbm>>) dst(%dma_wait3A_102 : memref<128xi32, #tpu.memory_space<vmem>>)
        tpu.yield
      }) : () -> ()
      %dma_wait3A = arith.constant 0 : i32
      %dma_wait3A_42 = tpu.memref_slice %arg7[%add3A_17, %dma_wait3A] : memref<80x128xi32, #tpu.memory_space<vmem>> -> memref<1x128xi32, #tpu.memory_space<vmem>>
      %dma_wait3A_43 = tpu.memref_squeeze %dma_wait3A_42 : memref<1x128xi32, #tpu.memory_space<vmem>> -> memref<128xi32, #tpu.memory_space<vmem>>
      %dma_wait3A_44 = arith.constant 0 : i32
      %dma_wait3A_45 = arith.constant 0 : i32
      %dma_wait3A_46 = tpu.memref_slice %arg2[%dma_wait3A_44, %dma_wait3A_45] : memref<10000x128xf32, #tpu.memory_space<hbm>> -> memref<10000x128xf32, #tpu.memory_space<hbm>>
      tpu.wait_indirect_dma semaphore(%arg12 : memref<!tpu.dma_semaphore, #tpu.memory_space<semaphore_mem>>) src(%dma_wait3A_46 : memref<10000x128xf32, #tpu.memory_space<hbm>>) dst(%arg9 : memref<128x128xf32, #tpu.memory_space<vmem>>)
      %dma_start3A_47 = arith.constant 0 : i32
      %dma_start3A_48 = arith.constant 0 : i32
      %dma_start3A_49 = tpu.memref_slice %arg8[%dma_start3A_47, %dma_start3A_48] : memref<2x128xi32, #tpu.memory_space<vmem>> -> memref<1x128xi32, #tpu.memory_space<vmem>>
      %dma_start3A_50 = tpu.memref_squeeze %dma_start3A_49 : memref<1x128xi32, #tpu.memory_space<vmem>> -> memref<128xi32, #tpu.memory_space<vmem>>
      %dma_start3A_51 = arith.constant 0 : i32
      %dma_start3A_52 = arith.constant 0 : i32
      %dma_start3A_53 = tpu.memref_slice %arg11[%dma_start3A_51, %dma_start3A_52] : memref<10112x128xf32, #tpu.memory_space<vmem_shared>> -> memref<10112x128xf32, #tpu.memory_space<vmem_shared>>
      tpu.enqueue_indirect_dma source(%arg9 : memref<128x128xf32, #tpu.memory_space<vmem>>) target(%dma_start3A_53 : memref<10112x128xf32, #tpu.memory_space<vmem_shared>>) offsets(%dma_start3A_50 : memref<128xi32, #tpu.memory_space<vmem>>) semaphore(%arg14 : memref<!tpu.dma_semaphore, #tpu.memory_space<semaphore_mem>>) {add = true}
      %dma_wait3A_54 = arith.constant 0 : i32
      %dma_wait3A_55 = tpu.memref_slice %arg7[%add3A_26, %dma_wait3A_54] : memref<80x128xi32, #tpu.memory_space<vmem>> -> memref<1x128xi32, #tpu.memory_space<vmem>>
      %dma_wait3A_56 = tpu.memref_squeeze %dma_wait3A_55 : memref<1x128xi32, #tpu.memory_space<vmem>> -> memref<128xi32, #tpu.memory_space<vmem>>
      %dma_wait3A_57 = arith.constant 0 : i32
      %dma_wait3A_58 = arith.constant 0 : i32
      %dma_wait3A_59 = tpu.memref_slice %arg2[%dma_wait3A_57, %dma_wait3A_58] : memref<10000x128xf32, #tpu.memory_space<hbm>> -> memref<10000x128xf32, #tpu.memory_space<hbm>>
      tpu.wait_indirect_dma semaphore(%arg13 : memref<!tpu.dma_semaphore, #tpu.memory_space<semaphore_mem>>) src(%dma_wait3A_59 : memref<10000x128xf32, #tpu.memory_space<hbm>>) dst(%arg10 : memref<128x128xf32, #tpu.memory_space<vmem>>)
      %dma_start3A_60 = arith.constant 1 : i32
      %dma_start3A_61 = arith.constant 0 : i32
      %dma_start3A_62 = tpu.memref_slice %arg8[%dma_start3A_60, %dma_start3A_61] : memref<2x128xi32, #tpu.memory_space<vmem>> -> memref<1x128xi32, #tpu.memory_space<vmem>>
      %dma_start3A_63 = tpu.memref_squeeze %dma_start3A_62 : memref<1x128xi32, #tpu.memory_space<vmem>> -> memref<128xi32, #tpu.memory_space<vmem>>
      %dma_start3A_64 = arith.constant 0 : i32
      %dma_start3A_65 = arith.constant 0 : i32
      %dma_start3A_66 = tpu.memref_slice %arg11[%dma_start3A_64, %dma_start3A_65] : memref<10112x128xf32, #tpu.memory_space<vmem_shared>> -> memref<10112x128xf32, #tpu.memory_space<vmem_shared>>
      tpu.enqueue_indirect_dma source(%arg10 : memref<128x128xf32, #tpu.memory_space<vmem>>) target(%dma_start3A_66 : memref<10112x128xf32, #tpu.memory_space<vmem_shared>>) offsets(%dma_start3A_63 : memref<128xi32, #tpu.memory_space<vmem>>) semaphore(%arg15 : memref<!tpu.dma_semaphore, #tpu.memory_space<semaphore_mem>>) {add = true}
      %dma_wait3A_67 = arith.constant 0 : i32
      %dma_wait3A_68 = arith.constant 0 : i32
      %dma_wait3A_69 = tpu.memref_slice %arg8[%dma_wait3A_67, %dma_wait3A_68] : memref<2x128xi32, #tpu.memory_space<vmem>> -> memref<1x128xi32, #tpu.memory_space<vmem>>
      %dma_wait3A_70 = tpu.memref_squeeze %dma_wait3A_69 : memref<1x128xi32, #tpu.memory_space<vmem>> -> memref<128xi32, #tpu.memory_space<vmem>>
      %dma_wait3A_71 = arith.constant 0 : i32
      %dma_wait3A_72 = arith.constant 0 : i32
      %dma_wait3A_73 = tpu.memref_slice %arg11[%dma_wait3A_71, %dma_wait3A_72] : memref<10112x128xf32, #tpu.memory_space<vmem_shared>> -> memref<10112x128xf32, #tpu.memory_space<vmem_shared>>
      tpu.wait_indirect_dma semaphore(%arg14 : memref<!tpu.dma_semaphore, #tpu.memory_space<semaphore_mem>>) src(%arg9 : memref<128x128xf32, #tpu.memory_space<vmem>>) dst(%dma_wait3A_73 : memref<10112x128xf32, #tpu.memory_space<vmem_shared>>)
      %dma_wait3A_74 = arith.constant 1 : i32
      %dma_wait3A_75 = arith.constant 0 : i32
      %dma_wait3A_76 = tpu.memref_slice %arg8[%dma_wait3A_74, %dma_wait3A_75] : memref<2x128xi32, #tpu.memory_space<vmem>> -> memref<1x128xi32, #tpu.memory_space<vmem>>
      %dma_wait3A_77 = tpu.memref_squeeze %dma_wait3A_76 : memref<1x128xi32, #tpu.memory_space<vmem>> -> memref<128xi32, #tpu.memory_space<vmem>>
      %dma_wait3A_78 = arith.constant 0 : i32
      %dma_wait3A_79 = arith.constant 0 : i32
      %dma_wait3A_80 = tpu.memref_slice %arg11[%dma_wait3A_78, %dma_wait3A_79] : memref<10112x128xf32, #tpu.memory_space<vmem_shared>> -> memref<10112x128xf32, #tpu.memory_space<vmem_shared>>
      tpu.wait_indirect_dma semaphore(%arg15 : memref<!tpu.dma_semaphore, #tpu.memory_space<semaphore_mem>>) src(%arg10 : memref<128x128xf32, #tpu.memory_space<vmem>>) dst(%dma_wait3A_80 : memref<10112x128xf32, #tpu.memory_space<vmem_shared>>)
    }
    %scan3A_7 = arith.constant 40 : i32
    %barrier3A_8 = arith.constant 0 : index
    tpu.barrier barrier_id(%barrier3A_8)
    %mul3A_9 = arith.constant 632 : i32
    %mul3A_10 = arith.muli %arg1, %mul3A_9 : i32
    %mul3A_11 = arith.constant 632 : i32
    %mul3A_12 = arith.muli %arg1, %mul3A_11 : i32
    "tpu.region"() ({
      %run_scoped3A = tpu.sem_alloc : memref<!tpu.dma_semaphore, #tpu.memory_space<semaphore_mem>>
      %dma_start3A = arith.constant 0 : i32
      %dma_start3A_13 = tpu.memref_slice %arg6[%arg0, %mul3A_12, %dma_start3A] : memref<2x10112x128xf32, #tpu.memory_space<hbm>> -> memref<1x632x128xf32, #tpu.memory_space<hbm>>
      %dma_start3A_14 = tpu.memref_squeeze %dma_start3A_13 : memref<1x632x128xf32, #tpu.memory_space<hbm>> -> memref<632x128xf32, #tpu.memory_space<hbm>>
      %dma_start3A_15 = arith.constant 0 : i32
      %dma_start3A_16 = tpu.memref_slice %arg11[%mul3A_10, %dma_start3A_15] : memref<10112x128xf32, #tpu.memory_space<vmem_shared>> -> memref<632x128xf32, #tpu.memory_space<vmem_shared>>
      tpu.enqueue_dma source(%dma_start3A_16 : memref<632x128xf32, #tpu.memory_space<vmem_shared>>) target(%dma_start3A_14 : memref<632x128xf32, #tpu.memory_space<hbm>>) target_semaphore(%run_scoped3A : memref<!tpu.dma_semaphore, #tpu.memory_space<semaphore_mem>>)
      %dma_wait3A = arith.constant 0 : i32
      %dma_wait3A_17 = tpu.memref_slice %arg6[%arg0, %mul3A_12, %dma_wait3A] : memref<2x10112x128xf32, #tpu.memory_space<hbm>> -> memref<1x632x128xf32, #tpu.memory_space<hbm>>
      %dma_wait3A_18 = tpu.memref_squeeze %dma_wait3A_17 : memref<1x632x128xf32, #tpu.memory_space<hbm>> -> memref<632x128xf32, #tpu.memory_space<hbm>>
      %dma_wait3A_19 = arith.constant 0 : i32
      %dma_wait3A_20 = tpu.memref_slice %arg11[%mul3A_10, %dma_wait3A_19] : memref<10112x128xf32, #tpu.memory_space<vmem_shared>> -> memref<632x128xf32, #tpu.memory_space<vmem_shared>>
      tpu.wait_dma2 semaphore(%run_scoped3A : memref<!tpu.dma_semaphore, #tpu.memory_space<semaphore_mem>>) src(%dma_wait3A_20 : memref<632x128xf32, #tpu.memory_space<vmem_shared>>) dst(%dma_wait3A_18 : memref<632x128xf32, #tpu.memory_space<hbm>>)
      tpu.yield
    }) : () -> ()
    return
  }
}

#map = affine_map<(d0, d1) -> (0, 0, 0)>
#map1 = affine_map<(d0, d1) -> (0, 0)>
module attributes {stable_mosaic.version = 14 : i64} {
  func.func @_sc_deg_body(%arg0: i32, %arg1: i32, %arg2: memref<32x80x128xi32, #tpu.memory_space<hbm>>, %arg3: memref<128x128xf32, #tpu.memory_space<hbm>>, %arg4: memref<632x128xf32, #tpu.memory_space<hbm>>, %arg5: memref<2x10112x128xf32, #tpu.memory_space<hbm>>, %arg6: memref<4x128xi32, #tpu.memory_space<vmem>>, %arg7: memref<128x128xf32, #tpu.memory_space<vmem>>, %arg8: memref<10112x128xf32, #tpu.memory_space<vmem_shared>>, %arg9: memref<!tpu.dma_semaphore, #tpu.memory_space<semaphore_mem>>, %arg10: memref<!tpu.dma_semaphore, #tpu.memory_space<semaphore_mem>>, %arg11: memref<!tpu.dma_semaphore, #tpu.memory_space<semaphore_mem>>, %arg12: memref<!tpu.dma_semaphore, #tpu.memory_space<semaphore_mem>>) attributes {dimension_semantics = [#tpu.dimension_semantics<core_parallel>, #tpu.dimension_semantics<subcore_parallel>], iteration_bounds = array<i64: 2, 16>, scalar_prefetch = 0 : i64, scratch_operands = 7 : i64, tpu.core_type = #tpu.core_type<sc_vector_subcore>, window_params = [{transform_indices = #map}, {transform_indices = #map1}, {transform_indices = #map1}, {transform_indices = #map}]} {
    %mul3A = arith.constant 2 : i32
    %mul3A_0 = arith.muli %arg1, %mul3A : i32
    %add3A = arith.addi %mul3A_0, %arg0 : i32
    "tpu.region"() ({
      %run_scoped3A = tpu.sem_alloc : memref<!tpu.dma_semaphore, #tpu.memory_space<semaphore_mem>>
      tpu.enqueue_dma source(%arg3 : memref<128x128xf32, #tpu.memory_space<hbm>>) target(%arg7 : memref<128x128xf32, #tpu.memory_space<vmem>>) target_semaphore(%run_scoped3A : memref<!tpu.dma_semaphore, #tpu.memory_space<semaphore_mem>>)
      tpu.wait_dma2 semaphore(%run_scoped3A : memref<!tpu.dma_semaphore, #tpu.memory_space<semaphore_mem>>) src(%arg3 : memref<128x128xf32, #tpu.memory_space<hbm>>) dst(%arg7 : memref<128x128xf32, #tpu.memory_space<vmem>>)
      tpu.yield
    }) : () -> ()
    %mul3A_1 = arith.constant 632 : i32
    %mul3A_2 = arith.muli %arg1, %mul3A_1 : i32
    "tpu.region"() ({
      %run_scoped3A = tpu.sem_alloc : memref<!tpu.dma_semaphore, #tpu.memory_space<semaphore_mem>>
      %dma_start3A = arith.constant 0 : i32
      %dma_start3A_13 = tpu.memref_slice %arg8[%mul3A_2, %dma_start3A] : memref<10112x128xf32, #tpu.memory_space<vmem_shared>> -> memref<632x128xf32, #tpu.memory_space<vmem_shared>>
      tpu.enqueue_dma source(%arg4 : memref<632x128xf32, #tpu.memory_space<hbm>>) target(%dma_start3A_13 : memref<632x128xf32, #tpu.memory_space<vmem_shared>>) target_semaphore(%run_scoped3A : memref<!tpu.dma_semaphore, #tpu.memory_space<semaphore_mem>>)
      %dma_wait3A = arith.constant 0 : i32
      %dma_wait3A_14 = tpu.memref_slice %arg8[%mul3A_2, %dma_wait3A] : memref<10112x128xf32, #tpu.memory_space<vmem_shared>> -> memref<632x128xf32, #tpu.memory_space<vmem_shared>>
      tpu.wait_dma2 semaphore(%run_scoped3A : memref<!tpu.dma_semaphore, #tpu.memory_space<semaphore_mem>>) src(%arg4 : memref<632x128xf32, #tpu.memory_space<hbm>>) dst(%dma_wait3A_14 : memref<632x128xf32, #tpu.memory_space<vmem_shared>>)
      tpu.yield
    }) : () -> ()
    %barrier3A = arith.constant 0 : index
    tpu.barrier barrier_id(%barrier3A)
    %scan3A = arith.constant 0 : i32
    %scan3A_3 = arith.constant 0 : i32
    %scan3A_4 = arith.constant 20 : i32
    %scan3A_5 = arith.addi %scan3A_3, %scan3A_4 : i32
    %scan3A_6 = arith.constant 1 : i32
    scf.for %scan3A_13 = %scan3A_3 to %scan3A_5 step %scan3A_6  : i32 {
      %mul3A_14 = arith.constant 4 : i32
      %mul3A_15 = arith.muli %scan3A_13, %mul3A_14 : i32
      %add3A_16 = arith.constant 0 : i32
      %add3A_17 = arith.addi %mul3A_15, %add3A_16 : i32
      %run_scoped3A = arith.constant 0 : i32
      "tpu.region"() ({
        %run_scoped3A_87 = tpu.sem_alloc : memref<!tpu.dma_semaphore, #tpu.memory_space<semaphore_mem>>
        %dma_start3A_88 = arith.constant 0 : i32
        %dma_start3A_89 = tpu.memref_slice %arg6[%run_scoped3A, %dma_start3A_88] : memref<4x128xi32, #tpu.memory_space<vmem>> -> memref<1x128xi32, #tpu.memory_space<vmem>>
        %dma_start3A_90 = tpu.memref_squeeze %dma_start3A_89 : memref<1x128xi32, #tpu.memory_space<vmem>> -> memref<128xi32, #tpu.memory_space<vmem>>
        %dma_start3A_91 = arith.constant 0 : i32
        %dma_start3A_92 = tpu.memref_slice %arg2[%add3A, %add3A_17, %dma_start3A_91] : memref<32x80x128xi32, #tpu.memory_space<hbm>> -> memref<1x1x128xi32, #tpu.memory_space<hbm>>
        %dma_start3A_93 = tpu.memref_squeeze %dma_start3A_92 : memref<1x1x128xi32, #tpu.memory_space<hbm>> -> memref<128xi32, #tpu.memory_space<hbm>>
        %dma_start3A_94 = arith.constant 0 : i32
        %dma_start3A_95 = tpu.memref_slice %arg6[%run_scoped3A, %dma_start3A_94] : memref<4x128xi32, #tpu.memory_space<vmem>> -> memref<1x128xi32, #tpu.memory_space<vmem>>
        %dma_start3A_96 = tpu.memref_squeeze %dma_start3A_95 : memref<1x128xi32, #tpu.memory_space<vmem>> -> memref<128xi32, #tpu.memory_space<vmem>>
        %dma_start3A_97 = arith.constant 0 : i32
        %dma_start3A_98 = tpu.memref_slice %arg2[%add3A, %add3A_17, %dma_start3A_97] : memref<32x80x128xi32, #tpu.memory_space<hbm>> -> memref<1x1x128xi32, #tpu.memory_space<hbm>>
        %dma_start3A_99 = tpu.memref_squeeze %dma_start3A_98 : memref<1x1x128xi32, #tpu.memory_space<hbm>> -> memref<128xi32, #tpu.memory_space<hbm>>
        tpu.enqueue_dma source(%dma_start3A_99 : memref<128xi32, #tpu.memory_space<hbm>>) target(%dma_start3A_96 : memref<128xi32, #tpu.memory_space<vmem>>) target_semaphore(%run_scoped3A_87 : memref<!tpu.dma_semaphore, #tpu.memory_space<semaphore_mem>>)
        %dma_wait3A_100 = arith.constant 0 : i32
        %dma_wait3A_101 = tpu.memref_slice %arg6[%run_scoped3A, %dma_wait3A_100] : memref<4x128xi32, #tpu.memory_space<vmem>> -> memref<1x128xi32, #tpu.memory_space<vmem>>
        %dma_wait3A_102 = tpu.memref_squeeze %dma_wait3A_101 : memref<1x128xi32, #tpu.memory_space<vmem>> -> memref<128xi32, #tpu.memory_space<vmem>>
        %dma_wait3A_103 = arith.constant 0 : i32
        %dma_wait3A_104 = tpu.memref_slice %arg2[%add3A, %add3A_17, %dma_wait3A_103] : memref<32x80x128xi32, #tpu.memory_space<hbm>> -> memref<1x1x128xi32, #tpu.memory_space<hbm>>
        %dma_wait3A_105 = tpu.memref_squeeze %dma_wait3A_104 : memref<1x1x128xi32, #tpu.memory_space<hbm>> -> memref<128xi32, #tpu.memory_space<hbm>>
        %dma_wait3A_106 = arith.constant 0 : i32
        %dma_wait3A_107 = tpu.memref_slice %arg6[%run_scoped3A, %dma_wait3A_106] : memref<4x128xi32, #tpu.memory_space<vmem>> -> memref<1x128xi32, #tpu.memory_space<vmem>>
        %dma_wait3A_108 = tpu.memref_squeeze %dma_wait3A_107 : memref<1x128xi32, #tpu.memory_space<vmem>> -> memref<128xi32, #tpu.memory_space<vmem>>
        %dma_wait3A_109 = arith.constant 0 : i32
        %dma_wait3A_110 = tpu.memref_slice %arg2[%add3A, %add3A_17, %dma_wait3A_109] : memref<32x80x128xi32, #tpu.memory_space<hbm>> -> memref<1x1x128xi32, #tpu.memory_space<hbm>>
        %dma_wait3A_111 = tpu.memref_squeeze %dma_wait3A_110 : memref<1x1x128xi32, #tpu.memory_space<hbm>> -> memref<128xi32, #tpu.memory_space<hbm>>
        tpu.wait_dma2 semaphore(%run_scoped3A_87 : memref<!tpu.dma_semaphore, #tpu.memory_space<semaphore_mem>>) src(%dma_wait3A_111 : memref<128xi32, #tpu.memory_space<hbm>>) dst(%dma_wait3A_108 : memref<128xi32, #tpu.memory_space<vmem>>)
        tpu.yield
      }) : () -> ()
      %mul3A_18 = arith.constant 4 : i32
      %mul3A_19 = arith.muli %scan3A_13, %mul3A_18 : i32
      %add3A_20 = arith.constant 1 : i32
      %add3A_21 = arith.addi %mul3A_19, %add3A_20 : i32
      %run_scoped3A_22 = arith.constant 1 : i32
      "tpu.region"() ({
        %run_scoped3A_87 = tpu.sem_alloc : memref<!tpu.dma_semaphore, #tpu.memory_space<semaphore_mem>>
        %dma_start3A_88 = arith.constant 0 : i32
        %dma_start3A_89 = tpu.memref_slice %arg6[%run_scoped3A_22, %dma_start3A_88] : memref<4x128xi32, #tpu.memory_space<vmem>> -> memref<1x128xi32, #tpu.memory_space<vmem>>
        %dma_start3A_90 = tpu.memref_squeeze %dma_start3A_89 : memref<1x128xi32, #tpu.memory_space<vmem>> -> memref<128xi32, #tpu.memory_space<vmem>>
        %dma_start3A_91 = arith.constant 0 : i32
        %dma_start3A_92 = tpu.memref_slice %arg2[%add3A, %add3A_21, %dma_start3A_91] : memref<32x80x128xi32, #tpu.memory_space<hbm>> -> memref<1x1x128xi32, #tpu.memory_space<hbm>>
        %dma_start3A_93 = tpu.memref_squeeze %dma_start3A_92 : memref<1x1x128xi32, #tpu.memory_space<hbm>> -> memref<128xi32, #tpu.memory_space<hbm>>
        %dma_start3A_94 = arith.constant 0 : i32
        %dma_start3A_95 = tpu.memref_slice %arg6[%run_scoped3A_22, %dma_start3A_94] : memref<4x128xi32, #tpu.memory_space<vmem>> -> memref<1x128xi32, #tpu.memory_space<vmem>>
        %dma_start3A_96 = tpu.memref_squeeze %dma_start3A_95 : memref<1x128xi32, #tpu.memory_space<vmem>> -> memref<128xi32, #tpu.memory_space<vmem>>
        %dma_start3A_97 = arith.constant 0 : i32
        %dma_start3A_98 = tpu.memref_slice %arg2[%add3A, %add3A_21, %dma_start3A_97] : memref<32x80x128xi32, #tpu.memory_space<hbm>> -> memref<1x1x128xi32, #tpu.memory_space<hbm>>
        %dma_start3A_99 = tpu.memref_squeeze %dma_start3A_98 : memref<1x1x128xi32, #tpu.memory_space<hbm>> -> memref<128xi32, #tpu.memory_space<hbm>>
        tpu.enqueue_dma source(%dma_start3A_99 : memref<128xi32, #tpu.memory_space<hbm>>) target(%dma_start3A_96 : memref<128xi32, #tpu.memory_space<vmem>>) target_semaphore(%run_scoped3A_87 : memref<!tpu.dma_semaphore, #tpu.memory_space<semaphore_mem>>)
        %dma_wait3A_100 = arith.constant 0 : i32
        %dma_wait3A_101 = tpu.memref_slice %arg6[%run_scoped3A_22, %dma_wait3A_100] : memref<4x128xi32, #tpu.memory_space<vmem>> -> memref<1x128xi32, #tpu.memory_space<vmem>>
        %dma_wait3A_102 = tpu.memref_squeeze %dma_wait3A_101 : memref<1x128xi32, #tpu.memory_space<vmem>> -> memref<128xi32, #tpu.memory_space<vmem>>
        %dma_wait3A_103 = arith.constant 0 : i32
        %dma_wait3A_104 = tpu.memref_slice %arg2[%add3A, %add3A_21, %dma_wait3A_103] : memref<32x80x128xi32, #tpu.memory_space<hbm>> -> memref<1x1x128xi32, #tpu.memory_space<hbm>>
        %dma_wait3A_105 = tpu.memref_squeeze %dma_wait3A_104 : memref<1x1x128xi32, #tpu.memory_space<hbm>> -> memref<128xi32, #tpu.memory_space<hbm>>
        %dma_wait3A_106 = arith.constant 0 : i32
        %dma_wait3A_107 = tpu.memref_slice %arg6[%run_scoped3A_22, %dma_wait3A_106] : memref<4x128xi32, #tpu.memory_space<vmem>> -> memref<1x128xi32, #tpu.memory_space<vmem>>
        %dma_wait3A_108 = tpu.memref_squeeze %dma_wait3A_107 : memref<1x128xi32, #tpu.memory_space<vmem>> -> memref<128xi32, #tpu.memory_space<vmem>>
        %dma_wait3A_109 = arith.constant 0 : i32
        %dma_wait3A_110 = tpu.memref_slice %arg2[%add3A, %add3A_21, %dma_wait3A_109] : memref<32x80x128xi32, #tpu.memory_space<hbm>> -> memref<1x1x128xi32, #tpu.memory_space<hbm>>
        %dma_wait3A_111 = tpu.memref_squeeze %dma_wait3A_110 : memref<1x1x128xi32, #tpu.memory_space<hbm>> -> memref<128xi32, #tpu.memory_space<hbm>>
        tpu.wait_dma2 semaphore(%run_scoped3A_87 : memref<!tpu.dma_semaphore, #tpu.memory_space<semaphore_mem>>) src(%dma_wait3A_111 : memref<128xi32, #tpu.memory_space<hbm>>) dst(%dma_wait3A_108 : memref<128xi32, #tpu.memory_space<vmem>>)
        tpu.yield
      }) : () -> ()
      %mul3A_23 = arith.constant 4 : i32
      %mul3A_24 = arith.muli %scan3A_13, %mul3A_23 : i32
      %add3A_25 = arith.constant 2 : i32
      %add3A_26 = arith.addi %mul3A_24, %add3A_25 : i32
      %run_scoped3A_27 = arith.constant 2 : i32
      "tpu.region"() ({
        %run_scoped3A_87 = tpu.sem_alloc : memref<!tpu.dma_semaphore, #tpu.memory_space<semaphore_mem>>
        %dma_start3A_88 = arith.constant 0 : i32
        %dma_start3A_89 = tpu.memref_slice %arg6[%run_scoped3A_27, %dma_start3A_88] : memref<4x128xi32, #tpu.memory_space<vmem>> -> memref<1x128xi32, #tpu.memory_space<vmem>>
        %dma_start3A_90 = tpu.memref_squeeze %dma_start3A_89 : memref<1x128xi32, #tpu.memory_space<vmem>> -> memref<128xi32, #tpu.memory_space<vmem>>
        %dma_start3A_91 = arith.constant 0 : i32
        %dma_start3A_92 = tpu.memref_slice %arg2[%add3A, %add3A_26, %dma_start3A_91] : memref<32x80x128xi32, #tpu.memory_space<hbm>> -> memref<1x1x128xi32, #tpu.memory_space<hbm>>
        %dma_start3A_93 = tpu.memref_squeeze %dma_start3A_92 : memref<1x1x128xi32, #tpu.memory_space<hbm>> -> memref<128xi32, #tpu.memory_space<hbm>>
        %dma_start3A_94 = arith.constant 0 : i32
        %dma_start3A_95 = tpu.memref_slice %arg6[%run_scoped3A_27, %dma_start3A_94] : memref<4x128xi32, #tpu.memory_space<vmem>> -> memref<1x128xi32, #tpu.memory_space<vmem>>
        %dma_start3A_96 = tpu.memref_squeeze %dma_start3A_95 : memref<1x128xi32, #tpu.memory_space<vmem>> -> memref<128xi32, #tpu.memory_space<vmem>>
        %dma_start3A_97 = arith.constant 0 : i32
        %dma_start3A_98 = tpu.memref_slice %arg2[%add3A, %add3A_26, %dma_start3A_97] : memref<32x80x128xi32, #tpu.memory_space<hbm>> -> memref<1x1x128xi32, #tpu.memory_space<hbm>>
        %dma_start3A_99 = tpu.memref_squeeze %dma_start3A_98 : memref<1x1x128xi32, #tpu.memory_space<hbm>> -> memref<128xi32, #tpu.memory_space<hbm>>
        tpu.enqueue_dma source(%dma_start3A_99 : memref<128xi32, #tpu.memory_space<hbm>>) target(%dma_start3A_96 : memref<128xi32, #tpu.memory_space<vmem>>) target_semaphore(%run_scoped3A_87 : memref<!tpu.dma_semaphore, #tpu.memory_space<semaphore_mem>>)
        %dma_wait3A_100 = arith.constant 0 : i32
        %dma_wait3A_101 = tpu.memref_slice %arg6[%run_scoped3A_27, %dma_wait3A_100] : memref<4x128xi32, #tpu.memory_space<vmem>> -> memref<1x128xi32, #tpu.memory_space<vmem>>
        %dma_wait3A_102 = tpu.memref_squeeze %dma_wait3A_101 : memref<1x128xi32, #tpu.memory_space<vmem>> -> memref<128xi32, #tpu.memory_space<vmem>>
        %dma_wait3A_103 = arith.constant 0 : i32
        %dma_wait3A_104 = tpu.memref_slice %arg2[%add3A, %add3A_26, %dma_wait3A_103] : memref<32x80x128xi32, #tpu.memory_space<hbm>> -> memref<1x1x128xi32, #tpu.memory_space<hbm>>
        %dma_wait3A_105 = tpu.memref_squeeze %dma_wait3A_104 : memref<1x1x128xi32, #tpu.memory_space<hbm>> -> memref<128xi32, #tpu.memory_space<hbm>>
        %dma_wait3A_106 = arith.constant 0 : i32
        %dma_wait3A_107 = tpu.memref_slice %arg6[%run_scoped3A_27, %dma_wait3A_106] : memref<4x128xi32, #tpu.memory_space<vmem>> -> memref<1x128xi32, #tpu.memory_space<vmem>>
        %dma_wait3A_108 = tpu.memref_squeeze %dma_wait3A_107 : memref<1x128xi32, #tpu.memory_space<vmem>> -> memref<128xi32, #tpu.memory_space<vmem>>
        %dma_wait3A_109 = arith.constant 0 : i32
        %dma_wait3A_110 = tpu.memref_slice %arg2[%add3A, %add3A_26, %dma_wait3A_109] : memref<32x80x128xi32, #tpu.memory_space<hbm>> -> memref<1x1x128xi32, #tpu.memory_space<hbm>>
        %dma_wait3A_111 = tpu.memref_squeeze %dma_wait3A_110 : memref<1x1x128xi32, #tpu.memory_space<hbm>> -> memref<128xi32, #tpu.memory_space<hbm>>
        tpu.wait_dma2 semaphore(%run_scoped3A_87 : memref<!tpu.dma_semaphore, #tpu.memory_space<semaphore_mem>>) src(%dma_wait3A_111 : memref<128xi32, #tpu.memory_space<hbm>>) dst(%dma_wait3A_108 : memref<128xi32, #tpu.memory_space<vmem>>)
        tpu.yield
      }) : () -> ()
      %mul3A_28 = arith.constant 4 : i32
      %mul3A_29 = arith.muli %scan3A_13, %mul3A_28 : i32
      %add3A_30 = arith.constant 3 : i32
      %add3A_31 = arith.addi %mul3A_29, %add3A_30 : i32
      %run_scoped3A_32 = arith.constant 3 : i32
      "tpu.region"() ({
        %run_scoped3A_87 = tpu.sem_alloc : memref<!tpu.dma_semaphore, #tpu.memory_space<semaphore_mem>>
        %dma_start3A_88 = arith.constant 0 : i32
        %dma_start3A_89 = tpu.memref_slice %arg6[%run_scoped3A_32, %dma_start3A_88] : memref<4x128xi32, #tpu.memory_space<vmem>> -> memref<1x128xi32, #tpu.memory_space<vmem>>
        %dma_start3A_90 = tpu.memref_squeeze %dma_start3A_89 : memref<1x128xi32, #tpu.memory_space<vmem>> -> memref<128xi32, #tpu.memory_space<vmem>>
        %dma_start3A_91 = arith.constant 0 : i32
        %dma_start3A_92 = tpu.memref_slice %arg2[%add3A, %add3A_31, %dma_start3A_91] : memref<32x80x128xi32, #tpu.memory_space<hbm>> -> memref<1x1x128xi32, #tpu.memory_space<hbm>>
        %dma_start3A_93 = tpu.memref_squeeze %dma_start3A_92 : memref<1x1x128xi32, #tpu.memory_space<hbm>> -> memref<128xi32, #tpu.memory_space<hbm>>
        %dma_start3A_94 = arith.constant 0 : i32
        %dma_start3A_95 = tpu.memref_slice %arg6[%run_scoped3A_32, %dma_start3A_94] : memref<4x128xi32, #tpu.memory_space<vmem>> -> memref<1x128xi32, #tpu.memory_space<vmem>>
        %dma_start3A_96 = tpu.memref_squeeze %dma_start3A_95 : memref<1x128xi32, #tpu.memory_space<vmem>> -> memref<128xi32, #tpu.memory_space<vmem>>
        %dma_start3A_97 = arith.constant 0 : i32
        %dma_start3A_98 = tpu.memref_slice %arg2[%add3A, %add3A_31, %dma_start3A_97] : memref<32x80x128xi32, #tpu.memory_space<hbm>> -> memref<1x1x128xi32, #tpu.memory_space<hbm>>
        %dma_start3A_99 = tpu.memref_squeeze %dma_start3A_98 : memref<1x1x128xi32, #tpu.memory_space<hbm>> -> memref<128xi32, #tpu.memory_space<hbm>>
        tpu.enqueue_dma source(%dma_start3A_99 : memref<128xi32, #tpu.memory_space<hbm>>) target(%dma_start3A_96 : memref<128xi32, #tpu.memory_space<vmem>>) target_semaphore(%run_scoped3A_87 : memref<!tpu.dma_semaphore, #tpu.memory_space<semaphore_mem>>)
        %dma_wait3A_100 = arith.constant 0 : i32
        %dma_wait3A_101 = tpu.memref_slice %arg6[%run_scoped3A_32, %dma_wait3A_100] : memref<4x128xi32, #tpu.memory_space<vmem>> -> memref<1x128xi32, #tpu.memory_space<vmem>>
        %dma_wait3A_102 = tpu.memref_squeeze %dma_wait3A_101 : memref<1x128xi32, #tpu.memory_space<vmem>> -> memref<128xi32, #tpu.memory_space<vmem>>
        %dma_wait3A_103 = arith.constant 0 : i32
        %dma_wait3A_104 = tpu.memref_slice %arg2[%add3A, %add3A_31, %dma_wait3A_103] : memref<32x80x128xi32, #tpu.memory_space<hbm>> -> memref<1x1x128xi32, #tpu.memory_space<hbm>>
        %dma_wait3A_105 = tpu.memref_squeeze %dma_wait3A_104 : memref<1x1x128xi32, #tpu.memory_space<hbm>> -> memref<128xi32, #tpu.memory_space<hbm>>
        %dma_wait3A_106 = arith.constant 0 : i32
        %dma_wait3A_107 = tpu.memref_slice %arg6[%run_scoped3A_32, %dma_wait3A_106] : memref<4x128xi32, #tpu.memory_space<vmem>> -> memref<1x128xi32, #tpu.memory_space<vmem>>
        %dma_wait3A_108 = tpu.memref_squeeze %dma_wait3A_107 : memref<1x128xi32, #tpu.memory_space<vmem>> -> memref<128xi32, #tpu.memory_space<vmem>>
        %dma_wait3A_109 = arith.constant 0 : i32
        %dma_wait3A_110 = tpu.memref_slice %arg2[%add3A, %add3A_31, %dma_wait3A_109] : memref<32x80x128xi32, #tpu.memory_space<hbm>> -> memref<1x1x128xi32, #tpu.memory_space<hbm>>
        %dma_wait3A_111 = tpu.memref_squeeze %dma_wait3A_110 : memref<1x1x128xi32, #tpu.memory_space<hbm>> -> memref<128xi32, #tpu.memory_space<hbm>>
        tpu.wait_dma2 semaphore(%run_scoped3A_87 : memref<!tpu.dma_semaphore, #tpu.memory_space<semaphore_mem>>) src(%dma_wait3A_111 : memref<128xi32, #tpu.memory_space<hbm>>) dst(%dma_wait3A_108 : memref<128xi32, #tpu.memory_space<vmem>>)
        tpu.yield
      }) : () -> ()
      %dma_start3A = arith.constant 0 : i32
      %dma_start3A_33 = arith.constant 0 : i32
      %dma_start3A_34 = tpu.memref_slice %arg6[%dma_start3A, %dma_start3A_33] : memref<4x128xi32, #tpu.memory_space<vmem>> -> memref<1x128xi32, #tpu.memory_space<vmem>>
      %dma_start3A_35 = tpu.memref_squeeze %dma_start3A_34 : memref<1x128xi32, #tpu.memory_space<vmem>> -> memref<128xi32, #tpu.memory_space<vmem>>
      %dma_start3A_36 = arith.constant 0 : i32
      %dma_start3A_37 = arith.constant 0 : i32
      %dma_start3A_38 = tpu.memref_slice %arg8[%dma_start3A_36, %dma_start3A_37] : memref<10112x128xf32, #tpu.memory_space<vmem_shared>> -> memref<10112x128xf32, #tpu.memory_space<vmem_shared>>
      tpu.enqueue_indirect_dma source(%arg7 : memref<128x128xf32, #tpu.memory_space<vmem>>) target(%dma_start3A_38 : memref<10112x128xf32, #tpu.memory_space<vmem_shared>>) offsets(%dma_start3A_35 : memref<128xi32, #tpu.memory_space<vmem>>) semaphore(%arg9 : memref<!tpu.dma_semaphore, #tpu.memory_space<semaphore_mem>>) {add = true}
      %dma_start3A_39 = arith.constant 1 : i32
      %dma_start3A_40 = arith.constant 0 : i32
      %dma_start3A_41 = tpu.memref_slice %arg6[%dma_start3A_39, %dma_start3A_40] : memref<4x128xi32, #tpu.memory_space<vmem>> -> memref<1x128xi32, #tpu.memory_space<vmem>>
      %dma_start3A_42 = tpu.memref_squeeze %dma_start3A_41 : memref<1x128xi32, #tpu.memory_space<vmem>> -> memref<128xi32, #tpu.memory_space<vmem>>
      %dma_start3A_43 = arith.constant 0 : i32
      %dma_start3A_44 = arith.constant 0 : i32
      %dma_start3A_45 = tpu.memref_slice %arg8[%dma_start3A_43, %dma_start3A_44] : memref<10112x128xf32, #tpu.memory_space<vmem_shared>> -> memref<10112x128xf32, #tpu.memory_space<vmem_shared>>
      tpu.enqueue_indirect_dma source(%arg7 : memref<128x128xf32, #tpu.memory_space<vmem>>) target(%dma_start3A_45 : memref<10112x128xf32, #tpu.memory_space<vmem_shared>>) offsets(%dma_start3A_42 : memref<128xi32, #tpu.memory_space<vmem>>) semaphore(%arg10 : memref<!tpu.dma_semaphore, #tpu.memory_space<semaphore_mem>>) {add = true}
      %dma_start3A_46 = arith.constant 2 : i32
      %dma_start3A_47 = arith.constant 0 : i32
      %dma_start3A_48 = tpu.memref_slice %arg6[%dma_start3A_46, %dma_start3A_47] : memref<4x128xi32, #tpu.memory_space<vmem>> -> memref<1x128xi32, #tpu.memory_space<vmem>>
      %dma_start3A_49 = tpu.memref_squeeze %dma_start3A_48 : memref<1x128xi32, #tpu.memory_space<vmem>> -> memref<128xi32, #tpu.memory_space<vmem>>
      %dma_start3A_50 = arith.constant 0 : i32
      %dma_start3A_51 = arith.constant 0 : i32
      %dma_start3A_52 = tpu.memref_slice %arg8[%dma_start3A_50, %dma_start3A_51] : memref<10112x128xf32, #tpu.memory_space<vmem_shared>> -> memref<10112x128xf32, #tpu.memory_space<vmem_shared>>
      tpu.enqueue_indirect_dma source(%arg7 : memref<128x128xf32, #tpu.memory_space<vmem>>) target(%dma_start3A_52 : memref<10112x128xf32, #tpu.memory_space<vmem_shared>>) offsets(%dma_start3A_49 : memref<128xi32, #tpu.memory_space<vmem>>) semaphore(%arg11 : memref<!tpu.dma_semaphore, #tpu.memory_space<semaphore_mem>>) {add = true}
      %dma_start3A_53 = arith.constant 3 : i32
      %dma_start3A_54 = arith.constant 0 : i32
      %dma_start3A_55 = tpu.memref_slice %arg6[%dma_start3A_53, %dma_start3A_54] : memref<4x128xi32, #tpu.memory_space<vmem>> -> memref<1x128xi32, #tpu.memory_space<vmem>>
      %dma_start3A_56 = tpu.memref_squeeze %dma_start3A_55 : memref<1x128xi32, #tpu.memory_space<vmem>> -> memref<128xi32, #tpu.memory_space<vmem>>
      %dma_start3A_57 = arith.constant 0 : i32
      %dma_start3A_58 = arith.constant 0 : i32
      %dma_start3A_59 = tpu.memref_slice %arg8[%dma_start3A_57, %dma_start3A_58] : memref<10112x128xf32, #tpu.memory_space<vmem_shared>> -> memref<10112x128xf32, #tpu.memory_space<vmem_shared>>
      tpu.enqueue_indirect_dma source(%arg7 : memref<128x128xf32, #tpu.memory_space<vmem>>) target(%dma_start3A_59 : memref<10112x128xf32, #tpu.memory_space<vmem_shared>>) offsets(%dma_start3A_56 : memref<128xi32, #tpu.memory_space<vmem>>) semaphore(%arg12 : memref<!tpu.dma_semaphore, #tpu.memory_space<semaphore_mem>>) {add = true}
      %dma_wait3A = arith.constant 0 : i32
      %dma_wait3A_60 = arith.constant 0 : i32
      %dma_wait3A_61 = tpu.memref_slice %arg6[%dma_wait3A, %dma_wait3A_60] : memref<4x128xi32, #tpu.memory_space<vmem>> -> memref<1x128xi32, #tpu.memory_space<vmem>>
      %dma_wait3A_62 = tpu.memref_squeeze %dma_wait3A_61 : memref<1x128xi32, #tpu.memory_space<vmem>> -> memref<128xi32, #tpu.memory_space<vmem>>
      %dma_wait3A_63 = arith.constant 0 : i32
      %dma_wait3A_64 = arith.constant 0 : i32
      %dma_wait3A_65 = tpu.memref_slice %arg8[%dma_wait3A_63, %dma_wait3A_64] : memref<10112x128xf32, #tpu.memory_space<vmem_shared>> -> memref<10112x128xf32, #tpu.memory_space<vmem_shared>>
      tpu.wait_indirect_dma semaphore(%arg9 : memref<!tpu.dma_semaphore, #tpu.memory_space<semaphore_mem>>) src(%arg7 : memref<128x128xf32, #tpu.memory_space<vmem>>) dst(%dma_wait3A_65 : memref<10112x128xf32, #tpu.memory_space<vmem_shared>>)
      %dma_wait3A_66 = arith.constant 1 : i32
      %dma_wait3A_67 = arith.constant 0 : i32
      %dma_wait3A_68 = tpu.memref_slice %arg6[%dma_wait3A_66, %dma_wait3A_67] : memref<4x128xi32, #tpu.memory_space<vmem>> -> memref<1x128xi32, #tpu.memory_space<vmem>>
      %dma_wait3A_69 = tpu.memref_squeeze %dma_wait3A_68 : memref<1x128xi32, #tpu.memory_space<vmem>> -> memref<128xi32, #tpu.memory_space<vmem>>
      %dma_wait3A_70 = arith.constant 0 : i32
      %dma_wait3A_71 = arith.constant 0 : i32
      %dma_wait3A_72 = tpu.memref_slice %arg8[%dma_wait3A_70, %dma_wait3A_71] : memref<10112x128xf32, #tpu.memory_space<vmem_shared>> -> memref<10112x128xf32, #tpu.memory_space<vmem_shared>>
      tpu.wait_indirect_dma semaphore(%arg10 : memref<!tpu.dma_semaphore, #tpu.memory_space<semaphore_mem>>) src(%arg7 : memref<128x128xf32, #tpu.memory_space<vmem>>) dst(%dma_wait3A_72 : memref<10112x128xf32, #tpu.memory_space<vmem_shared>>)
      %dma_wait3A_73 = arith.constant 2 : i32
      %dma_wait3A_74 = arith.constant 0 : i32
      %dma_wait3A_75 = tpu.memref_slice %arg6[%dma_wait3A_73, %dma_wait3A_74] : memref<4x128xi32, #tpu.memory_space<vmem>> -> memref<1x128xi32, #tpu.memory_space<vmem>>
      %dma_wait3A_76 = tpu.memref_squeeze %dma_wait3A_75 : memref<1x128xi32, #tpu.memory_space<vmem>> -> memref<128xi32, #tpu.memory_space<vmem>>
      %dma_wait3A_77 = arith.constant 0 : i32
      %dma_wait3A_78 = arith.constant 0 : i32
      %dma_wait3A_79 = tpu.memref_slice %arg8[%dma_wait3A_77, %dma_wait3A_78] : memref<10112x128xf32, #tpu.memory_space<vmem_shared>> -> memref<10112x128xf32, #tpu.memory_space<vmem_shared>>
      tpu.wait_indirect_dma semaphore(%arg11 : memref<!tpu.dma_semaphore, #tpu.memory_space<semaphore_mem>>) src(%arg7 : memref<128x128xf32, #tpu.memory_space<vmem>>) dst(%dma_wait3A_79 : memref<10112x128xf32, #tpu.memory_space<vmem_shared>>)
      %dma_wait3A_80 = arith.constant 3 : i32
      %dma_wait3A_81 = arith.constant 0 : i32
      %dma_wait3A_82 = tpu.memref_slice %arg6[%dma_wait3A_80, %dma_wait3A_81] : memref<4x128xi32, #tpu.memory_space<vmem>> -> memref<1x128xi32, #tpu.memory_space<vmem>>
      %dma_wait3A_83 = tpu.memref_squeeze %dma_wait3A_82 : memref<1x128xi32, #tpu.memory_space<vmem>> -> memref<128xi32, #tpu.memory_space<vmem>>
      %dma_wait3A_84 = arith.constant 0 : i32
      %dma_wait3A_85 = arith.constant 0 : i32
      %dma_wait3A_86 = tpu.memref_slice %arg8[%dma_wait3A_84, %dma_wait3A_85] : memref<10112x128xf32, #tpu.memory_space<vmem_shared>> -> memref<10112x128xf32, #tpu.memory_space<vmem_shared>>
      tpu.wait_indirect_dma semaphore(%arg12 : memref<!tpu.dma_semaphore, #tpu.memory_space<semaphore_mem>>) src(%arg7 : memref<128x128xf32, #tpu.memory_space<vmem>>) dst(%dma_wait3A_86 : memref<10112x128xf32, #tpu.memory_space<vmem_shared>>)
    }
    %scan3A_7 = arith.constant 20 : i32
    %barrier3A_8 = arith.constant 0 : index
    tpu.barrier barrier_id(%barrier3A_8)
    %mul3A_9 = arith.constant 632 : i32
    %mul3A_10 = arith.muli %arg1, %mul3A_9 : i32
    %mul3A_11 = arith.constant 632 : i32
    %mul3A_12 = arith.muli %arg1, %mul3A_11 : i32
    "tpu.region"() ({
      %run_scoped3A = tpu.sem_alloc : memref<!tpu.dma_semaphore, #tpu.memory_space<semaphore_mem>>
      %dma_start3A = arith.constant 0 : i32
      %dma_start3A_13 = tpu.memref_slice %arg5[%arg0, %mul3A_12, %dma_start3A] : memref<2x10112x128xf32, #tpu.memory_space<hbm>> -> memref<1x632x128xf32, #tpu.memory_space<hbm>>
      %dma_start3A_14 = tpu.memref_squeeze %dma_start3A_13 : memref<1x632x128xf32, #tpu.memory_space<hbm>> -> memref<632x128xf32, #tpu.memory_space<hbm>>
      %dma_start3A_15 = arith.constant 0 : i32
      %dma_start3A_16 = tpu.memref_slice %arg8[%mul3A_10, %dma_start3A_15] : memref<10112x128xf32, #tpu.memory_space<vmem_shared>> -> memref<632x128xf32, #tpu.memory_space<vmem_shared>>
      tpu.enqueue_dma source(%dma_start3A_16 : memref<632x128xf32, #tpu.memory_space<vmem_shared>>) target(%dma_start3A_14 : memref<632x128xf32, #tpu.memory_space<hbm>>) target_semaphore(%run_scoped3A : memref<!tpu.dma_semaphore, #tpu.memory_space<semaphore_mem>>)
      %dma_wait3A = arith.constant 0 : i32
      %dma_wait3A_17 = tpu.memref_slice %arg5[%arg0, %mul3A_12, %dma_wait3A] : memref<2x10112x128xf32, #tpu.memory_space<hbm>> -> memref<1x632x128xf32, #tpu.memory_space<hbm>>
      %dma_wait3A_18 = tpu.memref_squeeze %dma_wait3A_17 : memref<1x632x128xf32, #tpu.memory_space<hbm>> -> memref<632x128xf32, #tpu.memory_space<hbm>>
      %dma_wait3A_19 = arith.constant 0 : i32
      %dma_wait3A_20 = tpu.memref_slice %arg8[%mul3A_10, %dma_wait3A_19] : memref<10112x128xf32, #tpu.memory_space<vmem_shared>> -> memref<632x128xf32, #tpu.memory_space<vmem_shared>>
      tpu.wait_dma2 semaphore(%run_scoped3A : memref<!tpu.dma_semaphore, #tpu.memory_space<semaphore_mem>>) src(%dma_wait3A_20 : memref<632x128xf32, #tpu.memory_space<vmem_shared>>) dst(%dma_wait3A_18 : memref<632x128xf32, #tpu.memory_space<hbm>>)
      tpu.yield
    }) : () -> ()
    return
  }
}

#map = affine_map<(d0, d1) -> (0, 0)>
#map1 = affine_map<(d0, d1) -> (0, 0, 0)>
module attributes {stable_mosaic.version = 14 : i64} {
  func.func @_sc_agg_body(%arg0: i32, %arg1: i32, %arg2: memref<10000x128xf32, #tpu.memory_space<hbm>>, %arg3: memref<32x80x128xi32, #tpu.memory_space<hbm>>, %arg4: memref<32x80x128xi32, #tpu.memory_space<hbm>>, %arg5: memref<632x128xf32, #tpu.memory_space<hbm>>, %arg6: memref<2x10112x128xf32, #tpu.memory_space<hbm>>, %arg7: memref<80x128xi32, #tpu.memory_space<vmem>>, %arg8: memref<2x128xi32, #tpu.memory_space<vmem>>, %arg9: memref<128x128xf32, #tpu.memory_space<vmem>>, %arg10: memref<128x128xf32, #tpu.memory_space<vmem>>, %arg11: memref<10112x128xf32, #tpu.memory_space<vmem_shared>>, %arg12: memref<!tpu.dma_semaphore, #tpu.memory_space<semaphore_mem>>, %arg13: memref<!tpu.dma_semaphore, #tpu.memory_space<semaphore_mem>>, %arg14: memref<!tpu.dma_semaphore, #tpu.memory_space<semaphore_mem>>, %arg15: memref<!tpu.dma_semaphore, #tpu.memory_space<semaphore_mem>>) attributes {dimension_semantics = [#tpu.dimension_semantics<core_parallel>, #tpu.dimension_semantics<subcore_parallel>], iteration_bounds = array<i64: 2, 16>, scalar_prefetch = 0 : i64, scratch_operands = 9 : i64, tpu.core_type = #tpu.core_type<sc_vector_subcore>, window_params = [{transform_indices = #map}, {transform_indices = #map1}, {transform_indices = #map1}, {transform_indices = #map}, {transform_indices = #map1}]} {
    %mul3A = arith.constant 2 : i32
    %mul3A_0 = arith.muli %arg1, %mul3A : i32
    %add3A = arith.addi %mul3A_0, %arg0 : i32
    "tpu.region"() ({
      %run_scoped3A = tpu.sem_alloc : memref<!tpu.dma_semaphore, #tpu.memory_space<semaphore_mem>>
      %dma_start3A = arith.constant 0 : i32
      %dma_start3A_13 = arith.constant 0 : i32
      %dma_start3A_14 = tpu.memref_slice %arg3[%add3A, %dma_start3A, %dma_start3A_13] : memref<32x80x128xi32, #tpu.memory_space<hbm>> -> memref<1x80x128xi32, #tpu.memory_space<hbm>>
      %dma_start3A_15 = tpu.memref_squeeze %dma_start3A_14 : memref<1x80x128xi32, #tpu.memory_space<hbm>> -> memref<80x128xi32, #tpu.memory_space<hbm>>
      %dma_start3A_16 = arith.constant 0 : i32
      %dma_start3A_17 = arith.constant 0 : i32
      %dma_start3A_18 = tpu.memref_slice %arg3[%add3A, %dma_start3A_16, %dma_start3A_17] : memref<32x80x128xi32, #tpu.memory_space<hbm>> -> memref<1x80x128xi32, #tpu.memory_space<hbm>>
      %dma_start3A_19 = tpu.memref_squeeze %dma_start3A_18 : memref<1x80x128xi32, #tpu.memory_space<hbm>> -> memref<80x128xi32, #tpu.memory_space<hbm>>
      tpu.enqueue_dma source(%dma_start3A_19 : memref<80x128xi32, #tpu.memory_space<hbm>>) target(%arg7 : memref<80x128xi32, #tpu.memory_space<vmem>>) target_semaphore(%run_scoped3A : memref<!tpu.dma_semaphore, #tpu.memory_space<semaphore_mem>>)
      %dma_wait3A = arith.constant 0 : i32
      %dma_wait3A_20 = arith.constant 0 : i32
      %dma_wait3A_21 = tpu.memref_slice %arg3[%add3A, %dma_wait3A, %dma_wait3A_20] : memref<32x80x128xi32, #tpu.memory_space<hbm>> -> memref<1x80x128xi32, #tpu.memory_space<hbm>>
      %dma_wait3A_22 = tpu.memref_squeeze %dma_wait3A_21 : memref<1x80x128xi32, #tpu.memory_space<hbm>> -> memref<80x128xi32, #tpu.memory_space<hbm>>
      %dma_wait3A_23 = arith.constant 0 : i32
      %dma_wait3A_24 = arith.constant 0 : i32
      %dma_wait3A_25 = tpu.memref_slice %arg3[%add3A, %dma_wait3A_23, %dma_wait3A_24] : memref<32x80x128xi32, #tpu.memory_space<hbm>> -> memref<1x80x128xi32, #tpu.memory_space<hbm>>
      %dma_wait3A_26 = tpu.memref_squeeze %dma_wait3A_25 : memref<1x80x128xi32, #tpu.memory_space<hbm>> -> memref<80x128xi32, #tpu.memory_space<hbm>>
      tpu.wait_dma2 semaphore(%run_scoped3A : memref<!tpu.dma_semaphore, #tpu.memory_space<semaphore_mem>>) src(%dma_wait3A_26 : memref<80x128xi32, #tpu.memory_space<hbm>>) dst(%arg7 : memref<80x128xi32, #tpu.memory_space<vmem>>)
      tpu.yield
    }) : () -> ()
    %mul3A_1 = arith.constant 632 : i32
    %mul3A_2 = arith.muli %arg1, %mul3A_1 : i32
    "tpu.region"() ({
      %run_scoped3A = tpu.sem_alloc : memref<!tpu.dma_semaphore, #tpu.memory_space<semaphore_mem>>
      %dma_start3A = arith.constant 0 : i32
      %dma_start3A_13 = tpu.memref_slice %arg11[%mul3A_2, %dma_start3A] : memref<10112x128xf32, #tpu.memory_space<vmem_shared>> -> memref<632x128xf32, #tpu.memory_space<vmem_shared>>
      tpu.enqueue_dma source(%arg5 : memref<632x128xf32, #tpu.memory_space<hbm>>) target(%dma_start3A_13 : memref<632x128xf32, #tpu.memory_space<vmem_shared>>) target_semaphore(%run_scoped3A : memref<!tpu.dma_semaphore, #tpu.memory_space<semaphore_mem>>)
      %dma_wait3A = arith.constant 0 : i32
      %dma_wait3A_14 = tpu.memref_slice %arg11[%mul3A_2, %dma_wait3A] : memref<10112x128xf32, #tpu.memory_space<vmem_shared>> -> memref<632x128xf32, #tpu.memory_space<vmem_shared>>
      tpu.wait_dma2 semaphore(%run_scoped3A : memref<!tpu.dma_semaphore, #tpu.memory_space<semaphore_mem>>) src(%arg5 : memref<632x128xf32, #tpu.memory_space<hbm>>) dst(%dma_wait3A_14 : memref<632x128xf32, #tpu.memory_space<vmem_shared>>)
      tpu.yield
    }) : () -> ()
    %barrier3A = arith.constant 0 : index
    tpu.barrier barrier_id(%barrier3A)
    %scan3A = arith.constant 0 : i32
    %scan3A_3 = arith.constant 0 : i32
    %scan3A_4 = arith.constant 40 : i32
    %scan3A_5 = arith.addi %scan3A_3, %scan3A_4 : i32
    %scan3A_6 = arith.constant 1 : i32
    scf.for %scan3A_13 = %scan3A_3 to %scan3A_5 step %scan3A_6  : i32 {
      %mul3A_14 = arith.constant 2 : i32
      %mul3A_15 = arith.muli %scan3A_13, %mul3A_14 : i32
      %add3A_16 = arith.constant 0 : i32
      %add3A_17 = arith.addi %mul3A_15, %add3A_16 : i32
      %dma_start3A = arith.constant 0 : i32
      %dma_start3A_18 = tpu.memref_slice %arg7[%add3A_17, %dma_start3A] : memref<80x128xi32, #tpu.memory_space<vmem>> -> memref<1x128xi32, #tpu.memory_space<vmem>>
      %dma_start3A_19 = tpu.memref_squeeze %dma_start3A_18 : memref<1x128xi32, #tpu.memory_space<vmem>> -> memref<128xi32, #tpu.memory_space<vmem>>
      %dma_start3A_20 = arith.constant 0 : i32
      %dma_start3A_21 = arith.constant 0 : i32
      %dma_start3A_22 = tpu.memref_slice %arg2[%dma_start3A_20, %dma_start3A_21] : memref<10000x128xf32, #tpu.memory_space<hbm>> -> memref<10000x128xf32, #tpu.memory_space<hbm>>
      tpu.enqueue_indirect_dma source(%dma_start3A_22 : memref<10000x128xf32, #tpu.memory_space<hbm>>) target(%arg9 : memref<128x128xf32, #tpu.memory_space<vmem>>) offsets(%dma_start3A_19 : memref<128xi32, #tpu.memory_space<vmem>>) semaphore(%arg12 : memref<!tpu.dma_semaphore, #tpu.memory_space<semaphore_mem>>)
      %mul3A_23 = arith.constant 2 : i32
      %mul3A_24 = arith.muli %scan3A_13, %mul3A_23 : i32
      %add3A_25 = arith.constant 1 : i32
      %add3A_26 = arith.addi %mul3A_24, %add3A_25 : i32
      %dma_start3A_27 = arith.constant 0 : i32
      %dma_start3A_28 = tpu.memref_slice %arg7[%add3A_26, %dma_start3A_27] : memref<80x128xi32, #tpu.memory_space<vmem>> -> memref<1x128xi32, #tpu.memory_space<vmem>>
      %dma_start3A_29 = tpu.memref_squeeze %dma_start3A_28 : memref<1x128xi32, #tpu.memory_space<vmem>> -> memref<128xi32, #tpu.memory_space<vmem>>
      %dma_start3A_30 = arith.constant 0 : i32
      %dma_start3A_31 = arith.constant 0 : i32
      %dma_start3A_32 = tpu.memref_slice %arg2[%dma_start3A_30, %dma_start3A_31] : memref<10000x128xf32, #tpu.memory_space<hbm>> -> memref<10000x128xf32, #tpu.memory_space<hbm>>
      tpu.enqueue_indirect_dma source(%dma_start3A_32 : memref<10000x128xf32, #tpu.memory_space<hbm>>) target(%arg10 : memref<128x128xf32, #tpu.memory_space<vmem>>) offsets(%dma_start3A_29 : memref<128xi32, #tpu.memory_space<vmem>>) semaphore(%arg13 : memref<!tpu.dma_semaphore, #tpu.memory_space<semaphore_mem>>)
      %mul3A_33 = arith.constant 2 : i32
      %mul3A_34 = arith.muli %scan3A_13, %mul3A_33 : i32
      %add3A_35 = arith.constant 0 : i32
      %add3A_36 = arith.addi %mul3A_34, %add3A_35 : i32
      %run_scoped3A = arith.constant 0 : i32
      "tpu.region"() ({
        %run_scoped3A_81 = tpu.sem_alloc : memref<!tpu.dma_semaphore, #tpu.memory_space<semaphore_mem>>
        %dma_start3A_82 = arith.constant 0 : i32
        %dma_start3A_83 = tpu.memref_slice %arg8[%run_scoped3A, %dma_start3A_82] : memref<2x128xi32, #tpu.memory_space<vmem>> -> memref<1x128xi32, #tpu.memory_space<vmem>>
        %dma_start3A_84 = tpu.memref_squeeze %dma_start3A_83 : memref<1x128xi32, #tpu.memory_space<vmem>> -> memref<128xi32, #tpu.memory_space<vmem>>
        %dma_start3A_85 = arith.constant 0 : i32
        %dma_start3A_86 = tpu.memref_slice %arg4[%add3A, %add3A_36, %dma_start3A_85] : memref<32x80x128xi32, #tpu.memory_space<hbm>> -> memref<1x1x128xi32, #tpu.memory_space<hbm>>
        %dma_start3A_87 = tpu.memref_squeeze %dma_start3A_86 : memref<1x1x128xi32, #tpu.memory_space<hbm>> -> memref<128xi32, #tpu.memory_space<hbm>>
        %dma_start3A_88 = arith.constant 0 : i32
        %dma_start3A_89 = tpu.memref_slice %arg8[%run_scoped3A, %dma_start3A_88] : memref<2x128xi32, #tpu.memory_space<vmem>> -> memref<1x128xi32, #tpu.memory_space<vmem>>
        %dma_start3A_90 = tpu.memref_squeeze %dma_start3A_89 : memref<1x128xi32, #tpu.memory_space<vmem>> -> memref<128xi32, #tpu.memory_space<vmem>>
        %dma_start3A_91 = arith.constant 0 : i32
        %dma_start3A_92 = tpu.memref_slice %arg4[%add3A, %add3A_36, %dma_start3A_91] : memref<32x80x128xi32, #tpu.memory_space<hbm>> -> memref<1x1x128xi32, #tpu.memory_space<hbm>>
        %dma_start3A_93 = tpu.memref_squeeze %dma_start3A_92 : memref<1x1x128xi32, #tpu.memory_space<hbm>> -> memref<128xi32, #tpu.memory_space<hbm>>
        tpu.enqueue_dma source(%dma_start3A_93 : memref<128xi32, #tpu.memory_space<hbm>>) target(%dma_start3A_90 : memref<128xi32, #tpu.memory_space<vmem>>) target_semaphore(%run_scoped3A_81 : memref<!tpu.dma_semaphore, #tpu.memory_space<semaphore_mem>>)
        %dma_wait3A_94 = arith.constant 0 : i32
        %dma_wait3A_95 = tpu.memref_slice %arg8[%run_scoped3A, %dma_wait3A_94] : memref<2x128xi32, #tpu.memory_space<vmem>> -> memref<1x128xi32, #tpu.memory_space<vmem>>
        %dma_wait3A_96 = tpu.memref_squeeze %dma_wait3A_95 : memref<1x128xi32, #tpu.memory_space<vmem>> -> memref<128xi32, #tpu.memory_space<vmem>>
        %dma_wait3A_97 = arith.constant 0 : i32
        %dma_wait3A_98 = tpu.memref_slice %arg4[%add3A, %add3A_36, %dma_wait3A_97] : memref<32x80x128xi32, #tpu.memory_space<hbm>> -> memref<1x1x128xi32, #tpu.memory_space<hbm>>
        %dma_wait3A_99 = tpu.memref_squeeze %dma_wait3A_98 : memref<1x1x128xi32, #tpu.memory_space<hbm>> -> memref<128xi32, #tpu.memory_space<hbm>>
        %dma_wait3A_100 = arith.constant 0 : i32
        %dma_wait3A_101 = tpu.memref_slice %arg8[%run_scoped3A, %dma_wait3A_100] : memref<2x128xi32, #tpu.memory_space<vmem>> -> memref<1x128xi32, #tpu.memory_space<vmem>>
        %dma_wait3A_102 = tpu.memref_squeeze %dma_wait3A_101 : memref<1x128xi32, #tpu.memory_space<vmem>> -> memref<128xi32, #tpu.memory_space<vmem>>
        %dma_wait3A_103 = arith.constant 0 : i32
        %dma_wait3A_104 = tpu.memref_slice %arg4[%add3A, %add3A_36, %dma_wait3A_103] : memref<32x80x128xi32, #tpu.memory_space<hbm>> -> memref<1x1x128xi32, #tpu.memory_space<hbm>>
        %dma_wait3A_105 = tpu.memref_squeeze %dma_wait3A_104 : memref<1x1x128xi32, #tpu.memory_space<hbm>> -> memref<128xi32, #tpu.memory_space<hbm>>
        tpu.wait_dma2 semaphore(%run_scoped3A_81 : memref<!tpu.dma_semaphore, #tpu.memory_space<semaphore_mem>>) src(%dma_wait3A_105 : memref<128xi32, #tpu.memory_space<hbm>>) dst(%dma_wait3A_102 : memref<128xi32, #tpu.memory_space<vmem>>)
        tpu.yield
      }) : () -> ()
      %mul3A_37 = arith.constant 2 : i32
      %mul3A_38 = arith.muli %scan3A_13, %mul3A_37 : i32
      %add3A_39 = arith.constant 1 : i32
      %add3A_40 = arith.addi %mul3A_38, %add3A_39 : i32
      %run_scoped3A_41 = arith.constant 1 : i32
      "tpu.region"() ({
        %run_scoped3A_81 = tpu.sem_alloc : memref<!tpu.dma_semaphore, #tpu.memory_space<semaphore_mem>>
        %dma_start3A_82 = arith.constant 0 : i32
        %dma_start3A_83 = tpu.memref_slice %arg8[%run_scoped3A_41, %dma_start3A_82] : memref<2x128xi32, #tpu.memory_space<vmem>> -> memref<1x128xi32, #tpu.memory_space<vmem>>
        %dma_start3A_84 = tpu.memref_squeeze %dma_start3A_83 : memref<1x128xi32, #tpu.memory_space<vmem>> -> memref<128xi32, #tpu.memory_space<vmem>>
        %dma_start3A_85 = arith.constant 0 : i32
        %dma_start3A_86 = tpu.memref_slice %arg4[%add3A, %add3A_40, %dma_start3A_85] : memref<32x80x128xi32, #tpu.memory_space<hbm>> -> memref<1x1x128xi32, #tpu.memory_space<hbm>>
        %dma_start3A_87 = tpu.memref_squeeze %dma_start3A_86 : memref<1x1x128xi32, #tpu.memory_space<hbm>> -> memref<128xi32, #tpu.memory_space<hbm>>
        %dma_start3A_88 = arith.constant 0 : i32
        %dma_start3A_89 = tpu.memref_slice %arg8[%run_scoped3A_41, %dma_start3A_88] : memref<2x128xi32, #tpu.memory_space<vmem>> -> memref<1x128xi32, #tpu.memory_space<vmem>>
        %dma_start3A_90 = tpu.memref_squeeze %dma_start3A_89 : memref<1x128xi32, #tpu.memory_space<vmem>> -> memref<128xi32, #tpu.memory_space<vmem>>
        %dma_start3A_91 = arith.constant 0 : i32
        %dma_start3A_92 = tpu.memref_slice %arg4[%add3A, %add3A_40, %dma_start3A_91] : memref<32x80x128xi32, #tpu.memory_space<hbm>> -> memref<1x1x128xi32, #tpu.memory_space<hbm>>
        %dma_start3A_93 = tpu.memref_squeeze %dma_start3A_92 : memref<1x1x128xi32, #tpu.memory_space<hbm>> -> memref<128xi32, #tpu.memory_space<hbm>>
        tpu.enqueue_dma source(%dma_start3A_93 : memref<128xi32, #tpu.memory_space<hbm>>) target(%dma_start3A_90 : memref<128xi32, #tpu.memory_space<vmem>>) target_semaphore(%run_scoped3A_81 : memref<!tpu.dma_semaphore, #tpu.memory_space<semaphore_mem>>)
        %dma_wait3A_94 = arith.constant 0 : i32
        %dma_wait3A_95 = tpu.memref_slice %arg8[%run_scoped3A_41, %dma_wait3A_94] : memref<2x128xi32, #tpu.memory_space<vmem>> -> memref<1x128xi32, #tpu.memory_space<vmem>>
        %dma_wait3A_96 = tpu.memref_squeeze %dma_wait3A_95 : memref<1x128xi32, #tpu.memory_space<vmem>> -> memref<128xi32, #tpu.memory_space<vmem>>
        %dma_wait3A_97 = arith.constant 0 : i32
        %dma_wait3A_98 = tpu.memref_slice %arg4[%add3A, %add3A_40, %dma_wait3A_97] : memref<32x80x128xi32, #tpu.memory_space<hbm>> -> memref<1x1x128xi32, #tpu.memory_space<hbm>>
        %dma_wait3A_99 = tpu.memref_squeeze %dma_wait3A_98 : memref<1x1x128xi32, #tpu.memory_space<hbm>> -> memref<128xi32, #tpu.memory_space<hbm>>
        %dma_wait3A_100 = arith.constant 0 : i32
        %dma_wait3A_101 = tpu.memref_slice %arg8[%run_scoped3A_41, %dma_wait3A_100] : memref<2x128xi32, #tpu.memory_space<vmem>> -> memref<1x128xi32, #tpu.memory_space<vmem>>
        %dma_wait3A_102 = tpu.memref_squeeze %dma_wait3A_101 : memref<1x128xi32, #tpu.memory_space<vmem>> -> memref<128xi32, #tpu.memory_space<vmem>>
        %dma_wait3A_103 = arith.constant 0 : i32
        %dma_wait3A_104 = tpu.memref_slice %arg4[%add3A, %add3A_40, %dma_wait3A_103] : memref<32x80x128xi32, #tpu.memory_space<hbm>> -> memref<1x1x128xi32, #tpu.memory_space<hbm>>
        %dma_wait3A_105 = tpu.memref_squeeze %dma_wait3A_104 : memref<1x1x128xi32, #tpu.memory_space<hbm>> -> memref<128xi32, #tpu.memory_space<hbm>>
        tpu.wait_dma2 semaphore(%run_scoped3A_81 : memref<!tpu.dma_semaphore, #tpu.memory_space<semaphore_mem>>) src(%dma_wait3A_105 : memref<128xi32, #tpu.memory_space<hbm>>) dst(%dma_wait3A_102 : memref<128xi32, #tpu.memory_space<vmem>>)
        tpu.yield
      }) : () -> ()
      %dma_wait3A = arith.constant 0 : i32
      %dma_wait3A_42 = tpu.memref_slice %arg7[%add3A_17, %dma_wait3A] : memref<80x128xi32, #tpu.memory_space<vmem>> -> memref<1x128xi32, #tpu.memory_space<vmem>>
      %dma_wait3A_43 = tpu.memref_squeeze %dma_wait3A_42 : memref<1x128xi32, #tpu.memory_space<vmem>> -> memref<128xi32, #tpu.memory_space<vmem>>
      %dma_wait3A_44 = arith.constant 0 : i32
      %dma_wait3A_45 = arith.constant 0 : i32
      %dma_wait3A_46 = tpu.memref_slice %arg2[%dma_wait3A_44, %dma_wait3A_45] : memref<10000x128xf32, #tpu.memory_space<hbm>> -> memref<10000x128xf32, #tpu.memory_space<hbm>>
      tpu.wait_indirect_dma semaphore(%arg12 : memref<!tpu.dma_semaphore, #tpu.memory_space<semaphore_mem>>) src(%dma_wait3A_46 : memref<10000x128xf32, #tpu.memory_space<hbm>>) dst(%arg9 : memref<128x128xf32, #tpu.memory_space<vmem>>)
      %dma_start3A_47 = arith.constant 0 : i32
      %dma_start3A_48 = arith.constant 0 : i32
      %dma_start3A_49 = tpu.memref_slice %arg8[%dma_start3A_47, %dma_start3A_48] : memref<2x128xi32, #tpu.memory_space<vmem>> -> memref<1x128xi32, #tpu.memory_space<vmem>>
      %dma_start3A_50 = tpu.memref_squeeze %dma_start3A_49 : memref<1x128xi32, #tpu.memory_space<vmem>> -> memref<128xi32, #tpu.memory_space<vmem>>
      %dma_start3A_51 = arith.constant 0 : i32
      %dma_start3A_52 = arith.constant 0 : i32
      %dma_start3A_53 = tpu.memref_slice %arg11[%dma_start3A_51, %dma_start3A_52] : memref<10112x128xf32, #tpu.memory_space<vmem_shared>> -> memref<10112x128xf32, #tpu.memory_space<vmem_shared>>
      tpu.enqueue_indirect_dma source(%arg9 : memref<128x128xf32, #tpu.memory_space<vmem>>) target(%dma_start3A_53 : memref<10112x128xf32, #tpu.memory_space<vmem_shared>>) offsets(%dma_start3A_50 : memref<128xi32, #tpu.memory_space<vmem>>) semaphore(%arg14 : memref<!tpu.dma_semaphore, #tpu.memory_space<semaphore_mem>>) {add = true}
      %dma_wait3A_54 = arith.constant 0 : i32
      %dma_wait3A_55 = tpu.memref_slice %arg7[%add3A_26, %dma_wait3A_54] : memref<80x128xi32, #tpu.memory_space<vmem>> -> memref<1x128xi32, #tpu.memory_space<vmem>>
      %dma_wait3A_56 = tpu.memref_squeeze %dma_wait3A_55 : memref<1x128xi32, #tpu.memory_space<vmem>> -> memref<128xi32, #tpu.memory_space<vmem>>
      %dma_wait3A_57 = arith.constant 0 : i32
      %dma_wait3A_58 = arith.constant 0 : i32
      %dma_wait3A_59 = tpu.memref_slice %arg2[%dma_wait3A_57, %dma_wait3A_58] : memref<10000x128xf32, #tpu.memory_space<hbm>> -> memref<10000x128xf32, #tpu.memory_space<hbm>>
      tpu.wait_indirect_dma semaphore(%arg13 : memref<!tpu.dma_semaphore, #tpu.memory_space<semaphore_mem>>) src(%dma_wait3A_59 : memref<10000x128xf32, #tpu.memory_space<hbm>>) dst(%arg10 : memref<128x128xf32, #tpu.memory_space<vmem>>)
      %dma_start3A_60 = arith.constant 1 : i32
      %dma_start3A_61 = arith.constant 0 : i32
      %dma_start3A_62 = tpu.memref_slice %arg8[%dma_start3A_60, %dma_start3A_61] : memref<2x128xi32, #tpu.memory_space<vmem>> -> memref<1x128xi32, #tpu.memory_space<vmem>>
      %dma_start3A_63 = tpu.memref_squeeze %dma_start3A_62 : memref<1x128xi32, #tpu.memory_space<vmem>> -> memref<128xi32, #tpu.memory_space<vmem>>
      %dma_start3A_64 = arith.constant 0 : i32
      %dma_start3A_65 = arith.constant 0 : i32
      %dma_start3A_66 = tpu.memref_slice %arg11[%dma_start3A_64, %dma_start3A_65] : memref<10112x128xf32, #tpu.memory_space<vmem_shared>> -> memref<10112x128xf32, #tpu.memory_space<vmem_shared>>
      tpu.enqueue_indirect_dma source(%arg10 : memref<128x128xf32, #tpu.memory_space<vmem>>) target(%dma_start3A_66 : memref<10112x128xf32, #tpu.memory_space<vmem_shared>>) offsets(%dma_start3A_63 : memref<128xi32, #tpu.memory_space<vmem>>) semaphore(%arg15 : memref<!tpu.dma_semaphore, #tpu.memory_space<semaphore_mem>>) {add = true}
      %dma_wait3A_67 = arith.constant 0 : i32
      %dma_wait3A_68 = arith.constant 0 : i32
      %dma_wait3A_69 = tpu.memref_slice %arg8[%dma_wait3A_67, %dma_wait3A_68] : memref<2x128xi32, #tpu.memory_space<vmem>> -> memref<1x128xi32, #tpu.memory_space<vmem>>
      %dma_wait3A_70 = tpu.memref_squeeze %dma_wait3A_69 : memref<1x128xi32, #tpu.memory_space<vmem>> -> memref<128xi32, #tpu.memory_space<vmem>>
      %dma_wait3A_71 = arith.constant 0 : i32
      %dma_wait3A_72 = arith.constant 0 : i32
      %dma_wait3A_73 = tpu.memref_slice %arg11[%dma_wait3A_71, %dma_wait3A_72] : memref<10112x128xf32, #tpu.memory_space<vmem_shared>> -> memref<10112x128xf32, #tpu.memory_space<vmem_shared>>
      tpu.wait_indirect_dma semaphore(%arg14 : memref<!tpu.dma_semaphore, #tpu.memory_space<semaphore_mem>>) src(%arg9 : memref<128x128xf32, #tpu.memory_space<vmem>>) dst(%dma_wait3A_73 : memref<10112x128xf32, #tpu.memory_space<vmem_shared>>)
      %dma_wait3A_74 = arith.constant 1 : i32
      %dma_wait3A_75 = arith.constant 0 : i32
      %dma_wait3A_76 = tpu.memref_slice %arg8[%dma_wait3A_74, %dma_wait3A_75] : memref<2x128xi32, #tpu.memory_space<vmem>> -> memref<1x128xi32, #tpu.memory_space<vmem>>
      %dma_wait3A_77 = tpu.memref_squeeze %dma_wait3A_76 : memref<1x128xi32, #tpu.memory_space<vmem>> -> memref<128xi32, #tpu.memory_space<vmem>>
      %dma_wait3A_78 = arith.constant 0 : i32
      %dma_wait3A_79 = arith.constant 0 : i32
      %dma_wait3A_80 = tpu.memref_slice %arg11[%dma_wait3A_78, %dma_wait3A_79] : memref<10112x128xf32, #tpu.memory_space<vmem_shared>> -> memref<10112x128xf32, #tpu.memory_space<vmem_shared>>
      tpu.wait_indirect_dma semaphore(%arg15 : memref<!tpu.dma_semaphore, #tpu.memory_space<semaphore_mem>>) src(%arg10 : memref<128x128xf32, #tpu.memory_space<vmem>>) dst(%dma_wait3A_80 : memref<10112x128xf32, #tpu.memory_space<vmem_shared>>)
    }
    %scan3A_7 = arith.constant 40 : i32
    %barrier3A_8 = arith.constant 0 : index
    tpu.barrier barrier_id(%barrier3A_8)
    %mul3A_9 = arith.constant 632 : i32
    %mul3A_10 = arith.muli %arg1, %mul3A_9 : i32
    %mul3A_11 = arith.constant 632 : i32
    %mul3A_12 = arith.muli %arg1, %mul3A_11 : i32
    "tpu.region"() ({
      %run_scoped3A = tpu.sem_alloc : memref<!tpu.dma_semaphore, #tpu.memory_space<semaphore_mem>>
      %dma_start3A = arith.constant 0 : i32
      %dma_start3A_13 = tpu.memref_slice %arg6[%arg0, %mul3A_12, %dma_start3A] : memref<2x10112x128xf32, #tpu.memory_space<hbm>> -> memref<1x632x128xf32, #tpu.memory_space<hbm>>
      %dma_start3A_14 = tpu.memref_squeeze %dma_start3A_13 : memref<1x632x128xf32, #tpu.memory_space<hbm>> -> memref<632x128xf32, #tpu.memory_space<hbm>>
      %dma_start3A_15 = arith.constant 0 : i32
      %dma_start3A_16 = tpu.memref_slice %arg11[%mul3A_10, %dma_start3A_15] : memref<10112x128xf32, #tpu.memory_space<vmem_shared>> -> memref<632x128xf32, #tpu.memory_space<vmem_shared>>
      tpu.enqueue_dma source(%dma_start3A_16 : memref<632x128xf32, #tpu.memory_space<vmem_shared>>) target(%dma_start3A_14 : memref<632x128xf32, #tpu.memory_space<hbm>>) target_semaphore(%run_scoped3A : memref<!tpu.dma_semaphore, #tpu.memory_space<semaphore_mem>>)
      %dma_wait3A = arith.constant 0 : i32
      %dma_wait3A_17 = tpu.memref_slice %arg6[%arg0, %mul3A_12, %dma_wait3A] : memref<2x10112x128xf32, #tpu.memory_space<hbm>> -> memref<1x632x128xf32, #tpu.memory_space<hbm>>
      %dma_wait3A_18 = tpu.memref_squeeze %dma_wait3A_17 : memref<1x632x128xf32, #tpu.memory_space<hbm>> -> memref<632x128xf32, #tpu.memory_space<hbm>>
      %dma_wait3A_19 = arith.constant 0 : i32
      %dma_wait3A_20 = tpu.memref_slice %arg11[%mul3A_10, %dma_wait3A_19] : memref<10112x128xf32, #tpu.memory_space<vmem_shared>> -> memref<632x128xf32, #tpu.memory_space<vmem_shared>>
      tpu.wait_dma2 semaphore(%run_scoped3A : memref<!tpu.dma_semaphore, #tpu.memory_space<semaphore_mem>>) src(%dma_wait3A_20 : memref<632x128xf32, #tpu.memory_space<vmem_shared>>) dst(%dma_wait3A_18 : memref<632x128xf32, #tpu.memory_space<hbm>>)
      tpu.yield
    }) : () -> ()
    return
  }
}

#map = affine_map<(d0, d1) -> (0, 0)>
#map1 = affine_map<(d0, d1) -> (0, 0, 0)>
module attributes {stable_mosaic.version = 14 : i64} {
  func.func @_sc_agg_body(%arg0: i32, %arg1: i32, %arg2: memref<10000x128xf32, #tpu.memory_space<hbm>>, %arg3: memref<32x80x128xi32, #tpu.memory_space<hbm>>, %arg4: memref<32x80x128xi32, #tpu.memory_space<hbm>>, %arg5: memref<632x128xf32, #tpu.memory_space<hbm>>, %arg6: memref<2x10112x128xf32, #tpu.memory_space<hbm>>, %arg7: memref<80x128xi32, #tpu.memory_space<vmem>>, %arg8: memref<2x128xi32, #tpu.memory_space<vmem>>, %arg9: memref<128x128xf32, #tpu.memory_space<vmem>>, %arg10: memref<128x128xf32, #tpu.memory_space<vmem>>, %arg11: memref<10112x128xf32, #tpu.memory_space<vmem_shared>>, %arg12: memref<!tpu.dma_semaphore, #tpu.memory_space<semaphore_mem>>, %arg13: memref<!tpu.dma_semaphore, #tpu.memory_space<semaphore_mem>>, %arg14: memref<!tpu.dma_semaphore, #tpu.memory_space<semaphore_mem>>, %arg15: memref<!tpu.dma_semaphore, #tpu.memory_space<semaphore_mem>>) attributes {dimension_semantics = [#tpu.dimension_semantics<core_parallel>, #tpu.dimension_semantics<subcore_parallel>], iteration_bounds = array<i64: 2, 16>, scalar_prefetch = 0 : i64, scratch_operands = 9 : i64, tpu.core_type = #tpu.core_type<sc_vector_subcore>, window_params = [{transform_indices = #map}, {transform_indices = #map1}, {transform_indices = #map1}, {transform_indices = #map}, {transform_indices = #map1}]} {
    %mul3A = arith.constant 2 : i32
    %mul3A_0 = arith.muli %arg1, %mul3A : i32
    %add3A = arith.addi %mul3A_0, %arg0 : i32
    "tpu.region"() ({
      %run_scoped3A = tpu.sem_alloc : memref<!tpu.dma_semaphore, #tpu.memory_space<semaphore_mem>>
      %dma_start3A = arith.constant 0 : i32
      %dma_start3A_13 = arith.constant 0 : i32
      %dma_start3A_14 = tpu.memref_slice %arg3[%add3A, %dma_start3A, %dma_start3A_13] : memref<32x80x128xi32, #tpu.memory_space<hbm>> -> memref<1x80x128xi32, #tpu.memory_space<hbm>>
      %dma_start3A_15 = tpu.memref_squeeze %dma_start3A_14 : memref<1x80x128xi32, #tpu.memory_space<hbm>> -> memref<80x128xi32, #tpu.memory_space<hbm>>
      %dma_start3A_16 = arith.constant 0 : i32
      %dma_start3A_17 = arith.constant 0 : i32
      %dma_start3A_18 = tpu.memref_slice %arg3[%add3A, %dma_start3A_16, %dma_start3A_17] : memref<32x80x128xi32, #tpu.memory_space<hbm>> -> memref<1x80x128xi32, #tpu.memory_space<hbm>>
      %dma_start3A_19 = tpu.memref_squeeze %dma_start3A_18 : memref<1x80x128xi32, #tpu.memory_space<hbm>> -> memref<80x128xi32, #tpu.memory_space<hbm>>
      tpu.enqueue_dma source(%dma_start3A_19 : memref<80x128xi32, #tpu.memory_space<hbm>>) target(%arg7 : memref<80x128xi32, #tpu.memory_space<vmem>>) target_semaphore(%run_scoped3A : memref<!tpu.dma_semaphore, #tpu.memory_space<semaphore_mem>>)
      %dma_wait3A = arith.constant 0 : i32
      %dma_wait3A_20 = arith.constant 0 : i32
      %dma_wait3A_21 = tpu.memref_slice %arg3[%add3A, %dma_wait3A, %dma_wait3A_20] : memref<32x80x128xi32, #tpu.memory_space<hbm>> -> memref<1x80x128xi32, #tpu.memory_space<hbm>>
      %dma_wait3A_22 = tpu.memref_squeeze %dma_wait3A_21 : memref<1x80x128xi32, #tpu.memory_space<hbm>> -> memref<80x128xi32, #tpu.memory_space<hbm>>
      %dma_wait3A_23 = arith.constant 0 : i32
      %dma_wait3A_24 = arith.constant 0 : i32
      %dma_wait3A_25 = tpu.memref_slice %arg3[%add3A, %dma_wait3A_23, %dma_wait3A_24] : memref<32x80x128xi32, #tpu.memory_space<hbm>> -> memref<1x80x128xi32, #tpu.memory_space<hbm>>
      %dma_wait3A_26 = tpu.memref_squeeze %dma_wait3A_25 : memref<1x80x128xi32, #tpu.memory_space<hbm>> -> memref<80x128xi32, #tpu.memory_space<hbm>>
      tpu.wait_dma2 semaphore(%run_scoped3A : memref<!tpu.dma_semaphore, #tpu.memory_space<semaphore_mem>>) src(%dma_wait3A_26 : memref<80x128xi32, #tpu.memory_space<hbm>>) dst(%arg7 : memref<80x128xi32, #tpu.memory_space<vmem>>)
      tpu.yield
    }) : () -> ()
    %mul3A_1 = arith.constant 632 : i32
    %mul3A_2 = arith.muli %arg1, %mul3A_1 : i32
    "tpu.region"() ({
      %run_scoped3A = tpu.sem_alloc : memref<!tpu.dma_semaphore, #tpu.memory_space<semaphore_mem>>
      %dma_start3A = arith.constant 0 : i32
      %dma_start3A_13 = tpu.memref_slice %arg11[%mul3A_2, %dma_start3A] : memref<10112x128xf32, #tpu.memory_space<vmem_shared>> -> memref<632x128xf32, #tpu.memory_space<vmem_shared>>
      tpu.enqueue_dma source(%arg5 : memref<632x128xf32, #tpu.memory_space<hbm>>) target(%dma_start3A_13 : memref<632x128xf32, #tpu.memory_space<vmem_shared>>) target_semaphore(%run_scoped3A : memref<!tpu.dma_semaphore, #tpu.memory_space<semaphore_mem>>)
      %dma_wait3A = arith.constant 0 : i32
      %dma_wait3A_14 = tpu.memref_slice %arg11[%mul3A_2, %dma_wait3A] : memref<10112x128xf32, #tpu.memory_space<vmem_shared>> -> memref<632x128xf32, #tpu.memory_space<vmem_shared>>
      tpu.wait_dma2 semaphore(%run_scoped3A : memref<!tpu.dma_semaphore, #tpu.memory_space<semaphore_mem>>) src(%arg5 : memref<632x128xf32, #tpu.memory_space<hbm>>) dst(%dma_wait3A_14 : memref<632x128xf32, #tpu.memory_space<vmem_shared>>)
      tpu.yield
    }) : () -> ()
    %barrier3A = arith.constant 0 : index
    tpu.barrier barrier_id(%barrier3A)
    %scan3A = arith.constant 0 : i32
    %scan3A_3 = arith.constant 0 : i32
    %scan3A_4 = arith.constant 40 : i32
    %scan3A_5 = arith.addi %scan3A_3, %scan3A_4 : i32
    %scan3A_6 = arith.constant 1 : i32
    scf.for %scan3A_13 = %scan3A_3 to %scan3A_5 step %scan3A_6  : i32 {
      %mul3A_14 = arith.constant 2 : i32
      %mul3A_15 = arith.muli %scan3A_13, %mul3A_14 : i32
      %add3A_16 = arith.constant 0 : i32
      %add3A_17 = arith.addi %mul3A_15, %add3A_16 : i32
      %dma_start3A = arith.constant 0 : i32
      %dma_start3A_18 = tpu.memref_slice %arg7[%add3A_17, %dma_start3A] : memref<80x128xi32, #tpu.memory_space<vmem>> -> memref<1x128xi32, #tpu.memory_space<vmem>>
      %dma_start3A_19 = tpu.memref_squeeze %dma_start3A_18 : memref<1x128xi32, #tpu.memory_space<vmem>> -> memref<128xi32, #tpu.memory_space<vmem>>
      %dma_start3A_20 = arith.constant 0 : i32
      %dma_start3A_21 = arith.constant 0 : i32
      %dma_start3A_22 = tpu.memref_slice %arg2[%dma_start3A_20, %dma_start3A_21] : memref<10000x128xf32, #tpu.memory_space<hbm>> -> memref<10000x128xf32, #tpu.memory_space<hbm>>
      tpu.enqueue_indirect_dma source(%dma_start3A_22 : memref<10000x128xf32, #tpu.memory_space<hbm>>) target(%arg9 : memref<128x128xf32, #tpu.memory_space<vmem>>) offsets(%dma_start3A_19 : memref<128xi32, #tpu.memory_space<vmem>>) semaphore(%arg12 : memref<!tpu.dma_semaphore, #tpu.memory_space<semaphore_mem>>)
      %mul3A_23 = arith.constant 2 : i32
      %mul3A_24 = arith.muli %scan3A_13, %mul3A_23 : i32
      %add3A_25 = arith.constant 1 : i32
      %add3A_26 = arith.addi %mul3A_24, %add3A_25 : i32
      %dma_start3A_27 = arith.constant 0 : i32
      %dma_start3A_28 = tpu.memref_slice %arg7[%add3A_26, %dma_start3A_27] : memref<80x128xi32, #tpu.memory_space<vmem>> -> memref<1x128xi32, #tpu.memory_space<vmem>>
      %dma_start3A_29 = tpu.memref_squeeze %dma_start3A_28 : memref<1x128xi32, #tpu.memory_space<vmem>> -> memref<128xi32, #tpu.memory_space<vmem>>
      %dma_start3A_30 = arith.constant 0 : i32
      %dma_start3A_31 = arith.constant 0 : i32
      %dma_start3A_32 = tpu.memref_slice %arg2[%dma_start3A_30, %dma_start3A_31] : memref<10000x128xf32, #tpu.memory_space<hbm>> -> memref<10000x128xf32, #tpu.memory_space<hbm>>
      tpu.enqueue_indirect_dma source(%dma_start3A_32 : memref<10000x128xf32, #tpu.memory_space<hbm>>) target(%arg10 : memref<128x128xf32, #tpu.memory_space<vmem>>) offsets(%dma_start3A_29 : memref<128xi32, #tpu.memory_space<vmem>>) semaphore(%arg13 : memref<!tpu.dma_semaphore, #tpu.memory_space<semaphore_mem>>)
      %mul3A_33 = arith.constant 2 : i32
      %mul3A_34 = arith.muli %scan3A_13, %mul3A_33 : i32
      %add3A_35 = arith.constant 0 : i32
      %add3A_36 = arith.addi %mul3A_34, %add3A_35 : i32
      %run_scoped3A = arith.constant 0 : i32
      "tpu.region"() ({
        %run_scoped3A_81 = tpu.sem_alloc : memref<!tpu.dma_semaphore, #tpu.memory_space<semaphore_mem>>
        %dma_start3A_82 = arith.constant 0 : i32
        %dma_start3A_83 = tpu.memref_slice %arg8[%run_scoped3A, %dma_start3A_82] : memref<2x128xi32, #tpu.memory_space<vmem>> -> memref<1x128xi32, #tpu.memory_space<vmem>>
        %dma_start3A_84 = tpu.memref_squeeze %dma_start3A_83 : memref<1x128xi32, #tpu.memory_space<vmem>> -> memref<128xi32, #tpu.memory_space<vmem>>
        %dma_start3A_85 = arith.constant 0 : i32
        %dma_start3A_86 = tpu.memref_slice %arg4[%add3A, %add3A_36, %dma_start3A_85] : memref<32x80x128xi32, #tpu.memory_space<hbm>> -> memref<1x1x128xi32, #tpu.memory_space<hbm>>
        %dma_start3A_87 = tpu.memref_squeeze %dma_start3A_86 : memref<1x1x128xi32, #tpu.memory_space<hbm>> -> memref<128xi32, #tpu.memory_space<hbm>>
        %dma_start3A_88 = arith.constant 0 : i32
        %dma_start3A_89 = tpu.memref_slice %arg8[%run_scoped3A, %dma_start3A_88] : memref<2x128xi32, #tpu.memory_space<vmem>> -> memref<1x128xi32, #tpu.memory_space<vmem>>
        %dma_start3A_90 = tpu.memref_squeeze %dma_start3A_89 : memref<1x128xi32, #tpu.memory_space<vmem>> -> memref<128xi32, #tpu.memory_space<vmem>>
        %dma_start3A_91 = arith.constant 0 : i32
        %dma_start3A_92 = tpu.memref_slice %arg4[%add3A, %add3A_36, %dma_start3A_91] : memref<32x80x128xi32, #tpu.memory_space<hbm>> -> memref<1x1x128xi32, #tpu.memory_space<hbm>>
        %dma_start3A_93 = tpu.memref_squeeze %dma_start3A_92 : memref<1x1x128xi32, #tpu.memory_space<hbm>> -> memref<128xi32, #tpu.memory_space<hbm>>
        tpu.enqueue_dma source(%dma_start3A_93 : memref<128xi32, #tpu.memory_space<hbm>>) target(%dma_start3A_90 : memref<128xi32, #tpu.memory_space<vmem>>) target_semaphore(%run_scoped3A_81 : memref<!tpu.dma_semaphore, #tpu.memory_space<semaphore_mem>>)
        %dma_wait3A_94 = arith.constant 0 : i32
        %dma_wait3A_95 = tpu.memref_slice %arg8[%run_scoped3A, %dma_wait3A_94] : memref<2x128xi32, #tpu.memory_space<vmem>> -> memref<1x128xi32, #tpu.memory_space<vmem>>
        %dma_wait3A_96 = tpu.memref_squeeze %dma_wait3A_95 : memref<1x128xi32, #tpu.memory_space<vmem>> -> memref<128xi32, #tpu.memory_space<vmem>>
        %dma_wait3A_97 = arith.constant 0 : i32
        %dma_wait3A_98 = tpu.memref_slice %arg4[%add3A, %add3A_36, %dma_wait3A_97] : memref<32x80x128xi32, #tpu.memory_space<hbm>> -> memref<1x1x128xi32, #tpu.memory_space<hbm>>
        %dma_wait3A_99 = tpu.memref_squeeze %dma_wait3A_98 : memref<1x1x128xi32, #tpu.memory_space<hbm>> -> memref<128xi32, #tpu.memory_space<hbm>>
        %dma_wait3A_100 = arith.constant 0 : i32
        %dma_wait3A_101 = tpu.memref_slice %arg8[%run_scoped3A, %dma_wait3A_100] : memref<2x128xi32, #tpu.memory_space<vmem>> -> memref<1x128xi32, #tpu.memory_space<vmem>>
        %dma_wait3A_102 = tpu.memref_squeeze %dma_wait3A_101 : memref<1x128xi32, #tpu.memory_space<vmem>> -> memref<128xi32, #tpu.memory_space<vmem>>
        %dma_wait3A_103 = arith.constant 0 : i32
        %dma_wait3A_104 = tpu.memref_slice %arg4[%add3A, %add3A_36, %dma_wait3A_103] : memref<32x80x128xi32, #tpu.memory_space<hbm>> -> memref<1x1x128xi32, #tpu.memory_space<hbm>>
        %dma_wait3A_105 = tpu.memref_squeeze %dma_wait3A_104 : memref<1x1x128xi32, #tpu.memory_space<hbm>> -> memref<128xi32, #tpu.memory_space<hbm>>
        tpu.wait_dma2 semaphore(%run_scoped3A_81 : memref<!tpu.dma_semaphore, #tpu.memory_space<semaphore_mem>>) src(%dma_wait3A_105 : memref<128xi32, #tpu.memory_space<hbm>>) dst(%dma_wait3A_102 : memref<128xi32, #tpu.memory_space<vmem>>)
        tpu.yield
      }) : () -> ()
      %mul3A_37 = arith.constant 2 : i32
      %mul3A_38 = arith.muli %scan3A_13, %mul3A_37 : i32
      %add3A_39 = arith.constant 1 : i32
      %add3A_40 = arith.addi %mul3A_38, %add3A_39 : i32
      %run_scoped3A_41 = arith.constant 1 : i32
      "tpu.region"() ({
        %run_scoped3A_81 = tpu.sem_alloc : memref<!tpu.dma_semaphore, #tpu.memory_space<semaphore_mem>>
        %dma_start3A_82 = arith.constant 0 : i32
        %dma_start3A_83 = tpu.memref_slice %arg8[%run_scoped3A_41, %dma_start3A_82] : memref<2x128xi32, #tpu.memory_space<vmem>> -> memref<1x128xi32, #tpu.memory_space<vmem>>
        %dma_start3A_84 = tpu.memref_squeeze %dma_start3A_83 : memref<1x128xi32, #tpu.memory_space<vmem>> -> memref<128xi32, #tpu.memory_space<vmem>>
        %dma_start3A_85 = arith.constant 0 : i32
        %dma_start3A_86 = tpu.memref_slice %arg4[%add3A, %add3A_40, %dma_start3A_85] : memref<32x80x128xi32, #tpu.memory_space<hbm>> -> memref<1x1x128xi32, #tpu.memory_space<hbm>>
        %dma_start3A_87 = tpu.memref_squeeze %dma_start3A_86 : memref<1x1x128xi32, #tpu.memory_space<hbm>> -> memref<128xi32, #tpu.memory_space<hbm>>
        %dma_start3A_88 = arith.constant 0 : i32
        %dma_start3A_89 = tpu.memref_slice %arg8[%run_scoped3A_41, %dma_start3A_88] : memref<2x128xi32, #tpu.memory_space<vmem>> -> memref<1x128xi32, #tpu.memory_space<vmem>>
        %dma_start3A_90 = tpu.memref_squeeze %dma_start3A_89 : memref<1x128xi32, #tpu.memory_space<vmem>> -> memref<128xi32, #tpu.memory_space<vmem>>
        %dma_start3A_91 = arith.constant 0 : i32
        %dma_start3A_92 = tpu.memref_slice %arg4[%add3A, %add3A_40, %dma_start3A_91] : memref<32x80x128xi32, #tpu.memory_space<hbm>> -> memref<1x1x128xi32, #tpu.memory_space<hbm>>
        %dma_start3A_93 = tpu.memref_squeeze %dma_start3A_92 : memref<1x1x128xi32, #tpu.memory_space<hbm>> -> memref<128xi32, #tpu.memory_space<hbm>>
        tpu.enqueue_dma source(%dma_start3A_93 : memref<128xi32, #tpu.memory_space<hbm>>) target(%dma_start3A_90 : memref<128xi32, #tpu.memory_space<vmem>>) target_semaphore(%run_scoped3A_81 : memref<!tpu.dma_semaphore, #tpu.memory_space<semaphore_mem>>)
        %dma_wait3A_94 = arith.constant 0 : i32
        %dma_wait3A_95 = tpu.memref_slice %arg8[%run_scoped3A_41, %dma_wait3A_94] : memref<2x128xi32, #tpu.memory_space<vmem>> -> memref<1x128xi32, #tpu.memory_space<vmem>>
        %dma_wait3A_96 = tpu.memref_squeeze %dma_wait3A_95 : memref<1x128xi32, #tpu.memory_space<vmem>> -> memref<128xi32, #tpu.memory_space<vmem>>
        %dma_wait3A_97 = arith.constant 0 : i32
        %dma_wait3A_98 = tpu.memref_slice %arg4[%add3A, %add3A_40, %dma_wait3A_97] : memref<32x80x128xi32, #tpu.memory_space<hbm>> -> memref<1x1x128xi32, #tpu.memory_space<hbm>>
        %dma_wait3A_99 = tpu.memref_squeeze %dma_wait3A_98 : memref<1x1x128xi32, #tpu.memory_space<hbm>> -> memref<128xi32, #tpu.memory_space<hbm>>
        %dma_wait3A_100 = arith.constant 0 : i32
        %dma_wait3A_101 = tpu.memref_slice %arg8[%run_scoped3A_41, %dma_wait3A_100] : memref<2x128xi32, #tpu.memory_space<vmem>> -> memref<1x128xi32, #tpu.memory_space<vmem>>
        %dma_wait3A_102 = tpu.memref_squeeze %dma_wait3A_101 : memref<1x128xi32, #tpu.memory_space<vmem>> -> memref<128xi32, #tpu.memory_space<vmem>>
        %dma_wait3A_103 = arith.constant 0 : i32
        %dma_wait3A_104 = tpu.memref_slice %arg4[%add3A, %add3A_40, %dma_wait3A_103] : memref<32x80x128xi32, #tpu.memory_space<hbm>> -> memref<1x1x128xi32, #tpu.memory_space<hbm>>
        %dma_wait3A_105 = tpu.memref_squeeze %dma_wait3A_104 : memref<1x1x128xi32, #tpu.memory_space<hbm>> -> memref<128xi32, #tpu.memory_space<hbm>>
        tpu.wait_dma2 semaphore(%run_scoped3A_81 : memref<!tpu.dma_semaphore, #tpu.memory_space<semaphore_mem>>) src(%dma_wait3A_105 : memref<128xi32, #tpu.memory_space<hbm>>) dst(%dma_wait3A_102 : memref<128xi32, #tpu.memory_space<vmem>>)
        tpu.yield
      }) : () -> ()
      %dma_wait3A = arith.constant 0 : i32
      %dma_wait3A_42 = tpu.memref_slice %arg7[%add3A_17, %dma_wait3A] : memref<80x128xi32, #tpu.memory_space<vmem>> -> memref<1x128xi32, #tpu.memory_space<vmem>>
      %dma_wait3A_43 = tpu.memref_squeeze %dma_wait3A_42 : memref<1x128xi32, #tpu.memory_space<vmem>> -> memref<128xi32, #tpu.memory_space<vmem>>
      %dma_wait3A_44 = arith.constant 0 : i32
      %dma_wait3A_45 = arith.constant 0 : i32
      %dma_wait3A_46 = tpu.memref_slice %arg2[%dma_wait3A_44, %dma_wait3A_45] : memref<10000x128xf32, #tpu.memory_space<hbm>> -> memref<10000x128xf32, #tpu.memory_space<hbm>>
      tpu.wait_indirect_dma semaphore(%arg12 : memref<!tpu.dma_semaphore, #tpu.memory_space<semaphore_mem>>) src(%dma_wait3A_46 : memref<10000x128xf32, #tpu.memory_space<hbm>>) dst(%arg9 : memref<128x128xf32, #tpu.memory_space<vmem>>)
      %dma_start3A_47 = arith.constant 0 : i32
      %dma_start3A_48 = arith.constant 0 : i32
      %dma_start3A_49 = tpu.memref_slice %arg8[%dma_start3A_47, %dma_start3A_48] : memref<2x128xi32, #tpu.memory_space<vmem>> -> memref<1x128xi32, #tpu.memory_space<vmem>>
      %dma_start3A_50 = tpu.memref_squeeze %dma_start3A_49 : memref<1x128xi32, #tpu.memory_space<vmem>> -> memref<128xi32, #tpu.memory_space<vmem>>
      %dma_start3A_51 = arith.constant 0 : i32
      %dma_start3A_52 = arith.constant 0 : i32
      %dma_start3A_53 = tpu.memref_slice %arg11[%dma_start3A_51, %dma_start3A_52] : memref<10112x128xf32, #tpu.memory_space<vmem_shared>> -> memref<10112x128xf32, #tpu.memory_space<vmem_shared>>
      tpu.enqueue_indirect_dma source(%arg9 : memref<128x128xf32, #tpu.memory_space<vmem>>) target(%dma_start3A_53 : memref<10112x128xf32, #tpu.memory_space<vmem_shared>>) offsets(%dma_start3A_50 : memref<128xi32, #tpu.memory_space<vmem>>) semaphore(%arg14 : memref<!tpu.dma_semaphore, #tpu.memory_space<semaphore_mem>>) {add = true}
      %dma_wait3A_54 = arith.constant 0 : i32
      %dma_wait3A_55 = tpu.memref_slice %arg7[%add3A_26, %dma_wait3A_54] : memref<80x128xi32, #tpu.memory_space<vmem>> -> memref<1x128xi32, #tpu.memory_space<vmem>>
      %dma_wait3A_56 = tpu.memref_squeeze %dma_wait3A_55 : memref<1x128xi32, #tpu.memory_space<vmem>> -> memref<128xi32, #tpu.memory_space<vmem>>
      %dma_wait3A_57 = arith.constant 0 : i32
      %dma_wait3A_58 = arith.constant 0 : i32
      %dma_wait3A_59 = tpu.memref_slice %arg2[%dma_wait3A_57, %dma_wait3A_58] : memref<10000x128xf32, #tpu.memory_space<hbm>> -> memref<10000x128xf32, #tpu.memory_space<hbm>>
      tpu.wait_indirect_dma semaphore(%arg13 : memref<!tpu.dma_semaphore, #tpu.memory_space<semaphore_mem>>) src(%dma_wait3A_59 : memref<10000x128xf32, #tpu.memory_space<hbm>>) dst(%arg10 : memref<128x128xf32, #tpu.memory_space<vmem>>)
      %dma_start3A_60 = arith.constant 1 : i32
      %dma_start3A_61 = arith.constant 0 : i32
      %dma_start3A_62 = tpu.memref_slice %arg8[%dma_start3A_60, %dma_start3A_61] : memref<2x128xi32, #tpu.memory_space<vmem>> -> memref<1x128xi32, #tpu.memory_space<vmem>>
      %dma_start3A_63 = tpu.memref_squeeze %dma_start3A_62 : memref<1x128xi32, #tpu.memory_space<vmem>> -> memref<128xi32, #tpu.memory_space<vmem>>
      %dma_start3A_64 = arith.constant 0 : i32
      %dma_start3A_65 = arith.constant 0 : i32
      %dma_start3A_66 = tpu.memref_slice %arg11[%dma_start3A_64, %dma_start3A_65] : memref<10112x128xf32, #tpu.memory_space<vmem_shared>> -> memref<10112x128xf32, #tpu.memory_space<vmem_shared>>
      tpu.enqueue_indirect_dma source(%arg10 : memref<128x128xf32, #tpu.memory_space<vmem>>) target(%dma_start3A_66 : memref<10112x128xf32, #tpu.memory_space<vmem_shared>>) offsets(%dma_start3A_63 : memref<128xi32, #tpu.memory_space<vmem>>) semaphore(%arg15 : memref<!tpu.dma_semaphore, #tpu.memory_space<semaphore_mem>>) {add = true}
      %dma_wait3A_67 = arith.constant 0 : i32
      %dma_wait3A_68 = arith.constant 0 : i32
      %dma_wait3A_69 = tpu.memref_slice %arg8[%dma_wait3A_67, %dma_wait3A_68] : memref<2x128xi32, #tpu.memory_space<vmem>> -> memref<1x128xi32, #tpu.memory_space<vmem>>
      %dma_wait3A_70 = tpu.memref_squeeze %dma_wait3A_69 : memref<1x128xi32, #tpu.memory_space<vmem>> -> memref<128xi32, #tpu.memory_space<vmem>>
      %dma_wait3A_71 = arith.constant 0 : i32
      %dma_wait3A_72 = arith.constant 0 : i32
      %dma_wait3A_73 = tpu.memref_slice %arg11[%dma_wait3A_71, %dma_wait3A_72] : memref<10112x128xf32, #tpu.memory_space<vmem_shared>> -> memref<10112x128xf32, #tpu.memory_space<vmem_shared>>
      tpu.wait_indirect_dma semaphore(%arg14 : memref<!tpu.dma_semaphore, #tpu.memory_space<semaphore_mem>>) src(%arg9 : memref<128x128xf32, #tpu.memory_space<vmem>>) dst(%dma_wait3A_73 : memref<10112x128xf32, #tpu.memory_space<vmem_shared>>)
      %dma_wait3A_74 = arith.constant 1 : i32
      %dma_wait3A_75 = arith.constant 0 : i32
      %dma_wait3A_76 = tpu.memref_slice %arg8[%dma_wait3A_74, %dma_wait3A_75] : memref<2x128xi32, #tpu.memory_space<vmem>> -> memref<1x128xi32, #tpu.memory_space<vmem>>
      %dma_wait3A_77 = tpu.memref_squeeze %dma_wait3A_76 : memref<1x128xi32, #tpu.memory_space<vmem>> -> memref<128xi32, #tpu.memory_space<vmem>>
      %dma_wait3A_78 = arith.constant 0 : i32
      %dma_wait3A_79 = arith.constant 0 : i32
      %dma_wait3A_80 = tpu.memref_slice %arg11[%dma_wait3A_78, %dma_wait3A_79] : memref<10112x128xf32, #tpu.memory_space<vmem_shared>> -> memref<10112x128xf32, #tpu.memory_space<vmem_shared>>
      tpu.wait_indirect_dma semaphore(%arg15 : memref<!tpu.dma_semaphore, #tpu.memory_space<semaphore_mem>>) src(%arg10 : memref<128x128xf32, #tpu.memory_space<vmem>>) dst(%dma_wait3A_80 : memref<10112x128xf32, #tpu.memory_space<vmem_shared>>)
    }
    %scan3A_7 = arith.constant 40 : i32
    %barrier3A_8 = arith.constant 0 : index
    tpu.barrier barrier_id(%barrier3A_8)
    %mul3A_9 = arith.constant 632 : i32
    %mul3A_10 = arith.muli %arg1, %mul3A_9 : i32
    %mul3A_11 = arith.constant 632 : i32
    %mul3A_12 = arith.muli %arg1, %mul3A_11 : i32
    "tpu.region"() ({
      %run_scoped3A = tpu.sem_alloc : memref<!tpu.dma_semaphore, #tpu.memory_space<semaphore_mem>>
      %dma_start3A = arith.constant 0 : i32
      %dma_start3A_13 = tpu.memref_slice %arg6[%arg0, %mul3A_12, %dma_start3A] : memref<2x10112x128xf32, #tpu.memory_space<hbm>> -> memref<1x632x128xf32, #tpu.memory_space<hbm>>
      %dma_start3A_14 = tpu.memref_squeeze %dma_start3A_13 : memref<1x632x128xf32, #tpu.memory_space<hbm>> -> memref<632x128xf32, #tpu.memory_space<hbm>>
      %dma_start3A_15 = arith.constant 0 : i32
      %dma_start3A_16 = tpu.memref_slice %arg11[%mul3A_10, %dma_start3A_15] : memref<10112x128xf32, #tpu.memory_space<vmem_shared>> -> memref<632x128xf32, #tpu.memory_space<vmem_shared>>
      tpu.enqueue_dma source(%dma_start3A_16 : memref<632x128xf32, #tpu.memory_space<vmem_shared>>) target(%dma_start3A_14 : memref<632x128xf32, #tpu.memory_space<hbm>>) target_semaphore(%run_scoped3A : memref<!tpu.dma_semaphore, #tpu.memory_space<semaphore_mem>>)
      %dma_wait3A = arith.constant 0 : i32
      %dma_wait3A_17 = tpu.memref_slice %arg6[%arg0, %mul3A_12, %dma_wait3A] : memref<2x10112x128xf32, #tpu.memory_space<hbm>> -> memref<1x632x128xf32, #tpu.memory_space<hbm>>
      %dma_wait3A_18 = tpu.memref_squeeze %dma_wait3A_17 : memref<1x632x128xf32, #tpu.memory_space<hbm>> -> memref<632x128xf32, #tpu.memory_space<hbm>>
      %dma_wait3A_19 = arith.constant 0 : i32
      %dma_wait3A_20 = tpu.memref_slice %arg11[%mul3A_10, %dma_wait3A_19] : memref<10112x128xf32, #tpu.memory_space<vmem_shared>> -> memref<632x128xf32, #tpu.memory_space<vmem_shared>>
      tpu.wait_dma2 semaphore(%run_scoped3A : memref<!tpu.dma_semaphore, #tpu.memory_space<semaphore_mem>>) src(%dma_wait3A_20 : memref<632x128xf32, #tpu.memory_space<vmem_shared>>) dst(%dma_wait3A_18 : memref<632x128xf32, #tpu.memory_space<hbm>>)
      tpu.yield
    }) : () -> ()
    return
  }
}

#map = affine_map<(d0, d1) -> (0, 0)>
#map1 = affine_map<(d0, d1) -> (0, 0, 0)>
module attributes {stable_mosaic.version = 14 : i64} {
  func.func @_sc_agg_body(%arg0: i32, %arg1: i32, %arg2: memref<10000x128xf32, #tpu.memory_space<hbm>>, %arg3: memref<32x80x128xi32, #tpu.memory_space<hbm>>, %arg4: memref<32x80x128xi32, #tpu.memory_space<hbm>>, %arg5: memref<632x128xf32, #tpu.memory_space<hbm>>, %arg6: memref<2x10112x128xf32, #tpu.memory_space<hbm>>, %arg7: memref<80x128xi32, #tpu.memory_space<vmem>>, %arg8: memref<2x128xi32, #tpu.memory_space<vmem>>, %arg9: memref<128x128xf32, #tpu.memory_space<vmem>>, %arg10: memref<128x128xf32, #tpu.memory_space<vmem>>, %arg11: memref<10112x128xf32, #tpu.memory_space<vmem_shared>>, %arg12: memref<!tpu.dma_semaphore, #tpu.memory_space<semaphore_mem>>, %arg13: memref<!tpu.dma_semaphore, #tpu.memory_space<semaphore_mem>>, %arg14: memref<!tpu.dma_semaphore, #tpu.memory_space<semaphore_mem>>, %arg15: memref<!tpu.dma_semaphore, #tpu.memory_space<semaphore_mem>>) attributes {dimension_semantics = [#tpu.dimension_semantics<core_parallel>, #tpu.dimension_semantics<subcore_parallel>], iteration_bounds = array<i64: 2, 16>, scalar_prefetch = 0 : i64, scratch_operands = 9 : i64, tpu.core_type = #tpu.core_type<sc_vector_subcore>, window_params = [{transform_indices = #map}, {transform_indices = #map1}, {transform_indices = #map1}, {transform_indices = #map}, {transform_indices = #map1}]} {
    %mul3A = arith.constant 2 : i32
    %mul3A_0 = arith.muli %arg1, %mul3A : i32
    %add3A = arith.addi %mul3A_0, %arg0 : i32
    "tpu.region"() ({
      %run_scoped3A = tpu.sem_alloc : memref<!tpu.dma_semaphore, #tpu.memory_space<semaphore_mem>>
      %dma_start3A = arith.constant 0 : i32
      %dma_start3A_13 = arith.constant 0 : i32
      %dma_start3A_14 = tpu.memref_slice %arg3[%add3A, %dma_start3A, %dma_start3A_13] : memref<32x80x128xi32, #tpu.memory_space<hbm>> -> memref<1x80x128xi32, #tpu.memory_space<hbm>>
      %dma_start3A_15 = tpu.memref_squeeze %dma_start3A_14 : memref<1x80x128xi32, #tpu.memory_space<hbm>> -> memref<80x128xi32, #tpu.memory_space<hbm>>
      %dma_start3A_16 = arith.constant 0 : i32
      %dma_start3A_17 = arith.constant 0 : i32
      %dma_start3A_18 = tpu.memref_slice %arg3[%add3A, %dma_start3A_16, %dma_start3A_17] : memref<32x80x128xi32, #tpu.memory_space<hbm>> -> memref<1x80x128xi32, #tpu.memory_space<hbm>>
      %dma_start3A_19 = tpu.memref_squeeze %dma_start3A_18 : memref<1x80x128xi32, #tpu.memory_space<hbm>> -> memref<80x128xi32, #tpu.memory_space<hbm>>
      tpu.enqueue_dma source(%dma_start3A_19 : memref<80x128xi32, #tpu.memory_space<hbm>>) target(%arg7 : memref<80x128xi32, #tpu.memory_space<vmem>>) target_semaphore(%run_scoped3A : memref<!tpu.dma_semaphore, #tpu.memory_space<semaphore_mem>>)
      %dma_wait3A = arith.constant 0 : i32
      %dma_wait3A_20 = arith.constant 0 : i32
      %dma_wait3A_21 = tpu.memref_slice %arg3[%add3A, %dma_wait3A, %dma_wait3A_20] : memref<32x80x128xi32, #tpu.memory_space<hbm>> -> memref<1x80x128xi32, #tpu.memory_space<hbm>>
      %dma_wait3A_22 = tpu.memref_squeeze %dma_wait3A_21 : memref<1x80x128xi32, #tpu.memory_space<hbm>> -> memref<80x128xi32, #tpu.memory_space<hbm>>
      %dma_wait3A_23 = arith.constant 0 : i32
      %dma_wait3A_24 = arith.constant 0 : i32
      %dma_wait3A_25 = tpu.memref_slice %arg3[%add3A, %dma_wait3A_23, %dma_wait3A_24] : memref<32x80x128xi32, #tpu.memory_space<hbm>> -> memref<1x80x128xi32, #tpu.memory_space<hbm>>
      %dma_wait3A_26 = tpu.memref_squeeze %dma_wait3A_25 : memref<1x80x128xi32, #tpu.memory_space<hbm>> -> memref<80x128xi32, #tpu.memory_space<hbm>>
      tpu.wait_dma2 semaphore(%run_scoped3A : memref<!tpu.dma_semaphore, #tpu.memory_space<semaphore_mem>>) src(%dma_wait3A_26 : memref<80x128xi32, #tpu.memory_space<hbm>>) dst(%arg7 : memref<80x128xi32, #tpu.memory_space<vmem>>)
      tpu.yield
    }) : () -> ()
    %mul3A_1 = arith.constant 632 : i32
    %mul3A_2 = arith.muli %arg1, %mul3A_1 : i32
    "tpu.region"() ({
      %run_scoped3A = tpu.sem_alloc : memref<!tpu.dma_semaphore, #tpu.memory_space<semaphore_mem>>
      %dma_start3A = arith.constant 0 : i32
      %dma_start3A_13 = tpu.memref_slice %arg11[%mul3A_2, %dma_start3A] : memref<10112x128xf32, #tpu.memory_space<vmem_shared>> -> memref<632x128xf32, #tpu.memory_space<vmem_shared>>
      tpu.enqueue_dma source(%arg5 : memref<632x128xf32, #tpu.memory_space<hbm>>) target(%dma_start3A_13 : memref<632x128xf32, #tpu.memory_space<vmem_shared>>) target_semaphore(%run_scoped3A : memref<!tpu.dma_semaphore, #tpu.memory_space<semaphore_mem>>)
      %dma_wait3A = arith.constant 0 : i32
      %dma_wait3A_14 = tpu.memref_slice %arg11[%mul3A_2, %dma_wait3A] : memref<10112x128xf32, #tpu.memory_space<vmem_shared>> -> memref<632x128xf32, #tpu.memory_space<vmem_shared>>
      tpu.wait_dma2 semaphore(%run_scoped3A : memref<!tpu.dma_semaphore, #tpu.memory_space<semaphore_mem>>) src(%arg5 : memref<632x128xf32, #tpu.memory_space<hbm>>) dst(%dma_wait3A_14 : memref<632x128xf32, #tpu.memory_space<vmem_shared>>)
      tpu.yield
    }) : () -> ()
    %barrier3A = arith.constant 0 : index
    tpu.barrier barrier_id(%barrier3A)
    %scan3A = arith.constant 0 : i32
    %scan3A_3 = arith.constant 0 : i32
    %scan3A_4 = arith.constant 40 : i32
    %scan3A_5 = arith.addi %scan3A_3, %scan3A_4 : i32
    %scan3A_6 = arith.constant 1 : i32
    scf.for %scan3A_13 = %scan3A_3 to %scan3A_5 step %scan3A_6  : i32 {
      %mul3A_14 = arith.constant 2 : i32
      %mul3A_15 = arith.muli %scan3A_13, %mul3A_14 : i32
      %add3A_16 = arith.constant 0 : i32
      %add3A_17 = arith.addi %mul3A_15, %add3A_16 : i32
      %dma_start3A = arith.constant 0 : i32
      %dma_start3A_18 = tpu.memref_slice %arg7[%add3A_17, %dma_start3A] : memref<80x128xi32, #tpu.memory_space<vmem>> -> memref<1x128xi32, #tpu.memory_space<vmem>>
      %dma_start3A_19 = tpu.memref_squeeze %dma_start3A_18 : memref<1x128xi32, #tpu.memory_space<vmem>> -> memref<128xi32, #tpu.memory_space<vmem>>
      %dma_start3A_20 = arith.constant 0 : i32
      %dma_start3A_21 = arith.constant 0 : i32
      %dma_start3A_22 = tpu.memref_slice %arg2[%dma_start3A_20, %dma_start3A_21] : memref<10000x128xf32, #tpu.memory_space<hbm>> -> memref<10000x128xf32, #tpu.memory_space<hbm>>
      tpu.enqueue_indirect_dma source(%dma_start3A_22 : memref<10000x128xf32, #tpu.memory_space<hbm>>) target(%arg9 : memref<128x128xf32, #tpu.memory_space<vmem>>) offsets(%dma_start3A_19 : memref<128xi32, #tpu.memory_space<vmem>>) semaphore(%arg12 : memref<!tpu.dma_semaphore, #tpu.memory_space<semaphore_mem>>)
      %mul3A_23 = arith.constant 2 : i32
      %mul3A_24 = arith.muli %scan3A_13, %mul3A_23 : i32
      %add3A_25 = arith.constant 1 : i32
      %add3A_26 = arith.addi %mul3A_24, %add3A_25 : i32
      %dma_start3A_27 = arith.constant 0 : i32
      %dma_start3A_28 = tpu.memref_slice %arg7[%add3A_26, %dma_start3A_27] : memref<80x128xi32, #tpu.memory_space<vmem>> -> memref<1x128xi32, #tpu.memory_space<vmem>>
      %dma_start3A_29 = tpu.memref_squeeze %dma_start3A_28 : memref<1x128xi32, #tpu.memory_space<vmem>> -> memref<128xi32, #tpu.memory_space<vmem>>
      %dma_start3A_30 = arith.constant 0 : i32
      %dma_start3A_31 = arith.constant 0 : i32
      %dma_start3A_32 = tpu.memref_slice %arg2[%dma_start3A_30, %dma_start3A_31] : memref<10000x128xf32, #tpu.memory_space<hbm>> -> memref<10000x128xf32, #tpu.memory_space<hbm>>
      tpu.enqueue_indirect_dma source(%dma_start3A_32 : memref<10000x128xf32, #tpu.memory_space<hbm>>) target(%arg10 : memref<128x128xf32, #tpu.memory_space<vmem>>) offsets(%dma_start3A_29 : memref<128xi32, #tpu.memory_space<vmem>>) semaphore(%arg13 : memref<!tpu.dma_semaphore, #tpu.memory_space<semaphore_mem>>)
      %mul3A_33 = arith.constant 2 : i32
      %mul3A_34 = arith.muli %scan3A_13, %mul3A_33 : i32
      %add3A_35 = arith.constant 0 : i32
      %add3A_36 = arith.addi %mul3A_34, %add3A_35 : i32
      %run_scoped3A = arith.constant 0 : i32
      "tpu.region"() ({
        %run_scoped3A_81 = tpu.sem_alloc : memref<!tpu.dma_semaphore, #tpu.memory_space<semaphore_mem>>
        %dma_start3A_82 = arith.constant 0 : i32
        %dma_start3A_83 = tpu.memref_slice %arg8[%run_scoped3A, %dma_start3A_82] : memref<2x128xi32, #tpu.memory_space<vmem>> -> memref<1x128xi32, #tpu.memory_space<vmem>>
        %dma_start3A_84 = tpu.memref_squeeze %dma_start3A_83 : memref<1x128xi32, #tpu.memory_space<vmem>> -> memref<128xi32, #tpu.memory_space<vmem>>
        %dma_start3A_85 = arith.constant 0 : i32
        %dma_start3A_86 = tpu.memref_slice %arg4[%add3A, %add3A_36, %dma_start3A_85] : memref<32x80x128xi32, #tpu.memory_space<hbm>> -> memref<1x1x128xi32, #tpu.memory_space<hbm>>
        %dma_start3A_87 = tpu.memref_squeeze %dma_start3A_86 : memref<1x1x128xi32, #tpu.memory_space<hbm>> -> memref<128xi32, #tpu.memory_space<hbm>>
        %dma_start3A_88 = arith.constant 0 : i32
        %dma_start3A_89 = tpu.memref_slice %arg8[%run_scoped3A, %dma_start3A_88] : memref<2x128xi32, #tpu.memory_space<vmem>> -> memref<1x128xi32, #tpu.memory_space<vmem>>
        %dma_start3A_90 = tpu.memref_squeeze %dma_start3A_89 : memref<1x128xi32, #tpu.memory_space<vmem>> -> memref<128xi32, #tpu.memory_space<vmem>>
        %dma_start3A_91 = arith.constant 0 : i32
        %dma_start3A_92 = tpu.memref_slice %arg4[%add3A, %add3A_36, %dma_start3A_91] : memref<32x80x128xi32, #tpu.memory_space<hbm>> -> memref<1x1x128xi32, #tpu.memory_space<hbm>>
        %dma_start3A_93 = tpu.memref_squeeze %dma_start3A_92 : memref<1x1x128xi32, #tpu.memory_space<hbm>> -> memref<128xi32, #tpu.memory_space<hbm>>
        tpu.enqueue_dma source(%dma_start3A_93 : memref<128xi32, #tpu.memory_space<hbm>>) target(%dma_start3A_90 : memref<128xi32, #tpu.memory_space<vmem>>) target_semaphore(%run_scoped3A_81 : memref<!tpu.dma_semaphore, #tpu.memory_space<semaphore_mem>>)
        %dma_wait3A_94 = arith.constant 0 : i32
        %dma_wait3A_95 = tpu.memref_slice %arg8[%run_scoped3A, %dma_wait3A_94] : memref<2x128xi32, #tpu.memory_space<vmem>> -> memref<1x128xi32, #tpu.memory_space<vmem>>
        %dma_wait3A_96 = tpu.memref_squeeze %dma_wait3A_95 : memref<1x128xi32, #tpu.memory_space<vmem>> -> memref<128xi32, #tpu.memory_space<vmem>>
        %dma_wait3A_97 = arith.constant 0 : i32
        %dma_wait3A_98 = tpu.memref_slice %arg4[%add3A, %add3A_36, %dma_wait3A_97] : memref<32x80x128xi32, #tpu.memory_space<hbm>> -> memref<1x1x128xi32, #tpu.memory_space<hbm>>
        %dma_wait3A_99 = tpu.memref_squeeze %dma_wait3A_98 : memref<1x1x128xi32, #tpu.memory_space<hbm>> -> memref<128xi32, #tpu.memory_space<hbm>>
        %dma_wait3A_100 = arith.constant 0 : i32
        %dma_wait3A_101 = tpu.memref_slice %arg8[%run_scoped3A, %dma_wait3A_100] : memref<2x128xi32, #tpu.memory_space<vmem>> -> memref<1x128xi32, #tpu.memory_space<vmem>>
        %dma_wait3A_102 = tpu.memref_squeeze %dma_wait3A_101 : memref<1x128xi32, #tpu.memory_space<vmem>> -> memref<128xi32, #tpu.memory_space<vmem>>
        %dma_wait3A_103 = arith.constant 0 : i32
        %dma_wait3A_104 = tpu.memref_slice %arg4[%add3A, %add3A_36, %dma_wait3A_103] : memref<32x80x128xi32, #tpu.memory_space<hbm>> -> memref<1x1x128xi32, #tpu.memory_space<hbm>>
        %dma_wait3A_105 = tpu.memref_squeeze %dma_wait3A_104 : memref<1x1x128xi32, #tpu.memory_space<hbm>> -> memref<128xi32, #tpu.memory_space<hbm>>
        tpu.wait_dma2 semaphore(%run_scoped3A_81 : memref<!tpu.dma_semaphore, #tpu.memory_space<semaphore_mem>>) src(%dma_wait3A_105 : memref<128xi32, #tpu.memory_space<hbm>>) dst(%dma_wait3A_102 : memref<128xi32, #tpu.memory_space<vmem>>)
        tpu.yield
      }) : () -> ()
      %mul3A_37 = arith.constant 2 : i32
      %mul3A_38 = arith.muli %scan3A_13, %mul3A_37 : i32
      %add3A_39 = arith.constant 1 : i32
      %add3A_40 = arith.addi %mul3A_38, %add3A_39 : i32
      %run_scoped3A_41 = arith.constant 1 : i32
      "tpu.region"() ({
        %run_scoped3A_81 = tpu.sem_alloc : memref<!tpu.dma_semaphore, #tpu.memory_space<semaphore_mem>>
        %dma_start3A_82 = arith.constant 0 : i32
        %dma_start3A_83 = tpu.memref_slice %arg8[%run_scoped3A_41, %dma_start3A_82] : memref<2x128xi32, #tpu.memory_space<vmem>> -> memref<1x128xi32, #tpu.memory_space<vmem>>
        %dma_start3A_84 = tpu.memref_squeeze %dma_start3A_83 : memref<1x128xi32, #tpu.memory_space<vmem>> -> memref<128xi32, #tpu.memory_space<vmem>>
        %dma_start3A_85 = arith.constant 0 : i32
        %dma_start3A_86 = tpu.memref_slice %arg4[%add3A, %add3A_40, %dma_start3A_85] : memref<32x80x128xi32, #tpu.memory_space<hbm>> -> memref<1x1x128xi32, #tpu.memory_space<hbm>>
        %dma_start3A_87 = tpu.memref_squeeze %dma_start3A_86 : memref<1x1x128xi32, #tpu.memory_space<hbm>> -> memref<128xi32, #tpu.memory_space<hbm>>
        %dma_start3A_88 = arith.constant 0 : i32
        %dma_start3A_89 = tpu.memref_slice %arg8[%run_scoped3A_41, %dma_start3A_88] : memref<2x128xi32, #tpu.memory_space<vmem>> -> memref<1x128xi32, #tpu.memory_space<vmem>>
        %dma_start3A_90 = tpu.memref_squeeze %dma_start3A_89 : memref<1x128xi32, #tpu.memory_space<vmem>> -> memref<128xi32, #tpu.memory_space<vmem>>
        %dma_start3A_91 = arith.constant 0 : i32
        %dma_start3A_92 = tpu.memref_slice %arg4[%add3A, %add3A_40, %dma_start3A_91] : memref<32x80x128xi32, #tpu.memory_space<hbm>> -> memref<1x1x128xi32, #tpu.memory_space<hbm>>
        %dma_start3A_93 = tpu.memref_squeeze %dma_start3A_92 : memref<1x1x128xi32, #tpu.memory_space<hbm>> -> memref<128xi32, #tpu.memory_space<hbm>>
        tpu.enqueue_dma source(%dma_start3A_93 : memref<128xi32, #tpu.memory_space<hbm>>) target(%dma_start3A_90 : memref<128xi32, #tpu.memory_space<vmem>>) target_semaphore(%run_scoped3A_81 : memref<!tpu.dma_semaphore, #tpu.memory_space<semaphore_mem>>)
        %dma_wait3A_94 = arith.constant 0 : i32
        %dma_wait3A_95 = tpu.memref_slice %arg8[%run_scoped3A_41, %dma_wait3A_94] : memref<2x128xi32, #tpu.memory_space<vmem>> -> memref<1x128xi32, #tpu.memory_space<vmem>>
        %dma_wait3A_96 = tpu.memref_squeeze %dma_wait3A_95 : memref<1x128xi32, #tpu.memory_space<vmem>> -> memref<128xi32, #tpu.memory_space<vmem>>
        %dma_wait3A_97 = arith.constant 0 : i32
        %dma_wait3A_98 = tpu.memref_slice %arg4[%add3A, %add3A_40, %dma_wait3A_97] : memref<32x80x128xi32, #tpu.memory_space<hbm>> -> memref<1x1x128xi32, #tpu.memory_space<hbm>>
        %dma_wait3A_99 = tpu.memref_squeeze %dma_wait3A_98 : memref<1x1x128xi32, #tpu.memory_space<hbm>> -> memref<128xi32, #tpu.memory_space<hbm>>
        %dma_wait3A_100 = arith.constant 0 : i32
        %dma_wait3A_101 = tpu.memref_slice %arg8[%run_scoped3A_41, %dma_wait3A_100] : memref<2x128xi32, #tpu.memory_space<vmem>> -> memref<1x128xi32, #tpu.memory_space<vmem>>
        %dma_wait3A_102 = tpu.memref_squeeze %dma_wait3A_101 : memref<1x128xi32, #tpu.memory_space<vmem>> -> memref<128xi32, #tpu.memory_space<vmem>>
        %dma_wait3A_103 = arith.constant 0 : i32
        %dma_wait3A_104 = tpu.memref_slice %arg4[%add3A, %add3A_40, %dma_wait3A_103] : memref<32x80x128xi32, #tpu.memory_space<hbm>> -> memref<1x1x128xi32, #tpu.memory_space<hbm>>
        %dma_wait3A_105 = tpu.memref_squeeze %dma_wait3A_104 : memref<1x1x128xi32, #tpu.memory_space<hbm>> -> memref<128xi32, #tpu.memory_space<hbm>>
        tpu.wait_dma2 semaphore(%run_scoped3A_81 : memref<!tpu.dma_semaphore, #tpu.memory_space<semaphore_mem>>) src(%dma_wait3A_105 : memref<128xi32, #tpu.memory_space<hbm>>) dst(%dma_wait3A_102 : memref<128xi32, #tpu.memory_space<vmem>>)
        tpu.yield
      }) : () -> ()
      %dma_wait3A = arith.constant 0 : i32
      %dma_wait3A_42 = tpu.memref_slice %arg7[%add3A_17, %dma_wait3A] : memref<80x128xi32, #tpu.memory_space<vmem>> -> memref<1x128xi32, #tpu.memory_space<vmem>>
      %dma_wait3A_43 = tpu.memref_squeeze %dma_wait3A_42 : memref<1x128xi32, #tpu.memory_space<vmem>> -> memref<128xi32, #tpu.memory_space<vmem>>
      %dma_wait3A_44 = arith.constant 0 : i32
      %dma_wait3A_45 = arith.constant 0 : i32
      %dma_wait3A_46 = tpu.memref_slice %arg2[%dma_wait3A_44, %dma_wait3A_45] : memref<10000x128xf32, #tpu.memory_space<hbm>> -> memref<10000x128xf32, #tpu.memory_space<hbm>>
      tpu.wait_indirect_dma semaphore(%arg12 : memref<!tpu.dma_semaphore, #tpu.memory_space<semaphore_mem>>) src(%dma_wait3A_46 : memref<10000x128xf32, #tpu.memory_space<hbm>>) dst(%arg9 : memref<128x128xf32, #tpu.memory_space<vmem>>)
      %dma_start3A_47 = arith.constant 0 : i32
      %dma_start3A_48 = arith.constant 0 : i32
      %dma_start3A_49 = tpu.memref_slice %arg8[%dma_start3A_47, %dma_start3A_48] : memref<2x128xi32, #tpu.memory_space<vmem>> -> memref<1x128xi32, #tpu.memory_space<vmem>>
      %dma_start3A_50 = tpu.memref_squeeze %dma_start3A_49 : memref<1x128xi32, #tpu.memory_space<vmem>> -> memref<128xi32, #tpu.memory_space<vmem>>
      %dma_start3A_51 = arith.constant 0 : i32
      %dma_start3A_52 = arith.constant 0 : i32
      %dma_start3A_53 = tpu.memref_slice %arg11[%dma_start3A_51, %dma_start3A_52] : memref<10112x128xf32, #tpu.memory_space<vmem_shared>> -> memref<10112x128xf32, #tpu.memory_space<vmem_shared>>
      tpu.enqueue_indirect_dma source(%arg9 : memref<128x128xf32, #tpu.memory_space<vmem>>) target(%dma_start3A_53 : memref<10112x128xf32, #tpu.memory_space<vmem_shared>>) offsets(%dma_start3A_50 : memref<128xi32, #tpu.memory_space<vmem>>) semaphore(%arg14 : memref<!tpu.dma_semaphore, #tpu.memory_space<semaphore_mem>>) {add = true}
      %dma_wait3A_54 = arith.constant 0 : i32
      %dma_wait3A_55 = tpu.memref_slice %arg7[%add3A_26, %dma_wait3A_54] : memref<80x128xi32, #tpu.memory_space<vmem>> -> memref<1x128xi32, #tpu.memory_space<vmem>>
      %dma_wait3A_56 = tpu.memref_squeeze %dma_wait3A_55 : memref<1x128xi32, #tpu.memory_space<vmem>> -> memref<128xi32, #tpu.memory_space<vmem>>
      %dma_wait3A_57 = arith.constant 0 : i32
      %dma_wait3A_58 = arith.constant 0 : i32
      %dma_wait3A_59 = tpu.memref_slice %arg2[%dma_wait3A_57, %dma_wait3A_58] : memref<10000x128xf32, #tpu.memory_space<hbm>> -> memref<10000x128xf32, #tpu.memory_space<hbm>>
      tpu.wait_indirect_dma semaphore(%arg13 : memref<!tpu.dma_semaphore, #tpu.memory_space<semaphore_mem>>) src(%dma_wait3A_59 : memref<10000x128xf32, #tpu.memory_space<hbm>>) dst(%arg10 : memref<128x128xf32, #tpu.memory_space<vmem>>)
      %dma_start3A_60 = arith.constant 1 : i32
      %dma_start3A_61 = arith.constant 0 : i32
      %dma_start3A_62 = tpu.memref_slice %arg8[%dma_start3A_60, %dma_start3A_61] : memref<2x128xi32, #tpu.memory_space<vmem>> -> memref<1x128xi32, #tpu.memory_space<vmem>>
      %dma_start3A_63 = tpu.memref_squeeze %dma_start3A_62 : memref<1x128xi32, #tpu.memory_space<vmem>> -> memref<128xi32, #tpu.memory_space<vmem>>
      %dma_start3A_64 = arith.constant 0 : i32
      %dma_start3A_65 = arith.constant 0 : i32
      %dma_start3A_66 = tpu.memref_slice %arg11[%dma_start3A_64, %dma_start3A_65] : memref<10112x128xf32, #tpu.memory_space<vmem_shared>> -> memref<10112x128xf32, #tpu.memory_space<vmem_shared>>
      tpu.enqueue_indirect_dma source(%arg10 : memref<128x128xf32, #tpu.memory_space<vmem>>) target(%dma_start3A_66 : memref<10112x128xf32, #tpu.memory_space<vmem_shared>>) offsets(%dma_start3A_63 : memref<128xi32, #tpu.memory_space<vmem>>) semaphore(%arg15 : memref<!tpu.dma_semaphore, #tpu.memory_space<semaphore_mem>>) {add = true}
      %dma_wait3A_67 = arith.constant 0 : i32
      %dma_wait3A_68 = arith.constant 0 : i32
      %dma_wait3A_69 = tpu.memref_slice %arg8[%dma_wait3A_67, %dma_wait3A_68] : memref<2x128xi32, #tpu.memory_space<vmem>> -> memref<1x128xi32, #tpu.memory_space<vmem>>
      %dma_wait3A_70 = tpu.memref_squeeze %dma_wait3A_69 : memref<1x128xi32, #tpu.memory_space<vmem>> -> memref<128xi32, #tpu.memory_space<vmem>>
      %dma_wait3A_71 = arith.constant 0 : i32
      %dma_wait3A_72 = arith.constant 0 : i32
      %dma_wait3A_73 = tpu.memref_slice %arg11[%dma_wait3A_71, %dma_wait3A_72] : memref<10112x128xf32, #tpu.memory_space<vmem_shared>> -> memref<10112x128xf32, #tpu.memory_space<vmem_shared>>
      tpu.wait_indirect_dma semaphore(%arg14 : memref<!tpu.dma_semaphore, #tpu.memory_space<semaphore_mem>>) src(%arg9 : memref<128x128xf32, #tpu.memory_space<vmem>>) dst(%dma_wait3A_73 : memref<10112x128xf32, #tpu.memory_space<vmem_shared>>)
      %dma_wait3A_74 = arith.constant 1 : i32
      %dma_wait3A_75 = arith.constant 0 : i32
      %dma_wait3A_76 = tpu.memref_slice %arg8[%dma_wait3A_74, %dma_wait3A_75] : memref<2x128xi32, #tpu.memory_space<vmem>> -> memref<1x128xi32, #tpu.memory_space<vmem>>
      %dma_wait3A_77 = tpu.memref_squeeze %dma_wait3A_76 : memref<1x128xi32, #tpu.memory_space<vmem>> -> memref<128xi32, #tpu.memory_space<vmem>>
      %dma_wait3A_78 = arith.constant 0 : i32
      %dma_wait3A_79 = arith.constant 0 : i32
      %dma_wait3A_80 = tpu.memref_slice %arg11[%dma_wait3A_78, %dma_wait3A_79] : memref<10112x128xf32, #tpu.memory_space<vmem_shared>> -> memref<10112x128xf32, #tpu.memory_space<vmem_shared>>
      tpu.wait_indirect_dma semaphore(%arg15 : memref<!tpu.dma_semaphore, #tpu.memory_space<semaphore_mem>>) src(%arg10 : memref<128x128xf32, #tpu.memory_space<vmem>>) dst(%dma_wait3A_80 : memref<10112x128xf32, #tpu.memory_space<vmem_shared>>)
    }
    %scan3A_7 = arith.constant 40 : i32
    %barrier3A_8 = arith.constant 0 : index
    tpu.barrier barrier_id(%barrier3A_8)
    %mul3A_9 = arith.constant 632 : i32
    %mul3A_10 = arith.muli %arg1, %mul3A_9 : i32
    %mul3A_11 = arith.constant 632 : i32
    %mul3A_12 = arith.muli %arg1, %mul3A_11 : i32
    "tpu.region"() ({
      %run_scoped3A = tpu.sem_alloc : memref<!tpu.dma_semaphore, #tpu.memory_space<semaphore_mem>>
      %dma_start3A = arith.constant 0 : i32
      %dma_start3A_13 = tpu.memref_slice %arg6[%arg0, %mul3A_12, %dma_start3A] : memref<2x10112x128xf32, #tpu.memory_space<hbm>> -> memref<1x632x128xf32, #tpu.memory_space<hbm>>
      %dma_start3A_14 = tpu.memref_squeeze %dma_start3A_13 : memref<1x632x128xf32, #tpu.memory_space<hbm>> -> memref<632x128xf32, #tpu.memory_space<hbm>>
      %dma_start3A_15 = arith.constant 0 : i32
      %dma_start3A_16 = tpu.memref_slice %arg11[%mul3A_10, %dma_start3A_15] : memref<10112x128xf32, #tpu.memory_space<vmem_shared>> -> memref<632x128xf32, #tpu.memory_space<vmem_shared>>
      tpu.enqueue_dma source(%dma_start3A_16 : memref<632x128xf32, #tpu.memory_space<vmem_shared>>) target(%dma_start3A_14 : memref<632x128xf32, #tpu.memory_space<hbm>>) target_semaphore(%run_scoped3A : memref<!tpu.dma_semaphore, #tpu.memory_space<semaphore_mem>>)
      %dma_wait3A = arith.constant 0 : i32
      %dma_wait3A_17 = tpu.memref_slice %arg6[%arg0, %mul3A_12, %dma_wait3A] : memref<2x10112x128xf32, #tpu.memory_space<hbm>> -> memref<1x632x128xf32, #tpu.memory_space<hbm>>
      %dma_wait3A_18 = tpu.memref_squeeze %dma_wait3A_17 : memref<1x632x128xf32, #tpu.memory_space<hbm>> -> memref<632x128xf32, #tpu.memory_space<hbm>>
      %dma_wait3A_19 = arith.constant 0 : i32
      %dma_wait3A_20 = tpu.memref_slice %arg11[%mul3A_10, %dma_wait3A_19] : memref<10112x128xf32, #tpu.memory_space<vmem_shared>> -> memref<632x128xf32, #tpu.memory_space<vmem_shared>>
      tpu.wait_dma2 semaphore(%run_scoped3A : memref<!tpu.dma_semaphore, #tpu.memory_space<semaphore_mem>>) src(%dma_wait3A_20 : memref<632x128xf32, #tpu.memory_space<vmem_shared>>) dst(%dma_wait3A_18 : memref<632x128xf32, #tpu.memory_space<hbm>>)
      tpu.yield
    }) : () -> ()
    return
  }
}

#map = affine_map<(d0, d1) -> (0, 0)>
#map1 = affine_map<(d0, d1) -> (0, 0, 0)>
module attributes {stable_mosaic.version = 14 : i64} {
  func.func @_sc_agg_body(%arg0: i32, %arg1: i32, %arg2: memref<10000x128xf32, #tpu.memory_space<hbm>>, %arg3: memref<32x80x128xi32, #tpu.memory_space<hbm>>, %arg4: memref<32x80x128xi32, #tpu.memory_space<hbm>>, %arg5: memref<632x128xf32, #tpu.memory_space<hbm>>, %arg6: memref<2x10112x128xf32, #tpu.memory_space<hbm>>, %arg7: memref<80x128xi32, #tpu.memory_space<vmem>>, %arg8: memref<2x128xi32, #tpu.memory_space<vmem>>, %arg9: memref<128x128xf32, #tpu.memory_space<vmem>>, %arg10: memref<128x128xf32, #tpu.memory_space<vmem>>, %arg11: memref<10112x128xf32, #tpu.memory_space<vmem_shared>>, %arg12: memref<!tpu.dma_semaphore, #tpu.memory_space<semaphore_mem>>, %arg13: memref<!tpu.dma_semaphore, #tpu.memory_space<semaphore_mem>>, %arg14: memref<!tpu.dma_semaphore, #tpu.memory_space<semaphore_mem>>, %arg15: memref<!tpu.dma_semaphore, #tpu.memory_space<semaphore_mem>>) attributes {dimension_semantics = [#tpu.dimension_semantics<core_parallel>, #tpu.dimension_semantics<subcore_parallel>], iteration_bounds = array<i64: 2, 16>, scalar_prefetch = 0 : i64, scratch_operands = 9 : i64, tpu.core_type = #tpu.core_type<sc_vector_subcore>, window_params = [{transform_indices = #map}, {transform_indices = #map1}, {transform_indices = #map1}, {transform_indices = #map}, {transform_indices = #map1}]} {
    %mul3A = arith.constant 2 : i32
    %mul3A_0 = arith.muli %arg1, %mul3A : i32
    %add3A = arith.addi %mul3A_0, %arg0 : i32
    "tpu.region"() ({
      %run_scoped3A = tpu.sem_alloc : memref<!tpu.dma_semaphore, #tpu.memory_space<semaphore_mem>>
      %dma_start3A = arith.constant 0 : i32
      %dma_start3A_13 = arith.constant 0 : i32
      %dma_start3A_14 = tpu.memref_slice %arg3[%add3A, %dma_start3A, %dma_start3A_13] : memref<32x80x128xi32, #tpu.memory_space<hbm>> -> memref<1x80x128xi32, #tpu.memory_space<hbm>>
      %dma_start3A_15 = tpu.memref_squeeze %dma_start3A_14 : memref<1x80x128xi32, #tpu.memory_space<hbm>> -> memref<80x128xi32, #tpu.memory_space<hbm>>
      %dma_start3A_16 = arith.constant 0 : i32
      %dma_start3A_17 = arith.constant 0 : i32
      %dma_start3A_18 = tpu.memref_slice %arg3[%add3A, %dma_start3A_16, %dma_start3A_17] : memref<32x80x128xi32, #tpu.memory_space<hbm>> -> memref<1x80x128xi32, #tpu.memory_space<hbm>>
      %dma_start3A_19 = tpu.memref_squeeze %dma_start3A_18 : memref<1x80x128xi32, #tpu.memory_space<hbm>> -> memref<80x128xi32, #tpu.memory_space<hbm>>
      tpu.enqueue_dma source(%dma_start3A_19 : memref<80x128xi32, #tpu.memory_space<hbm>>) target(%arg7 : memref<80x128xi32, #tpu.memory_space<vmem>>) target_semaphore(%run_scoped3A : memref<!tpu.dma_semaphore, #tpu.memory_space<semaphore_mem>>)
      %dma_wait3A = arith.constant 0 : i32
      %dma_wait3A_20 = arith.constant 0 : i32
      %dma_wait3A_21 = tpu.memref_slice %arg3[%add3A, %dma_wait3A, %dma_wait3A_20] : memref<32x80x128xi32, #tpu.memory_space<hbm>> -> memref<1x80x128xi32, #tpu.memory_space<hbm>>
      %dma_wait3A_22 = tpu.memref_squeeze %dma_wait3A_21 : memref<1x80x128xi32, #tpu.memory_space<hbm>> -> memref<80x128xi32, #tpu.memory_space<hbm>>
      %dma_wait3A_23 = arith.constant 0 : i32
      %dma_wait3A_24 = arith.constant 0 : i32
      %dma_wait3A_25 = tpu.memref_slice %arg3[%add3A, %dma_wait3A_23, %dma_wait3A_24] : memref<32x80x128xi32, #tpu.memory_space<hbm>> -> memref<1x80x128xi32, #tpu.memory_space<hbm>>
      %dma_wait3A_26 = tpu.memref_squeeze %dma_wait3A_25 : memref<1x80x128xi32, #tpu.memory_space<hbm>> -> memref<80x128xi32, #tpu.memory_space<hbm>>
      tpu.wait_dma2 semaphore(%run_scoped3A : memref<!tpu.dma_semaphore, #tpu.memory_space<semaphore_mem>>) src(%dma_wait3A_26 : memref<80x128xi32, #tpu.memory_space<hbm>>) dst(%arg7 : memref<80x128xi32, #tpu.memory_space<vmem>>)
      tpu.yield
    }) : () -> ()
    %mul3A_1 = arith.constant 632 : i32
    %mul3A_2 = arith.muli %arg1, %mul3A_1 : i32
    "tpu.region"() ({
      %run_scoped3A = tpu.sem_alloc : memref<!tpu.dma_semaphore, #tpu.memory_space<semaphore_mem>>
      %dma_start3A = arith.constant 0 : i32
      %dma_start3A_13 = tpu.memref_slice %arg11[%mul3A_2, %dma_start3A] : memref<10112x128xf32, #tpu.memory_space<vmem_shared>> -> memref<632x128xf32, #tpu.memory_space<vmem_shared>>
      tpu.enqueue_dma source(%arg5 : memref<632x128xf32, #tpu.memory_space<hbm>>) target(%dma_start3A_13 : memref<632x128xf32, #tpu.memory_space<vmem_shared>>) target_semaphore(%run_scoped3A : memref<!tpu.dma_semaphore, #tpu.memory_space<semaphore_mem>>)
      %dma_wait3A = arith.constant 0 : i32
      %dma_wait3A_14 = tpu.memref_slice %arg11[%mul3A_2, %dma_wait3A] : memref<10112x128xf32, #tpu.memory_space<vmem_shared>> -> memref<632x128xf32, #tpu.memory_space<vmem_shared>>
      tpu.wait_dma2 semaphore(%run_scoped3A : memref<!tpu.dma_semaphore, #tpu.memory_space<semaphore_mem>>) src(%arg5 : memref<632x128xf32, #tpu.memory_space<hbm>>) dst(%dma_wait3A_14 : memref<632x128xf32, #tpu.memory_space<vmem_shared>>)
      tpu.yield
    }) : () -> ()
    %barrier3A = arith.constant 0 : index
    tpu.barrier barrier_id(%barrier3A)
    %scan3A = arith.constant 0 : i32
    %scan3A_3 = arith.constant 0 : i32
    %scan3A_4 = arith.constant 40 : i32
    %scan3A_5 = arith.addi %scan3A_3, %scan3A_4 : i32
    %scan3A_6 = arith.constant 1 : i32
    scf.for %scan3A_13 = %scan3A_3 to %scan3A_5 step %scan3A_6  : i32 {
      %mul3A_14 = arith.constant 2 : i32
      %mul3A_15 = arith.muli %scan3A_13, %mul3A_14 : i32
      %add3A_16 = arith.constant 0 : i32
      %add3A_17 = arith.addi %mul3A_15, %add3A_16 : i32
      %dma_start3A = arith.constant 0 : i32
      %dma_start3A_18 = tpu.memref_slice %arg7[%add3A_17, %dma_start3A] : memref<80x128xi32, #tpu.memory_space<vmem>> -> memref<1x128xi32, #tpu.memory_space<vmem>>
      %dma_start3A_19 = tpu.memref_squeeze %dma_start3A_18 : memref<1x128xi32, #tpu.memory_space<vmem>> -> memref<128xi32, #tpu.memory_space<vmem>>
      %dma_start3A_20 = arith.constant 0 : i32
      %dma_start3A_21 = arith.constant 0 : i32
      %dma_start3A_22 = tpu.memref_slice %arg2[%dma_start3A_20, %dma_start3A_21] : memref<10000x128xf32, #tpu.memory_space<hbm>> -> memref<10000x128xf32, #tpu.memory_space<hbm>>
      tpu.enqueue_indirect_dma source(%dma_start3A_22 : memref<10000x128xf32, #tpu.memory_space<hbm>>) target(%arg9 : memref<128x128xf32, #tpu.memory_space<vmem>>) offsets(%dma_start3A_19 : memref<128xi32, #tpu.memory_space<vmem>>) semaphore(%arg12 : memref<!tpu.dma_semaphore, #tpu.memory_space<semaphore_mem>>)
      %mul3A_23 = arith.constant 2 : i32
      %mul3A_24 = arith.muli %scan3A_13, %mul3A_23 : i32
      %add3A_25 = arith.constant 1 : i32
      %add3A_26 = arith.addi %mul3A_24, %add3A_25 : i32
      %dma_start3A_27 = arith.constant 0 : i32
      %dma_start3A_28 = tpu.memref_slice %arg7[%add3A_26, %dma_start3A_27] : memref<80x128xi32, #tpu.memory_space<vmem>> -> memref<1x128xi32, #tpu.memory_space<vmem>>
      %dma_start3A_29 = tpu.memref_squeeze %dma_start3A_28 : memref<1x128xi32, #tpu.memory_space<vmem>> -> memref<128xi32, #tpu.memory_space<vmem>>
      %dma_start3A_30 = arith.constant 0 : i32
      %dma_start3A_31 = arith.constant 0 : i32
      %dma_start3A_32 = tpu.memref_slice %arg2[%dma_start3A_30, %dma_start3A_31] : memref<10000x128xf32, #tpu.memory_space<hbm>> -> memref<10000x128xf32, #tpu.memory_space<hbm>>
      tpu.enqueue_indirect_dma source(%dma_start3A_32 : memref<10000x128xf32, #tpu.memory_space<hbm>>) target(%arg10 : memref<128x128xf32, #tpu.memory_space<vmem>>) offsets(%dma_start3A_29 : memref<128xi32, #tpu.memory_space<vmem>>) semaphore(%arg13 : memref<!tpu.dma_semaphore, #tpu.memory_space<semaphore_mem>>)
      %mul3A_33 = arith.constant 2 : i32
      %mul3A_34 = arith.muli %scan3A_13, %mul3A_33 : i32
      %add3A_35 = arith.constant 0 : i32
      %add3A_36 = arith.addi %mul3A_34, %add3A_35 : i32
      %run_scoped3A = arith.constant 0 : i32
      "tpu.region"() ({
        %run_scoped3A_81 = tpu.sem_alloc : memref<!tpu.dma_semaphore, #tpu.memory_space<semaphore_mem>>
        %dma_start3A_82 = arith.constant 0 : i32
        %dma_start3A_83 = tpu.memref_slice %arg8[%run_scoped3A, %dma_start3A_82] : memref<2x128xi32, #tpu.memory_space<vmem>> -> memref<1x128xi32, #tpu.memory_space<vmem>>
        %dma_start3A_84 = tpu.memref_squeeze %dma_start3A_83 : memref<1x128xi32, #tpu.memory_space<vmem>> -> memref<128xi32, #tpu.memory_space<vmem>>
        %dma_start3A_85 = arith.constant 0 : i32
        %dma_start3A_86 = tpu.memref_slice %arg4[%add3A, %add3A_36, %dma_start3A_85] : memref<32x80x128xi32, #tpu.memory_space<hbm>> -> memref<1x1x128xi32, #tpu.memory_space<hbm>>
        %dma_start3A_87 = tpu.memref_squeeze %dma_start3A_86 : memref<1x1x128xi32, #tpu.memory_space<hbm>> -> memref<128xi32, #tpu.memory_space<hbm>>
        %dma_start3A_88 = arith.constant 0 : i32
        %dma_start3A_89 = tpu.memref_slice %arg8[%run_scoped3A, %dma_start3A_88] : memref<2x128xi32, #tpu.memory_space<vmem>> -> memref<1x128xi32, #tpu.memory_space<vmem>>
        %dma_start3A_90 = tpu.memref_squeeze %dma_start3A_89 : memref<1x128xi32, #tpu.memory_space<vmem>> -> memref<128xi32, #tpu.memory_space<vmem>>
        %dma_start3A_91 = arith.constant 0 : i32
        %dma_start3A_92 = tpu.memref_slice %arg4[%add3A, %add3A_36, %dma_start3A_91] : memref<32x80x128xi32, #tpu.memory_space<hbm>> -> memref<1x1x128xi32, #tpu.memory_space<hbm>>
        %dma_start3A_93 = tpu.memref_squeeze %dma_start3A_92 : memref<1x1x128xi32, #tpu.memory_space<hbm>> -> memref<128xi32, #tpu.memory_space<hbm>>
        tpu.enqueue_dma source(%dma_start3A_93 : memref<128xi32, #tpu.memory_space<hbm>>) target(%dma_start3A_90 : memref<128xi32, #tpu.memory_space<vmem>>) target_semaphore(%run_scoped3A_81 : memref<!tpu.dma_semaphore, #tpu.memory_space<semaphore_mem>>)
        %dma_wait3A_94 = arith.constant 0 : i32
        %dma_wait3A_95 = tpu.memref_slice %arg8[%run_scoped3A, %dma_wait3A_94] : memref<2x128xi32, #tpu.memory_space<vmem>> -> memref<1x128xi32, #tpu.memory_space<vmem>>
        %dma_wait3A_96 = tpu.memref_squeeze %dma_wait3A_95 : memref<1x128xi32, #tpu.memory_space<vmem>> -> memref<128xi32, #tpu.memory_space<vmem>>
        %dma_wait3A_97 = arith.constant 0 : i32
        %dma_wait3A_98 = tpu.memref_slice %arg4[%add3A, %add3A_36, %dma_wait3A_97] : memref<32x80x128xi32, #tpu.memory_space<hbm>> -> memref<1x1x128xi32, #tpu.memory_space<hbm>>
        %dma_wait3A_99 = tpu.memref_squeeze %dma_wait3A_98 : memref<1x1x128xi32, #tpu.memory_space<hbm>> -> memref<128xi32, #tpu.memory_space<hbm>>
        %dma_wait3A_100 = arith.constant 0 : i32
        %dma_wait3A_101 = tpu.memref_slice %arg8[%run_scoped3A, %dma_wait3A_100] : memref<2x128xi32, #tpu.memory_space<vmem>> -> memref<1x128xi32, #tpu.memory_space<vmem>>
        %dma_wait3A_102 = tpu.memref_squeeze %dma_wait3A_101 : memref<1x128xi32, #tpu.memory_space<vmem>> -> memref<128xi32, #tpu.memory_space<vmem>>
        %dma_wait3A_103 = arith.constant 0 : i32
        %dma_wait3A_104 = tpu.memref_slice %arg4[%add3A, %add3A_36, %dma_wait3A_103] : memref<32x80x128xi32, #tpu.memory_space<hbm>> -> memref<1x1x128xi32, #tpu.memory_space<hbm>>
        %dma_wait3A_105 = tpu.memref_squeeze %dma_wait3A_104 : memref<1x1x128xi32, #tpu.memory_space<hbm>> -> memref<128xi32, #tpu.memory_space<hbm>>
        tpu.wait_dma2 semaphore(%run_scoped3A_81 : memref<!tpu.dma_semaphore, #tpu.memory_space<semaphore_mem>>) src(%dma_wait3A_105 : memref<128xi32, #tpu.memory_space<hbm>>) dst(%dma_wait3A_102 : memref<128xi32, #tpu.memory_space<vmem>>)
        tpu.yield
      }) : () -> ()
      %mul3A_37 = arith.constant 2 : i32
      %mul3A_38 = arith.muli %scan3A_13, %mul3A_37 : i32
      %add3A_39 = arith.constant 1 : i32
      %add3A_40 = arith.addi %mul3A_38, %add3A_39 : i32
      %run_scoped3A_41 = arith.constant 1 : i32
      "tpu.region"() ({
        %run_scoped3A_81 = tpu.sem_alloc : memref<!tpu.dma_semaphore, #tpu.memory_space<semaphore_mem>>
        %dma_start3A_82 = arith.constant 0 : i32
        %dma_start3A_83 = tpu.memref_slice %arg8[%run_scoped3A_41, %dma_start3A_82] : memref<2x128xi32, #tpu.memory_space<vmem>> -> memref<1x128xi32, #tpu.memory_space<vmem>>
        %dma_start3A_84 = tpu.memref_squeeze %dma_start3A_83 : memref<1x128xi32, #tpu.memory_space<vmem>> -> memref<128xi32, #tpu.memory_space<vmem>>
        %dma_start3A_85 = arith.constant 0 : i32
        %dma_start3A_86 = tpu.memref_slice %arg4[%add3A, %add3A_40, %dma_start3A_85] : memref<32x80x128xi32, #tpu.memory_space<hbm>> -> memref<1x1x128xi32, #tpu.memory_space<hbm>>
        %dma_start3A_87 = tpu.memref_squeeze %dma_start3A_86 : memref<1x1x128xi32, #tpu.memory_space<hbm>> -> memref<128xi32, #tpu.memory_space<hbm>>
        %dma_start3A_88 = arith.constant 0 : i32
        %dma_start3A_89 = tpu.memref_slice %arg8[%run_scoped3A_41, %dma_start3A_88] : memref<2x128xi32, #tpu.memory_space<vmem>> -> memref<1x128xi32, #tpu.memory_space<vmem>>
        %dma_start3A_90 = tpu.memref_squeeze %dma_start3A_89 : memref<1x128xi32, #tpu.memory_space<vmem>> -> memref<128xi32, #tpu.memory_space<vmem>>
        %dma_start3A_91 = arith.constant 0 : i32
        %dma_start3A_92 = tpu.memref_slice %arg4[%add3A, %add3A_40, %dma_start3A_91] : memref<32x80x128xi32, #tpu.memory_space<hbm>> -> memref<1x1x128xi32, #tpu.memory_space<hbm>>
        %dma_start3A_93 = tpu.memref_squeeze %dma_start3A_92 : memref<1x1x128xi32, #tpu.memory_space<hbm>> -> memref<128xi32, #tpu.memory_space<hbm>>
        tpu.enqueue_dma source(%dma_start3A_93 : memref<128xi32, #tpu.memory_space<hbm>>) target(%dma_start3A_90 : memref<128xi32, #tpu.memory_space<vmem>>) target_semaphore(%run_scoped3A_81 : memref<!tpu.dma_semaphore, #tpu.memory_space<semaphore_mem>>)
        %dma_wait3A_94 = arith.constant 0 : i32
        %dma_wait3A_95 = tpu.memref_slice %arg8[%run_scoped3A_41, %dma_wait3A_94] : memref<2x128xi32, #tpu.memory_space<vmem>> -> memref<1x128xi32, #tpu.memory_space<vmem>>
        %dma_wait3A_96 = tpu.memref_squeeze %dma_wait3A_95 : memref<1x128xi32, #tpu.memory_space<vmem>> -> memref<128xi32, #tpu.memory_space<vmem>>
        %dma_wait3A_97 = arith.constant 0 : i32
        %dma_wait3A_98 = tpu.memref_slice %arg4[%add3A, %add3A_40, %dma_wait3A_97] : memref<32x80x128xi32, #tpu.memory_space<hbm>> -> memref<1x1x128xi32, #tpu.memory_space<hbm>>
        %dma_wait3A_99 = tpu.memref_squeeze %dma_wait3A_98 : memref<1x1x128xi32, #tpu.memory_space<hbm>> -> memref<128xi32, #tpu.memory_space<hbm>>
        %dma_wait3A_100 = arith.constant 0 : i32
        %dma_wait3A_101 = tpu.memref_slice %arg8[%run_scoped3A_41, %dma_wait3A_100] : memref<2x128xi32, #tpu.memory_space<vmem>> -> memref<1x128xi32, #tpu.memory_space<vmem>>
        %dma_wait3A_102 = tpu.memref_squeeze %dma_wait3A_101 : memref<1x128xi32, #tpu.memory_space<vmem>> -> memref<128xi32, #tpu.memory_space<vmem>>
        %dma_wait3A_103 = arith.constant 0 : i32
        %dma_wait3A_104 = tpu.memref_slice %arg4[%add3A, %add3A_40, %dma_wait3A_103] : memref<32x80x128xi32, #tpu.memory_space<hbm>> -> memref<1x1x128xi32, #tpu.memory_space<hbm>>
        %dma_wait3A_105 = tpu.memref_squeeze %dma_wait3A_104 : memref<1x1x128xi32, #tpu.memory_space<hbm>> -> memref<128xi32, #tpu.memory_space<hbm>>
        tpu.wait_dma2 semaphore(%run_scoped3A_81 : memref<!tpu.dma_semaphore, #tpu.memory_space<semaphore_mem>>) src(%dma_wait3A_105 : memref<128xi32, #tpu.memory_space<hbm>>) dst(%dma_wait3A_102 : memref<128xi32, #tpu.memory_space<vmem>>)
        tpu.yield
      }) : () -> ()
      %dma_wait3A = arith.constant 0 : i32
      %dma_wait3A_42 = tpu.memref_slice %arg7[%add3A_17, %dma_wait3A] : memref<80x128xi32, #tpu.memory_space<vmem>> -> memref<1x128xi32, #tpu.memory_space<vmem>>
      %dma_wait3A_43 = tpu.memref_squeeze %dma_wait3A_42 : memref<1x128xi32, #tpu.memory_space<vmem>> -> memref<128xi32, #tpu.memory_space<vmem>>
      %dma_wait3A_44 = arith.constant 0 : i32
      %dma_wait3A_45 = arith.constant 0 : i32
      %dma_wait3A_46 = tpu.memref_slice %arg2[%dma_wait3A_44, %dma_wait3A_45] : memref<10000x128xf32, #tpu.memory_space<hbm>> -> memref<10000x128xf32, #tpu.memory_space<hbm>>
      tpu.wait_indirect_dma semaphore(%arg12 : memref<!tpu.dma_semaphore, #tpu.memory_space<semaphore_mem>>) src(%dma_wait3A_46 : memref<10000x128xf32, #tpu.memory_space<hbm>>) dst(%arg9 : memref<128x128xf32, #tpu.memory_space<vmem>>)
      %dma_start3A_47 = arith.constant 0 : i32
      %dma_start3A_48 = arith.constant 0 : i32
      %dma_start3A_49 = tpu.memref_slice %arg8[%dma_start3A_47, %dma_start3A_48] : memref<2x128xi32, #tpu.memory_space<vmem>> -> memref<1x128xi32, #tpu.memory_space<vmem>>
      %dma_start3A_50 = tpu.memref_squeeze %dma_start3A_49 : memref<1x128xi32, #tpu.memory_space<vmem>> -> memref<128xi32, #tpu.memory_space<vmem>>
      %dma_start3A_51 = arith.constant 0 : i32
      %dma_start3A_52 = arith.constant 0 : i32
      %dma_start3A_53 = tpu.memref_slice %arg11[%dma_start3A_51, %dma_start3A_52] : memref<10112x128xf32, #tpu.memory_space<vmem_shared>> -> memref<10112x128xf32, #tpu.memory_space<vmem_shared>>
      tpu.enqueue_indirect_dma source(%arg9 : memref<128x128xf32, #tpu.memory_space<vmem>>) target(%dma_start3A_53 : memref<10112x128xf32, #tpu.memory_space<vmem_shared>>) offsets(%dma_start3A_50 : memref<128xi32, #tpu.memory_space<vmem>>) semaphore(%arg14 : memref<!tpu.dma_semaphore, #tpu.memory_space<semaphore_mem>>) {add = true}
      %dma_wait3A_54 = arith.constant 0 : i32
      %dma_wait3A_55 = tpu.memref_slice %arg7[%add3A_26, %dma_wait3A_54] : memref<80x128xi32, #tpu.memory_space<vmem>> -> memref<1x128xi32, #tpu.memory_space<vmem>>
      %dma_wait3A_56 = tpu.memref_squeeze %dma_wait3A_55 : memref<1x128xi32, #tpu.memory_space<vmem>> -> memref<128xi32, #tpu.memory_space<vmem>>
      %dma_wait3A_57 = arith.constant 0 : i32
      %dma_wait3A_58 = arith.constant 0 : i32
      %dma_wait3A_59 = tpu.memref_slice %arg2[%dma_wait3A_57, %dma_wait3A_58] : memref<10000x128xf32, #tpu.memory_space<hbm>> -> memref<10000x128xf32, #tpu.memory_space<hbm>>
      tpu.wait_indirect_dma semaphore(%arg13 : memref<!tpu.dma_semaphore, #tpu.memory_space<semaphore_mem>>) src(%dma_wait3A_59 : memref<10000x128xf32, #tpu.memory_space<hbm>>) dst(%arg10 : memref<128x128xf32, #tpu.memory_space<vmem>>)
      %dma_start3A_60 = arith.constant 1 : i32
      %dma_start3A_61 = arith.constant 0 : i32
      %dma_start3A_62 = tpu.memref_slice %arg8[%dma_start3A_60, %dma_start3A_61] : memref<2x128xi32, #tpu.memory_space<vmem>> -> memref<1x128xi32, #tpu.memory_space<vmem>>
      %dma_start3A_63 = tpu.memref_squeeze %dma_start3A_62 : memref<1x128xi32, #tpu.memory_space<vmem>> -> memref<128xi32, #tpu.memory_space<vmem>>
      %dma_start3A_64 = arith.constant 0 : i32
      %dma_start3A_65 = arith.constant 0 : i32
      %dma_start3A_66 = tpu.memref_slice %arg11[%dma_start3A_64, %dma_start3A_65] : memref<10112x128xf32, #tpu.memory_space<vmem_shared>> -> memref<10112x128xf32, #tpu.memory_space<vmem_shared>>
      tpu.enqueue_indirect_dma source(%arg10 : memref<128x128xf32, #tpu.memory_space<vmem>>) target(%dma_start3A_66 : memref<10112x128xf32, #tpu.memory_space<vmem_shared>>) offsets(%dma_start3A_63 : memref<128xi32, #tpu.memory_space<vmem>>) semaphore(%arg15 : memref<!tpu.dma_semaphore, #tpu.memory_space<semaphore_mem>>) {add = true}
      %dma_wait3A_67 = arith.constant 0 : i32
      %dma_wait3A_68 = arith.constant 0 : i32
      %dma_wait3A_69 = tpu.memref_slice %arg8[%dma_wait3A_67, %dma_wait3A_68] : memref<2x128xi32, #tpu.memory_space<vmem>> -> memref<1x128xi32, #tpu.memory_space<vmem>>
      %dma_wait3A_70 = tpu.memref_squeeze %dma_wait3A_69 : memref<1x128xi32, #tpu.memory_space<vmem>> -> memref<128xi32, #tpu.memory_space<vmem>>
      %dma_wait3A_71 = arith.constant 0 : i32
      %dma_wait3A_72 = arith.constant 0 : i32
      %dma_wait3A_73 = tpu.memref_slice %arg11[%dma_wait3A_71, %dma_wait3A_72] : memref<10112x128xf32, #tpu.memory_space<vmem_shared>> -> memref<10112x128xf32, #tpu.memory_space<vmem_shared>>
      tpu.wait_indirect_dma semaphore(%arg14 : memref<!tpu.dma_semaphore, #tpu.memory_space<semaphore_mem>>) src(%arg9 : memref<128x128xf32, #tpu.memory_space<vmem>>) dst(%dma_wait3A_73 : memref<10112x128xf32, #tpu.memory_space<vmem_shared>>)
      %dma_wait3A_74 = arith.constant 1 : i32
      %dma_wait3A_75 = arith.constant 0 : i32
      %dma_wait3A_76 = tpu.memref_slice %arg8[%dma_wait3A_74, %dma_wait3A_75] : memref<2x128xi32, #tpu.memory_space<vmem>> -> memref<1x128xi32, #tpu.memory_space<vmem>>
      %dma_wait3A_77 = tpu.memref_squeeze %dma_wait3A_76 : memref<1x128xi32, #tpu.memory_space<vmem>> -> memref<128xi32, #tpu.memory_space<vmem>>
      %dma_wait3A_78 = arith.constant 0 : i32
      %dma_wait3A_79 = arith.constant 0 : i32
      %dma_wait3A_80 = tpu.memref_slice %arg11[%dma_wait3A_78, %dma_wait3A_79] : memref<10112x128xf32, #tpu.memory_space<vmem_shared>> -> memref<10112x128xf32, #tpu.memory_space<vmem_shared>>
      tpu.wait_indirect_dma semaphore(%arg15 : memref<!tpu.dma_semaphore, #tpu.memory_space<semaphore_mem>>) src(%arg10 : memref<128x128xf32, #tpu.memory_space<vmem>>) dst(%dma_wait3A_80 : memref<10112x128xf32, #tpu.memory_space<vmem_shared>>)
    }
    %scan3A_7 = arith.constant 40 : i32
    %barrier3A_8 = arith.constant 0 : index
    tpu.barrier barrier_id(%barrier3A_8)
    %mul3A_9 = arith.constant 632 : i32
    %mul3A_10 = arith.muli %arg1, %mul3A_9 : i32
    %mul3A_11 = arith.constant 632 : i32
    %mul3A_12 = arith.muli %arg1, %mul3A_11 : i32
    "tpu.region"() ({
      %run_scoped3A = tpu.sem_alloc : memref<!tpu.dma_semaphore, #tpu.memory_space<semaphore_mem>>
      %dma_start3A = arith.constant 0 : i32
      %dma_start3A_13 = tpu.memref_slice %arg6[%arg0, %mul3A_12, %dma_start3A] : memref<2x10112x128xf32, #tpu.memory_space<hbm>> -> memref<1x632x128xf32, #tpu.memory_space<hbm>>
      %dma_start3A_14 = tpu.memref_squeeze %dma_start3A_13 : memref<1x632x128xf32, #tpu.memory_space<hbm>> -> memref<632x128xf32, #tpu.memory_space<hbm>>
      %dma_start3A_15 = arith.constant 0 : i32
      %dma_start3A_16 = tpu.memref_slice %arg11[%mul3A_10, %dma_start3A_15] : memref<10112x128xf32, #tpu.memory_space<vmem_shared>> -> memref<632x128xf32, #tpu.memory_space<vmem_shared>>
      tpu.enqueue_dma source(%dma_start3A_16 : memref<632x128xf32, #tpu.memory_space<vmem_shared>>) target(%dma_start3A_14 : memref<632x128xf32, #tpu.memory_space<hbm>>) target_semaphore(%run_scoped3A : memref<!tpu.dma_semaphore, #tpu.memory_space<semaphore_mem>>)
      %dma_wait3A = arith.constant 0 : i32
      %dma_wait3A_17 = tpu.memref_slice %arg6[%arg0, %mul3A_12, %dma_wait3A] : memref<2x10112x128xf32, #tpu.memory_space<hbm>> -> memref<1x632x128xf32, #tpu.memory_space<hbm>>
      %dma_wait3A_18 = tpu.memref_squeeze %dma_wait3A_17 : memref<1x632x128xf32, #tpu.memory_space<hbm>> -> memref<632x128xf32, #tpu.memory_space<hbm>>
      %dma_wait3A_19 = arith.constant 0 : i32
      %dma_wait3A_20 = tpu.memref_slice %arg11[%mul3A_10, %dma_wait3A_19] : memref<10112x128xf32, #tpu.memory_space<vmem_shared>> -> memref<632x128xf32, #tpu.memory_space<vmem_shared>>
      tpu.wait_dma2 semaphore(%run_scoped3A : memref<!tpu.dma_semaphore, #tpu.memory_space<semaphore_mem>>) src(%dma_wait3A_20 : memref<632x128xf32, #tpu.memory_space<vmem_shared>>) dst(%dma_wait3A_18 : memref<632x128xf32, #tpu.memory_space<hbm>>)
      tpu.yield
    }) : () -> ()
    return
  }
}

#map = affine_map<(d0, d1) -> (0, 0)>
#map1 = affine_map<(d0, d1) -> (0)>
module attributes {stable_mosaic.version = 14 : i64} {
  func.func @_sc_pairs_body(%arg0: i32, %arg1: i32, %arg2: memref<10000x128xf32, #tpu.memory_space<hbm>>, %arg3: memref<53248xi32, #tpu.memory_space<hbm>>, %arg4: memref<53248xi32, #tpu.memory_space<hbm>>, %arg5: memref<851968xf32, #tpu.memory_space<hbm>>, %arg6: memref<851968xf32, #tpu.memory_space<hbm>>, %arg7: memref<1664xi32, #tpu.memory_space<vmem>>, %arg8: memref<1664xi32, #tpu.memory_space<vmem>>, %arg9: memref<128x128xf32, #tpu.memory_space<vmem>>, %arg10: memref<128x128xf32, #tpu.memory_space<vmem>>, %arg11: memref<26624xf32, #tpu.memory_space<vmem>>, %arg12: memref<26624xf32, #tpu.memory_space<vmem>>, %arg13: memref<!tpu.dma_semaphore, #tpu.memory_space<semaphore_mem>>) attributes {dimension_semantics = [#tpu.dimension_semantics<core_parallel>, #tpu.dimension_semantics<subcore_parallel>], iteration_bounds = array<i64: 2, 16>, scalar_prefetch = 0 : i64, scratch_operands = 7 : i64, tpu.core_type = #tpu.core_type<sc_vector_subcore>, window_params = [{transform_indices = #map}, {transform_indices = #map1}, {transform_indices = #map1}, {transform_indices = #map1}, {transform_indices = #map1}]} {
    %mul3A = arith.constant 2 : i32
    %mul3A_0 = arith.muli %arg1, %mul3A : i32
    %add3A = arith.addi %mul3A_0, %arg0 : i32
    %mul3A_1 = arith.constant 1664 : i32
    %mul3A_2 = arith.muli %add3A, %mul3A_1 : i32
    "tpu.region"() ({
      %run_scoped3A = tpu.sem_alloc : memref<!tpu.dma_semaphore, #tpu.memory_space<semaphore_mem>>
      %dma_start3A = tpu.memref_slice %arg3[%mul3A_2] : memref<53248xi32, #tpu.memory_space<hbm>> -> memref<1664xi32, #tpu.memory_space<hbm>>
      %dma_start3A_12 = tpu.memref_slice %arg3[%mul3A_2] : memref<53248xi32, #tpu.memory_space<hbm>> -> memref<1664xi32, #tpu.memory_space<hbm>>
      tpu.enqueue_dma source(%dma_start3A_12 : memref<1664xi32, #tpu.memory_space<hbm>>) target(%arg7 : memref<1664xi32, #tpu.memory_space<vmem>>) target_semaphore(%run_scoped3A : memref<!tpu.dma_semaphore, #tpu.memory_space<semaphore_mem>>)
      %dma_wait3A = tpu.memref_slice %arg3[%mul3A_2] : memref<53248xi32, #tpu.memory_space<hbm>> -> memref<1664xi32, #tpu.memory_space<hbm>>
      %dma_wait3A_13 = tpu.memref_slice %arg3[%mul3A_2] : memref<53248xi32, #tpu.memory_space<hbm>> -> memref<1664xi32, #tpu.memory_space<hbm>>
      tpu.wait_dma2 semaphore(%run_scoped3A : memref<!tpu.dma_semaphore, #tpu.memory_space<semaphore_mem>>) src(%dma_wait3A_13 : memref<1664xi32, #tpu.memory_space<hbm>>) dst(%arg7 : memref<1664xi32, #tpu.memory_space<vmem>>)
      tpu.yield
    }) : () -> ()
    "tpu.region"() ({
      %run_scoped3A = tpu.sem_alloc : memref<!tpu.dma_semaphore, #tpu.memory_space<semaphore_mem>>
      %dma_start3A = tpu.memref_slice %arg4[%mul3A_2] : memref<53248xi32, #tpu.memory_space<hbm>> -> memref<1664xi32, #tpu.memory_space<hbm>>
      %dma_start3A_12 = tpu.memref_slice %arg4[%mul3A_2] : memref<53248xi32, #tpu.memory_space<hbm>> -> memref<1664xi32, #tpu.memory_space<hbm>>
      tpu.enqueue_dma source(%dma_start3A_12 : memref<1664xi32, #tpu.memory_space<hbm>>) target(%arg8 : memref<1664xi32, #tpu.memory_space<vmem>>) target_semaphore(%run_scoped3A : memref<!tpu.dma_semaphore, #tpu.memory_space<semaphore_mem>>)
      %dma_wait3A = tpu.memref_slice %arg4[%mul3A_2] : memref<53248xi32, #tpu.memory_space<hbm>> -> memref<1664xi32, #tpu.memory_space<hbm>>
      %dma_wait3A_13 = tpu.memref_slice %arg4[%mul3A_2] : memref<53248xi32, #tpu.memory_space<hbm>> -> memref<1664xi32, #tpu.memory_space<hbm>>
      tpu.wait_dma2 semaphore(%run_scoped3A : memref<!tpu.dma_semaphore, #tpu.memory_space<semaphore_mem>>) src(%dma_wait3A_13 : memref<1664xi32, #tpu.memory_space<hbm>>) dst(%arg8 : memref<1664xi32, #tpu.memory_space<vmem>>)
      tpu.yield
    }) : () -> ()
    %scan3A = arith.constant 0 : i32
    %scan3A_3 = arith.constant 0 : i32
    %scan3A_4 = arith.constant 13 : i32
    %scan3A_5 = arith.addi %scan3A_3, %scan3A_4 : i32
    %scan3A_6 = arith.constant 1 : i32
    scf.for %scan3A_12 = %scan3A_3 to %scan3A_5 step %scan3A_6  : i32 {
      %mul3A_13 = arith.constant 128 : i32
      %mul3A_14 = arith.muli %scan3A_12, %mul3A_13 : i32
      %multiple_of3A = tpu.assume_multiple %mul3A_14, 128 : i32
      %dma_start3A = tpu.memref_slice %arg7[%multiple_of3A] : memref<1664xi32, #tpu.memory_space<vmem>> -> memref<128xi32, #tpu.memory_space<vmem>>
      %dma_start3A_15 = arith.constant 0 : i32
      %dma_start3A_16 = arith.constant 0 : i32
      %dma_start3A_17 = tpu.memref_slice %arg2[%dma_start3A_15, %dma_start3A_16] : memref<10000x128xf32, #tpu.memory_space<hbm>> -> memref<10000x128xf32, #tpu.memory_space<hbm>>
      tpu.enqueue_indirect_dma source(%dma_start3A_17 : memref<10000x128xf32, #tpu.memory_space<hbm>>) target(%arg9 : memref<128x128xf32, #tpu.memory_space<vmem>>) offsets(%dma_start3A : memref<128xi32, #tpu.memory_space<vmem>>) semaphore(%arg13 : memref<!tpu.dma_semaphore, #tpu.memory_space<semaphore_mem>>)
      %dma_start3A_18 = tpu.memref_slice %arg8[%multiple_of3A] : memref<1664xi32, #tpu.memory_space<vmem>> -> memref<128xi32, #tpu.memory_space<vmem>>
      %dma_start3A_19 = arith.constant 0 : i32
      %dma_start3A_20 = arith.constant 0 : i32
      %dma_start3A_21 = tpu.memref_slice %arg2[%dma_start3A_19, %dma_start3A_20] : memref<10000x128xf32, #tpu.memory_space<hbm>> -> memref<10000x128xf32, #tpu.memory_space<hbm>>
      tpu.enqueue_indirect_dma source(%dma_start3A_21 : memref<10000x128xf32, #tpu.memory_space<hbm>>) target(%arg10 : memref<128x128xf32, #tpu.memory_space<vmem>>) offsets(%dma_start3A_18 : memref<128xi32, #tpu.memory_space<vmem>>) semaphore(%arg13 : memref<!tpu.dma_semaphore, #tpu.memory_space<semaphore_mem>>)
      %dma_wait3A = tpu.memref_slice %arg7[%multiple_of3A] : memref<1664xi32, #tpu.memory_space<vmem>> -> memref<128xi32, #tpu.memory_space<vmem>>
      %dma_wait3A_22 = arith.constant 0 : i32
      %dma_wait3A_23 = arith.constant 0 : i32
      %dma_wait3A_24 = tpu.memref_slice %arg2[%dma_wait3A_22, %dma_wait3A_23] : memref<10000x128xf32, #tpu.memory_space<hbm>> -> memref<10000x128xf32, #tpu.memory_space<hbm>>
      tpu.wait_indirect_dma semaphore(%arg13 : memref<!tpu.dma_semaphore, #tpu.memory_space<semaphore_mem>>) src(%dma_wait3A_24 : memref<10000x128xf32, #tpu.memory_space<hbm>>) dst(%arg9 : memref<128x128xf32, #tpu.memory_space<vmem>>)
      %dma_wait3A_25 = tpu.memref_slice %arg8[%multiple_of3A] : memref<1664xi32, #tpu.memory_space<vmem>> -> memref<128xi32, #tpu.memory_space<vmem>>
      %dma_wait3A_26 = arith.constant 0 : i32
      %dma_wait3A_27 = arith.constant 0 : i32
      %dma_wait3A_28 = tpu.memref_slice %arg2[%dma_wait3A_26, %dma_wait3A_27] : memref<10000x128xf32, #tpu.memory_space<hbm>> -> memref<10000x128xf32, #tpu.memory_space<hbm>>
      tpu.wait_indirect_dma semaphore(%arg13 : memref<!tpu.dma_semaphore, #tpu.memory_space<semaphore_mem>>) src(%dma_wait3A_28 : memref<10000x128xf32, #tpu.memory_space<hbm>>) dst(%arg10 : memref<128x128xf32, #tpu.memory_space<vmem>>)
      %scan3A_29 = arith.constant 0 : i32
      %scan3A_30 = arith.constant 128 : i32
      %scan3A_31 = arith.addi %scan3A_29, %scan3A_30 : i32
      %scan3A_32 = arith.constant 1 : i32
      scf.for %scan3A_34 = %scan3A_29 to %scan3A_31 step %scan3A_32  : i32 {
        %mul3A_35 = arith.constant 128 : i32
        %mul3A_36 = arith.muli %scan3A_12, %mul3A_35 : i32
        %add3A_37 = arith.addi %mul3A_36, %scan3A_34 : i32
        %mul3A_38 = arith.constant 16 : i32
        %mul3A_39 = arith.muli %add3A_37, %mul3A_38 : i32
        %multiple_of3A_40 = tpu.assume_multiple %mul3A_39, 16 : i32
        %get3A = arith.index_cast %scan3A_34 : i32 to index
        %get3A_41 = arith.constant 0 : index
        %get3A_42 = tpu.vector_load %arg9[%get3A, %get3A_41] {strides = array<i32>} : memref<128x128xf32, #tpu.memory_space<vmem>>, vector<1x16xf32>,
        %get3A_43 = vector.shape_cast %get3A_42 : vector<1x16xf32> to vector<16xf32>
        %get3A_44 = arith.index_cast %scan3A_34 : i32 to index
        %get3A_45 = arith.constant 0 : index
        %get3A_46 = tpu.vector_load %arg10[%get3A_44, %get3A_45] {strides = array<i32>} : memref<128x128xf32, #tpu.memory_space<vmem>>, vector<1x16xf32>,
        %get3A_47 = vector.shape_cast %get3A_46 : vector<1x16xf32> to vector<16xf32>
        %sub3A = arith.subf %get3A_43, %get3A_47 : vector<16xf32>
        %swap3A = arith.index_cast %multiple_of3A_40 : i32 to index
        %swap3A_48 = tpu.vector_load %arg11[%swap3A] {strides = array<i32>} : memref<26624xf32, #tpu.memory_space<vmem>>, vector<16xf32>,
        %swap3A_49 = vector.shape_cast %swap3A_48 : vector<16xf32> to vector<16xf32>
        %swap3A_50 = vector.shape_cast %sub3A : vector<16xf32> to vector<16xf32>
        tpu.vector_store %arg11[%swap3A], %swap3A_50 {strides = array<i32>} : memref<26624xf32, #tpu.memory_space<vmem>>, vector<16xf32>,
        %get3A_51 = arith.index_cast %scan3A_34 : i32 to index
        %get3A_52 = arith.constant 16 : index
        %get3A_53 = tpu.vector_load %arg9[%get3A_51, %get3A_52] {strides = array<i32>} : memref<128x128xf32, #tpu.memory_space<vmem>>, vector<1x16xf32>,
        %get3A_54 = vector.shape_cast %get3A_53 : vector<1x16xf32> to vector<16xf32>
        %get3A_55 = arith.index_cast %scan3A_34 : i32 to index
        %get3A_56 = arith.constant 16 : index
        %get3A_57 = tpu.vector_load %arg10[%get3A_55, %get3A_56] {strides = array<i32>} : memref<128x128xf32, #tpu.memory_space<vmem>>, vector<1x16xf32>,
        %get3A_58 = vector.shape_cast %get3A_57 : vector<1x16xf32> to vector<16xf32>
        %sub3A_59 = arith.subf %get3A_54, %get3A_58 : vector<16xf32>
        %swap3A_60 = arith.index_cast %multiple_of3A_40 : i32 to index
        %swap3A_61 = tpu.vector_load %arg12[%swap3A_60] {strides = array<i32>} : memref<26624xf32, #tpu.memory_space<vmem>>, vector<16xf32>,
        %swap3A_62 = vector.shape_cast %swap3A_61 : vector<16xf32> to vector<16xf32>
        %swap3A_63 = vector.shape_cast %sub3A_59 : vector<16xf32> to vector<16xf32>
        tpu.vector_store %arg12[%swap3A_60], %swap3A_63 {strides = array<i32>} : memref<26624xf32, #tpu.memory_space<vmem>>, vector<16xf32>,
      }
      %scan3A_33 = arith.constant 128 : i32
    }
    %scan3A_7 = arith.constant 13 : i32
    %mul3A_8 = arith.constant 16 : i32
    %mul3A_9 = arith.muli %mul3A_2, %mul3A_8 : i32
    "tpu.region"() ({
      %run_scoped3A = tpu.sem_alloc : memref<!tpu.dma_semaphore, #tpu.memory_space<semaphore_mem>>
      %dma_start3A = tpu.memref_slice %arg5[%mul3A_9] : memref<851968xf32, #tpu.memory_space<hbm>> -> memref<26624xf32, #tpu.memory_space<hbm>>
      %dma_start3A_12 = tpu.memref_slice %arg5[%mul3A_9] : memref<851968xf32, #tpu.memory_space<hbm>> -> memref<26624xf32, #tpu.memory_space<hbm>>
      tpu.enqueue_dma source(%arg11 : memref<26624xf32, #tpu.memory_space<vmem>>) target(%dma_start3A_12 : memref<26624xf32, #tpu.memory_space<hbm>>) target_semaphore(%run_scoped3A : memref<!tpu.dma_semaphore, #tpu.memory_space<semaphore_mem>>)
      %dma_wait3A = tpu.memref_slice %arg5[%mul3A_9] : memref<851968xf32, #tpu.memory_space<hbm>> -> memref<26624xf32, #tpu.memory_space<hbm>>
      %dma_wait3A_13 = tpu.memref_slice %arg5[%mul3A_9] : memref<851968xf32, #tpu.memory_space<hbm>> -> memref<26624xf32, #tpu.memory_space<hbm>>
      tpu.wait_dma2 semaphore(%run_scoped3A : memref<!tpu.dma_semaphore, #tpu.memory_space<semaphore_mem>>) src(%arg11 : memref<26624xf32, #tpu.memory_space<vmem>>) dst(%dma_wait3A_13 : memref<26624xf32, #tpu.memory_space<hbm>>)
      tpu.yield
    }) : () -> ()
    %mul3A_10 = arith.constant 16 : i32
    %mul3A_11 = arith.muli %mul3A_2, %mul3A_10 : i32
    "tpu.region"() ({
      %run_scoped3A = tpu.sem_alloc : memref<!tpu.dma_semaphore, #tpu.memory_space<semaphore_mem>>
      %dma_start3A = tpu.memref_slice %arg6[%mul3A_11] : memref<851968xf32, #tpu.memory_space<hbm>> -> memref<26624xf32, #tpu.memory_space<hbm>>
      %dma_start3A_12 = tpu.memref_slice %arg6[%mul3A_11] : memref<851968xf32, #tpu.memory_space<hbm>> -> memref<26624xf32, #tpu.memory_space<hbm>>
      tpu.enqueue_dma source(%arg12 : memref<26624xf32, #tpu.memory_space<vmem>>) target(%dma_start3A_12 : memref<26624xf32, #tpu.memory_space<hbm>>) target_semaphore(%run_scoped3A : memref<!tpu.dma_semaphore, #tpu.memory_space<semaphore_mem>>)
      %dma_wait3A = tpu.memref_slice %arg6[%mul3A_11] : memref<851968xf32, #tpu.memory_space<hbm>> -> memref<26624xf32, #tpu.memory_space<hbm>>
      %dma_wait3A_13 = tpu.memref_slice %arg6[%mul3A_11] : memref<851968xf32, #tpu.memory_space<hbm>> -> memref<26624xf32, #tpu.memory_space<hbm>>
      tpu.wait_dma2 semaphore(%run_scoped3A : memref<!tpu.dma_semaphore, #tpu.memory_space<semaphore_mem>>) src(%arg12 : memref<26624xf32, #tpu.memory_space<vmem>>) dst(%dma_wait3A_13 : memref<26624xf32, #tpu.memory_space<hbm>>)
      tpu.yield
    }) : () -> ()
    return
  }
}

module attributes {stable_mosaic.version = 14 : i64} {
  func.func @_tc_init_body(%arg0: i32, %arg1: memref<1000x128xf32, #tpu.memory_space<vmem>>, %arg2: memref<128x128xf32, #tpu.memory_space<vmem>>, %arg3: memref<1x128xf32, #tpu.memory_space<vmem>>, %arg4: memref<1x1000x128xf32, #tpu.memory_space<vmem>>, %arg5: memref<1x1000x128xf32, #tpu.memory_space<vmem>>, %arg6: memref<1000x128xf32, #tpu.memory_space<vmem>>, %arg7: memref<1000x128xf32, #tpu.memory_space<vmem>>, %arg8: memref<1000x128xf32, #tpu.memory_space<vmem>>) attributes {dimension_semantics = [#tpu.dimension_semantics<arbitrary>], iteration_bounds = array<i64: 10>, scalar_prefetch = 0 : i64, scratch_operands = 0 : i64, tpu.core_type = #tpu.core_type<tc>, window_params = [{transform_indices = @transform_0, window_bounds = array<i64: 1000, 128>}, {pipeline_mode = #tpu.pipeline_mode<synchronous>, transform_indices = @transform_1, window_bounds = array<i64: 128, 128>}, {pipeline_mode = #tpu.pipeline_mode<synchronous>, transform_indices = @transform_2, window_bounds = array<i64: 1, 128>}, {transform_indices = @transform_3, window_bounds = array<i64: 1, 1000, 128>}, {transform_indices = @transform_4, window_bounds = array<i64: 1, 1000, 128>}, {transform_indices = @transform_5, window_bounds = array<i64: 1000, 128>}, {transform_indices = @transform_6, window_bounds = array<i64: 1000, 128>}, {transform_indices = @transform_7, window_bounds = array<i64: 1000, 128>}]} {
    %get3A = arith.constant 0 : index
    %get3A_0 = arith.constant 0 : index
    %get3A_1 = vector.load %arg1[%get3A, %get3A_0] : memref<1000x128xf32, #tpu.memory_space<vmem>>, vector<1000x128xf32>
    %get3A_2 = arith.constant 0 : index
    %get3A_3 = arith.constant 0 : index
    %get3A_4 = vector.load %arg2[%get3A_2, %get3A_3] : memref<128x128xf32, #tpu.memory_space<vmem>>, vector<128x128xf32>
    %dot_general3A = arith.constant dense<0.000000e+00> : vector<1000x128xf32>
    %dot_general3A_5 = tpu.matmul %get3A_1, %get3A_4, %dot_general3A {dimension_numbers = #tpu.dot_dimension_numbers<[1], [0], [0], [1], [0, 0, 1, 1], [], []>, transpose_lhs_hint = false} : vector<1000x128xf32>, vector<128x128xf32>, vector<1000x128xf32> -> vector<1000x128xf32>
    %get3A_6 = arith.constant 0 : index
    %get3A_7 = arith.constant 0 : index
    %get3A_8 = vector.load %arg3[%get3A_6, %get3A_7] : memref<1x128xf32, #tpu.memory_space<vmem>>, vector<1x128xf32>
    %add3A = vector.broadcast %get3A_8 : vector<1x128xf32> to vector<1000x128xf32>
    %add3A_9 = arith.addf %dot_general3A_5, %add3A : vector<1000x128xf32>
    %max3A = arith.constant 0.000000e+00 : f32
    %max3A_10 = vector.broadcast %max3A : f32 to vector<1000x128xf32>
    %max3A_11 = arith.maximumf %add3A_9, %max3A_10 : vector<1000x128xf32>
    %mul3A = arith.mulf %max3A_11, %max3A_11 : vector<1000x128xf32>
    %reduce_sum3A = arith.constant dense<0.000000e+00> : vector<1000xf32>
    %reduce_sum3A_12 = vector.multi_reduction <add>, %mul3A, %reduce_sum3A [1] : vector<1000x128xf32> to vector<1000xf32>
    %broadcast_in_dim3A = vector.shape_cast %reduce_sum3A_12 : vector<1000xf32> to vector<1000x1xf32>
    %max3A_13 = arith.constant 1.000000e-24 : f32
    %max3A_14 = vector.broadcast %max3A_13 : f32 to vector<1000x1xf32>
    %max3A_15 = arith.maximumf %broadcast_in_dim3A, %max3A_14 : vector<1000x1xf32>
    %rsqrt3A = math.rsqrt %max3A_15 : vector<1000x1xf32>
    %mul3A_16 = vector.broadcast %rsqrt3A : vector<1000x1xf32> to vector<1000x128xf32>
    %mul3A_17 = arith.mulf %max3A_11, %mul3A_16 : vector<1000x128xf32>
    %get3A_18 = arith.constant 0 : index
    %get3A_19 = arith.constant 0 : index
    %get3A_20 = arith.constant 0 : index
    %get3A_21 = vector.load %arg4[%get3A_18, %get3A_19, %get3A_20] : memref<1x1000x128xf32, #tpu.memory_space<vmem>>, vector<1x1000x128xf32>
    %get3A_22 = vector.shape_cast %get3A_21 : vector<1x1000x128xf32> to vector<1000x128xf32>
    %get3A_23 = arith.constant 0 : index
    %get3A_24 = arith.constant 0 : index
    %get3A_25 = arith.constant 0 : index
    %get3A_26 = vector.load %arg5[%get3A_23, %get3A_24, %get3A_25] : memref<1x1000x128xf32, #tpu.memory_space<vmem>>, vector<1x1000x128xf32>
    %get3A_27 = vector.shape_cast %get3A_26 : vector<1x1000x128xf32> to vector<1000x128xf32>
    %add3A_28 = arith.addf %get3A_22, %get3A_27 : vector<1000x128xf32>
    %add3A_29 = arith.constant 1.000000e+00 : f32
    %add3A_30 = vector.broadcast %add3A_29 : f32 to vector<1000x128xf32>
    %add3A_31 = arith.addf %add3A_28, %add3A_30 : vector<1000x128xf32>
    %rsqrt3A_32 = math.rsqrt %add3A_31 : vector<1000x128xf32>
    %swap3A = arith.constant 0 : index
    %swap3A_33 = arith.constant 0 : index
    %swap3A_34 = vector.load %arg6[%swap3A, %swap3A_33] : memref<1000x128xf32, #tpu.memory_space<vmem>>, vector<1000x128xf32>
    tpu.vector_store %arg6[%swap3A, %swap3A_33], %mul3A_17 {strides = array<i32>} : memref<1000x128xf32, #tpu.memory_space<vmem>>, vector<1000x128xf32>,
    %swap3A_35 = arith.constant 0 : index
    %swap3A_36 = arith.constant 0 : index
    %swap3A_37 = vector.load %arg8[%swap3A_35, %swap3A_36] : memref<1000x128xf32, #tpu.memory_space<vmem>>, vector<1000x128xf32>
    tpu.vector_store %arg8[%swap3A_35, %swap3A_36], %rsqrt3A_32 {strides = array<i32>} : memref<1000x128xf32, #tpu.memory_space<vmem>>, vector<1000x128xf32>,
    %mul3A_38 = arith.mulf %rsqrt3A_32, %mul3A_17 : vector<1000x128xf32>
    %swap3A_39 = arith.constant 0 : index
    %swap3A_40 = arith.constant 0 : index
    %swap3A_41 = vector.load %arg7[%swap3A_39, %swap3A_40] : memref<1000x128xf32, #tpu.memory_space<vmem>>, vector<1000x128xf32>
    tpu.vector_store %arg7[%swap3A_39, %swap3A_40], %mul3A_38 {strides = array<i32>} : memref<1000x128xf32, #tpu.memory_space<vmem>>, vector<1000x128xf32>,
    return
  }
  func.func @transform_0(%arg0: i32) -> (i32, i32) {
    %c0_i32 = arith.constant 0 : i32
    %c0_i32_0 = arith.constant 0 : i32
    return %arg0, %c0_i32 : i32, i32
  }
  func.func @transform_1(%arg0: i32) -> (i32, i32) {
    %c0_i32 = arith.constant 0 : i32
    %c0_i32_0 = arith.constant 0 : i32
    %c0_i32_1 = arith.constant 0 : i32
    return %c0_i32, %c0_i32_0 : i32, i32
  }
  func.func @transform_2(%arg0: i32) -> (i32, i32) {
    %c0_i32 = arith.constant 0 : i32
    %c0_i32_0 = arith.constant 0 : i32
    %c0_i32_1 = arith.constant 0 : i32
    return %c0_i32, %c0_i32_0 : i32, i32
  }
  func.func @transform_3(%arg0: i32) -> (i32, i32, i32) {
    %c0_i32 = arith.constant 0 : i32
    %c0_i32_0 = arith.constant 0 : i32
    %c0_i32_1 = arith.constant 0 : i32
    return %c0_i32, %arg0, %c0_i32_0 : i32, i32, i32
  }
  func.func @transform_4(%arg0: i32) -> (i32, i32, i32) {
    %c1_i32 = arith.constant 1 : i32
    %c0_i32 = arith.constant 0 : i32
    %c0_i32_0 = arith.constant 0 : i32
    return %c1_i32, %arg0, %c0_i32 : i32, i32, i32
  }
  func.func @transform_5(%arg0: i32) -> (i32, i32) {
    %c0_i32 = arith.constant 0 : i32
    %c0_i32_0 = arith.constant 0 : i32
    return %arg0, %c0_i32 : i32, i32
  }
  func.func @transform_6(%arg0: i32) -> (i32, i32) {
    %c0_i32 = arith.constant 0 : i32
    %c0_i32_0 = arith.constant 0 : i32
    return %arg0, %c0_i32 : i32, i32
  }
  func.func @transform_7(%arg0: i32) -> (i32, i32) {
    %c0_i32 = arith.constant 0 : i32
    %c0_i32_0 = arith.constant 0 : i32
    return %arg0, %c0_i32 : i32, i32
  }
}

module attributes {stable_mosaic.version = 14 : i64} {
  func.func @_tc_gru_body(%arg0: i32, %arg1: memref<1000x128xf32, #tpu.memory_space<vmem>>, %arg2: memref<1x1000x128xf32, #tpu.memory_space<vmem>>, %arg3: memref<1x1000x128xf32, #tpu.memory_space<vmem>>, %arg4: memref<1000x128xf32, #tpu.memory_space<vmem>>, %arg5: memref<128x384xf32, #tpu.memory_space<vmem>>, %arg6: memref<128x384xf32, #tpu.memory_space<vmem>>, %arg7: memref<1000x128xf32, #tpu.memory_space<vmem>>, %arg8: memref<1000x128xf32, #tpu.memory_space<vmem>>, %arg9: memref<1000x128xf32, #tpu.memory_space<vmem>>, %arg10: memref<1000x128xf32, #tpu.memory_space<vmem>>) attributes {dimension_semantics = [#tpu.dimension_semantics<arbitrary>], iteration_bounds = array<i64: 10>, scalar_prefetch = 0 : i64, scratch_operands = 0 : i64, tpu.core_type = #tpu.core_type<tc>, window_params = [{transform_indices = @transform_0, window_bounds = array<i64: 1000, 128>}, {transform_indices = @transform_1, window_bounds = array<i64: 1, 1000, 128>}, {transform_indices = @transform_2, window_bounds = array<i64: 1, 1000, 128>}, {transform_indices = @transform_3, window_bounds = array<i64: 1000, 128>}, {pipeline_mode = #tpu.pipeline_mode<synchronous>, transform_indices = @transform_4, window_bounds = array<i64: 128, 384>}, {pipeline_mode = #tpu.pipeline_mode<synchronous>, transform_indices = @transform_5, window_bounds = array<i64: 128, 384>}, {transform_indices = @transform_6, window_bounds = array<i64: 1000, 128>}, {transform_indices = @transform_7, window_bounds = array<i64: 1000, 128>}, {transform_indices = @transform_8, window_bounds = array<i64: 1000, 128>}, {transform_indices = @transform_9, window_bounds = array<i64: 1000, 128>}]} {
    %get3A = arith.constant 0 : index
    %get3A_0 = arith.constant 0 : index
    %get3A_1 = vector.load %arg4[%get3A, %get3A_0] : memref<1000x128xf32, #tpu.memory_space<vmem>>, vector<1000x128xf32>
    %get3A_2 = arith.constant 0 : index
    %get3A_3 = arith.constant 0 : index
    %get3A_4 = arith.constant 0 : index
    %get3A_5 = vector.load %arg2[%get3A_2, %get3A_3, %get3A_4] : memref<1x1000x128xf32, #tpu.memory_space<vmem>>, vector<1x1000x128xf32>
    %get3A_6 = vector.shape_cast %get3A_5 : vector<1x1000x128xf32> to vector<1000x128xf32>
    %get3A_7 = arith.constant 0 : index
    %get3A_8 = arith.constant 0 : index
    %get3A_9 = arith.constant 0 : index
    %get3A_10 = vector.load %arg3[%get3A_7, %get3A_8, %get3A_9] : memref<1x1000x128xf32, #tpu.memory_space<vmem>>, vector<1x1000x128xf32>
    %get3A_11 = vector.shape_cast %get3A_10 : vector<1x1000x128xf32> to vector<1000x128xf32>
    %add3A = arith.addf %get3A_6, %get3A_11 : vector<1000x128xf32>
    %mul3A = arith.mulf %get3A_1, %add3A : vector<1000x128xf32>
    %get3A_12 = arith.constant 0 : index
    %get3A_13 = arith.constant 0 : index
    %get3A_14 = vector.load %arg1[%get3A_12, %get3A_13] : memref<1000x128xf32, #tpu.memory_space<vmem>>, vector<1000x128xf32>
    %get3A_15 = arith.constant 0 : index
    %get3A_16 = arith.constant 0 : index
    %get3A_17 = vector.load %arg5[%get3A_15, %get3A_16] : memref<128x384xf32, #tpu.memory_space<vmem>>, vector<128x384xf32>
    %dot_general3A = arith.constant dense<0.000000e+00> : vector<1000x384xf32>
    %dot_general3A_18 = tpu.matmul %get3A_14, %get3A_17, %dot_general3A {dimension_numbers = #tpu.dot_dimension_numbers<[1], [0], [0], [1], [0, 0, 1, 1], [], []>, transpose_lhs_hint = false} : vector<1000x128xf32>, vector<128x384xf32>, vector<1000x384xf32> -> vector<1000x384xf32>
    %get3A_19 = arith.constant 0 : index
    %get3A_20 = arith.constant 0 : index
    %get3A_21 = vector.load %arg6[%get3A_19, %get3A_20] : memref<128x384xf32, #tpu.memory_space<vmem>>, vector<128x384xf32>
    %dot_general3A_22 = arith.constant dense<0.000000e+00> : vector<1000x384xf32>
    %dot_general3A_23 = tpu.matmul %mul3A, %get3A_21, %dot_general3A_22 {dimension_numbers = #tpu.dot_dimension_numbers<[1], [0], [0], [1], [0, 0, 1, 1], [], []>, transpose_lhs_hint = false} : vector<1000x128xf32>, vector<128x384xf32>, vector<1000x384xf32> -> vector<1000x384xf32>
    %slice3A = vector.extract_strided_slice %dot_general3A_18 {offsets = [0, 0], sizes = [1000, 128], strides = [1, 1]} : vector<1000x384xf32> to vector<1000x128xf32>
    %slice3A_24 = vector.extract_strided_slice %dot_general3A_23 {offsets = [0, 0], sizes = [1000, 128], strides = [1, 1]} : vector<1000x384xf32> to vector<1000x128xf32>
    %add3A_25 = arith.addf %slice3A, %slice3A_24 : vector<1000x128xf32>
    %logistic3A = arith.negf %add3A_25 : vector<1000x128xf32>
    %logistic3A_26 = math.exp %logistic3A : vector<1000x128xf32>
    %logistic3A_27 = arith.constant 1.000000e+00 : f32
    %logistic3A_28 = vector.broadcast %logistic3A_27 : f32 to vector<1000x128xf32>
    %logistic3A_29 = arith.addf %logistic3A_28, %logistic3A_26 : vector<1000x128xf32>
    %logistic3A_30 = arith.divf %logistic3A_28, %logistic3A_29 : vector<1000x128xf32>
    %slice3A_31 = vector.extract_strided_slice %dot_general3A_18 {offsets = [0, 128], sizes = [1000, 128], strides = [1, 1]} : vector<1000x384xf32> to vector<1000x128xf32>
    %slice3A_32 = vector.extract_strided_slice %dot_general3A_23 {offsets = [0, 128], sizes = [1000, 128], strides = [1, 1]} : vector<1000x384xf32> to vector<1000x128xf32>
    %add3A_33 = arith.addf %slice3A_31, %slice3A_32 : vector<1000x128xf32>
    %logistic3A_34 = arith.negf %add3A_33 : vector<1000x128xf32>
    %logistic3A_35 = math.exp %logistic3A_34 : vector<1000x128xf32>
    %logistic3A_36 = arith.constant 1.000000e+00 : f32
    %logistic3A_37 = vector.broadcast %logistic3A_36 : f32 to vector<1000x128xf32>
    %logistic3A_38 = arith.addf %logistic3A_37, %logistic3A_35 : vector<1000x128xf32>
    %logistic3A_39 = arith.divf %logistic3A_37, %logistic3A_38 : vector<1000x128xf32>
    %slice3A_40 = vector.extract_strided_slice %dot_general3A_18 {offsets = [0, 256], sizes = [1000, 128], strides = [1, 1]} : vector<1000x384xf32> to vector<1000x128xf32>
    %slice3A_41 = vector.extract_strided_slice %dot_general3A_23 {offsets = [0, 256], sizes = [1000, 128], strides = [1, 1]} : vector<1000x384xf32> to vector<1000x128xf32>
    %mul3A_42 = arith.mulf %logistic3A_30, %slice3A_41 : vector<1000x128xf32>
    %add3A_43 = arith.addf %slice3A_40, %mul3A_42 : vector<1000x128xf32>
    %tanh3A = math.tanh %add3A_43 : vector<1000x128xf32>
    %sub3A = arith.constant 1.000000e+00 : f32
    %sub3A_44 = vector.broadcast %sub3A : f32 to vector<1000x128xf32>
    %sub3A_45 = arith.subf %sub3A_44, %logistic3A_39 : vector<1000x128xf32>
    %mul3A_46 = arith.mulf %sub3A_45, %tanh3A : vector<1000x128xf32>
    %mul3A_47 = arith.mulf %logistic3A_39, %mul3A : vector<1000x128xf32>
    %add3A_48 = arith.addf %mul3A_46, %mul3A_47 : vector<1000x128xf32>
    %mul3A_49 = arith.mulf %add3A_48, %add3A_48 : vector<1000x128xf32>
    %reduce_sum3A = arith.constant dense<0.000000e+00> : vector<1000xf32>
    %reduce_sum3A_50 = vector.multi_reduction <add>, %mul3A_49, %reduce_sum3A [1] : vector<1000x128xf32> to vector<1000xf32>
    %broadcast_in_dim3A = vector.shape_cast %reduce_sum3A_50 : vector<1000xf32> to vector<1000x1xf32>
    %max3A = arith.constant 1.000000e-24 : f32
    %max3A_51 = vector.broadcast %max3A : f32 to vector<1000x1xf32>
    %max3A_52 = arith.maximumf %broadcast_in_dim3A, %max3A_51 : vector<1000x1xf32>
    %rsqrt3A = math.rsqrt %max3A_52 : vector<1000x1xf32>
    %mul3A_53 = vector.broadcast %rsqrt3A : vector<1000x1xf32> to vector<1000x128xf32>
    %mul3A_54 = arith.mulf %add3A_48, %mul3A_53 : vector<1000x128xf32>
    %swap3A = arith.constant 0 : index
    %swap3A_55 = arith.constant 0 : index
    %swap3A_56 = vector.load %arg8[%swap3A, %swap3A_55] : memref<1000x128xf32, #tpu.memory_space<vmem>>, vector<1000x128xf32>
    tpu.vector_store %arg8[%swap3A, %swap3A_55], %mul3A_54 {strides = array<i32>} : memref<1000x128xf32, #tpu.memory_space<vmem>>, vector<1000x128xf32>,
    %mul3A_57 = arith.mulf %get3A_1, %mul3A_54 : vector<1000x128xf32>
    %swap3A_58 = arith.constant 0 : index
    %swap3A_59 = arith.constant 0 : index
    %swap3A_60 = vector.load %arg9[%swap3A_58, %swap3A_59] : memref<1000x128xf32, #tpu.memory_space<vmem>>, vector<1000x128xf32>
    tpu.vector_store %arg9[%swap3A_58, %swap3A_59], %mul3A_57 {strides = array<i32>} : memref<1000x128xf32, #tpu.memory_space<vmem>>, vector<1000x128xf32>,
    %get3A_61 = arith.constant 0 : index
    %get3A_62 = arith.constant 0 : index
    %get3A_63 = vector.load %arg7[%get3A_61, %get3A_62] : memref<1000x128xf32, #tpu.memory_space<vmem>>, vector<1000x128xf32>
    %max3A_64 = arith.maximumf %get3A_63, %mul3A_54 : vector<1000x128xf32>
    %swap3A_65 = arith.constant 0 : index
    %swap3A_66 = arith.constant 0 : index
    %swap3A_67 = vector.load %arg10[%swap3A_65, %swap3A_66] : memref<1000x128xf32, #tpu.memory_space<vmem>>, vector<1000x128xf32>
    tpu.vector_store %arg10[%swap3A_65, %swap3A_66], %max3A_64 {strides = array<i32>} : memref<1000x128xf32, #tpu.memory_space<vmem>>, vector<1000x128xf32>,
    return
  }
  func.func @transform_0(%arg0: i32) -> (i32, i32) {
    %c0_i32 = arith.constant 0 : i32
    %c0_i32_0 = arith.constant 0 : i32
    return %arg0, %c0_i32 : i32, i32
  }
  func.func @transform_1(%arg0: i32) -> (i32, i32, i32) {
    %c0_i32 = arith.constant 0 : i32
    %c0_i32_0 = arith.constant 0 : i32
    %c0_i32_1 = arith.constant 0 : i32
    return %c0_i32, %arg0, %c0_i32_0 : i32, i32, i32
  }
  func.func @transform_2(%arg0: i32) -> (i32, i32, i32) {
    %c1_i32 = arith.constant 1 : i32
    %c0_i32 = arith.constant 0 : i32
    %c0_i32_0 = arith.constant 0 : i32
    return %c1_i32, %arg0, %c0_i32 : i32, i32, i32
  }
  func.func @transform_3(%arg0: i32) -> (i32, i32) {
    %c0_i32 = arith.constant 0 : i32
    %c0_i32_0 = arith.constant 0 : i32
    return %arg0, %c0_i32 : i32, i32
  }
  func.func @transform_4(%arg0: i32) -> (i32, i32) {
    %c0_i32 = arith.constant 0 : i32
    %c0_i32_0 = arith.constant 0 : i32
    %c0_i32_1 = arith.constant 0 : i32
    return %c0_i32, %c0_i32_0 : i32, i32
  }
  func.func @transform_5(%arg0: i32) -> (i32, i32) {
    %c0_i32 = arith.constant 0 : i32
    %c0_i32_0 = arith.constant 0 : i32
    %c0_i32_1 = arith.constant 0 : i32
    return %c0_i32, %c0_i32_0 : i32, i32
  }
  func.func @transform_6(%arg0: i32) -> (i32, i32) {
    %c0_i32 = arith.constant 0 : i32
    %c0_i32_0 = arith.constant 0 : i32
    return %arg0, %c0_i32 : i32, i32
  }
  func.func @transform_7(%arg0: i32) -> (i32, i32) {
    %c0_i32 = arith.constant 0 : i32
    %c0_i32_0 = arith.constant 0 : i32
    return %arg0, %c0_i32 : i32, i32
  }
  func.func @transform_8(%arg0: i32) -> (i32, i32) {
    %c0_i32 = arith.constant 0 : i32
    %c0_i32_0 = arith.constant 0 : i32
    return %arg0, %c0_i32 : i32, i32
  }
  func.func @transform_9(%arg0: i32) -> (i32, i32) {
    %c0_i32 = arith.constant 0 : i32
    %c0_i32_0 = arith.constant 0 : i32
    return %arg0, %c0_i32 : i32, i32
  }
}

module attributes {stable_mosaic.version = 14 : i64} {
  func.func @_tc_gru_body(%arg0: i32, %arg1: memref<1000x128xf32, #tpu.memory_space<vmem>>, %arg2: memref<1x1000x128xf32, #tpu.memory_space<vmem>>, %arg3: memref<1x1000x128xf32, #tpu.memory_space<vmem>>, %arg4: memref<1000x128xf32, #tpu.memory_space<vmem>>, %arg5: memref<128x384xf32, #tpu.memory_space<vmem>>, %arg6: memref<128x384xf32, #tpu.memory_space<vmem>>, %arg7: memref<1000x128xf32, #tpu.memory_space<vmem>>, %arg8: memref<1000x128xf32, #tpu.memory_space<vmem>>, %arg9: memref<1000x128xf32, #tpu.memory_space<vmem>>, %arg10: memref<1000x128xf32, #tpu.memory_space<vmem>>) attributes {dimension_semantics = [#tpu.dimension_semantics<arbitrary>], iteration_bounds = array<i64: 10>, scalar_prefetch = 0 : i64, scratch_operands = 0 : i64, tpu.core_type = #tpu.core_type<tc>, window_params = [{transform_indices = @transform_0, window_bounds = array<i64: 1000, 128>}, {transform_indices = @transform_1, window_bounds = array<i64: 1, 1000, 128>}, {transform_indices = @transform_2, window_bounds = array<i64: 1, 1000, 128>}, {transform_indices = @transform_3, window_bounds = array<i64: 1000, 128>}, {pipeline_mode = #tpu.pipeline_mode<synchronous>, transform_indices = @transform_4, window_bounds = array<i64: 128, 384>}, {pipeline_mode = #tpu.pipeline_mode<synchronous>, transform_indices = @transform_5, window_bounds = array<i64: 128, 384>}, {transform_indices = @transform_6, window_bounds = array<i64: 1000, 128>}, {transform_indices = @transform_7, window_bounds = array<i64: 1000, 128>}, {transform_indices = @transform_8, window_bounds = array<i64: 1000, 128>}, {transform_indices = @transform_9, window_bounds = array<i64: 1000, 128>}]} {
    %get3A = arith.constant 0 : index
    %get3A_0 = arith.constant 0 : index
    %get3A_1 = vector.load %arg4[%get3A, %get3A_0] : memref<1000x128xf32, #tpu.memory_space<vmem>>, vector<1000x128xf32>
    %get3A_2 = arith.constant 0 : index
    %get3A_3 = arith.constant 0 : index
    %get3A_4 = arith.constant 0 : index
    %get3A_5 = vector.load %arg2[%get3A_2, %get3A_3, %get3A_4] : memref<1x1000x128xf32, #tpu.memory_space<vmem>>, vector<1x1000x128xf32>
    %get3A_6 = vector.shape_cast %get3A_5 : vector<1x1000x128xf32> to vector<1000x128xf32>
    %get3A_7 = arith.constant 0 : index
    %get3A_8 = arith.constant 0 : index
    %get3A_9 = arith.constant 0 : index
    %get3A_10 = vector.load %arg3[%get3A_7, %get3A_8, %get3A_9] : memref<1x1000x128xf32, #tpu.memory_space<vmem>>, vector<1x1000x128xf32>
    %get3A_11 = vector.shape_cast %get3A_10 : vector<1x1000x128xf32> to vector<1000x128xf32>
    %add3A = arith.addf %get3A_6, %get3A_11 : vector<1000x128xf32>
    %mul3A = arith.mulf %get3A_1, %add3A : vector<1000x128xf32>
    %get3A_12 = arith.constant 0 : index
    %get3A_13 = arith.constant 0 : index
    %get3A_14 = vector.load %arg1[%get3A_12, %get3A_13] : memref<1000x128xf32, #tpu.memory_space<vmem>>, vector<1000x128xf32>
    %get3A_15 = arith.constant 0 : index
    %get3A_16 = arith.constant 0 : index
    %get3A_17 = vector.load %arg5[%get3A_15, %get3A_16] : memref<128x384xf32, #tpu.memory_space<vmem>>, vector<128x384xf32>
    %dot_general3A = arith.constant dense<0.000000e+00> : vector<1000x384xf32>
    %dot_general3A_18 = tpu.matmul %get3A_14, %get3A_17, %dot_general3A {dimension_numbers = #tpu.dot_dimension_numbers<[1], [0], [0], [1], [0, 0, 1, 1], [], []>, transpose_lhs_hint = false} : vector<1000x128xf32>, vector<128x384xf32>, vector<1000x384xf32> -> vector<1000x384xf32>
    %get3A_19 = arith.constant 0 : index
    %get3A_20 = arith.constant 0 : index
    %get3A_21 = vector.load %arg6[%get3A_19, %get3A_20] : memref<128x384xf32, #tpu.memory_space<vmem>>, vector<128x384xf32>
    %dot_general3A_22 = arith.constant dense<0.000000e+00> : vector<1000x384xf32>
    %dot_general3A_23 = tpu.matmul %mul3A, %get3A_21, %dot_general3A_22 {dimension_numbers = #tpu.dot_dimension_numbers<[1], [0], [0], [1], [0, 0, 1, 1], [], []>, transpose_lhs_hint = false} : vector<1000x128xf32>, vector<128x384xf32>, vector<1000x384xf32> -> vector<1000x384xf32>
    %slice3A = vector.extract_strided_slice %dot_general3A_18 {offsets = [0, 0], sizes = [1000, 128], strides = [1, 1]} : vector<1000x384xf32> to vector<1000x128xf32>
    %slice3A_24 = vector.extract_strided_slice %dot_general3A_23 {offsets = [0, 0], sizes = [1000, 128], strides = [1, 1]} : vector<1000x384xf32> to vector<1000x128xf32>
    %add3A_25 = arith.addf %slice3A, %slice3A_24 : vector<1000x128xf32>
    %logistic3A = arith.negf %add3A_25 : vector<1000x128xf32>
    %logistic3A_26 = math.exp %logistic3A : vector<1000x128xf32>
    %logistic3A_27 = arith.constant 1.000000e+00 : f32
    %logistic3A_28 = vector.broadcast %logistic3A_27 : f32 to vector<1000x128xf32>
    %logistic3A_29 = arith.addf %logistic3A_28, %logistic3A_26 : vector<1000x128xf32>
    %logistic3A_30 = arith.divf %logistic3A_28, %logistic3A_29 : vector<1000x128xf32>
    %slice3A_31 = vector.extract_strided_slice %dot_general3A_18 {offsets = [0, 128], sizes = [1000, 128], strides = [1, 1]} : vector<1000x384xf32> to vector<1000x128xf32>
    %slice3A_32 = vector.extract_strided_slice %dot_general3A_23 {offsets = [0, 128], sizes = [1000, 128], strides = [1, 1]} : vector<1000x384xf32> to vector<1000x128xf32>
    %add3A_33 = arith.addf %slice3A_31, %slice3A_32 : vector<1000x128xf32>
    %logistic3A_34 = arith.negf %add3A_33 : vector<1000x128xf32>
    %logistic3A_35 = math.exp %logistic3A_34 : vector<1000x128xf32>
    %logistic3A_36 = arith.constant 1.000000e+00 : f32
    %logistic3A_37 = vector.broadcast %logistic3A_36 : f32 to vector<1000x128xf32>
    %logistic3A_38 = arith.addf %logistic3A_37, %logistic3A_35 : vector<1000x128xf32>
    %logistic3A_39 = arith.divf %logistic3A_37, %logistic3A_38 : vector<1000x128xf32>
    %slice3A_40 = vector.extract_strided_slice %dot_general3A_18 {offsets = [0, 256], sizes = [1000, 128], strides = [1, 1]} : vector<1000x384xf32> to vector<1000x128xf32>
    %slice3A_41 = vector.extract_strided_slice %dot_general3A_23 {offsets = [0, 256], sizes = [1000, 128], strides = [1, 1]} : vector<1000x384xf32> to vector<1000x128xf32>
    %mul3A_42 = arith.mulf %logistic3A_30, %slice3A_41 : vector<1000x128xf32>
    %add3A_43 = arith.addf %slice3A_40, %mul3A_42 : vector<1000x128xf32>
    %tanh3A = math.tanh %add3A_43 : vector<1000x128xf32>
    %sub3A = arith.constant 1.000000e+00 : f32
    %sub3A_44 = vector.broadcast %sub3A : f32 to vector<1000x128xf32>
    %sub3A_45 = arith.subf %sub3A_44, %logistic3A_39 : vector<1000x128xf32>
    %mul3A_46 = arith.mulf %sub3A_45, %tanh3A : vector<1000x128xf32>
    %mul3A_47 = arith.mulf %logistic3A_39, %mul3A : vector<1000x128xf32>
    %add3A_48 = arith.addf %mul3A_46, %mul3A_47 : vector<1000x128xf32>
    %mul3A_49 = arith.mulf %add3A_48, %add3A_48 : vector<1000x128xf32>
    %reduce_sum3A = arith.constant dense<0.000000e+00> : vector<1000xf32>
    %reduce_sum3A_50 = vector.multi_reduction <add>, %mul3A_49, %reduce_sum3A [1] : vector<1000x128xf32> to vector<1000xf32>
    %broadcast_in_dim3A = vector.shape_cast %reduce_sum3A_50 : vector<1000xf32> to vector<1000x1xf32>
    %max3A = arith.constant 1.000000e-24 : f32
    %max3A_51 = vector.broadcast %max3A : f32 to vector<1000x1xf32>
    %max3A_52 = arith.maximumf %broadcast_in_dim3A, %max3A_51 : vector<1000x1xf32>
    %rsqrt3A = math.rsqrt %max3A_52 : vector<1000x1xf32>
    %mul3A_53 = vector.broadcast %rsqrt3A : vector<1000x1xf32> to vector<1000x128xf32>
    %mul3A_54 = arith.mulf %add3A_48, %mul3A_53 : vector<1000x128xf32>
    %swap3A = arith.constant 0 : index
    %swap3A_55 = arith.constant 0 : index
    %swap3A_56 = vector.load %arg8[%swap3A, %swap3A_55] : memref<1000x128xf32, #tpu.memory_space<vmem>>, vector<1000x128xf32>
    tpu.vector_store %arg8[%swap3A, %swap3A_55], %mul3A_54 {strides = array<i32>} : memref<1000x128xf32, #tpu.memory_space<vmem>>, vector<1000x128xf32>,
    %mul3A_57 = arith.mulf %get3A_1, %mul3A_54 : vector<1000x128xf32>
    %swap3A_58 = arith.constant 0 : index
    %swap3A_59 = arith.constant 0 : index
    %swap3A_60 = vector.load %arg9[%swap3A_58, %swap3A_59] : memref<1000x128xf32, #tpu.memory_space<vmem>>, vector<1000x128xf32>
    tpu.vector_store %arg9[%swap3A_58, %swap3A_59], %mul3A_57 {strides = array<i32>} : memref<1000x128xf32, #tpu.memory_space<vmem>>, vector<1000x128xf32>,
    %get3A_61 = arith.constant 0 : index
    %get3A_62 = arith.constant 0 : index
    %get3A_63 = vector.load %arg7[%get3A_61, %get3A_62] : memref<1000x128xf32, #tpu.memory_space<vmem>>, vector<1000x128xf32>
    %max3A_64 = arith.maximumf %get3A_63, %mul3A_54 : vector<1000x128xf32>
    %swap3A_65 = arith.constant 0 : index
    %swap3A_66 = arith.constant 0 : index
    %swap3A_67 = vector.load %arg10[%swap3A_65, %swap3A_66] : memref<1000x128xf32, #tpu.memory_space<vmem>>, vector<1000x128xf32>
    tpu.vector_store %arg10[%swap3A_65, %swap3A_66], %max3A_64 {strides = array<i32>} : memref<1000x128xf32, #tpu.memory_space<vmem>>, vector<1000x128xf32>,
    return
  }
  func.func @transform_0(%arg0: i32) -> (i32, i32) {
    %c0_i32 = arith.constant 0 : i32
    %c0_i32_0 = arith.constant 0 : i32
    return %arg0, %c0_i32 : i32, i32
  }
  func.func @transform_1(%arg0: i32) -> (i32, i32, i32) {
    %c0_i32 = arith.constant 0 : i32
    %c0_i32_0 = arith.constant 0 : i32
    %c0_i32_1 = arith.constant 0 : i32
    return %c0_i32, %arg0, %c0_i32_0 : i32, i32, i32
  }
  func.func @transform_2(%arg0: i32) -> (i32, i32, i32) {
    %c1_i32 = arith.constant 1 : i32
    %c0_i32 = arith.constant 0 : i32
    %c0_i32_0 = arith.constant 0 : i32
    return %c1_i32, %arg0, %c0_i32 : i32, i32, i32
  }
  func.func @transform_3(%arg0: i32) -> (i32, i32) {
    %c0_i32 = arith.constant 0 : i32
    %c0_i32_0 = arith.constant 0 : i32
    return %arg0, %c0_i32 : i32, i32
  }
  func.func @transform_4(%arg0: i32) -> (i32, i32) {
    %c0_i32 = arith.constant 0 : i32
    %c0_i32_0 = arith.constant 0 : i32
    %c0_i32_1 = arith.constant 0 : i32
    return %c0_i32, %c0_i32_0 : i32, i32
  }
  func.func @transform_5(%arg0: i32) -> (i32, i32) {
    %c0_i32 = arith.constant 0 : i32
    %c0_i32_0 = arith.constant 0 : i32
    %c0_i32_1 = arith.constant 0 : i32
    return %c0_i32, %c0_i32_0 : i32, i32
  }
  func.func @transform_6(%arg0: i32) -> (i32, i32) {
    %c0_i32 = arith.constant 0 : i32
    %c0_i32_0 = arith.constant 0 : i32
    return %arg0, %c0_i32 : i32, i32
  }
  func.func @transform_7(%arg0: i32) -> (i32, i32) {
    %c0_i32 = arith.constant 0 : i32
    %c0_i32_0 = arith.constant 0 : i32
    return %arg0, %c0_i32 : i32, i32
  }
  func.func @transform_8(%arg0: i32) -> (i32, i32) {
    %c0_i32 = arith.constant 0 : i32
    %c0_i32_0 = arith.constant 0 : i32
    return %arg0, %c0_i32 : i32, i32
  }
  func.func @transform_9(%arg0: i32) -> (i32, i32) {
    %c0_i32 = arith.constant 0 : i32
    %c0_i32_0 = arith.constant 0 : i32
    return %arg0, %c0_i32 : i32, i32
  }
}

module attributes {stable_mosaic.version = 14 : i64} {
  func.func @_tc_gru_body(%arg0: i32, %arg1: memref<1000x128xf32, #tpu.memory_space<vmem>>, %arg2: memref<1x1000x128xf32, #tpu.memory_space<vmem>>, %arg3: memref<1x1000x128xf32, #tpu.memory_space<vmem>>, %arg4: memref<1000x128xf32, #tpu.memory_space<vmem>>, %arg5: memref<128x384xf32, #tpu.memory_space<vmem>>, %arg6: memref<128x384xf32, #tpu.memory_space<vmem>>, %arg7: memref<1000x128xf32, #tpu.memory_space<vmem>>, %arg8: memref<1000x128xf32, #tpu.memory_space<vmem>>, %arg9: memref<1000x128xf32, #tpu.memory_space<vmem>>, %arg10: memref<1000x128xf32, #tpu.memory_space<vmem>>) attributes {dimension_semantics = [#tpu.dimension_semantics<arbitrary>], iteration_bounds = array<i64: 10>, scalar_prefetch = 0 : i64, scratch_operands = 0 : i64, tpu.core_type = #tpu.core_type<tc>, window_params = [{transform_indices = @transform_0, window_bounds = array<i64: 1000, 128>}, {transform_indices = @transform_1, window_bounds = array<i64: 1, 1000, 128>}, {transform_indices = @transform_2, window_bounds = array<i64: 1, 1000, 128>}, {transform_indices = @transform_3, window_bounds = array<i64: 1000, 128>}, {pipeline_mode = #tpu.pipeline_mode<synchronous>, transform_indices = @transform_4, window_bounds = array<i64: 128, 384>}, {pipeline_mode = #tpu.pipeline_mode<synchronous>, transform_indices = @transform_5, window_bounds = array<i64: 128, 384>}, {transform_indices = @transform_6, window_bounds = array<i64: 1000, 128>}, {transform_indices = @transform_7, window_bounds = array<i64: 1000, 128>}, {transform_indices = @transform_8, window_bounds = array<i64: 1000, 128>}, {transform_indices = @transform_9, window_bounds = array<i64: 1000, 128>}]} {
    %get3A = arith.constant 0 : index
    %get3A_0 = arith.constant 0 : index
    %get3A_1 = vector.load %arg4[%get3A, %get3A_0] : memref<1000x128xf32, #tpu.memory_space<vmem>>, vector<1000x128xf32>
    %get3A_2 = arith.constant 0 : index
    %get3A_3 = arith.constant 0 : index
    %get3A_4 = arith.constant 0 : index
    %get3A_5 = vector.load %arg2[%get3A_2, %get3A_3, %get3A_4] : memref<1x1000x128xf32, #tpu.memory_space<vmem>>, vector<1x1000x128xf32>
    %get3A_6 = vector.shape_cast %get3A_5 : vector<1x1000x128xf32> to vector<1000x128xf32>
    %get3A_7 = arith.constant 0 : index
    %get3A_8 = arith.constant 0 : index
    %get3A_9 = arith.constant 0 : index
    %get3A_10 = vector.load %arg3[%get3A_7, %get3A_8, %get3A_9] : memref<1x1000x128xf32, #tpu.memory_space<vmem>>, vector<1x1000x128xf32>
    %get3A_11 = vector.shape_cast %get3A_10 : vector<1x1000x128xf32> to vector<1000x128xf32>
    %add3A = arith.addf %get3A_6, %get3A_11 : vector<1000x128xf32>
    %mul3A = arith.mulf %get3A_1, %add3A : vector<1000x128xf32>
    %get3A_12 = arith.constant 0 : index
    %get3A_13 = arith.constant 0 : index
    %get3A_14 = vector.load %arg1[%get3A_12, %get3A_13] : memref<1000x128xf32, #tpu.memory_space<vmem>>, vector<1000x128xf32>
    %get3A_15 = arith.constant 0 : index
    %get3A_16 = arith.constant 0 : index
    %get3A_17 = vector.load %arg5[%get3A_15, %get3A_16] : memref<128x384xf32, #tpu.memory_space<vmem>>, vector<128x384xf32>
    %dot_general3A = arith.constant dense<0.000000e+00> : vector<1000x384xf32>
    %dot_general3A_18 = tpu.matmul %get3A_14, %get3A_17, %dot_general3A {dimension_numbers = #tpu.dot_dimension_numbers<[1], [0], [0], [1], [0, 0, 1, 1], [], []>, transpose_lhs_hint = false} : vector<1000x128xf32>, vector<128x384xf32>, vector<1000x384xf32> -> vector<1000x384xf32>
    %get3A_19 = arith.constant 0 : index
    %get3A_20 = arith.constant 0 : index
    %get3A_21 = vector.load %arg6[%get3A_19, %get3A_20] : memref<128x384xf32, #tpu.memory_space<vmem>>, vector<128x384xf32>
    %dot_general3A_22 = arith.constant dense<0.000000e+00> : vector<1000x384xf32>
    %dot_general3A_23 = tpu.matmul %mul3A, %get3A_21, %dot_general3A_22 {dimension_numbers = #tpu.dot_dimension_numbers<[1], [0], [0], [1], [0, 0, 1, 1], [], []>, transpose_lhs_hint = false} : vector<1000x128xf32>, vector<128x384xf32>, vector<1000x384xf32> -> vector<1000x384xf32>
    %slice3A = vector.extract_strided_slice %dot_general3A_18 {offsets = [0, 0], sizes = [1000, 128], strides = [1, 1]} : vector<1000x384xf32> to vector<1000x128xf32>
    %slice3A_24 = vector.extract_strided_slice %dot_general3A_23 {offsets = [0, 0], sizes = [1000, 128], strides = [1, 1]} : vector<1000x384xf32> to vector<1000x128xf32>
    %add3A_25 = arith.addf %slice3A, %slice3A_24 : vector<1000x128xf32>
    %logistic3A = arith.negf %add3A_25 : vector<1000x128xf32>
    %logistic3A_26 = math.exp %logistic3A : vector<1000x128xf32>
    %logistic3A_27 = arith.constant 1.000000e+00 : f32
    %logistic3A_28 = vector.broadcast %logistic3A_27 : f32 to vector<1000x128xf32>
    %logistic3A_29 = arith.addf %logistic3A_28, %logistic3A_26 : vector<1000x128xf32>
    %logistic3A_30 = arith.divf %logistic3A_28, %logistic3A_29 : vector<1000x128xf32>
    %slice3A_31 = vector.extract_strided_slice %dot_general3A_18 {offsets = [0, 128], sizes = [1000, 128], strides = [1, 1]} : vector<1000x384xf32> to vector<1000x128xf32>
    %slice3A_32 = vector.extract_strided_slice %dot_general3A_23 {offsets = [0, 128], sizes = [1000, 128], strides = [1, 1]} : vector<1000x384xf32> to vector<1000x128xf32>
    %add3A_33 = arith.addf %slice3A_31, %slice3A_32 : vector<1000x128xf32>
    %logistic3A_34 = arith.negf %add3A_33 : vector<1000x128xf32>
    %logistic3A_35 = math.exp %logistic3A_34 : vector<1000x128xf32>
    %logistic3A_36 = arith.constant 1.000000e+00 : f32
    %logistic3A_37 = vector.broadcast %logistic3A_36 : f32 to vector<1000x128xf32>
    %logistic3A_38 = arith.addf %logistic3A_37, %logistic3A_35 : vector<1000x128xf32>
    %logistic3A_39 = arith.divf %logistic3A_37, %logistic3A_38 : vector<1000x128xf32>
    %slice3A_40 = vector.extract_strided_slice %dot_general3A_18 {offsets = [0, 256], sizes = [1000, 128], strides = [1, 1]} : vector<1000x384xf32> to vector<1000x128xf32>
    %slice3A_41 = vector.extract_strided_slice %dot_general3A_23 {offsets = [0, 256], sizes = [1000, 128], strides = [1, 1]} : vector<1000x384xf32> to vector<1000x128xf32>
    %mul3A_42 = arith.mulf %logistic3A_30, %slice3A_41 : vector<1000x128xf32>
    %add3A_43 = arith.addf %slice3A_40, %mul3A_42 : vector<1000x128xf32>
    %tanh3A = math.tanh %add3A_43 : vector<1000x128xf32>
    %sub3A = arith.constant 1.000000e+00 : f32
    %sub3A_44 = vector.broadcast %sub3A : f32 to vector<1000x128xf32>
    %sub3A_45 = arith.subf %sub3A_44, %logistic3A_39 : vector<1000x128xf32>
    %mul3A_46 = arith.mulf %sub3A_45, %tanh3A : vector<1000x128xf32>
    %mul3A_47 = arith.mulf %logistic3A_39, %mul3A : vector<1000x128xf32>
    %add3A_48 = arith.addf %mul3A_46, %mul3A_47 : vector<1000x128xf32>
    %mul3A_49 = arith.mulf %add3A_48, %add3A_48 : vector<1000x128xf32>
    %reduce_sum3A = arith.constant dense<0.000000e+00> : vector<1000xf32>
    %reduce_sum3A_50 = vector.multi_reduction <add>, %mul3A_49, %reduce_sum3A [1] : vector<1000x128xf32> to vector<1000xf32>
    %broadcast_in_dim3A = vector.shape_cast %reduce_sum3A_50 : vector<1000xf32> to vector<1000x1xf32>
    %max3A = arith.constant 1.000000e-24 : f32
    %max3A_51 = vector.broadcast %max3A : f32 to vector<1000x1xf32>
    %max3A_52 = arith.maximumf %broadcast_in_dim3A, %max3A_51 : vector<1000x1xf32>
    %rsqrt3A = math.rsqrt %max3A_52 : vector<1000x1xf32>
    %mul3A_53 = vector.broadcast %rsqrt3A : vector<1000x1xf32> to vector<1000x128xf32>
    %mul3A_54 = arith.mulf %add3A_48, %mul3A_53 : vector<1000x128xf32>
    %swap3A = arith.constant 0 : index
    %swap3A_55 = arith.constant 0 : index
    %swap3A_56 = vector.load %arg8[%swap3A, %swap3A_55] : memref<1000x128xf32, #tpu.memory_space<vmem>>, vector<1000x128xf32>
    tpu.vector_store %arg8[%swap3A, %swap3A_55], %mul3A_54 {strides = array<i32>} : memref<1000x128xf32, #tpu.memory_space<vmem>>, vector<1000x128xf32>,
    %mul3A_57 = arith.mulf %get3A_1, %mul3A_54 : vector<1000x128xf32>
    %swap3A_58 = arith.constant 0 : index
    %swap3A_59 = arith.constant 0 : index
    %swap3A_60 = vector.load %arg9[%swap3A_58, %swap3A_59] : memref<1000x128xf32, #tpu.memory_space<vmem>>, vector<1000x128xf32>
    tpu.vector_store %arg9[%swap3A_58, %swap3A_59], %mul3A_57 {strides = array<i32>} : memref<1000x128xf32, #tpu.memory_space<vmem>>, vector<1000x128xf32>,
    %get3A_61 = arith.constant 0 : index
    %get3A_62 = arith.constant 0 : index
    %get3A_63 = vector.load %arg7[%get3A_61, %get3A_62] : memref<1000x128xf32, #tpu.memory_space<vmem>>, vector<1000x128xf32>
    %max3A_64 = arith.maximumf %get3A_63, %mul3A_54 : vector<1000x128xf32>
    %swap3A_65 = arith.constant 0 : index
    %swap3A_66 = arith.constant 0 : index
    %swap3A_67 = vector.load %arg10[%swap3A_65, %swap3A_66] : memref<1000x128xf32, #tpu.memory_space<vmem>>, vector<1000x128xf32>
    tpu.vector_store %arg10[%swap3A_65, %swap3A_66], %max3A_64 {strides = array<i32>} : memref<1000x128xf32, #tpu.memory_space<vmem>>, vector<1000x128xf32>,
    return
  }
  func.func @transform_0(%arg0: i32) -> (i32, i32) {
    %c0_i32 = arith.constant 0 : i32
    %c0_i32_0 = arith.constant 0 : i32
    return %arg0, %c0_i32 : i32, i32
  }
  func.func @transform_1(%arg0: i32) -> (i32, i32, i32) {
    %c0_i32 = arith.constant 0 : i32
    %c0_i32_0 = arith.constant 0 : i32
    %c0_i32_1 = arith.constant 0 : i32
    return %c0_i32, %arg0, %c0_i32_0 : i32, i32, i32
  }
  func.func @transform_2(%arg0: i32) -> (i32, i32, i32) {
    %c1_i32 = arith.constant 1 : i32
    %c0_i32 = arith.constant 0 : i32
    %c0_i32_0 = arith.constant 0 : i32
    return %c1_i32, %arg0, %c0_i32 : i32, i32, i32
  }
  func.func @transform_3(%arg0: i32) -> (i32, i32) {
    %c0_i32 = arith.constant 0 : i32
    %c0_i32_0 = arith.constant 0 : i32
    return %arg0, %c0_i32 : i32, i32
  }
  func.func @transform_4(%arg0: i32) -> (i32, i32) {
    %c0_i32 = arith.constant 0 : i32
    %c0_i32_0 = arith.constant 0 : i32
    %c0_i32_1 = arith.constant 0 : i32
    return %c0_i32, %c0_i32_0 : i32, i32
  }
  func.func @transform_5(%arg0: i32) -> (i32, i32) {
    %c0_i32 = arith.constant 0 : i32
    %c0_i32_0 = arith.constant 0 : i32
    %c0_i32_1 = arith.constant 0 : i32
    return %c0_i32, %c0_i32_0 : i32, i32
  }
  func.func @transform_6(%arg0: i32) -> (i32, i32) {
    %c0_i32 = arith.constant 0 : i32
    %c0_i32_0 = arith.constant 0 : i32
    return %arg0, %c0_i32 : i32, i32
  }
  func.func @transform_7(%arg0: i32) -> (i32, i32) {
    %c0_i32 = arith.constant 0 : i32
    %c0_i32_0 = arith.constant 0 : i32
    return %arg0, %c0_i32 : i32, i32
  }
  func.func @transform_8(%arg0: i32) -> (i32, i32) {
    %c0_i32 = arith.constant 0 : i32
    %c0_i32_0 = arith.constant 0 : i32
    return %arg0, %c0_i32 : i32, i32
  }
  func.func @transform_9(%arg0: i32) -> (i32, i32) {
    %c0_i32 = arith.constant 0 : i32
    %c0_i32_0 = arith.constant 0 : i32
    return %arg0, %c0_i32 : i32, i32
  }
}

module attributes {stable_mosaic.version = 14 : i64} {
  func.func @_tc_mlp_body(%arg0: i32, %arg1: memref<1000x128xf32, #tpu.memory_space<vmem>>, %arg2: memref<128x128xf32, #tpu.memory_space<vmem>>, %arg3: memref<1x128xf32, #tpu.memory_space<vmem>>, %arg4: memref<1x128xf32, #tpu.memory_space<vmem>>, %arg5: memref<1x128xf32, #tpu.memory_space<vmem>>, %arg6: memref<1x1x1000xf32, #tpu.memory_space<vmem>>, %arg7: memref<1x1x1000xf32, #tpu.memory_space<vmem>>, %arg8: memref<1000x128xf32, #tpu.memory_space<vmem>>) attributes {dimension_semantics = [#tpu.dimension_semantics<arbitrary>], iteration_bounds = array<i64: 10>, scalar_prefetch = 0 : i64, scratch_operands = 0 : i64, tpu.core_type = #tpu.core_type<tc>, window_params = [{transform_indices = @transform_0, window_bounds = array<i64: 1000, 128>}, {pipeline_mode = #tpu.pipeline_mode<synchronous>, transform_indices = @transform_1, window_bounds = array<i64: 128, 128>}, {pipeline_mode = #tpu.pipeline_mode<synchronous>, transform_indices = @transform_2, window_bounds = array<i64: 1, 128>}, {pipeline_mode = #tpu.pipeline_mode<synchronous>, transform_indices = @transform_3, window_bounds = array<i64: 1, 128>}, {pipeline_mode = #tpu.pipeline_mode<synchronous>, transform_indices = @transform_4, window_bounds = array<i64: 1, 128>}, {transform_indices = @transform_5, window_bounds = array<i64: 1, 1, 1000>}, {transform_indices = @transform_6, window_bounds = array<i64: 1, 1, 1000>}, {transform_indices = @transform_7, window_bounds = array<i64: 1000, 128>}]} {
    %get3A = arith.constant 0 : index
    %get3A_0 = arith.constant 0 : index
    %get3A_1 = vector.load %arg1[%get3A, %get3A_0] : memref<1000x128xf32, #tpu.memory_space<vmem>>, vector<1000x128xf32>
    %mul3A = arith.mulf %get3A_1, %get3A_1 : vector<1000x128xf32>
    %reduce_sum3A = arith.constant dense<0.000000e+00> : vector<1000xf32>
    %reduce_sum3A_2 = vector.multi_reduction <add>, %mul3A, %reduce_sum3A [1] : vector<1000x128xf32> to vector<1000xf32>
    %broadcast_in_dim3A = vector.shape_cast %reduce_sum3A_2 : vector<1000xf32> to vector<1000x1xf32>
    %max3A = arith.constant 1.000000e-24 : f32
    %max3A_3 = vector.broadcast %max3A : f32 to vector<1000x1xf32>
    %max3A_4 = arith.maximumf %broadcast_in_dim3A, %max3A_3 : vector<1000x1xf32>
    %rsqrt3A = math.rsqrt %max3A_4 : vector<1000x1xf32>
    %mul3A_5 = vector.broadcast %rsqrt3A : vector<1000x1xf32> to vector<1000x128xf32>
    %mul3A_6 = arith.mulf %get3A_1, %mul3A_5 : vector<1000x128xf32>
    %get3A_7 = arith.constant 0 : index
    %get3A_8 = arith.constant 0 : index
    %get3A_9 = vector.load %arg2[%get3A_7, %get3A_8] : memref<128x128xf32, #tpu.memory_space<vmem>>, vector<128x128xf32>
    %dot_general3A = arith.constant dense<0.000000e+00> : vector<1000x128xf32>
    %dot_general3A_10 = tpu.matmul %mul3A_6, %get3A_9, %dot_general3A {dimension_numbers = #tpu.dot_dimension_numbers<[1], [0], [0], [1], [0, 0, 1, 1], [], []>, transpose_lhs_hint = false} : vector<1000x128xf32>, vector<128x128xf32>, vector<1000x128xf32> -> vector<1000x128xf32>
    %get3A_11 = arith.constant 0 : index
    %get3A_12 = arith.constant 0 : index
    %get3A_13 = vector.load %arg3[%get3A_11, %get3A_12] : memref<1x128xf32, #tpu.memory_space<vmem>>, vector<1x128xf32>
    %add3A = vector.broadcast %get3A_13 : vector<1x128xf32> to vector<1000x128xf32>
    %add3A_14 = arith.addf %dot_general3A_10, %add3A : vector<1000x128xf32>
    %max3A_15 = arith.constant 0.000000e+00 : f32
    %max3A_16 = vector.broadcast %max3A_15 : f32 to vector<1000x128xf32>
    %max3A_17 = arith.maximumf %add3A_14, %max3A_16 : vector<1000x128xf32>
    %get3A_18 = arith.constant 0 : index
    %get3A_19 = arith.constant 0 : index
    %get3A_20 = vector.load %arg4[%get3A_18, %get3A_19] : memref<1x128xf32, #tpu.memory_space<vmem>>, vector<1x128xf32>
    %mul3A_21 = vector.broadcast %get3A_20 : vector<1x128xf32> to vector<1000x128xf32>
    %mul3A_22 = arith.mulf %max3A_17, %mul3A_21 : vector<1000x128xf32>
    %reduce_sum3A_23 = arith.constant dense<0.000000e+00> : vector<1000xf32>
    %reduce_sum3A_24 = vector.multi_reduction <add>, %mul3A_22, %reduce_sum3A_23 [1] : vector<1000x128xf32> to vector<1000xf32>
    %get3A_25 = arith.constant 0 : index
    %get3A_26 = arith.constant 0 : index
    %get3A_27 = vector.load %arg5[%get3A_25, %get3A_26] : memref<1x128xf32, #tpu.memory_space<vmem>>, vector<1x1xf32>
    %get3A_28 = vector.extract %get3A_27[0, 0] : f32 from vector<1x1xf32>
    %add3A_29 = vector.broadcast %get3A_28 : f32 to vector<1000xf32>
    %add3A_30 = arith.addf %reduce_sum3A_24, %add3A_29 : vector<1000xf32>
    %max3A_31 = arith.constant 0.000000e+00 : f32
    %max3A_32 = vector.broadcast %max3A_31 : f32 to vector<1000xf32>
    %max3A_33 = arith.maximumf %add3A_30, %max3A_32 : vector<1000xf32>
    %swap3A = arith.constant 0 : index
    %swap3A_34 = arith.constant 0 : index
    %swap3A_35 = arith.constant 0 : index
    %swap3A_36 = vector.load %arg7[%swap3A, %swap3A_34, %swap3A_35] : memref<1x1x1000xf32, #tpu.memory_space<vmem>>, vector<1x1x1000xf32>
    %swap3A_37 = vector.shape_cast %swap3A_36 : vector<1x1x1000xf32> to vector<1000xf32>
    %swap3A_38 = vector.shape_cast %max3A_33 : vector<1000xf32> to vector<1x1x1000xf32>
    tpu.vector_store %arg7[%swap3A, %swap3A_34, %swap3A_35], %swap3A_38 {strides = array<i32>} : memref<1x1x1000xf32, #tpu.memory_space<vmem>>, vector<1x1x1000xf32>,
    %get3A_39 = arith.constant 0 : index
    %get3A_40 = arith.constant 0 : index
    %get3A_41 = arith.constant 0 : index
    %get3A_42 = vector.load %arg6[%get3A_39, %get3A_40, %get3A_41] : memref<1x1x1000xf32, #tpu.memory_space<vmem>>, vector<1x1x1000xf32>
    %get3A_43 = vector.shape_cast %get3A_42 : vector<1x1x1000xf32> to vector<1000xf32>
    %broadcast_in_dim3A_44 = vector.shape_cast %max3A_33 : vector<1000xf32> to vector<1000x1xf32>
    %broadcast_in_dim3A_45 = vector.shape_cast %broadcast_in_dim3A_44 : vector<1000x1xf32> to vector<1000x1xf32>
    %broadcast_in_dim3A_46 = vector.broadcast %broadcast_in_dim3A_45 : vector<1000x1xf32> to vector<1000x16xf32>
    %broadcast_in_dim3A_47 = vector.shape_cast %get3A_43 : vector<1000xf32> to vector<1000x1xf32>
    %broadcast_in_dim3A_48 = vector.shape_cast %broadcast_in_dim3A_47 : vector<1000x1xf32> to vector<1000x1xf32>
    %broadcast_in_dim3A_49 = vector.broadcast %broadcast_in_dim3A_48 : vector<1000x1xf32> to vector<1000x16xf32>
    %broadcast_in_dim3A_50 = arith.constant 0.000000e+00 : f32
    %broadcast_in_dim3A_51 = vector.broadcast %broadcast_in_dim3A_50 : f32 to vector<1000x96xf32>
    %concatenate3A = tpu.concatenate %broadcast_in_dim3A_46, %broadcast_in_dim3A_49, %broadcast_in_dim3A_51 in 1 : vector<1000x16xf32>, vector<1000x16xf32>, vector<1000x96xf32> -> vector<1000x128xf32>
    %swap3A_52 = arith.constant 0 : index
    %swap3A_53 = arith.constant 0 : index
    %swap3A_54 = vector.load %arg8[%swap3A_52, %swap3A_53] : memref<1000x128xf32, #tpu.memory_space<vmem>>, vector<1000x128xf32>
    tpu.vector_store %arg8[%swap3A_52, %swap3A_53], %concatenate3A {strides = array<i32>} : memref<1000x128xf32, #tpu.memory_space<vmem>>, vector<1000x128xf32>,
    return
  }
  func.func @transform_0(%arg0: i32) -> (i32, i32) {
    %c0_i32 = arith.constant 0 : i32
    %c0_i32_0 = arith.constant 0 : i32
    return %arg0, %c0_i32 : i32, i32
  }
  func.func @transform_1(%arg0: i32) -> (i32, i32) {
    %c0_i32 = arith.constant 0 : i32
    %c0_i32_0 = arith.constant 0 : i32
    %c0_i32_1 = arith.constant 0 : i32
    return %c0_i32, %c0_i32_0 : i32, i32
  }
  func.func @transform_2(%arg0: i32) -> (i32, i32) {
    %c0_i32 = arith.constant 0 : i32
    %c0_i32_0 = arith.constant 0 : i32
    %c0_i32_1 = arith.constant 0 : i32
    return %c0_i32, %c0_i32_0 : i32, i32
  }
  func.func @transform_3(%arg0: i32) -> (i32, i32) {
    %c0_i32 = arith.constant 0 : i32
    %c0_i32_0 = arith.constant 0 : i32
    %c0_i32_1 = arith.constant 0 : i32
    return %c0_i32, %c0_i32_0 : i32, i32
  }
  func.func @transform_4(%arg0: i32) -> (i32, i32) {
    %c0_i32 = arith.constant 0 : i32
    %c0_i32_0 = arith.constant 0 : i32
    %c0_i32_1 = arith.constant 0 : i32
    return %c0_i32, %c0_i32_0 : i32, i32
  }
  func.func @transform_5(%arg0: i32) -> (i32, i32, i32) {
    %c0_i32 = arith.constant 0 : i32
    %c0_i32_0 = arith.constant 0 : i32
    %c0_i32_1 = arith.constant 0 : i32
    return %arg0, %c0_i32, %c0_i32_0 : i32, i32, i32
  }
  func.func @transform_6(%arg0: i32) -> (i32, i32, i32) {
    %c0_i32 = arith.constant 0 : i32
    %c0_i32_0 = arith.constant 0 : i32
    %c0_i32_1 = arith.constant 0 : i32
    return %arg0, %c0_i32, %c0_i32_0 : i32, i32, i32
  }
  func.func @transform_7(%arg0: i32) -> (i32, i32) {
    %c0_i32 = arith.constant 0 : i32
    %c0_i32_0 = arith.constant 0 : i32
    return %arg0, %c0_i32 : i32, i32
  }
}

module attributes {stable_mosaic.version = 14 : i64} {
  func.func @_tc_loss_body(%arg0: memref<6656x128xf32, #tpu.memory_space<vmem>>, %arg1: memref<6656x128xf32, #tpu.memory_space<vmem>>, %arg2: memref<8x128xf32, #tpu.memory_space<vmem>>) attributes {dimension_semantics = [], scalar_prefetch = 0 : i64, scratch_operands = 0 : i64, tpu.core_type = #tpu.core_type<tc>} {
    %get3A = arith.constant 0 : index
    %get3A_0 = arith.constant 0 : index
    %get3A_1 = vector.load %arg0[%get3A, %get3A_0] : memref<6656x128xf32, #tpu.memory_space<vmem>>, vector<6656x128xf32>
    %get3A_2 = arith.constant 0 : index
    %get3A_3 = arith.constant 0 : index
    %get3A_4 = vector.load %arg1[%get3A_2, %get3A_3] : memref<6656x128xf32, #tpu.memory_space<vmem>>, vector<6656x128xf32>
    %logistic3A = arith.negf %get3A_1 : vector<6656x128xf32>
    %logistic3A_5 = math.exp %logistic3A : vector<6656x128xf32>
    %logistic3A_6 = arith.constant 1.000000e+00 : f32
    %logistic3A_7 = vector.broadcast %logistic3A_6 : f32 to vector<6656x128xf32>
    %logistic3A_8 = arith.addf %logistic3A_7, %logistic3A_5 : vector<6656x128xf32>
    %logistic3A_9 = arith.divf %logistic3A_7, %logistic3A_8 : vector<6656x128xf32>
    %logistic3A_10 = arith.negf %get3A_4 : vector<6656x128xf32>
    %logistic3A_11 = math.exp %logistic3A_10 : vector<6656x128xf32>
    %logistic3A_12 = arith.constant 1.000000e+00 : f32
    %logistic3A_13 = vector.broadcast %logistic3A_12 : f32 to vector<6656x128xf32>
    %logistic3A_14 = arith.addf %logistic3A_13, %logistic3A_11 : vector<6656x128xf32>
    %logistic3A_15 = arith.divf %logistic3A_13, %logistic3A_14 : vector<6656x128xf32>
    %jit3A = arith.constant 9.99999996E-13 : f32
    %jit3A_16 = arith.constant 1.000000e+00 : f32
    %max3A = vector.broadcast %jit3A : f32 to vector<6656x128xf32>
    %max3A_17 = arith.maximumf %max3A, %logistic3A_9 : vector<6656x128xf32>
    %min3A = vector.broadcast %jit3A_16 : f32 to vector<6656x128xf32>
    %min3A_18 = arith.minimumf %min3A, %max3A_17 : vector<6656x128xf32>
    %iota3A = tpu.iota {dimensions = array<i32: 0>} : vector<6656x128xi32>
    %iota3A_19 = tpu.iota {dimensions = array<i32: 1>} : vector<6656x128xi32>
    %mul3A = arith.constant 8 : i32
    %mul3A_20 = vector.broadcast %mul3A : i32 to vector<6656x128xi32>
    %mul3A_21 = arith.muli %iota3A, %mul3A_20 : vector<6656x128xi32>
    %jit3A_22 = arith.constant 16 : i32
    %div3A = vector.broadcast %jit3A_22 : i32 to vector<6656x128xi32>
    %div3A_23 = arith.divsi %iota3A_19, %div3A : vector<6656x128xi32>
    %sign3A = arith.constant 0 : i32
    %sign3A_24 = vector.broadcast %sign3A : i32 to vector<6656x128xi32>
    %sign3A_25 = arith.cmpi sgt, %iota3A_19, %sign3A_24 : vector<6656x128xi32>
    %sign3A_26 = arith.extui %sign3A_25 : vector<6656x128xi1> to vector<6656x128xi32>
    %sign3A_27 = arith.constant 0 : i32
    %sign3A_28 = vector.broadcast %sign3A_27 : i32 to vector<6656x128xi32>
    %sign3A_29 = arith.cmpi slt, %iota3A_19, %sign3A_28 : vector<6656x128xi32>
    %sign3A_30 = arith.extui %sign3A_29 : vector<6656x128xi1> to vector<6656x128xi32>
    %sign3A_31 = arith.subi %sign3A_26, %sign3A_30 : vector<6656x128xi32>
    %sign3A_32 = arith.constant 0 : i32
    %sign3A_33 = arith.cmpi sgt, %jit3A_22, %sign3A_32 : i32
    %sign3A_34 = arith.extui %sign3A_33 : i1 to i32
    %sign3A_35 = arith.constant 0 : i32
    %sign3A_36 = arith.cmpi slt, %jit3A_22, %sign3A_35 : i32
    %sign3A_37 = arith.extui %sign3A_36 : i1 to i32
    %sign3A_38 = arith.subi %sign3A_34, %sign3A_37 : i32
    %ne3A = vector.broadcast %sign3A_38 : i32 to vector<6656x128xi32>
    %ne3A_39 = arith.cmpi ne, %sign3A_31, %ne3A : vector<6656x128xi32>
    %rem3A = vector.broadcast %jit3A_22 : i32 to vector<6656x128xi32>
    %rem3A_40 = arith.remsi %iota3A_19, %rem3A : vector<6656x128xi32>
    %ne3A_41 = arith.constant 0 : i32
    %ne3A_42 = vector.broadcast %ne3A_41 : i32 to vector<6656x128xi32>
    %ne3A_43 = arith.cmpi ne, %rem3A_40, %ne3A_42 : vector<6656x128xi32>
    %and3A = arith.andi %ne3A_39, %ne3A_43 : vector<6656x128xi1>
    %sub3A = arith.constant 1 : i32
    %sub3A_44 = vector.broadcast %sub3A : i32 to vector<6656x128xi32>
    %sub3A_45 = arith.subi %div3A_23, %sub3A_44 : vector<6656x128xi32>
    %select_n3A = arith.select %and3A, %sub3A_45, %div3A_23 : vector<6656x128xi1>, vector<6656x128xi32>
    %add3A = arith.addi %mul3A_21, %select_n3A : vector<6656x128xi32>
    %lt3A = arith.constant 50000 : i32
    %lt3A_46 = vector.broadcast %lt3A : i32 to vector<6656x128xi32>
    %lt3A_47 = arith.cmpi slt, %add3A, %lt3A_46 : vector<6656x128xi32>
    %log3A = math.log %min3A_18 : vector<6656x128xf32>
    %mul3A_48 = arith.mulf %logistic3A_15, %log3A : vector<6656x128xf32>
    %sub3A_49 = arith.constant 1.000000e+00 : f32
    %sub3A_50 = vector.broadcast %sub3A_49 : f32 to vector<6656x128xf32>
    %sub3A_51 = arith.subf %sub3A_50, %logistic3A_15 : vector<6656x128xf32>
    %sub3A_52 = arith.constant 1.000000e+00 : f32
    %sub3A_53 = vector.broadcast %sub3A_52 : f32 to vector<6656x128xf32>
    %sub3A_54 = arith.subf %sub3A_53, %min3A_18 : vector<6656x128xf32>
    %log3A_55 = math.log %sub3A_54 : vector<6656x128xf32>
    %mul3A_56 = arith.mulf %sub3A_51, %log3A_55 : vector<6656x128xf32>
    %add3A_57 = arith.addf %mul3A_48, %mul3A_56 : vector<6656x128xf32>
    %jit3A_58 = arith.constant 0.000000e+00 : f32
    %broadcast_in_dim3A = vector.broadcast %jit3A_58 : f32 to vector<6656x128xf32>
    %select_n3A_59 = arith.select %lt3A_47, %add3A_57, %broadcast_in_dim3A : vector<6656x128xi1>, vector<6656x128xf32>
    %reduce_sum3A = vector.shape_cast %select_n3A_59 : vector<6656x128xf32> to vector<1x6656x128xf32>
    %reduce_sum3A_60 = arith.constant dense<0.000000e+00> : vector<1xf32>
    %reduce_sum3A_61 = vector.multi_reduction <add>, %reduce_sum3A, %reduce_sum3A_60 [1, 2] : vector<1x6656x128xf32> to vector<1xf32>
    %reduce_sum3A_62 = vector.shape_cast %reduce_sum3A_61 : vector<1xf32> to vector<1x1x1xf32>
    %reduce_sum3A_63 = vector.extract %reduce_sum3A_62[0, 0, 0] : f32 from vector<1x1x1xf32>
    %neg3A = arith.constant 0.000000e+00 : f32
    %neg3A_64 = arith.subf %neg3A, %reduce_sum3A_63 : f32
    %div3A_65 = arith.constant 8.000000e+05 : f32
    %div3A_66 = arith.divf %neg3A_64, %div3A_65 : f32
    %broadcast_in_dim3A_67 = vector.broadcast %div3A_66 : f32 to vector<8x128xf32>
    %swap3A = arith.constant 0 : index
    %swap3A_68 = arith.constant 0 : index
    %swap3A_69 = vector.load %arg2[%swap3A, %swap3A_68] : memref<8x128xf32, #tpu.memory_space<vmem>>, vector<8x128xf32>
    tpu.vector_store %arg2[%swap3A, %swap3A_68], %broadcast_in_dim3A_67 {strides = array<i32>} : memref<8x128xf32, #tpu.memory_space<vmem>>, vector<8x128xf32>,
    return
  }
}

</mosaic_0001>

<sc_bundles>
// kernel: kernel.17.cloned.1.call-start
scs
__scs_entry_jumppad:
0x0: {  	(pc) =	sbr.rel $0x88, $3  }
0x1: {  	(tag) =	ssettag $0x0;
	lr =	simm.s32 $0x1  }
0x2: {  	[smem:$0x3F94] =	sst lr;
	_ =	strace $0xD0000000  }
0x3: {  	_ = 	snop  }
0x4: {  	_ = 	snop  }
0x5: {  	_ = 	snop  }
0x6: {  	_ = 	snop  }
0x7: {  	_ = 	snop  }
__scs_overlays_trampoline_lowered:
0x8: {  	[smem:$0x3FA3] =	sst s0  }
0x9: {  	[smem:$0x3FA4] =	sst s1  }
0xa: {  	[smem:$0x3FA5] =	sst s2  }
0xb: {  	[smem:$0x3FA6] =	sst s3  }
0xc: {  	[smem:$0x3FA7] =	sst s4  }
0xd: {  	[smem:$0x3FA8] =	sst s5  }
0xe: {  	[smem:$0x3FA9] =	sst s6  }
0xf: {  	[smem:$0x3FAA] =	sst s7  }
0x10: {  	[smem:$0x3FAB] =	sst s8  }
0x11: {  	[smem:$0x3FAC] =	sst s9;
	s0 =	simm.s32 @!p0 $0x0  }
0x12: {  	s1 =	sld [smem:$0x3F92];
	s0 =	simm.s32 @p0 $0x1  }
0x13: {  	[smem:$0x3FAD] =	sst s0;
	s0 =	simm.s32 @!p1 $0x0  }
0x14: {  	s2 =	sld [smem:$0x3F91];
	s0 =	simm.s32 @p1 $0x1  }
0x15: {  	[smem:$0x3FAE] =	sst s0;
	s0 =	simm.s32 @!p2 $0x0  }
0x16: {  	s3 =	sld [smem:$0x3FDB];
	s0 =	simm.s32 @p2 $0x1  }
0x17: {  	s4 =	simm.s32 $0x1BF5;
	[smem:$0x3FB0] =	sst s0  }
0x18: {  	s0 =	sld [smem:$0x3F93];
	_ =	swait.ge [sflag:s4], $0x0  }
0x19: {  	s7 =	sld [smem:$0x3F94]  }
0x1a: {  	s8 =	sadd.s32 $0xFFFFE003, lr  }
0x1b: {  	s9 =	sadd.s32 $0xFFFFFEF7, lr;
	s5 =	simm.s32 $0xFFFFFFFF;
	p2 =	slt.u32 s8, $0xFFFFF086  }
0x1c: {  	p1 =	slt.u32 s9, $0xF7A;
	s5 =	simm.s32 @!p2 $0x0  }
0x1d: {  	s5 =	simm.s32 @p1 $0x1;
	p0 =	seq.s32 s7, s2  }
0x1e: {  	s7 =	smul.u32 @!p0 $0xF7A, s2;
	p2 =	seq.s32 @!p0 s5, $0x0  }
0x1f: {  	s9 =	smul.u32 $0xF7A, s1;
	s8 =	simm.s32 @!p0 $0x1BF5;
	p2 =	por !p2, p0  }
0x20: {  	[sflag:s8] =	ssyncset.s32 @!p0 $0xFFFFF086;
	s6 =	sadd.s32 @!p0 s3, s7;
	s7 =	simm.s32 @!p0 $0x108  }
0x21: {  	s3 =	sadd.s32 s3, s9;
	s6 =	sadd.s32 @!p0 $0x88, s6;
	s7 =	simm.s32 @p2 $0x1082  }
0x22: {  	[simem:s7], [sflag:s8] =	dma.local @!p0 [hbm:s6], $0xF7A  }
0x23: {  	s9 =	sor.u32 $0xD0000000, s2;
	s6 =	simm.s32 $0x108;
	_ =	swait.ge @!p0 [sflag:s8], $0x0  }
0x24: {  	s3 =	sadd.s32 $0x88, s3;
	s6 =	simm.s32 @!p1 $0x1082;
	[sflag:s4] =	ssyncset.s32 $0xFFFFF086  }
0x25: {  	[simem:s6], [sflag:s4] =	dma.local [hbm:s3], $0xF7A  }
0x26: {  	[smem:$0x3F94] =	sst s1;
	(tag) =	ssettag s2;
	_ =	strace s9  }
0x27: {  	s1 =	sld [smem:$0x3FA4]  }
0x28: {  	s2 =	sld [smem:$0x3FA5]  }
0x29: {  	s4 =	sld [smem:$0x3FA7]  }
0x2a: {  	p0 =	seq.s32 s5, $0x0;
	s5 =	sld [smem:$0x3FA8]  }
0x2b: {  	s6 =	sld [smem:$0x3FA9]  }
0x2c: {  	s7 =	sld [smem:$0x3FAA]  }
0x2d: {  	s3 =	simm.s32 $0x108;
	s8 =	sld [smem:$0x3FAB]  }
0x2e: {  	s3 =	simm.s32 @!p0 $0x1082;
	s9 =	sld [smem:$0x3FAC]  }
0x2f: {  	lr =	sadd.s32 s0, s3;
	s0 =	sld [smem:$0x3FA3]  }
0x30: {  	s3 =	sld [smem:$0x3FA6]  }
0x31: {  	[smem:$0x3FAF] =	sst s10  }
0x32: {  	s10 =	sld [smem:$0x3FAD];
	_ =	sdelay $0x3  }
0x33: {  	p0 =	seq.s32 s10, $0x1;
	s10 =	sld [smem:$0x3FAF];
	_ =	sdelay $0x3  }
0x34: {  	[smem:$0x3FAF] =	sst s10  }
0x35: {  	s10 =	sld [smem:$0x3FAE];
	_ =	sdelay $0x3  }
0x36: {  	p1 =	seq.s32 s10, $0x1;
	s10 =	sld [smem:$0x3FAF];
	_ =	sdelay $0x3  }
0x37: {  	[smem:$0x3FAF] =	sst s10  }
0x38: {  	s10 =	sld [smem:$0x3FB0]  }
0x39: {  	_ = 	snop;
	(pc) =	sbr.ind lr, $3  }
0x3a: {  	_ = 	snop  }
0x3b: {  	_ = 	snop  }
0x3c: {  	p2 =	seq.s32 s10, $0x1;
	s10 =	sld [smem:$0x3FAF]  }
0x3d: {  	_ =	shalt  }
0x3e: {  	_ =	shalt  }
0x3f: {  	_ =	shalt  }
0x40: {  	_ =	shalt  }
0x41: {  	_ =	shalt  }
0x42: {  	_ =	shalt  }
0x43: {  	_ =	shalt  }
0x44: {  	_ =	shalt  }
0x45: {  	_ =	shalt  }
0x46: {  	_ =	shalt  }
0x47: {  	_ =	shalt  }
0x48: {  	_ =	shalt  }
0x49: {  	_ =	shalt  }
0x4a: {  	_ =	shalt  }
0x4b: {  	_ =	shalt  }
0x4c: {  	_ =	shalt  }
0x4d: {  	_ =	shalt  }
0x4e: {  	_ =	shalt  }
0x4f: {  	_ =	shalt  }
0x50: {  	_ =	shalt  }
0x51: {  	_ =	shalt  }
0x52: {  	_ =	shalt  }
0x53: {  	_ =	shalt  }
0x54: {  	_ =	shalt  }
0x55: {  	_ =	shalt  }
0x56: {  	_ =	shalt  }
0x57: {  	_ =	shalt  }
0x58: {  	_ =	shalt  }
0x59: {  	_ =	shalt  }
0x5a: {  	_ =	shalt  }
0x5b: {  	_ =	shalt  }
0x5c: {  	_ =	shalt  }
0x5d: {  	_ =	shalt  }
0x5e: {  	_ =	shalt  }
0x5f: {  	_ =	shalt  }
0x60: {  	_ =	shalt  }
0x61: {  	_ =	shalt  }
0x62: {  	_ =	shalt  }
0x63: {  	_ =	shalt  }
0x64: {  	_ =	shalt  }
0x65: {  	_ =	shalt  }
0x66: {  	_ =	shalt  }
0x67: {  	_ =	shalt  }
0x68: {  	_ =	shalt  }
0x69: {  	_ =	shalt  }
0x6a: {  	_ =	shalt  }
0x6b: {  	_ =	shalt  }
0x6c: {  	_ =	shalt  }
0x6d: {  	_ =	shalt  }
0x6e: {  	_ =	shalt  }
0x6f: {  	_ =	shalt  }
0x70: {  	_ =	shalt  }
0x71: {  	_ =	shalt  }
0x72: {  	_ =	shalt  }
0x73: {  	_ =	shalt  }
0x74: {  	_ =	shalt  }
0x75: {  	_ =	shalt  }
0x76: {  	_ =	shalt  }
0x77: {  	_ =	shalt  }
0x78: {  	_ =	shalt  }
0x79: {  	_ =	shalt  }
0x7a: {  	_ =	shalt  }
0x7b: {  	_ =	shalt  }
0x7c: {  	_ =	shalt  }
0x7d: {  	_ =	shalt  }
0x7e: {  	_ =	shalt  }
0x7f: {  	_ =	shalt  }
0x80: {  	_ =	shalt  }
0x81: {  	_ =	shalt  }
0x82: {  	_ =	shalt  }
0x83: {  	_ =	shalt  }
0x84: {  	_ =	shalt  }
0x85: {  	_ =	shalt  }
0x86: {  	_ =	shalt  }
0x87: {  	_ =	shalt  }
.Lfunc_end0:
.L_simem_size_0:
called_computation_lowered:
.L_overlay_start_0:
0x88: {  	s2 =	sld [smem:$0x3FD9]  }
0x89: {  	s3 =	sld [smem:$0x3FFE];
	_ =	sdelay $0x1  }
0x8a: {  	s1 =	srdreg.scid  }
0x8b: {  	s0 =	sand.u32 $0x1, s1  }
0x8c: {  	s16 =	sshll.u32 s0, $0xA;
	s2 =	sadd.s32 s3, s2  }
0x8d: {  	s2 =	sadd.s32 s2, s16  }
0x8e: {  	[smem:$0x3FBB] =	sst s2  }
0x8f: {  	_ = 	snop  }
0x90: {  	(tm) =	ssettm $0x1  }
0x91: {  	s17 =	sld [smem:$0x3FFB];
	_ =	sdelay $0x3  }
0x92: {  	_ =	strace s17  }
0x93: {  	s2 =	sld [smem:$0x3FFC];
	_ =	sdelay $0x3  }
0x94: {  	_ =	strace s2  }
0x95: {  	s2 =	sld [smem:$0x3FFD];
	_ =	sdelay $0x3  }
0x96: {  	_ =	strace s2  }
0x97: {  	_ =	strace $0x8FFFFFFF  }
0x98: {  	s18 =	sld [smem:$0x3FDB];
	_ =	sdelay $0x1  }
0x99: {  	s19 =	simm.s32 $_scs_section_size  }
0x9a: {  	s4 =	simm.s32 $_size__tile_overlayer_lowered;
	s5 =	simm.s32 $_tile_overlayer_lowered  }
0x9b: {  	s22 =	simm.s32 $0x1BFF;
	s21 =	sshll.u32 s5, $0x1;
	s2 =	sadd.s32 s19, s18  }
0x9c: {  	s6 =	simm.s32 $0x0;
	s20 =	sshll.u32 s4, $0x1;
	s4 =	sadd.s32 s21, s2  }
0x9d: {  	[timem:s6], [sflag:s22] =	dma.local [hbm:s4], s20  }
0x9e: {  	_ =	swait.ge [sflag:s22], s20  }
0x9f: {  	s3 =	ssub.s32 $0x0, s20;
	[sflag:s22] =	ssyncset.done $0x0  }
0xa0: {  	[sflag:s22] =	ssyncadd.s32 s3;
	_ =	sdelay $0x1  }
0xa1: {  	s23 =	simm.s32 $0x1B8B  }
0xa2: {  	_ =	swait.ge [sflag:s23], $0x1  }
0xa3: {  	[sflag:s23] =	ssyncset.done $0x0  }
0xa4: {  	s25 =	simm.s32 $0x1B8E;
	s24 =	sld [smem:$0x3FFE];
	[sflag:s23] =	ssyncadd.s32 $0xFFFFFFFF  }
0xa5: {  	s26 =	simm.s32 $execute0_lowered;
	[smem:$0x3FD2] =	sst s25  }
0xa6: {  	s4 =	sshll.u32 s26, $0x1;
	_ =	strace $0x80000046;
	[dreg:$0x1] =	wrdreg $0xFFFFFFFF  }
0xa7: {  	s28 =	simm.s32 $_size_execute0_lowered;
	s2 =	sadd.s32 s2, s4;
	[dreg:$0x0] =	wrdreg $0x0  }
0xa8: {  	s4 =	sshll.u32 s28, $0x1;
	[dreg:$0x2] =	wrdreg s2  }
0xa9: {  	[dreg:$0x3] =	wrdreg s4  }
0xaa: {  	[dreg:$0x4] =	wrdreg $0xC0  }
0xab: {  	_ =	task [dreg:s6], $0x5FFFF  }
0xac: {  	[dreg:$0x1] =	wrdreg $0xFFFFFFFF  }
0xad: {  	[dreg:$0x0] =	wrdreg $0x60  }
0xae: {  	[dreg:$0x2] =	wrdreg s24  }
0xaf: {  	[dreg:$0x3] =	wrdreg $0x42000  }
0xb0: {  	[dreg:$0x4] =	wrdreg $0x9  }
0xb1: {  	_ =	task.clear_ibuf [dreg:s6], $0x5FFFF;
	_ =	strace $0x90000046  }
0xb2: {  	s29 =	simm.s32 $0x9;
	_ =	strace $0x80000048  }
0xb3: {  	_ =	swait.ge [sflag:s29], $0x1  }
0xb4: {  	[sflag:s29] =	ssyncadd.s32 $0xFFFFFFFF  }
0xb5: {  	_ =	strace $0x90000048  }
0xb6: {  	_ =	sfence  }
0xb7: {  	s30 =	sld [smem:$0x0];
	_ =	sdelay $0x2  }
0xb8: {  	s31 =	sshll.u32 s1, $0xD;
	s1 =	sshrl.u32 s1, $0x2  }
0xb9: {  	s3 =	sand.u32 $0x4000, s31;
	s1 =	sadd.s32 s1, s30  }
0xba: {  	s0 =	sor.u32 s3, s0;
	s1 =	sshll.u32 s1, $0x11  }
0xbb: {  	s0 =	sor.u32 s1, s0  }
0xbc: {  	s0 =	sadd.s32 $0x8F2B, s0  }
0xbd: {  	[sflag:s0] =	ssyncadd.remote.s32 $0x1  }
0xbe: {  	_ =	sfence.sel $0xFFFF  }
0xbf: {  	[dreg:$0x0] =	wrdreg $0xFFFFFFFF;
	(pc) =	sbr.abs _section_cstart, $3  }
0xc0: {  	[dreg:$0x1] =	wrdreg $0xFFFFFFFF  }
0xc1: {  	_ =	task.clear_ibuf [dreg:s6], $0x2FFFF;
	_ =	strace $0x9FFFFFFF  }
0xc2: {  	(tm) =	ssettm $0x7FFFFFFF  }
0xc3: {  	_ =	shalt  }
tec
execute0_lowered:
.L_overlay_start_1:
0x0: {  	(tag) =	ssettag $0x1  }
0x1: {  	s7 =	rddreg [dreg:$0x0]  }
0x2: {  	s1 =	rddreg [dreg:$0x1]  }
0x3: {  	s2 =	srdreg.scid;
	s0 =	rddreg [dreg:$0x2];
	s3 =	simm.s32 $0x0  }
0x4: {  	s14 =	simm.s32 $0x80;
	s15 =	simm.s32 $0x100;
	s16 =	simm.s32 $0x180  }
0x5: {  	s17 =	simm.s32 $0x1;
	s18 =	simm.s32 $0x2;
	s19 =	simm.s32 $0x3  }
0x6: {  	s20 =	simm.s32 $0x4;
	s8 =	sand.u32 $0x1, s2;
	s2 =	stileid.u32  }
0x7: {  	s21 =	simm.s32 $0x0;
	[smem:$0x7FF] =	sst s3;
	s6 =	smul.u32 $0x13C000, s8  }
0x8: {  	s4 =	sadd.s32 $0x5200, s7;
	s5 =	sadd.s32 $0x11A00, s7;
	s9 =	smul.u32 $0x13C00, s2  }
0x9: {  	_ =	strace $0x80000047;
	s10 =	smul.u32 $0x4F000, s2;
	s29 =	ssub.s32 $0x2, s8  }
0xa: {  	s11 =	sshll.u32 s2, $0x1;
	s31 =	sshll.u32 s2, $0x6;
	s12 =	sshrl.u32 s29, $0x1  }
0xb: {  	s8 =	sor.u32 s8, s11;
	s11 =	simm.s32 $0x5;
	s9 =	sadd.s32 s9, s6  }
0xc: {  	s6 =	sadd.s32 $0xF200, s7;
	s10 =	sshrl.u32 s10, $0x2;
	s30 =	ssub.s32 s29, s12  }
0xd: {  	s12 =	sor.u32 $0x1C05, s31;
	s9 =	sshrl.u32 s9, $0x3;
	s13 =	sadd.s32 s10, s1  }
0xe: {  	s10 =	simm.s32 $0x200;
	s9 =	sadd.s32 s9, s7;
	s7 =	smul.u32 $0x2800, s8  }
0xf: {  	s13 =	sshrl.u32 s13, $0x3;
	s8 =	sadd.s32 $0x12200, s9;
	s9 =	smax.u32 s30, $0x1  }
.LBB2_1:
0x10: {  	[tilespmem:s10], [sflag:$0x5] =	stream.linear.gather [hbm4b:s5+s3], $0x4000, $0x38;
	[tilespmem:$0x17E00] =	vst v63  }
0x11: {  	_ =	swait.ge [sflag:s11], $0x4000  }
0x12: {  	[sflag:s11] =	ssyncset.done $0x0  }
0x13: {  	s22 =	sand.u32 $0x3C00, s3;
	[sflag:s11] =	ssyncadd.s32 $0xFFFFC000  }
0x14: {  	[spmem:s13], [sflag:s12] =	dma.local [hbm:s6], $0x2780  }
0x15: {  	s23 =	sand.u32 $0x200, s3;
	s22 =	sadd.s32 s7, s22;
	_ =	swait.ge [sflag:s11], $0x2780  }
0x16: {  	s22 =	sor.u32 s23, s22;
	[sflag:s11] =	ssyncset.done $0x0  }
0x17: {  	s22 =	sshrl.u32 s22, $0x3;
	[sflag:s11] =	ssyncadd.s32 $0xFFFFD880  }
0x18: {  	s22 =	sadd.s32 s4, s22;
	[bflag:$0x0] =	sbarrier.arrive $0xFFFF  }
0x19: {  	[tilespmem:s3], [sflag:$0x5] =	stream.linear.gather [hbm4b:s22+s3], $0x80, $0x38;
	[tilespmem:$0x17E00] =	vst v63  }
0x1a: {  	_ =	swait.ge [sflag:s11], $0x80  }
0x1b: {  	[sflag:s11] =	ssyncset.done $0x0  }
0x1c: {  	s28 =	sadd.s32 $0x10, s22;
	[sflag:s11] =	ssyncadd.s32 $0xFFFFFF80  }
0x1d: {  	[tilespmem:s14], [sflag:$0x5] =	stream.linear.gather [hbm4b:s28+s3], $0x80, $0x38;
	[tilespmem:$0x17E00] =	vst v63  }
0x1e: {  	_ =	swait.ge [sflag:s11], $0x80  }
0x1f: {  	[sflag:s11] =	ssyncset.done $0x0  }
0x20: {  	s29 =	sadd.s32 $0x20, s22;
	[sflag:s11] =	ssyncadd.s32 $0xFFFFFF80  }
0x21: {  	[tilespmem:s15], [sflag:$0x5] =	stream.linear.gather [hbm4b:s29+s3], $0x80, $0x38;
	[tilespmem:$0x17E00] =	vst v63  }
0x22: {  	_ =	swait.ge [sflag:s11], $0x80  }
0x23: {  	[sflag:s11] =	ssyncset.done $0x0  }
0x24: {  	s22 =	sadd.s32 $0x30, s22;
	[sflag:s11] =	ssyncadd.s32 $0xFFFFFF80  }
0x25: {  	[tilespmem:s16], [sflag:$0x5] =	stream.linear.gather [hbm4b:s22+s3], $0x80, $0x38;
	[tilespmem:$0x17E00] =	vst v63  }
0x26: {  	_ =	swait.ge [sflag:s11], $0x80  }
0x27: {  	[sflag:s11] =	ssyncset.done $0x0  }
0x28: {  	[sflag:s11] =	ssyncadd.s32 $0xFFFFFF80  }
0x29: {  	[spmem:s1] =	stream.indirect.scatter.add.f32 [tilespmem:s10], [sflag:$0x1], $0x80, s3, s14, $0xb8;
	[tilespmem:$0x17E00] =	vst v63  }
0x2a: {  	_ = 	snop  }
0x2b: {  	[spmem:s1] =	stream.indirect.scatter.add.f32 [tilespmem:s10], [sflag:$0x2], $0x80, s14, s14, $0xb8;
	[tilespmem:$0x17E00] =	vst v63  }
0x2c: {  	_ = 	snop  }
0x2d: {  	[spmem:s1] =	stream.indirect.scatter.add.f32 [tilespmem:s10], [sflag:$0x3], $0x80, s15, s14, $0xb8;
	[tilespmem:$0x17E00] =	vst v63  }
0x2e: {  	_ = 	snop  }
0x2f: {  	[spmem:s1] =	stream.indirect.scatter.add.f32 [tilespmem:s10], [sflag:$0x4], $0x80, s16, s14, $0xb8;
	[tilespmem:$0x17E00] =	vst v63  }
0x30: {  	_ =	swait.ge [sflag:s17], $0x4000  }
0x31: {  	[sflag:s17] =	ssyncset.done $0x0  }
0x32: {  	[sflag:s17] =	ssyncadd.s32 $0xFFFFC000  }
0x33: {  	_ =	swait.ge [sflag:s18], $0x4000  }
0x34: {  	[sflag:s18] =	ssyncset.done $0x0  }
0x35: {  	[sflag:s18] =	ssyncadd.s32 $0xFFFFC000  }
0x36: {  	s30 =	simm.s32 $0x200;
	_ =	swait.ge [sflag:s19], $0x4000  }
0x37: {  	s31 =	sand.u32 $0x3C00, s30;
	[sflag:s19] =	ssyncset.done $0x0  }
0x38: {  	s23 =	sadd.s32 s7, s31;
	s22 =	sand.u32 $0x200, s30;
	[sflag:s19] =	ssyncadd.s32 $0xFFFFC000  }
0x39: {  	s22 =	sor.u32 s22, s23;
	_ =	swait.ge [sflag:s20], $0x4000  }
0x3a: {  	s24 =	simm.s32 $0x400;
	s23 =	sshrl.u32 s22, $0x3;
	[sflag:s20] =	ssyncset.done $0x0  }
.LBB2_2:
0x3b: {  	s25 =	sadd.s32 s4, s23  }
0x3c: {  	[sflag:s20] =	ssyncadd.s32 $0xFFFFC000;
	s23 =	smov.u32 s24;
	s22 =	sadd.s32 $0x200, s24  }
0x3d: {  	[tilespmem:s3], [sflag:$0x5] =	stream.linear.gather [hbm4b:s25+s3], $0x80, $0x38;
	[tilespmem:$0x17E00] =	vst v63  }
0x3e: {  	p0 =	sne.s32 s24, $0x2600;
	_ =	swait.ge [sflag:s11], $0x80  }
0x3f: {  	[sflag:s11] =	ssyncset.done $0x0  }
0x40: {  	s24 =	sadd.s32 $0x10, s25;
	[sflag:s11] =	ssyncadd.s32 $0xFFFFFF80  }
0x41: {  	[tilespmem:s14], [sflag:$0x5] =	stream.linear.gather [hbm4b:s24+s3], $0x80, $0x38;
	[tilespmem:$0x17E00] =	vst v63  }
0x42: {  	_ =	swait.ge [sflag:s11], $0x80  }
0x43: {  	[sflag:s11] =	ssyncset.done $0x0  }
0x44: {  	s24 =	sadd.s32 $0x20, s25;
	[sflag:s11] =	ssyncadd.s32 $0xFFFFFF80  }
0x45: {  	[tilespmem:s15], [sflag:$0x5] =	stream.linear.gather [hbm4b:s24+s3], $0x80, $0x38;
	[tilespmem:$0x17E00] =	vst v63  }
0x46: {  	_ =	swait.ge [sflag:s11], $0x80  }
0x47: {  	[sflag:s11] =	ssyncset.done $0x0  }
0x48: {  	s24 =	sadd.s32 $0x30, s25;
	[sflag:s11] =	ssyncadd.s32 $0xFFFFFF80  }
0x49: {  	[tilespmem:s16], [sflag:$0x5] =	stream.linear.gather [hbm4b:s24+s3], $0x80, $0x38;
	[tilespmem:$0x17E00] =	vst v63  }
0x4a: {  	_ =	swait.ge [sflag:s11], $0x80  }
0x4b: {  	[sflag:s11] =	ssyncset.done $0x0  }
0x4c: {  	[sflag:s11] =	ssyncadd.s32 $0xFFFFFF80  }
0x4d: {  	[spmem:s1] =	stream.indirect.scatter.add.f32 [tilespmem:s10], [sflag:$0x1], $0x80, s3, s14, $0xb8;
	[tilespmem:$0x17E00] =	vst v63  }
0x4e: {  	_ = 	snop  }
0x4f: {  	[spmem:s1] =	stream.indirect.scatter.add.f32 [tilespmem:s10], [sflag:$0x2], $0x80, s14, s14, $0xb8;
	[tilespmem:$0x17E00] =	vst v63  }
0x50: {  	_ = 	snop  }
0x51: {  	[spmem:s1] =	stream.indirect.scatter.add.f32 [tilespmem:s10], [sflag:$0x3], $0x80, s15, s14, $0xb8;
	[tilespmem:$0x17E00] =	vst v63  }
0x52: {  	_ = 	snop  }
0x53: {  	[spmem:s1] =	stream.indirect.scatter.add.f32 [tilespmem:s10], [sflag:$0x4], $0x80, s16, s14, $0xb8;
	[tilespmem:$0x17E00] =	vst v63  }
0x54: {  	_ =	swait.ge [sflag:s17], $0x4000  }
0x55: {  	[sflag:s17] =	ssyncset.done $0x0  }
0x56: {  	[sflag:s17] =	ssyncadd.s32 $0xFFFFC000  }
0x57: {  	_ =	swait.ge [sflag:s18], $0x4000  }
0x58: {  	[sflag:s18] =	ssyncset.done $0x0  }
0x59: {  	[sflag:s18] =	ssyncadd.s32 $0xFFFFC000  }
.Ltmp0:
0x5a: {  	_ =	swait.ge [sflag:s19], $0x4000;
	(pc) =	sbr.rel @p0 .LBB2_2-.Ltmp0, $4  }
0x5b: {  	s24 =	sand.u32 $0x3C00, s23;
	[sflag:s19] =	ssyncset.done $0x0  }
0x5c: {  	s23 =	sand.u32 $0x200, s23;
	s24 =	sadd.s32 s7, s24;
	[sflag:s19] =	ssyncadd.s32 $0xFFFFC000  }
0x5d: {  	s23 =	sor.u32 s23, s24;
	_ =	swait.ge [sflag:s20], $0x4000  }
0x5e: {  	s24 =	smov.u32 s22;
	s23 =	sshrl.u32 s23, $0x3;
	[sflag:s20] =	ssyncset.done $0x0  }
0x5f: {  	s22 =	sadd.s32 s4, s23;
	[sflag:s20] =	ssyncadd.s32 $0xFFFFC000  }
0x60: {  	[tilespmem:s3], [sflag:$0x5] =	stream.linear.gather [hbm4b:s22+s3], $0x80, $0x38;
	[tilespmem:$0x17E00] =	vst v63  }
0x61: {  	_ =	swait.ge [sflag:s11], $0x80  }
0x62: {  	[sflag:s11] =	ssyncset.done $0x0  }
0x63: {  	s23 =	sadd.s32 $0x10, s22;
	[sflag:s11] =	ssyncadd.s32 $0xFFFFFF80  }
0x64: {  	[tilespmem:s14], [sflag:$0x5] =	stream.linear.gather [hbm4b:s23+s3], $0x80, $0x38;
	[tilespmem:$0x17E00] =	vst v63  }
0x65: {  	_ =	swait.ge [sflag:s11], $0x80  }
0x66: {  	[sflag:s11] =	ssyncset.done $0x0  }
0x67: {  	s31 =	sadd.s32 $0x20, s22;
	[sflag:s11] =	ssyncadd.s32 $0xFFFFFF80  }
0x68: {  	[tilespmem:s15], [sflag:$0x5] =	stream.linear.gather [hbm4b:s31+s3], $0x80, $0x38;
	[tilespmem:$0x17E00] =	vst v63  }
0x69: {  	_ =	swait.ge [sflag:s11], $0x80  }
0x6a: {  	[sflag:s11] =	ssyncset.done $0x0  }
0x6b: {  	s22 =	sadd.s32 $0x30, s22;
	[sflag:s11] =	ssyncadd.s32 $0xFFFFFF80  }
0x6c: {  	[tilespmem:s16], [sflag:$0x5] =	stream.linear.gather [hbm4b:s22+s3], $0x80, $0x38;
	[tilespmem:$0x17E00] =	vst v63  }
0x6d: {  	_ =	swait.ge [sflag:s11], $0x80  }
0x6e: {  	[sflag:s11] =	ssyncset.done $0x0  }
0x6f: {  	[sflag:s11] =	ssyncadd.s32 $0xFFFFFF80  }
0x70: {  	[spmem:s1] =	stream.indirect.scatter.add.f32 [tilespmem:s10], [sflag:$0x1], $0x80, s3, s14, $0xb8;
	[tilespmem:$0x17E00] =	vst v63  }
0x71: {  	_ = 	snop  }
0x72: {  	[spmem:s1] =	stream.indirect.scatter.add.f32 [tilespmem:s10], [sflag:$0x2], $0x80, s14, s14, $0xb8;
	[tilespmem:$0x17E00] =	vst v63  }
0x73: {  	_ = 	snop  }
0x74: {  	[spmem:s1] =	stream.indirect.scatter.add.f32 [tilespmem:s10], [sflag:$0x3], $0x80, s15, s14, $0xb8;
	[tilespmem:$0x17E00] =	vst v63  }
0x75: {  	_ = 	snop  }
0x76: {  	[spmem:s1] =	stream.indirect.scatter.add.f32 [tilespmem:s10], [sflag:$0x4], $0x80, s16, s14, $0xb8;
	[tilespmem:$0x17E00] =	vst v63  }
0x77: {  	_ =	swait.ge [sflag:s17], $0x4000  }
0x78: {  	[sflag:s17] =	ssyncset.done $0x0  }
0x79: {  	[sflag:s17] =	ssyncadd.s32 $0xFFFFC000  }
0x7a: {  	_ =	swait.ge [sflag:s18], $0x4000  }
0x7b: {  	[sflag:s18] =	ssyncset.done $0x0  }
0x7c: {  	[sflag:s18] =	ssyncadd.s32 $0xFFFFC000  }
0x7d: {  	_ =	swait.ge [sflag:s19], $0x4000  }
0x7e: {  	[sflag:s19] =	ssyncset.done $0x0  }
0x7f: {  	[sflag:s19] =	ssyncadd.s32 $0xFFFFC000  }
0x80: {  	_ =	swait.ge [sflag:s20], $0x4000  }
0x81: {  	s21 =	sadd.s32 $0x1, s21;
	[sflag:s20] =	ssyncset.done $0x0  }
0x82: {  	p0 =	sne.s32 s21, s9;
	[sflag:s20] =	ssyncadd.s32 $0xFFFFC000  }
.Ltmp1:
0x83: {  	[bflag:$0x0] =	sbarrier.arrive $0xFFFF;
	(pc) =	sbr.rel @p0 .LBB2_1-.Ltmp1, $4  }
0x84: {  	[hbm:s8], [sflag:s12] =	dma.local [spmem:s13], $0x2780  }
0x85: {  	_ =	swait.ge [sflag:s11], $0x2780  }
0x86: {  	[sflag:s11] =	ssyncset.done $0x0  }
0x87: {  	[sflag:s11] =	ssyncadd.s32 $0xFFFFD880  }
0x88: {  	_ =	sfence.sel $0x180000  }
0x89: {  	[bflag:$0x0] =	sbarrier.arrive $0xFFFF  }
0x8a: {  	p0 =	sne.s32 s2, $0x0;
	_ =	strace $0x90000047  }
0x8b: {  	s0 =	sadd.s32 @!p0 $0x100000, s0;
	[bflag:$0x2] =	sbarrier.arrive $0xFFFF  }
0x8c: {  	[sflag:s0] =	ssyncadd.tile.s32 @!p0 $0x1;
	_ =	shalt  }
.Lfunc_end2:
_tile_overlayer_lowered:
.L_overlay_start_2:
0x8d: {  	(tag) =	ssettag $0x2  }
0x8e: {  	s0 =	rddreg [dreg:$0x0];
	s2 =	stileid.u32  }
0x8f: {  	s1 =	rddreg [dreg:$0x1];
	p0 =	sne.s32 s2, $0x0  }
0x90: {  	s3 =	rddreg [dreg:$0x2];
	[bflag:$0x3] =	sbarrier.arrive $0xFFFF;
	s2 =	simm.s32 @!p0 $0x1C05  }
0x91: {  	[timem:s3], [sflag:s2] =	dma.local @!p0 [hbm:s0], s1  }
0x92: {  	s0 =	simm.s32 @!p0 $0x5  }
0x93: {  	_ =	swait.ge @!p0 [sflag:s0], s1  }
0x94: {  	s1 =	ssub.s32 @!p0 $0x0, s1;
	[sflag:s0] =	ssyncset.done @!p0 $0x0  }
0x95: {  	[sflag:s0] =	ssyncadd.s32 @!p0 s1  }
0x96: {  	[bflag:$0x3] =	sbarrier.arrive $0xFFFF  }
0x97: {  	_ =	shalt  }

// kernel: kernel.20.cloned.1.call-start
scs
__scs_entry_jumppad:
0x0: {  	(pc) =	sbr.rel $0x88, $3  }
0x1: {  	(tag) =	ssettag $0x0;
	lr =	simm.s32 $0x1  }
0x2: {  	[smem:$0x3F94] =	sst lr;
	_ =	strace $0xD0000000  }
0x3: {  	_ = 	snop  }
0x4: {  	_ = 	snop  }
0x5: {  	_ = 	snop  }
0x6: {  	_ = 	snop  }
0x7: {  	_ = 	snop  }
__scs_overlays_trampoline_lowered:
0x8: {  	[smem:$0x3FA3] =	sst s0  }
0x9: {  	[smem:$0x3FA4] =	sst s1  }
0xa: {  	[smem:$0x3FA5] =	sst s2  }
0xb: {  	[smem:$0x3FA6] =	sst s3  }
0xc: {  	[smem:$0x3FA7] =	sst s4  }
0xd: {  	[smem:$0x3FA8] =	sst s5  }
0xe: {  	[smem:$0x3FA9] =	sst s6  }
0xf: {  	[smem:$0x3FAA] =	sst s7  }
0x10: {  	[smem:$0x3FAB] =	sst s8  }
0x11: {  	[smem:$0x3FAC] =	sst s9;
	s0 =	simm.s32 @!p0 $0x0  }
0x12: {  	s1 =	sld [smem:$0x3F92];
	s0 =	simm.s32 @p0 $0x1  }
0x13: {  	[smem:$0x3FAD] =	sst s0;
	s0 =	simm.s32 @!p1 $0x0  }
0x14: {  	s2 =	sld [smem:$0x3F91];
	s0 =	simm.s32 @p1 $0x1  }
0x15: {  	[smem:$0x3FAE] =	sst s0;
	s0 =	simm.s32 @!p2 $0x0  }
0x16: {  	s3 =	sld [smem:$0x3FDB];
	s0 =	simm.s32 @p2 $0x1  }
0x17: {  	s4 =	simm.s32 $0x1BF5;
	[smem:$0x3FB0] =	sst s0  }
0x18: {  	s0 =	sld [smem:$0x3F93];
	_ =	swait.ge [sflag:s4], $0x0  }
0x19: {  	s7 =	sld [smem:$0x3F94]  }
0x1a: {  	s8 =	sadd.s32 $0xFFFFE003, lr  }
0x1b: {  	s9 =	sadd.s32 $0xFFFFFEF7, lr;
	s5 =	simm.s32 $0xFFFFFFFF;
	p2 =	slt.u32 s8, $0xFFFFF086  }
0x1c: {  	p1 =	slt.u32 s9, $0xF7A;
	s5 =	simm.s32 @!p2 $0x0  }
0x1d: {  	s5 =	simm.s32 @p1 $0x1;
	p0 =	seq.s32 s7, s2  }
0x1e: {  	s7 =	smul.u32 @!p0 $0xF7A, s2;
	p2 =	seq.s32 @!p0 s5, $0x0  }
0x1f: {  	s9 =	smul.u32 $0xF7A, s1;
	s8 =	simm.s32 @!p0 $0x1BF5;
	p2 =	por !p2, p0  }
0x20: {  	[sflag:s8] =	ssyncset.s32 @!p0 $0xFFFFF086;
	s6 =	sadd.s32 @!p0 s3, s7;
	s7 =	simm.s32 @!p0 $0x108  }
0x21: {  	s3 =	sadd.s32 s3, s9;
	s6 =	sadd.s32 @!p0 $0x88, s6;
	s7 =	simm.s32 @p2 $0x1082  }
0x22: {  	[simem:s7], [sflag:s8] =	dma.local @!p0 [hbm:s6], $0xF7A  }
0x23: {  	s9 =	sor.u32 $0xD0000000, s2;
	s6 =	simm.s32 $0x108;
	_ =	swait.ge @!p0 [sflag:s8], $0x0  }
0x24: {  	s3 =	sadd.s32 $0x88, s3;
	s6 =	simm.s32 @!p1 $0x1082;
	[sflag:s4] =	ssyncset.s32 $0xFFFFF086  }
0x25: {  	[simem:s6], [sflag:s4] =	dma.local [hbm:s3], $0xF7A  }
0x26: {  	[smem:$0x3F94] =	sst s1;
	(tag) =	ssettag s2;
	_ =	strace s9  }
0x27: {  	s1 =	sld [smem:$0x3FA4]  }
0x28: {  	s2 =	sld [smem:$0x3FA5]  }
0x29: {  	s4 =	sld [smem:$0x3FA7]  }
0x2a: {  	p0 =	seq.s32 s5, $0x0;
	s5 =	sld [smem:$0x3FA8]  }
0x2b: {  	s6 =	sld [smem:$0x3FA9]  }
0x2c: {  	s7 =	sld [smem:$0x3FAA]  }
0x2d: {  	s3 =	simm.s32 $0x108;
	s8 =	sld [smem:$0x3FAB]  }
0x2e: {  	s3 =	simm.s32 @!p0 $0x1082;
	s9 =	sld [smem:$0x3FAC]  }
0x2f: {  	lr =	sadd.s32 s0, s3;
	s0 =	sld [smem:$0x3FA3]  }
0x30: {  	s3 =	sld [smem:$0x3FA6]  }
0x31: {  	[smem:$0x3FAF] =	sst s10  }
0x32: {  	s10 =	sld [smem:$0x3FAD];
	_ =	sdelay $0x3  }
0x33: {  	p0 =	seq.s32 s10, $0x1;
	s10 =	sld [smem:$0x3FAF];
	_ =	sdelay $0x3  }
0x34: {  	[smem:$0x3FAF] =	sst s10  }
0x35: {  	s10 =	sld [smem:$0x3FAE];
	_ =	sdelay $0x3  }
0x36: {  	p1 =	seq.s32 s10, $0x1;
	s10 =	sld [smem:$0x3FAF];
	_ =	sdelay $0x3  }
0x37: {  	[smem:$0x3FAF] =	sst s10  }
0x38: {  	s10 =	sld [smem:$0x3FB0]  }
0x39: {  	_ = 	snop;
	(pc) =	sbr.ind lr, $3  }
0x3a: {  	_ = 	snop  }
0x3b: {  	_ = 	snop  }
0x3c: {  	p2 =	seq.s32 s10, $0x1;
	s10 =	sld [smem:$0x3FAF]  }
0x3d: {  	_ =	shalt  }
0x3e: {  	_ =	shalt  }
0x3f: {  	_ =	shalt  }
0x40: {  	_ =	shalt  }
0x41: {  	_ =	shalt  }
0x42: {  	_ =	shalt  }
0x43: {  	_ =	shalt  }
0x44: {  	_ =	shalt  }
0x45: {  	_ =	shalt  }
0x46: {  	_ =	shalt  }
0x47: {  	_ =	shalt  }
0x48: {  	_ =	shalt  }
0x49: {  	_ =	shalt  }
0x4a: {  	_ =	shalt  }
0x4b: {  	_ =	shalt  }
0x4c: {  	_ =	shalt  }
0x4d: {  	_ =	shalt  }
0x4e: {  	_ =	shalt  }
0x4f: {  	_ =	shalt  }
0x50: {  	_ =	shalt  }
0x51: {  	_ =	shalt  }
0x52: {  	_ =	shalt  }
0x53: {  	_ =	shalt  }
0x54: {  	_ =	shalt  }
0x55: {  	_ =	shalt  }
0x56: {  	_ =	shalt  }
0x57: {  	_ =	shalt  }
0x58: {  	_ =	shalt  }
0x59: {  	_ =	shalt  }
0x5a: {  	_ =	shalt  }
0x5b: {  	_ =	shalt  }
0x5c: {  	_ =	shalt  }
0x5d: {  	_ =	shalt  }
0x5e: {  	_ =	shalt  }
0x5f: {  	_ =	shalt  }
0x60: {  	_ =	shalt  }
0x61: {  	_ =	shalt  }
0x62: {  	_ =	shalt  }
0x63: {  	_ =	shalt  }
0x64: {  	_ =	shalt  }
0x65: {  	_ =	shalt  }
0x66: {  	_ =	shalt  }
0x67: {  	_ =	shalt  }
0x68: {  	_ =	shalt  }
0x69: {  	_ =	shalt  }
0x6a: {  	_ =	shalt  }
0x6b: {  	_ =	shalt  }
0x6c: {  	_ =	shalt  }
0x6d: {  	_ =	shalt  }
0x6e: {  	_ =	shalt  }
0x6f: {  	_ =	shalt  }
0x70: {  	_ =	shalt  }
0x71: {  	_ =	shalt  }
0x72: {  	_ =	shalt  }
0x73: {  	_ =	shalt  }
0x74: {  	_ =	shalt  }
0x75: {  	_ =	shalt  }
0x76: {  	_ =	shalt  }
0x77: {  	_ =	shalt  }
0x78: {  	_ =	shalt  }
0x79: {  	_ =	shalt  }
0x7a: {  	_ =	shalt  }
0x7b: {  	_ =	shalt  }
0x7c: {  	_ =	shalt  }
0x7d: {  	_ =	shalt  }
0x7e: {  	_ =	shalt  }
0x7f: {  	_ =	shalt  }
0x80: {  	_ =	shalt  }
0x81: {  	_ =	shalt  }
0x82: {  	_ =	shalt  }
0x83: {  	_ =	shalt  }
0x84: {  	_ =	shalt  }
0x85: {  	_ =	shalt  }
0x86: {  	_ =	shalt  }
0x87: {  	_ =	shalt  }
.Lfunc_end0:
.L_simem_size_0:
called_computation.1_lowered:
.L_overlay_start_0:
0x88: {  	s2 =	sld [smem:$0x3FD9]  }
0x89: {  	s3 =	sld [smem:$0x3FFE];
	_ =	sdelay $0x1  }
0x8a: {  	s1 =	srdreg.scid  }
0x8b: {  	s0 =	sand.u32 $0x1, s1  }
0x8c: {  	s16 =	sshll.u32 s0, $0xA;
	s2 =	sadd.s32 s3, s2  }
0x8d: {  	s2 =	sadd.s32 s2, s16  }
0x8e: {  	[smem:$0x3FBB] =	sst s2  }
0x8f: {  	_ = 	snop  }
0x90: {  	(tm) =	ssettm $0x1  }
0x91: {  	s17 =	sld [smem:$0x3FFB];
	_ =	sdelay $0x3  }
0x92: {  	_ =	strace s17  }
0x93: {  	s2 =	sld [smem:$0x3FFC];
	_ =	sdelay $0x3  }
0x94: {  	_ =	strace s2  }
0x95: {  	s2 =	sld [smem:$0x3FFD];
	_ =	sdelay $0x3  }
0x96: {  	_ =	strace s2  }
0x97: {  	_ =	strace $0x8FFFFFFF  }
0x98: {  	s18 =	sld [smem:$0x3FDB];
	_ =	sdelay $0x1  }
0x99: {  	s19 =	simm.s32 $_scs_section_size  }
0x9a: {  	s4 =	simm.s32 $_size__tile_overlayer_lowered;
	s5 =	simm.s32 $_tile_overlayer_lowered  }
0x9b: {  	s22 =	simm.s32 $0x1BFF;
	s21 =	sshll.u32 s5, $0x1;
	s2 =	sadd.s32 s19, s18  }
0x9c: {  	s6 =	simm.s32 $0x0;
	s20 =	sshll.u32 s4, $0x1;
	s4 =	sadd.s32 s21, s2  }
0x9d: {  	[timem:s6], [sflag:s22] =	dma.local [hbm:s4], s20  }
0x9e: {  	_ =	swait.ge [sflag:s22], s20  }
0x9f: {  	s3 =	ssub.s32 $0x0, s20;
	[sflag:s22] =	ssyncset.done $0x0  }
0xa0: {  	[sflag:s22] =	ssyncadd.s32 s3;
	_ =	sdelay $0x1  }
0xa1: {  	s23 =	simm.s32 $0x1B8B  }
0xa2: {  	_ =	swait.ge [sflag:s23], $0x1  }
0xa3: {  	[sflag:s23] =	ssyncset.done $0x0  }
0xa4: {  	s25 =	simm.s32 $0x1B8E;
	s24 =	sld [smem:$0x3FFE];
	[sflag:s23] =	ssyncadd.s32 $0xFFFFFFFF  }
0xa5: {  	s26 =	simm.s32 $execute0_lowered;
	[smem:$0x3FD2] =	sst s25  }
0xa6: {  	s4 =	sshll.u32 s26, $0x1;
	_ =	strace $0x80000049;
	[dreg:$0x1] =	wrdreg $0xFFFFFFFF  }
0xa7: {  	s28 =	simm.s32 $_size_execute0_lowered;
	s2 =	sadd.s32 s2, s4;
	[dreg:$0x0] =	wrdreg $0x0  }
0xa8: {  	s4 =	sshll.u32 s28, $0x1;
	[dreg:$0x2] =	wrdreg s2  }
0xa9: {  	[dreg:$0x3] =	wrdreg s4  }
0xaa: {  	[dreg:$0x4] =	wrdreg $0xC0  }
0xab: {  	_ =	task [dreg:s6], $0x5FFFF  }
0xac: {  	[dreg:$0x1] =	wrdreg $0xFFFFFFFF  }
0xad: {  	[dreg:$0x0] =	wrdreg $0x60  }
0xae: {  	[dreg:$0x2] =	wrdreg s24  }
0xaf: {  	[dreg:$0x3] =	wrdreg $0xA9000  }
0xb0: {  	[dreg:$0x4] =	wrdreg $0x9  }
0xb1: {  	_ =	task.clear_ibuf [dreg:s6], $0x5FFFF;
	_ =	strace $0x90000049  }
0xb2: {  	s29 =	simm.s32 $0x9;
	_ =	strace $0x8000004B  }
0xb3: {  	_ =	swait.ge [sflag:s29], $0x1  }
0xb4: {  	[sflag:s29] =	ssyncadd.s32 $0xFFFFFFFF  }
0xb5: {  	_ =	strace $0x9000004B  }
0xb6: {  	_ =	sfence  }
0xb7: {  	s30 =	sld [smem:$0x0];
	_ =	sdelay $0x2  }
0xb8: {  	s31 =	sshll.u32 s1, $0xD;
	s1 =	sshrl.u32 s1, $0x2  }
0xb9: {  	s3 =	sand.u32 $0x4000, s31;
	s1 =	sadd.s32 s1, s30  }
0xba: {  	s0 =	sor.u32 s3, s0;
	s1 =	sshll.u32 s1, $0x11  }
0xbb: {  	s0 =	sor.u32 s1, s0  }
0xbc: {  	s0 =	sadd.s32 $0x8F2B, s0  }
0xbd: {  	[sflag:s0] =	ssyncadd.remote.s32 $0x1  }
0xbe: {  	_ =	sfence.sel $0xFFFF  }
0xbf: {  	[dreg:$0x0] =	wrdreg $0xFFFFFFFF;
	(pc) =	sbr.abs _section_cstart, $3  }
0xc0: {  	[dreg:$0x1] =	wrdreg $0xFFFFFFFF  }
0xc1: {  	_ =	task.clear_ibuf [dreg:s6], $0x2FFFF;
	_ =	strace $0x9FFFFFFF  }
0xc2: {  	(tm) =	ssettm $0x7FFFFFFF  }
0xc3: {  	_ =	shalt  }
tec
execute0_lowered:
.L_overlay_start_1:
0x0: {  	(tag) =	ssettag $0x1  }
0x1: {  	s1 =	srdreg.scid  }
0x2: {  	s0 =	stileid.u32;
	s8 =	rddreg [dreg:$0x0]  }
0x3: {  	s2 =	rddreg [dreg:$0x1];
	s3 =	simm.s32 $0x0;
	s14 =	simm.s32 $0x80  }
0x4: {  	s15 =	simm.s32 $0x2900;
	s16 =	simm.s32 $0x6900;
	s17 =	simm.s32 $0x2800  }
0x5: {  	s18 =	simm.s32 $0x2880;
	s19 =	simm.s32 $0x1;
	s20 =	simm.s32 $0x2  }
0x6: {  	s21 =	simm.s32 $0x3;
	s22 =	simm.s32 $0x4;
	s23 =	simm.s32 $0x0  }
0x7: {  	s7 =	sand.u32 $0x1, s1;
	s28 =	sshll.u32 s0, $0x1;
	s1 =	rddreg [dreg:$0x2]  }
0x8: {  	[smem:$0x7FF] =	sst s3;
	s10 =	smul.u32 $0x13C00, s0;
	s5 =	sadd.s32 $0x11A00, s8  }
0x9: {  	s12 =	smul.u32 $0x4F000, s0;
	s31 =	sshll.u32 s0, $0x6;
	s4 =	sor.u32 s7, s28  }
0xa: {  	s9 =	smul.u32 $0x13C000, s7;
	_ =	strace $0x8000004A;
	s29 =	ssub.s32 $0x2, s7  }
0xb: {  	s7 =	sadd.s32 $0xF200, s8;
	s4 =	smul.u32 $0x2800, s4;
	s13 =	sshrl.u32 s29, $0x1  }
0xc: {  	s12 =	sshrl.u32 s12, $0x2;
	s9 =	sadd.s32 s10, s9;
	s10 =	ssub.s32 s29, s13  }
0xd: {  	s30 =	sadd.s32 s12, s2;
	s12 =	sor.u32 $0x1C05, s31;
	s6 =	sshrl.u32 s4, $0x3  }
0xe: {  	s9 =	sshrl.u32 s9, $0x3;
	s10 =	smax.u32 s10, $0x1;
	s13 =	sshrl.u32 s30, $0x3  }
0xf: {  	s11 =	sadd.s32 s6, s8;
	s6 =	sadd.s32 $0x5200, s8;
	s9 =	sadd.s32 s9, s8  }
0x10: {  	s8 =	sadd.s32 $0x61200, s11;
	s9 =	sadd.s32 $0x6B200, s9;
	s11 =	simm.s32 $0x5  }
.LBB2_1:
0x11: {  	[tilespmem:s3], [sflag:$0x5] =	stream.linear.gather [hbm4b:s8+s3], $0x2800, $0x38;
	[tilespmem:$0x1E500] =	vst v63  }
0x12: {  	_ =	swait.ge [sflag:s11], $0x2800  }
0x13: {  	[sflag:s11] =	ssyncset.done $0x0  }
0x14: {  	[sflag:s11] =	ssyncadd.s32 $0xFFFFD800  }
0x15: {  	[spmem:s13], [sflag:s12] =	dma.local [hbm:s7], $0x2780  }
0x16: {  	s24 =	simm.s32 $0x0;
	_ =	swait.ge [sflag:s11], $0x2780  }
0x17: {  	s25 =	sand.u32 $0x3C00, s24;
	[sflag:s11] =	ssyncset.done $0x0  }
0x18: {  	s24 =	sand.u32 $0x300, s24;
	s25 =	sadd.s32 s4, s25;
	[sflag:s11] =	ssyncadd.s32 $0xFFFFD880  }
0x19: {  	s24 =	sor.u32 s24, s25;
	[bflag:$0x0] =	sbarrier.arrive $0xFFFF  }
0x1a: {  	[tilespmem:s15], [sflag:$0x1] =	stream.indirect.gather [hbm4b:s5+s14], $0x80, s3, s14, $0xb8;
	[tilespmem:$0x1E500] =	vst v63  }
0x1b: {  	s26 =	simm.s32 $0x80;
	s24 =	sshrl.u32 s24, $0x3  }
0x1c: {  	[tilespmem:s16], [sflag:$0x2] =	stream.indirect.gather [hbm4b:s5+s14], $0x80, s26, s14, $0xb8;
	[tilespmem:$0x1E500] =	vst v63  }
0x1d: {  	s30 =	sand.u32 $0x380, s14;
	s24 =	sadd.s32 s6, s24  }
0x1e: {  	[tilespmem:s17], [sflag:$0x5] =	stream.linear.gather [hbm4b:s24+s3], $0x80, $0x38;
	[tilespmem:$0x1E500] =	vst v63  }
0x1f: {  	s31 =	sor.u32 s25, s30;
	_ =	swait.ge [sflag:s11], $0x80  }
0x20: {  	s24 =	sshrl.u32 s31, $0x3;
	[sflag:s11] =	ssyncset.done $0x0  }
0x21: {  	s24 =	sadd.s32 s6, s24;
	[sflag:s11] =	ssyncadd.s32 $0xFFFFFF80  }
0x22: {  	[tilespmem:s18], [sflag:$0x5] =	stream.linear.gather [hbm4b:s24+s3], $0x80, $0x38;
	[tilespmem:$0x1E500] =	vst v63  }
0x23: {  	_ =	swait.ge [sflag:s11], $0x80  }
0x24: {  	[sflag:s11] =	ssyncset.done $0x0  }
0x25: {  	[sflag:s11] =	ssyncadd.s32 $0xFFFFFF80  }
0x26: {  	_ =	swait.ge [sflag:s19], $0x4000  }
0x27: {  	[sflag:s19] =	ssyncset.done $0x0  }
0x28: {  	[sflag:s19] =	ssyncadd.s32 $0xFFFFC000  }
0x29: {  	[spmem:s2] =	stream.indirect.scatter.add.f32 [tilespmem:s15], [sflag:$0x3], $0x80, s17, s14, $0xb8;
	[tilespmem:$0x1E500] =	vst v63  }
0x2a: {  	_ =	swait.ge [sflag:s20], $0x4000  }
0x2b: {  	[sflag:s20] =	ssyncset.done $0x0  }
0x2c: {  	s28 =	simm.s32 $0x180;
	[sflag:s20] =	ssyncadd.s32 $0xFFFFC000  }
0x2d: {  	[spmem:s2] =	stream.indirect.scatter.add.f32 [tilespmem:s16], [sflag:$0x4], $0x80, s18, s14, $0xb8;
	[tilespmem:$0x1E500] =	vst v63  }
0x2e: {  	s29 =	simm.s32 $0x100;
	s25 =	simm.s32 $0x100;
	_ =	swait.ge [sflag:s21], $0x4000  }
0x2f: {  	s26 =	simm.s32 $0x280;
	s24 =	simm.s32 $0x180;
	[sflag:s21] =	ssyncset.done $0x0  }
.LBB2_2:
0x30: {  	s30 =	sand.u32 $0x3C00, s29  }
0x31: {  	s31 =	sand.u32 $0x380, s24;
	[sflag:s21] =	ssyncadd.s32 $0xFFFFC000;
	s24 =	smov.u32 s26  }
0x32: {  	s29 =	sand.u32 $0x300, s29;
	s30 =	sadd.s32 s4, s30;
	_ =	swait.ge [sflag:s22], $0x4000  }
0x33: {  	s29 =	sor.u32 s29, s30;
	s30 =	sor.u32 s30, s31;
	[sflag:s22] =	ssyncset.done $0x0  }
0x34: {  	s29 =	sshrl.u32 s29, $0x3;
	s30 =	sshrl.u32 s30, $0x3;
	[sflag:s22] =	ssyncadd.s32 $0xFFFFC000  }
0x35: {  	[tilespmem:s15], [sflag:$0x1] =	stream.indirect.gather [hbm4b:s5+s14], $0x80, s25, s14, $0xb8;
	[tilespmem:$0x1E500] =	vst v63  }
0x36: {  	p0 =	sne.s32 s26, $0x2780;
	s26 =	sadd.s32 $0x100, s26;
	s29 =	sadd.s32 s6, s29  }
0x37: {  	[tilespmem:s16], [sflag:$0x2] =	stream.indirect.gather [hbm4b:s5+s14], $0x80, s28, s14, $0xb8;
	[tilespmem:$0x1E500] =	vst v63  }
0x38: {  	s28 =	sadd.s32 s6, s30  }
0x39: {  	[tilespmem:s17], [sflag:$0x5] =	stream.linear.gather [hbm4b:s29+s3], $0x80, $0x38;
	[tilespmem:$0x1E500] =	vst v63  }
0x3a: {  	_ =	swait.ge [sflag:s11], $0x80  }
0x3b: {  	[sflag:s11] =	ssyncset.done $0x0  }
0x3c: {  	[sflag:s11] =	ssyncadd.s32 $0xFFFFFF80  }
0x3d: {  	[tilespmem:s18], [sflag:$0x5] =	stream.linear.gather [hbm4b:s28+s3], $0x80, $0x38;
	[tilespmem:$0x1E500] =	vst v63  }
0x3e: {  	_ =	swait.ge [sflag:s11], $0x80  }
0x3f: {  	[sflag:s11] =	ssyncset.done $0x0  }
0x40: {  	[sflag:s11] =	ssyncadd.s32 $0xFFFFFF80  }
0x41: {  	_ =	swait.ge [sflag:s19], $0x4000  }
0x42: {  	[sflag:s19] =	ssyncset.done $0x0  }
0x43: {  	[sflag:s19] =	ssyncadd.s32 $0xFFFFC000  }
0x44: {  	[spmem:s2] =	stream.indirect.scatter.add.f32 [tilespmem:s15], [sflag:$0x3], $0x80, s17, s14, $0xb8;
	[tilespmem:$0x1E500] =	vst v63  }
0x45: {  	_ =	swait.ge [sflag:s20], $0x4000  }
.Ltmp0:
0x46: {  	[sflag:s20] =	ssyncset.done $0x0;
	(pc) =	sbr.rel @p0 .LBB2_2-.Ltmp0, $4  }
0x47: {  	[sflag:s20] =	ssyncadd.s32 $0xFFFFC000  }
0x48: {  	[spmem:s2] =	stream.indirect.scatter.add.f32 [tilespmem:s16], [sflag:$0x4], $0x80, s18, s14, $0xb8;
	[tilespmem:$0x1E500] =	vst v63  }
0x49: {  	s25 =	sadd.s32 $0x100, s25;
	_ =	swait.ge [sflag:s21], $0x4000  }
0x4a: {  	s29 =	sadd.s32 $0xFFFFFF80, s24;
	s28 =	sadd.s32 $0x80, s25;
	[sflag:s21] =	ssyncset.done $0x0  }
0x4b: {  	[sflag:s21] =	ssyncadd.s32 $0xFFFFC000  }
0x4c: {  	s26 =	sand.u32 $0x3C00, s29;
	_ =	swait.ge [sflag:s22], $0x4000  }
0x4d: {  	s30 =	sand.u32 $0x300, s29;
	s26 =	sadd.s32 s4, s26;
	[sflag:s22] =	ssyncset.done $0x0  }
0x4e: {  	s29 =	sor.u32 s30, s26;
	[sflag:s22] =	ssyncadd.s32 $0xFFFFC000  }
0x4f: {  	[tilespmem:s15], [sflag:$0x1] =	stream.indirect.gather [hbm4b:s5+s14], $0x80, s25, s14, $0xb8;
	[tilespmem:$0x1E500] =	vst v63  }
0x50: {  	s31 =	sshrl.u32 s29, $0x3  }
0x51: {  	[tilespmem:s16], [sflag:$0x2] =	stream.indirect.gather [hbm4b:s5+s14], $0x80, s28, s14, $0xb8;
	[tilespmem:$0x1E500] =	vst v63  }
0x52: {  	s24 =	sand.u32 $0x380, s24;
	s25 =	sadd.s32 s6, s31  }
0x53: {  	[tilespmem:s17], [sflag:$0x5] =	stream.linear.gather [hbm4b:s25+s3], $0x80, $0x38;
	[tilespmem:$0x1E500] =	vst v63  }
0x54: {  	s24 =	sor.u32 s26, s24;
	_ =	swait.ge [sflag:s11], $0x80  }
0x55: {  	s24 =	sshrl.u32 s24, $0x3;
	[sflag:s11] =	ssyncset.done $0x0  }
0x56: {  	s24 =	sadd.s32 s6, s24;
	[sflag:s11] =	ssyncadd.s32 $0xFFFFFF80  }
0x57: {  	[tilespmem:s18], [sflag:$0x5] =	stream.linear.gather [hbm4b:s24+s3], $0x80, $0x38;
	[tilespmem:$0x1E500] =	vst v63  }
0x58: {  	_ =	swait.ge [sflag:s11], $0x80  }
0x59: {  	[sflag:s11] =	ssyncset.done $0x0  }
0x5a: {  	[sflag:s11] =	ssyncadd.s32 $0xFFFFFF80  }
0x5b: {  	_ =	swait.ge [sflag:s19], $0x4000  }
0x5c: {  	[sflag:s19] =	ssyncset.done $0x0  }
0x5d: {  	[sflag:s19] =	ssyncadd.s32 $0xFFFFC000  }
0x5e: {  	[spmem:s2] =	stream.indirect.scatter.add.f32 [tilespmem:s15], [sflag:$0x3], $0x80, s17, s14, $0xb8;
	[tilespmem:$0x1E500] =	vst v63  }
0x5f: {  	_ =	swait.ge [sflag:s20], $0x4000  }
0x60: {  	[sflag:s20] =	ssyncset.done $0x0  }
0x61: {  	[sflag:s20] =	ssyncadd.s32 $0xFFFFC000  }
0x62: {  	[spmem:s2] =	stream.indirect.scatter.add.f32 [tilespmem:s16], [sflag:$0x4], $0x80, s18, s14, $0xb8;
	[tilespmem:$0x1E500] =	vst v63  }
0x63: {  	_ =	swait.ge [sflag:s21], $0x4000  }
0x64: {  	[sflag:s21] =	ssyncset.done $0x0  }
0x65: {  	[sflag:s21] =	ssyncadd.s32 $0xFFFFC000  }
0x66: {  	_ =	swait.ge [sflag:s22], $0x4000  }
0x67: {  	s23 =	sadd.s32 $0x1, s23;
	[sflag:s22] =	ssyncset.done $0x0  }
0x68: {  	p0 =	sne.s32 s23, s10;
	[sflag:s22] =	ssyncadd.s32 $0xFFFFC000  }
.Ltmp1:
0x69: {  	[bflag:$0x0] =	sbarrier.arrive $0xFFFF;
	(pc) =	sbr.rel @p0 .LBB2_1-.Ltmp1, $4  }
0x6a: {  	[hbm:s9], [sflag:s12] =	dma.local [spmem:s13], $0x2780  }
0x6b: {  	_ =	swait.ge [sflag:s11], $0x2780  }
0x6c: {  	[sflag:s11] =	ssyncset.done $0x0  }
0x6d: {  	[sflag:s11] =	ssyncadd.s32 $0xFFFFD880  }
0x6e: {  	_ =	sfence.sel $0x180000  }
0x6f: {  	[bflag:$0x0] =	sbarrier.arrive $0xFFFF  }
0x70: {  	p0 =	sne.s32 s0, $0x0;
	_ =	strace $0x9000004A  }
0x71: {  	s0 =	sadd.s32 @!p0 $0x100000, s1;
	[bflag:$0x2] =	sbarrier.arrive $0xFFFF  }
0x72: {  	[sflag:s0] =	ssyncadd.tile.s32 @!p0 $0x1;
	_ =	shalt  }
.Lfunc_end2:
_tile_overlayer_lowered:
.L_overlay_start_2:
0x73: {  	(tag) =	ssettag $0x2  }
0x74: {  	s0 =	rddreg [dreg:$0x0];
	s2 =	stileid.u32  }
0x75: {  	s1 =	rddreg [dreg:$0x1];
	p0 =	sne.s32 s2, $0x0  }
0x76: {  	s3 =	rddreg [dreg:$0x2];
	[bflag:$0x3] =	sbarrier.arrive $0xFFFF;
	s2 =	simm.s32 @!p0 $0x1C05  }
0x77: {  	[timem:s3], [sflag:s2] =	dma.local @!p0 [hbm:s0], s1  }
0x78: {  	s0 =	simm.s32 @!p0 $0x5  }
0x79: {  	_ =	swait.ge @!p0 [sflag:s0], s1  }
0x7a: {  	s1 =	ssub.s32 @!p0 $0x0, s1;
	[sflag:s0] =	ssyncset.done @!p0 $0x0  }
0x7b: {  	[sflag:s0] =	ssyncadd.s32 @!p0 s1  }
0x7c: {  	[bflag:$0x3] =	sbarrier.arrive $0xFFFF  }
0x7d: {  	_ =	shalt  }

// kernel: kernel.23.cloned.1.call-start
scs
__scs_entry_jumppad:
0x0: {  	(pc) =	sbr.rel $0x88, $3  }
0x1: {  	(tag) =	ssettag $0x0;
	lr =	simm.s32 $0x1  }
0x2: {  	[smem:$0x3F94] =	sst lr;
	_ =	strace $0xD0000000  }
0x3: {  	_ = 	snop  }
0x4: {  	_ = 	snop  }
0x5: {  	_ = 	snop  }
0x6: {  	_ = 	snop  }
0x7: {  	_ = 	snop  }
__scs_overlays_trampoline_lowered:
0x8: {  	[smem:$0x3FA3] =	sst s0  }
0x9: {  	[smem:$0x3FA4] =	sst s1  }
0xa: {  	[smem:$0x3FA5] =	sst s2  }
0xb: {  	[smem:$0x3FA6] =	sst s3  }
0xc: {  	[smem:$0x3FA7] =	sst s4  }
0xd: {  	[smem:$0x3FA8] =	sst s5  }
0xe: {  	[smem:$0x3FA9] =	sst s6  }
0xf: {  	[smem:$0x3FAA] =	sst s7  }
0x10: {  	[smem:$0x3FAB] =	sst s8  }
0x11: {  	[smem:$0x3FAC] =	sst s9;
	s0 =	simm.s32 @!p0 $0x0  }
0x12: {  	s1 =	sld [smem:$0x3F92];
	s0 =	simm.s32 @p0 $0x1  }
0x13: {  	[smem:$0x3FAD] =	sst s0;
	s0 =	simm.s32 @!p1 $0x0  }
0x14: {  	s2 =	sld [smem:$0x3F91];
	s0 =	simm.s32 @p1 $0x1  }
0x15: {  	[smem:$0x3FAE] =	sst s0;
	s0 =	simm.s32 @!p2 $0x0  }
0x16: {  	s3 =	sld [smem:$0x3FDB];
	s0 =	simm.s32 @p2 $0x1  }
0x17: {  	s4 =	simm.s32 $0x1BF5;
	[smem:$0x3FB0] =	sst s0  }
0x18: {  	s0 =	sld [smem:$0x3F93];
	_ =	swait.ge [sflag:s4], $0x0  }
0x19: {  	s7 =	sld [smem:$0x3F94]  }
0x1a: {  	s8 =	sadd.s32 $0xFFFFE003, lr  }
0x1b: {  	s9 =	sadd.s32 $0xFFFFFEF7, lr;
	s5 =	simm.s32 $0xFFFFFFFF;
	p2 =	slt.u32 s8, $0xFFFFF086  }
0x1c: {  	p1 =	slt.u32 s9, $0xF7A;
	s5 =	simm.s32 @!p2 $0x0  }
0x1d: {  	s5 =	simm.s32 @p1 $0x1;
	p0 =	seq.s32 s7, s2  }
0x1e: {  	s7 =	smul.u32 @!p0 $0xF7A, s2;
	p2 =	seq.s32 @!p0 s5, $0x0  }
0x1f: {  	s9 =	smul.u32 $0xF7A, s1;
	s8 =	simm.s32 @!p0 $0x1BF5;
	p2 =	por !p2, p0  }
0x20: {  	[sflag:s8] =	ssyncset.s32 @!p0 $0xFFFFF086;
	s6 =	sadd.s32 @!p0 s3, s7;
	s7 =	simm.s32 @!p0 $0x108  }
0x21: {  	s3 =	sadd.s32 s3, s9;
	s6 =	sadd.s32 @!p0 $0x88, s6;
	s7 =	simm.s32 @p2 $0x1082  }
0x22: {  	[simem:s7], [sflag:s8] =	dma.local @!p0 [hbm:s6], $0xF7A  }
0x23: {  	s9 =	sor.u32 $0xD0000000, s2;
	s6 =	simm.s32 $0x108;
	_ =	swait.ge @!p0 [sflag:s8], $0x0  }
0x24: {  	s3 =	sadd.s32 $0x88, s3;
	s6 =	simm.s32 @!p1 $0x1082;
	[sflag:s4] =	ssyncset.s32 $0xFFFFF086  }
0x25: {  	[simem:s6], [sflag:s4] =	dma.local [hbm:s3], $0xF7A  }
0x26: {  	[smem:$0x3F94] =	sst s1;
	(tag) =	ssettag s2;
	_ =	strace s9  }
0x27: {  	s1 =	sld [smem:$0x3FA4]  }
0x28: {  	s2 =	sld [smem:$0x3FA5]  }
0x29: {  	s4 =	sld [smem:$0x3FA7]  }
0x2a: {  	p0 =	seq.s32 s5, $0x0;
	s5 =	sld [smem:$0x3FA8]  }
0x2b: {  	s6 =	sld [smem:$0x3FA9]  }
0x2c: {  	s7 =	sld [smem:$0x3FAA]  }
0x2d: {  	s3 =	simm.s32 $0x108;
	s8 =	sld [smem:$0x3FAB]  }
0x2e: {  	s3 =	simm.s32 @!p0 $0x1082;
	s9 =	sld [smem:$0x3FAC]  }
0x2f: {  	lr =	sadd.s32 s0, s3;
	s0 =	sld [smem:$0x3FA3]  }
0x30: {  	s3 =	sld [smem:$0x3FA6]  }
0x31: {  	[smem:$0x3FAF] =	sst s10  }
0x32: {  	s10 =	sld [smem:$0x3FAD];
	_ =	sdelay $0x3  }
0x33: {  	p0 =	seq.s32 s10, $0x1;
	s10 =	sld [smem:$0x3FAF];
	_ =	sdelay $0x3  }
0x34: {  	[smem:$0x3FAF] =	sst s10  }
0x35: {  	s10 =	sld [smem:$0x3FAE];
	_ =	sdelay $0x3  }
0x36: {  	p1 =	seq.s32 s10, $0x1;
	s10 =	sld [smem:$0x3FAF];
	_ =	sdelay $0x3  }
0x37: {  	[smem:$0x3FAF] =	sst s10  }
0x38: {  	s10 =	sld [smem:$0x3FB0]  }
0x39: {  	_ = 	snop;
	(pc) =	sbr.ind lr, $3  }
0x3a: {  	_ = 	snop  }
0x3b: {  	_ = 	snop  }
0x3c: {  	p2 =	seq.s32 s10, $0x1;
	s10 =	sld [smem:$0x3FAF]  }
0x3d: {  	_ =	shalt  }
0x3e: {  	_ =	shalt  }
0x3f: {  	_ =	shalt  }
0x40: {  	_ =	shalt  }
0x41: {  	_ =	shalt  }
0x42: {  	_ =	shalt  }
0x43: {  	_ =	shalt  }
0x44: {  	_ =	shalt  }
0x45: {  	_ =	shalt  }
0x46: {  	_ =	shalt  }
0x47: {  	_ =	shalt  }
0x48: {  	_ =	shalt  }
0x49: {  	_ =	shalt  }
0x4a: {  	_ =	shalt  }
0x4b: {  	_ =	shalt  }
0x4c: {  	_ =	shalt  }
0x4d: {  	_ =	shalt  }
0x4e: {  	_ =	shalt  }
0x4f: {  	_ =	shalt  }
0x50: {  	_ =	shalt  }
0x51: {  	_ =	shalt  }
0x52: {  	_ =	shalt  }
0x53: {  	_ =	shalt  }
0x54: {  	_ =	shalt  }
0x55: {  	_ =	shalt  }
0x56: {  	_ =	shalt  }
0x57: {  	_ =	shalt  }
0x58: {  	_ =	shalt  }
0x59: {  	_ =	shalt  }
0x5a: {  	_ =	shalt  }
0x5b: {  	_ =	shalt  }
0x5c: {  	_ =	shalt  }
0x5d: {  	_ =	shalt  }
0x5e: {  	_ =	shalt  }
0x5f: {  	_ =	shalt  }
0x60: {  	_ =	shalt  }
0x61: {  	_ =	shalt  }
0x62: {  	_ =	shalt  }
0x63: {  	_ =	shalt  }
0x64: {  	_ =	shalt  }
0x65: {  	_ =	shalt  }
0x66: {  	_ =	shalt  }
0x67: {  	_ =	shalt  }
0x68: {  	_ =	shalt  }
0x69: {  	_ =	shalt  }
0x6a: {  	_ =	shalt  }
0x6b: {  	_ =	shalt  }
0x6c: {  	_ =	shalt  }
0x6d: {  	_ =	shalt  }
0x6e: {  	_ =	shalt  }
0x6f: {  	_ =	shalt  }
0x70: {  	_ =	shalt  }
0x71: {  	_ =	shalt  }
0x72: {  	_ =	shalt  }
0x73: {  	_ =	shalt  }
0x74: {  	_ =	shalt  }
0x75: {  	_ =	shalt  }
0x76: {  	_ =	shalt  }
0x77: {  	_ =	shalt  }
0x78: {  	_ =	shalt  }
0x79: {  	_ =	shalt  }
0x7a: {  	_ =	shalt  }
0x7b: {  	_ =	shalt  }
0x7c: {  	_ =	shalt  }
0x7d: {  	_ =	shalt  }
0x7e: {  	_ =	shalt  }
0x7f: {  	_ =	shalt  }
0x80: {  	_ =	shalt  }
0x81: {  	_ =	shalt  }
0x82: {  	_ =	shalt  }
0x83: {  	_ =	shalt  }
0x84: {  	_ =	shalt  }
0x85: {  	_ =	shalt  }
0x86: {  	_ =	shalt  }
0x87: {  	_ =	shalt  }
.Lfunc_end0:
.L_simem_size_0:
called_computation.2_lowered:
.L_overlay_start_0:
0x88: {  	s2 =	sld [smem:$0x3FD9]  }
0x89: {  	s3 =	sld [smem:$0x3FFE];
	_ =	sdelay $0x1  }
0x8a: {  	s1 =	srdreg.scid  }
0x8b: {  	s0 =	sand.u32 $0x1, s1  }
0x8c: {  	s16 =	sshll.u32 s0, $0xA;
	s2 =	sadd.s32 s3, s2  }
0x8d: {  	s2 =	sadd.s32 s2, s16  }
0x8e: {  	[smem:$0x3FBB] =	sst s2  }
0x8f: {  	_ = 	snop  }
0x90: {  	(tm) =	ssettm $0x1  }
0x91: {  	s17 =	sld [smem:$0x3FFB];
	_ =	sdelay $0x3  }
0x92: {  	_ =	strace s17  }
0x93: {  	s2 =	sld [smem:$0x3FFC];
	_ =	sdelay $0x3  }
0x94: {  	_ =	strace s2  }
0x95: {  	s2 =	sld [smem:$0x3FFD];
	_ =	sdelay $0x3  }
0x96: {  	_ =	strace s2  }
0x97: {  	_ =	strace $0x8FFFFFFF  }
0x98: {  	s18 =	sld [smem:$0x3FDB];
	_ =	sdelay $0x1  }
0x99: {  	s19 =	simm.s32 $_scs_section_size  }
0x9a: {  	s4 =	simm.s32 $_size__tile_overlayer_lowered;
	s5 =	simm.s32 $_tile_overlayer_lowered  }
0x9b: {  	s22 =	simm.s32 $0x1BFF;
	s21 =	sshll.u32 s5, $0x1;
	s2 =	sadd.s32 s19, s18  }
0x9c: {  	s6 =	simm.s32 $0x0;
	s20 =	sshll.u32 s4, $0x1;
	s4 =	sadd.s32 s21, s2  }
0x9d: {  	[timem:s6], [sflag:s22] =	dma.local [hbm:s4], s20  }
0x9e: {  	_ =	swait.ge [sflag:s22], s20  }
0x9f: {  	s3 =	ssub.s32 $0x0, s20;
	[sflag:s22] =	ssyncset.done $0x0  }
0xa0: {  	[sflag:s22] =	ssyncadd.s32 s3;
	_ =	sdelay $0x1  }
0xa1: {  	s23 =	simm.s32 $0x1B8B  }
0xa2: {  	_ =	swait.ge [sflag:s23], $0x1  }
0xa3: {  	[sflag:s23] =	ssyncset.done $0x0  }
0xa4: {  	s25 =	simm.s32 $0x1B8E;
	s24 =	sld [smem:$0x3FFE];
	[sflag:s23] =	ssyncadd.s32 $0xFFFFFFFF  }
0xa5: {  	s26 =	simm.s32 $execute0_lowered;
	[smem:$0x3FD2] =	sst s25  }
0xa6: {  	s4 =	sshll.u32 s26, $0x1;
	_ =	strace $0x8000004C;
	[dreg:$0x1] =	wrdreg $0xFFFFFFFF  }
0xa7: {  	s28 =	simm.s32 $_size_execute0_lowered;
	s2 =	sadd.s32 s2, s4;
	[dreg:$0x0] =	wrdreg $0x0  }
0xa8: {  	s4 =	sshll.u32 s28, $0x1;
	[dreg:$0x2] =	wrdreg s2  }
0xa9: {  	[dreg:$0x3] =	wrdreg s4  }
0xaa: {  	[dreg:$0x4] =	wrdreg $0xC0  }
0xab: {  	_ =	task [dreg:s6], $0x5FFFF  }
0xac: {  	[dreg:$0x1] =	wrdreg $0xFFFFFFFF  }
0xad: {  	[dreg:$0x0] =	wrdreg $0x60  }
0xae: {  	[dreg:$0x2] =	wrdreg s24  }
0xaf: {  	[dreg:$0x3] =	wrdreg $0xA9000  }
0xb0: {  	[dreg:$0x4] =	wrdreg $0x9  }
0xb1: {  	_ =	task.clear_ibuf [dreg:s6], $0x5FFFF;
	_ =	strace $0x9000004C  }
0xb2: {  	s29 =	simm.s32 $0x9;
	_ =	strace $0x8000004E  }
0xb3: {  	_ =	swait.ge [sflag:s29], $0x1  }
0xb4: {  	[sflag:s29] =	ssyncadd.s32 $0xFFFFFFFF  }
0xb5: {  	_ =	strace $0x9000004E  }
0xb6: {  	_ =	sfence  }
0xb7: {  	s30 =	sld [smem:$0x0];
	_ =	sdelay $0x2  }
0xb8: {  	s31 =	sshll.u32 s1, $0xD;
	s1 =	sshrl.u32 s1, $0x2  }
0xb9: {  	s3 =	sand.u32 $0x4000, s31;
	s1 =	sadd.s32 s1, s30  }
0xba: {  	s0 =	sor.u32 s3, s0;
	s1 =	sshll.u32 s1, $0x11  }
0xbb: {  	s0 =	sor.u32 s1, s0  }
0xbc: {  	s0 =	sadd.s32 $0x8F2B, s0  }
0xbd: {  	[sflag:s0] =	ssyncadd.remote.s32 $0x1  }
0xbe: {  	_ =	sfence.sel $0xFFFF  }
0xbf: {  	[dreg:$0x0] =	wrdreg $0xFFFFFFFF;
	(pc) =	sbr.abs _section_cstart, $3  }
0xc0: {  	[dreg:$0x1] =	wrdreg $0xFFFFFFFF  }
0xc1: {  	_ =	task.clear_ibuf [dreg:s6], $0x2FFFF;
	_ =	strace $0x9FFFFFFF  }
0xc2: {  	(tm) =	ssettm $0x7FFFFFFF  }
0xc3: {  	_ =	shalt  }
tec
execute0_lowered:
.L_overlay_start_1:
0x0: {  	(tag) =	ssettag $0x1  }
0x1: {  	s1 =	srdreg.scid  }
0x2: {  	s0 =	stileid.u32;
	s8 =	rddreg [dreg:$0x0]  }
0x3: {  	s2 =	rddreg [dreg:$0x1];
	s3 =	simm.s32 $0x0;
	s14 =	simm.s32 $0x80  }
0x4: {  	s15 =	simm.s32 $0x2900;
	s16 =	simm.s32 $0x6900;
	s17 =	simm.s32 $0x2800  }
0x5: {  	s18 =	simm.s32 $0x2880;
	s19 =	simm.s32 $0x1;
	s20 =	simm.s32 $0x2  }
0x6: {  	s21 =	simm.s32 $0x3;
	s22 =	simm.s32 $0x4;
	s23 =	simm.s32 $0x0  }
0x7: {  	s7 =	sand.u32 $0x1, s1;
	s28 =	sshll.u32 s0, $0x1;
	s1 =	rddreg [dreg:$0x2]  }
0x8: {  	[smem:$0x7FF] =	sst s3;
	s10 =	smul.u32 $0x13C00, s0;
	s5 =	sadd.s32 $0x11A00, s8  }
0x9: {  	s12 =	smul.u32 $0x4F000, s0;
	s31 =	sshll.u32 s0, $0x6;
	s4 =	sor.u32 s7, s28  }
0xa: {  	s9 =	smul.u32 $0x13C000, s7;
	_ =	strace $0x8000004D;
	s29 =	ssub.s32 $0x2, s7  }
0xb: {  	s7 =	sadd.s32 $0xF200, s8;
	s4 =	smul.u32 $0x2800, s4;
	s13 =	sshrl.u32 s29, $0x1  }
0xc: {  	s12 =	sshrl.u32 s12, $0x2;
	s9 =	sadd.s32 s10, s9;
	s10 =	ssub.s32 s29, s13  }
0xd: {  	s30 =	sadd.s32 s12, s2;
	s12 =	sor.u32 $0x1C05, s31;
	s6 =	sshrl.u32 s4, $0x3  }
0xe: {  	s9 =	sshrl.u32 s9, $0x3;
	s10 =	smax.u32 s10, $0x1;
	s13 =	sshrl.u32 s30, $0x3  }
0xf: {  	s11 =	sadd.s32 s6, s8;
	s6 =	sadd.s32 $0x5200, s8;
	s9 =	sadd.s32 s9, s8  }
0x10: {  	s8 =	sadd.s32 $0x61200, s11;
	s9 =	sadd.s32 $0x92400, s9;
	s11 =	simm.s32 $0x5  }
.LBB2_1:
0x11: {  	[tilespmem:s3], [sflag:$0x5] =	stream.linear.gather [hbm4b:s8+s3], $0x2800, $0x38;
	[tilespmem:$0x1E500] =	vst v63  }
0x12: {  	_ =	swait.ge [sflag:s11], $0x2800  }
0x13: {  	[sflag:s11] =	ssyncset.done $0x0  }
0x14: {  	[sflag:s11] =	ssyncadd.s32 $0xFFFFD800  }
0x15: {  	[spmem:s13], [sflag:s12] =	dma.local [hbm:s7], $0x2780  }
0x16: {  	s24 =	simm.s32 $0x0;
	_ =	swait.ge [sflag:s11], $0x2780  }
0x17: {  	s25 =	sand.u32 $0x3C00, s24;
	[sflag:s11] =	ssyncset.done $0x0  }
0x18: {  	s24 =	sand.u32 $0x300, s24;
	s25 =	sadd.s32 s4, s25;
	[sflag:s11] =	ssyncadd.s32 $0xFFFFD880  }
0x19: {  	s24 =	sor.u32 s24, s25;
	[bflag:$0x0] =	sbarrier.arrive $0xFFFF  }
0x1a: {  	[tilespmem:s15], [sflag:$0x1] =	stream.indirect.gather [hbm4b:s5+s14], $0x80, s3, s14, $0xb8;
	[tilespmem:$0x1E500] =	vst v63  }
0x1b: {  	s26 =	simm.s32 $0x80;
	s24 =	sshrl.u32 s24, $0x3  }
0x1c: {  	[tilespmem:s16], [sflag:$0x2] =	stream.indirect.gather [hbm4b:s5+s14], $0x80, s26, s14, $0xb8;
	[tilespmem:$0x1E500] =	vst v63  }
0x1d: {  	s30 =	sand.u32 $0x380, s14;
	s24 =	sadd.s32 s6, s24  }
0x1e: {  	[tilespmem:s17], [sflag:$0x5] =	stream.linear.gather [hbm4b:s24+s3], $0x80, $0x38;
	[tilespmem:$0x1E500] =	vst v63  }
0x1f: {  	s31 =	sor.u32 s25, s30;
	_ =	swait.ge [sflag:s11], $0x80  }
0x20: {  	s24 =	sshrl.u32 s31, $0x3;
	[sflag:s11] =	ssyncset.done $0x0  }
0x21: {  	s24 =	sadd.s32 s6, s24;
	[sflag:s11] =	ssyncadd.s32 $0xFFFFFF80  }
0x22: {  	[tilespmem:s18], [sflag:$0x5] =	stream.linear.gather [hbm4b:s24+s3], $0x80, $0x38;
	[tilespmem:$0x1E500] =	vst v63  }
0x23: {  	_ =	swait.ge [sflag:s11], $0x80  }
0x24: {  	[sflag:s11] =	ssyncset.done $0x0  }
0x25: {  	[sflag:s11] =	ssyncadd.s32 $0xFFFFFF80  }
0x26: {  	_ =	swait.ge [sflag:s19], $0x4000  }
0x27: {  	[sflag:s19] =	ssyncset.done $0x0  }
0x28: {  	[sflag:s19] =	ssyncadd.s32 $0xFFFFC000  }
0x29: {  	[spmem:s2] =	stream.indirect.scatter.add.f32 [tilespmem:s15], [sflag:$0x3], $0x80, s17, s14, $0xb8;
	[tilespmem:$0x1E500] =	vst v63  }
0x2a: {  	_ =	swait.ge [sflag:s20], $0x4000  }
0x2b: {  	[sflag:s20] =	ssyncset.done $0x0  }
0x2c: {  	s28 =	simm.s32 $0x180;
	[sflag:s20] =	ssyncadd.s32 $0xFFFFC000  }
0x2d: {  	[spmem:s2] =	stream.indirect.scatter.add.f32 [tilespmem:s16], [sflag:$0x4], $0x80, s18, s14, $0xb8;
	[tilespmem:$0x1E500] =	vst v63  }
0x2e: {  	s29 =	simm.s32 $0x100;
	s25 =	simm.s32 $0x100;
	_ =	swait.ge [sflag:s21], $0x4000  }
0x2f: {  	s26 =	simm.s32 $0x280;
	s24 =	simm.s32 $0x180;
	[sflag:s21] =	ssyncset.done $0x0  }
.LBB2_2:
0x30: {  	s30 =	sand.u32 $0x3C00, s29  }
0x31: {  	s31 =	sand.u32 $0x380, s24;
	[sflag:s21] =	ssyncadd.s32 $0xFFFFC000;
	s24 =	smov.u32 s26  }
0x32: {  	s29 =	sand.u32 $0x300, s29;
	s30 =	sadd.s32 s4, s30;
	_ =	swait.ge [sflag:s22], $0x4000  }
0x33: {  	s29 =	sor.u32 s29, s30;
	s30 =	sor.u32 s30, s31;
	[sflag:s22] =	ssyncset.done $0x0  }
0x34: {  	s29 =	sshrl.u32 s29, $0x3;
	s30 =	sshrl.u32 s30, $0x3;
	[sflag:s22] =	ssyncadd.s32 $0xFFFFC000  }
0x35: {  	[tilespmem:s15], [sflag:$0x1] =	stream.indirect.gather [hbm4b:s5+s14], $0x80, s25, s14, $0xb8;
	[tilespmem:$0x1E500] =	vst v63  }
0x36: {  	p0 =	sne.s32 s26, $0x2780;
	s26 =	sadd.s32 $0x100, s26;
	s29 =	sadd.s32 s6, s29  }
0x37: {  	[tilespmem:s16], [sflag:$0x2] =	stream.indirect.gather [hbm4b:s5+s14], $0x80, s28, s14, $0xb8;
	[tilespmem:$0x1E500] =	vst v63  }
0x38: {  	s28 =	sadd.s32 s6, s30  }
0x39: {  	[tilespmem:s17], [sflag:$0x5] =	stream.linear.gather [hbm4b:s29+s3], $0x80, $0x38;
	[tilespmem:$0x1E500] =	vst v63  }
0x3a: {  	_ =	swait.ge [sflag:s11], $0x80  }
0x3b: {  	[sflag:s11] =	ssyncset.done $0x0  }
0x3c: {  	[sflag:s11] =	ssyncadd.s32 $0xFFFFFF80  }
0x3d: {  	[tilespmem:s18], [sflag:$0x5] =	stream.linear.gather [hbm4b:s28+s3], $0x80, $0x38;
	[tilespmem:$0x1E500] =	vst v63  }
0x3e: {  	_ =	swait.ge [sflag:s11], $0x80  }
0x3f: {  	[sflag:s11] =	ssyncset.done $0x0  }
0x40: {  	[sflag:s11] =	ssyncadd.s32 $0xFFFFFF80  }
0x41: {  	_ =	swait.ge [sflag:s19], $0x4000  }
0x42: {  	[sflag:s19] =	ssyncset.done $0x0  }
0x43: {  	[sflag:s19] =	ssyncadd.s32 $0xFFFFC000  }
0x44: {  	[spmem:s2] =	stream.indirect.scatter.add.f32 [tilespmem:s15], [sflag:$0x3], $0x80, s17, s14, $0xb8;
	[tilespmem:$0x1E500] =	vst v63  }
0x45: {  	_ =	swait.ge [sflag:s20], $0x4000  }
.Ltmp0:
0x46: {  	[sflag:s20] =	ssyncset.done $0x0;
	(pc) =	sbr.rel @p0 .LBB2_2-.Ltmp0, $4  }
0x47: {  	[sflag:s20] =	ssyncadd.s32 $0xFFFFC000  }
0x48: {  	[spmem:s2] =	stream.indirect.scatter.add.f32 [tilespmem:s16], [sflag:$0x4], $0x80, s18, s14, $0xb8;
	[tilespmem:$0x1E500] =	vst v63  }
0x49: {  	s25 =	sadd.s32 $0x100, s25;
	_ =	swait.ge [sflag:s21], $0x4000  }
0x4a: {  	s29 =	sadd.s32 $0xFFFFFF80, s24;
	s28 =	sadd.s32 $0x80, s25;
	[sflag:s21] =	ssyncset.done $0x0  }
0x4b: {  	[sflag:s21] =	ssyncadd.s32 $0xFFFFC000  }
0x4c: {  	s26 =	sand.u32 $0x3C00, s29;
	_ =	swait.ge [sflag:s22], $0x4000  }
0x4d: {  	s30 =	sand.u32 $0x300, s29;
	s26 =	sadd.s32 s4, s26;
	[sflag:s22] =	ssyncset.done $0x0  }
0x4e: {  	s29 =	sor.u32 s30, s26;
	[sflag:s22] =	ssyncadd.s32 $0xFFFFC000  }
0x4f: {  	[tilespmem:s15], [sflag:$0x1] =	stream.indirect.gather [hbm4b:s5+s14], $0x80, s25, s14, $0xb8;
	[tilespmem:$0x1E500] =	vst v63  }
0x50: {  	s31 =	sshrl.u32 s29, $0x3  }
0x51: {  	[tilespmem:s16], [sflag:$0x2] =	stream.indirect.gather [hbm4b:s5+s14], $0x80, s28, s14, $0xb8;
	[tilespmem:$0x1E500] =	vst v63  }
0x52: {  	s24 =	sand.u32 $0x380, s24;
	s25 =	sadd.s32 s6, s31  }
0x53: {  	[tilespmem:s17], [sflag:$0x5] =	stream.linear.gather [hbm4b:s25+s3], $0x80, $0x38;
	[tilespmem:$0x1E500] =	vst v63  }
0x54: {  	s24 =	sor.u32 s26, s24;
	_ =	swait.ge [sflag:s11], $0x80  }
0x55: {  	s24 =	sshrl.u32 s24, $0x3;
	[sflag:s11] =	ssyncset.done $0x0  }
0x56: {  	s24 =	sadd.s32 s6, s24;
	[sflag:s11] =	ssyncadd.s32 $0xFFFFFF80  }
0x57: {  	[tilespmem:s18], [sflag:$0x5] =	stream.linear.gather [hbm4b:s24+s3], $0x80, $0x38;
	[tilespmem:$0x1E500] =	vst v63  }
0x58: {  	_ =	swait.ge [sflag:s11], $0x80  }
0x59: {  	[sflag:s11] =	ssyncset.done $0x0  }
0x5a: {  	[sflag:s11] =	ssyncadd.s32 $0xFFFFFF80  }
0x5b: {  	_ =	swait.ge [sflag:s19], $0x4000  }
0x5c: {  	[sflag:s19] =	ssyncset.done $0x0  }
0x5d: {  	[sflag:s19] =	ssyncadd.s32 $0xFFFFC000  }
0x5e: {  	[spmem:s2] =	stream.indirect.scatter.add.f32 [tilespmem:s15], [sflag:$0x3], $0x80, s17, s14, $0xb8;
	[tilespmem:$0x1E500] =	vst v63  }
0x5f: {  	_ =	swait.ge [sflag:s20], $0x4000  }
0x60: {  	[sflag:s20] =	ssyncset.done $0x0  }
0x61: {  	[sflag:s20] =	ssyncadd.s32 $0xFFFFC000  }
0x62: {  	[spmem:s2] =	stream.indirect.scatter.add.f32 [tilespmem:s16], [sflag:$0x4], $0x80, s18, s14, $0xb8;
	[tilespmem:$0x1E500] =	vst v63  }
0x63: {  	_ =	swait.ge [sflag:s21], $0x4000  }
0x64: {  	[sflag:s21] =	ssyncset.done $0x0  }
0x65: {  	[sflag:s21] =	ssyncadd.s32 $0xFFFFC000  }
0x66: {  	_ =	swait.ge [sflag:s22], $0x4000  }
0x67: {  	s23 =	sadd.s32 $0x1, s23;
	[sflag:s22] =	ssyncset.done $0x0  }
0x68: {  	p0 =	sne.s32 s23, s10;
	[sflag:s22] =	ssyncadd.s32 $0xFFFFC000  }
.Ltmp1:
0x69: {  	[bflag:$0x0] =	sbarrier.arrive $0xFFFF;
	(pc) =	sbr.rel @p0 .LBB2_1-.Ltmp1, $4  }
0x6a: {  	[hbm:s9], [sflag:s12] =	dma.local [spmem:s13], $0x2780  }
0x6b: {  	_ =	swait.ge [sflag:s11], $0x2780  }
0x6c: {  	[sflag:s11] =	ssyncset.done $0x0  }
0x6d: {  	[sflag:s11] =	ssyncadd.s32 $0xFFFFD880  }
0x6e: {  	_ =	sfence.sel $0x180000  }
0x6f: {  	[bflag:$0x0] =	sbarrier.arrive $0xFFFF  }
0x70: {  	p0 =	sne.s32 s0, $0x0;
	_ =	strace $0x9000004D  }
0x71: {  	s0 =	sadd.s32 @!p0 $0x100000, s1;
	[bflag:$0x2] =	sbarrier.arrive $0xFFFF  }
0x72: {  	[sflag:s0] =	ssyncadd.tile.s32 @!p0 $0x1;
	_ =	shalt  }
.Lfunc_end2:
_tile_overlayer_lowered:
.L_overlay_start_2:
0x73: {  	(tag) =	ssettag $0x2  }
0x74: {  	s0 =	rddreg [dreg:$0x0];
	s2 =	stileid.u32  }
0x75: {  	s1 =	rddreg [dreg:$0x1];
	p0 =	sne.s32 s2, $0x0  }
0x76: {  	s3 =	rddreg [dreg:$0x2];
	[bflag:$0x3] =	sbarrier.arrive $0xFFFF;
	s2 =	simm.s32 @!p0 $0x1C05  }
0x77: {  	[timem:s3], [sflag:s2] =	dma.local @!p0 [hbm:s0], s1  }
0x78: {  	s0 =	simm.s32 @!p0 $0x5  }
0x79: {  	_ =	swait.ge @!p0 [sflag:s0], s1  }
0x7a: {  	s1 =	ssub.s32 @!p0 $0x0, s1;
	[sflag:s0] =	ssyncset.done @!p0 $0x0  }
0x7b: {  	[sflag:s0] =	ssyncadd.s32 @!p0 s1  }
0x7c: {  	[bflag:$0x3] =	sbarrier.arrive $0xFFFF  }
0x7d: {  	_ =	shalt  }

// kernel: kernel.26.cloned.1.call-start
scs
__scs_entry_jumppad:
0x0: {  	(pc) =	sbr.rel $0x88, $3  }
0x1: {  	(tag) =	ssettag $0x0;
	lr =	simm.s32 $0x1  }
0x2: {  	[smem:$0x3F94] =	sst lr;
	_ =	strace $0xD0000000  }
0x3: {  	_ = 	snop  }
0x4: {  	_ = 	snop  }
0x5: {  	_ = 	snop  }
0x6: {  	_ = 	snop  }
0x7: {  	_ = 	snop  }
__scs_overlays_trampoline_lowered:
0x8: {  	[smem:$0x3FA3] =	sst s0  }
0x9: {  	[smem:$0x3FA4] =	sst s1  }
0xa: {  	[smem:$0x3FA5] =	sst s2  }
0xb: {  	[smem:$0x3FA6] =	sst s3  }
0xc: {  	[smem:$0x3FA7] =	sst s4  }
0xd: {  	[smem:$0x3FA8] =	sst s5  }
0xe: {  	[smem:$0x3FA9] =	sst s6  }
0xf: {  	[smem:$0x3FAA] =	sst s7  }
0x10: {  	[smem:$0x3FAB] =	sst s8  }
0x11: {  	[smem:$0x3FAC] =	sst s9;
	s0 =	simm.s32 @!p0 $0x0  }
0x12: {  	s1 =	sld [smem:$0x3F92];
	s0 =	simm.s32 @p0 $0x1  }
0x13: {  	[smem:$0x3FAD] =	sst s0;
	s0 =	simm.s32 @!p1 $0x0  }
0x14: {  	s2 =	sld [smem:$0x3F91];
	s0 =	simm.s32 @p1 $0x1  }
0x15: {  	[smem:$0x3FAE] =	sst s0;
	s0 =	simm.s32 @!p2 $0x0  }
0x16: {  	s3 =	sld [smem:$0x3FDB];
	s0 =	simm.s32 @p2 $0x1  }
0x17: {  	s4 =	simm.s32 $0x1BF5;
	[smem:$0x3FB0] =	sst s0  }
0x18: {  	s0 =	sld [smem:$0x3F93];
	_ =	swait.ge [sflag:s4], $0x0  }
0x19: {  	s7 =	sld [smem:$0x3F94]  }
0x1a: {  	s8 =	sadd.s32 $0xFFFFE003, lr  }
0x1b: {  	s9 =	sadd.s32 $0xFFFFFEF7, lr;
	s5 =	simm.s32 $0xFFFFFFFF;
	p2 =	slt.u32 s8, $0xFFFFF086  }
0x1c: {  	p1 =	slt.u32 s9, $0xF7A;
	s5 =	simm.s32 @!p2 $0x0  }
0x1d: {  	s5 =	simm.s32 @p1 $0x1;
	p0 =	seq.s32 s7, s2  }
0x1e: {  	s7 =	smul.u32 @!p0 $0xF7A, s2;
	p2 =	seq.s32 @!p0 s5, $0x0  }
0x1f: {  	s9 =	smul.u32 $0xF7A, s1;
	s8 =	simm.s32 @!p0 $0x1BF5;
	p2 =	por !p2, p0  }
0x20: {  	[sflag:s8] =	ssyncset.s32 @!p0 $0xFFFFF086;
	s6 =	sadd.s32 @!p0 s3, s7;
	s7 =	simm.s32 @!p0 $0x108  }
0x21: {  	s3 =	sadd.s32 s3, s9;
	s6 =	sadd.s32 @!p0 $0x88, s6;
	s7 =	simm.s32 @p2 $0x1082  }
0x22: {  	[simem:s7], [sflag:s8] =	dma.local @!p0 [hbm:s6], $0xF7A  }
0x23: {  	s9 =	sor.u32 $0xD0000000, s2;
	s6 =	simm.s32 $0x108;
	_ =	swait.ge @!p0 [sflag:s8], $0x0  }
0x24: {  	s3 =	sadd.s32 $0x88, s3;
	s6 =	simm.s32 @!p1 $0x1082;
	[sflag:s4] =	ssyncset.s32 $0xFFFFF086  }
0x25: {  	[simem:s6], [sflag:s4] =	dma.local [hbm:s3], $0xF7A  }
0x26: {  	[smem:$0x3F94] =	sst s1;
	(tag) =	ssettag s2;
	_ =	strace s9  }
0x27: {  	s1 =	sld [smem:$0x3FA4]  }
0x28: {  	s2 =	sld [smem:$0x3FA5]  }
0x29: {  	s4 =	sld [smem:$0x3FA7]  }
0x2a: {  	p0 =	seq.s32 s5, $0x0;
	s5 =	sld [smem:$0x3FA8]  }
0x2b: {  	s6 =	sld [smem:$0x3FA9]  }
0x2c: {  	s7 =	sld [smem:$0x3FAA]  }
0x2d: {  	s3 =	simm.s32 $0x108;
	s8 =	sld [smem:$0x3FAB]  }
0x2e: {  	s3 =	simm.s32 @!p0 $0x1082;
	s9 =	sld [smem:$0x3FAC]  }
0x2f: {  	lr =	sadd.s32 s0, s3;
	s0 =	sld [smem:$0x3FA3]  }
0x30: {  	s3 =	sld [smem:$0x3FA6]  }
0x31: {  	[smem:$0x3FAF] =	sst s10  }
0x32: {  	s10 =	sld [smem:$0x3FAD];
	_ =	sdelay $0x3  }
0x33: {  	p0 =	seq.s32 s10, $0x1;
	s10 =	sld [smem:$0x3FAF];
	_ =	sdelay $0x3  }
0x34: {  	[smem:$0x3FAF] =	sst s10  }
0x35: {  	s10 =	sld [smem:$0x3FAE];
	_ =	sdelay $0x3  }
0x36: {  	p1 =	seq.s32 s10, $0x1;
	s10 =	sld [smem:$0x3FAF];
	_ =	sdelay $0x3  }
0x37: {  	[smem:$0x3FAF] =	sst s10  }
0x38: {  	s10 =	sld [smem:$0x3FB0]  }
0x39: {  	_ = 	snop;
	(pc) =	sbr.ind lr, $3  }
0x3a: {  	_ = 	snop  }
0x3b: {  	_ = 	snop  }
0x3c: {  	p2 =	seq.s32 s10, $0x1;
	s10 =	sld [smem:$0x3FAF]  }
0x3d: {  	_ =	shalt  }
0x3e: {  	_ =	shalt  }
0x3f: {  	_ =	shalt  }
0x40: {  	_ =	shalt  }
0x41: {  	_ =	shalt  }
0x42: {  	_ =	shalt  }
0x43: {  	_ =	shalt  }
0x44: {  	_ =	shalt  }
0x45: {  	_ =	shalt  }
0x46: {  	_ =	shalt  }
0x47: {  	_ =	shalt  }
0x48: {  	_ =	shalt  }
0x49: {  	_ =	shalt  }
0x4a: {  	_ =	shalt  }
0x4b: {  	_ =	shalt  }
0x4c: {  	_ =	shalt  }
0x4d: {  	_ =	shalt  }
0x4e: {  	_ =	shalt  }
0x4f: {  	_ =	shalt  }
0x50: {  	_ =	shalt  }
0x51: {  	_ =	shalt  }
0x52: {  	_ =	shalt  }
0x53: {  	_ =	shalt  }
0x54: {  	_ =	shalt  }
0x55: {  	_ =	shalt  }
0x56: {  	_ =	shalt  }
0x57: {  	_ =	shalt  }
0x58: {  	_ =	shalt  }
0x59: {  	_ =	shalt  }
0x5a: {  	_ =	shalt  }
0x5b: {  	_ =	shalt  }
0x5c: {  	_ =	shalt  }
0x5d: {  	_ =	shalt  }
0x5e: {  	_ =	shalt  }
0x5f: {  	_ =	shalt  }
0x60: {  	_ =	shalt  }
0x61: {  	_ =	shalt  }
0x62: {  	_ =	shalt  }
0x63: {  	_ =	shalt  }
0x64: {  	_ =	shalt  }
0x65: {  	_ =	shalt  }
0x66: {  	_ =	shalt  }
0x67: {  	_ =	shalt  }
0x68: {  	_ =	shalt  }
0x69: {  	_ =	shalt  }
0x6a: {  	_ =	shalt  }
0x6b: {  	_ =	shalt  }
0x6c: {  	_ =	shalt  }
0x6d: {  	_ =	shalt  }
0x6e: {  	_ =	shalt  }
0x6f: {  	_ =	shalt  }
0x70: {  	_ =	shalt  }
0x71: {  	_ =	shalt  }
0x72: {  	_ =	shalt  }
0x73: {  	_ =	shalt  }
0x74: {  	_ =	shalt  }
0x75: {  	_ =	shalt  }
0x76: {  	_ =	shalt  }
0x77: {  	_ =	shalt  }
0x78: {  	_ =	shalt  }
0x79: {  	_ =	shalt  }
0x7a: {  	_ =	shalt  }
0x7b: {  	_ =	shalt  }
0x7c: {  	_ =	shalt  }
0x7d: {  	_ =	shalt  }
0x7e: {  	_ =	shalt  }
0x7f: {  	_ =	shalt  }
0x80: {  	_ =	shalt  }
0x81: {  	_ =	shalt  }
0x82: {  	_ =	shalt  }
0x83: {  	_ =	shalt  }
0x84: {  	_ =	shalt  }
0x85: {  	_ =	shalt  }
0x86: {  	_ =	shalt  }
0x87: {  	_ =	shalt  }
.Lfunc_end0:
.L_simem_size_0:
called_computation.3_lowered:
.L_overlay_start_0:
0x88: {  	s2 =	sld [smem:$0x3FD9]  }
0x89: {  	s3 =	sld [smem:$0x3FFE];
	_ =	sdelay $0x1  }
0x8a: {  	s1 =	srdreg.scid  }
0x8b: {  	s0 =	sand.u32 $0x1, s1  }
0x8c: {  	s16 =	sshll.u32 s0, $0xA;
	s2 =	sadd.s32 s3, s2  }
0x8d: {  	s2 =	sadd.s32 s2, s16  }
0x8e: {  	[smem:$0x3FBB] =	sst s2  }
0x8f: {  	_ = 	snop  }
0x90: {  	(tm) =	ssettm $0x1  }
0x91: {  	s17 =	sld [smem:$0x3FFB];
	_ =	sdelay $0x3  }
0x92: {  	_ =	strace s17  }
0x93: {  	s2 =	sld [smem:$0x3FFC];
	_ =	sdelay $0x3  }
0x94: {  	_ =	strace s2  }
0x95: {  	s2 =	sld [smem:$0x3FFD];
	_ =	sdelay $0x3  }
0x96: {  	_ =	strace s2  }
0x97: {  	_ =	strace $0x8FFFFFFF  }
0x98: {  	s18 =	sld [smem:$0x3FDB];
	_ =	sdelay $0x1  }
0x99: {  	s19 =	simm.s32 $_scs_section_size  }
0x9a: {  	s4 =	simm.s32 $_size__tile_overlayer_lowered;
	s5 =	simm.s32 $_tile_overlayer_lowered  }
0x9b: {  	s22 =	simm.s32 $0x1BFF;
	s21 =	sshll.u32 s5, $0x1;
	s2 =	sadd.s32 s19, s18  }
0x9c: {  	s6 =	simm.s32 $0x0;
	s20 =	sshll.u32 s4, $0x1;
	s4 =	sadd.s32 s21, s2  }
0x9d: {  	[timem:s6], [sflag:s22] =	dma.local [hbm:s4], s20  }
0x9e: {  	_ =	swait.ge [sflag:s22], s20  }
0x9f: {  	s3 =	ssub.s32 $0x0, s20;
	[sflag:s22] =	ssyncset.done $0x0  }
0xa0: {  	[sflag:s22] =	ssyncadd.s32 s3;
	_ =	sdelay $0x1  }
0xa1: {  	s23 =	simm.s32 $0x1B8B  }
0xa2: {  	_ =	swait.ge [sflag:s23], $0x1  }
0xa3: {  	[sflag:s23] =	ssyncset.done $0x0  }
0xa4: {  	s25 =	simm.s32 $0x1B8E;
	s24 =	sld [smem:$0x3FFE];
	[sflag:s23] =	ssyncadd.s32 $0xFFFFFFFF  }
0xa5: {  	s26 =	simm.s32 $execute0_lowered;
	[smem:$0x3FD2] =	sst s25  }
0xa6: {  	s4 =	sshll.u32 s26, $0x1;
	_ =	strace $0x8000004F;
	[dreg:$0x1] =	wrdreg $0xFFFFFFFF  }
0xa7: {  	s28 =	simm.s32 $_size_execute0_lowered;
	s2 =	sadd.s32 s2, s4;
	[dreg:$0x0] =	wrdreg $0x0  }
0xa8: {  	s4 =	sshll.u32 s28, $0x1;
	[dreg:$0x2] =	wrdreg s2  }
0xa9: {  	[dreg:$0x3] =	wrdreg s4  }
0xaa: {  	[dreg:$0x4] =	wrdreg $0xC0  }
0xab: {  	_ =	task [dreg:s6], $0x5FFFF  }
0xac: {  	[dreg:$0x1] =	wrdreg $0xFFFFFFFF  }
0xad: {  	[dreg:$0x0] =	wrdreg $0x60  }
0xae: {  	[dreg:$0x2] =	wrdreg s24  }
0xaf: {  	[dreg:$0x3] =	wrdreg $0xA9000  }
0xb0: {  	[dreg:$0x4] =	wrdreg $0x9  }
0xb1: {  	_ =	task.clear_ibuf [dreg:s6], $0x5FFFF;
	_ =	strace $0x9000004F  }
0xb2: {  	s29 =	simm.s32 $0x9;
	_ =	strace $0x80000051  }
0xb3: {  	_ =	swait.ge [sflag:s29], $0x1  }
0xb4: {  	[sflag:s29] =	ssyncadd.s32 $0xFFFFFFFF  }
0xb5: {  	_ =	strace $0x90000051  }
0xb6: {  	_ =	sfence  }
0xb7: {  	s30 =	sld [smem:$0x0];
	_ =	sdelay $0x2  }
0xb8: {  	s31 =	sshll.u32 s1, $0xD;
	s1 =	sshrl.u32 s1, $0x2  }
0xb9: {  	s3 =	sand.u32 $0x4000, s31;
	s1 =	sadd.s32 s1, s30  }
0xba: {  	s0 =	sor.u32 s3, s0;
	s1 =	sshll.u32 s1, $0x11  }
0xbb: {  	s0 =	sor.u32 s1, s0  }
0xbc: {  	s0 =	sadd.s32 $0x8F2B, s0  }
0xbd: {  	[sflag:s0] =	ssyncadd.remote.s32 $0x1  }
0xbe: {  	_ =	sfence.sel $0xFFFF  }
0xbf: {  	[dreg:$0x0] =	wrdreg $0xFFFFFFFF;
	(pc) =	sbr.abs _section_cstart, $3  }
0xc0: {  	[dreg:$0x1] =	wrdreg $0xFFFFFFFF  }
0xc1: {  	_ =	task.clear_ibuf [dreg:s6], $0x2FFFF;
	_ =	strace $0x9FFFFFFF  }
0xc2: {  	(tm) =	ssettm $0x7FFFFFFF  }
0xc3: {  	_ =	shalt  }
tec
execute0_lowered:
.L_overlay_start_1:
0x0: {  	(tag) =	ssettag $0x1  }
0x1: {  	s1 =	srdreg.scid  }
0x2: {  	s0 =	stileid.u32;
	s8 =	rddreg [dreg:$0x0]  }
0x3: {  	s2 =	rddreg [dreg:$0x1];
	s3 =	simm.s32 $0x0;
	s14 =	simm.s32 $0x80  }
0x4: {  	s15 =	simm.s32 $0x2900;
	s16 =	simm.s32 $0x6900;
	s17 =	simm.s32 $0x2800  }
0x5: {  	s18 =	simm.s32 $0x2880;
	s19 =	simm.s32 $0x1;
	s20 =	simm.s32 $0x2  }
0x6: {  	s21 =	simm.s32 $0x3;
	s22 =	simm.s32 $0x4;
	s23 =	simm.s32 $0x0  }
0x7: {  	s7 =	sand.u32 $0x1, s1;
	s28 =	sshll.u32 s0, $0x1;
	s1 =	rddreg [dreg:$0x2]  }
0x8: {  	[smem:$0x7FF] =	sst s3;
	s10 =	smul.u32 $0x13C00, s0;
	s5 =	sadd.s32 $0x11A00, s8  }
0x9: {  	s12 =	smul.u32 $0x4F000, s0;
	s31 =	sshll.u32 s0, $0x6;
	s4 =	sor.u32 s7, s28  }
0xa: {  	s9 =	smul.u32 $0x13C000, s7;
	_ =	strace $0x80000050;
	s29 =	ssub.s32 $0x2, s7  }
0xb: {  	s7 =	sadd.s32 $0xF200, s8;
	s4 =	smul.u32 $0x2800, s4;
	s13 =	sshrl.u32 s29, $0x1  }
0xc: {  	s12 =	sshrl.u32 s12, $0x2;
	s9 =	sadd.s32 s10, s9;
	s10 =	ssub.s32 s29, s13  }
0xd: {  	s30 =	sadd.s32 s12, s2;
	s12 =	sor.u32 $0x1C05, s31;
	s6 =	sshrl.u32 s4, $0x3  }
0xe: {  	s9 =	sshrl.u32 s9, $0x3;
	s10 =	smax.u32 s10, $0x1;
	s13 =	sshrl.u32 s30, $0x3  }
0xf: {  	s11 =	sadd.s32 s6, s8;
	s6 =	sadd.s32 $0x5200, s8;
	s9 =	sadd.s32 s9, s8  }
0x10: {  	s8 =	sadd.s32 $0x61200, s11;
	s9 =	sadd.s32 $0x92400, s9;
	s11 =	simm.s32 $0x5  }
.LBB2_1:
0x11: {  	[tilespmem:s3], [sflag:$0x5] =	stream.linear.gather [hbm4b:s8+s3], $0x2800, $0x38;
	[tilespmem:$0x1E500] =	vst v63  }
0x12: {  	_ =	swait.ge [sflag:s11], $0x2800  }
0x13: {  	[sflag:s11] =	ssyncset.done $0x0  }
0x14: {  	[sflag:s11] =	ssyncadd.s32 $0xFFFFD800  }
0x15: {  	[spmem:s13], [sflag:s12] =	dma.local [hbm:s7], $0x2780  }
0x16: {  	s24 =	simm.s32 $0x0;
	_ =	swait.ge [sflag:s11], $0x2780  }
0x17: {  	s25 =	sand.u32 $0x3C00, s24;
	[sflag:s11] =	ssyncset.done $0x0  }
0x18: {  	s24 =	sand.u32 $0x300, s24;
	s25 =	sadd.s32 s4, s25;
	[sflag:s11] =	ssyncadd.s32 $0xFFFFD880  }
0x19: {  	s24 =	sor.u32 s24, s25;
	[bflag:$0x0] =	sbarrier.arrive $0xFFFF  }
0x1a: {  	[tilespmem:s15], [sflag:$0x1] =	stream.indirect.gather [hbm4b:s5+s14], $0x80, s3, s14, $0xb8;
	[tilespmem:$0x1E500] =	vst v63  }
0x1b: {  	s26 =	simm.s32 $0x80;
	s24 =	sshrl.u32 s24, $0x3  }
0x1c: {  	[tilespmem:s16], [sflag:$0x2] =	stream.indirect.gather [hbm4b:s5+s14], $0x80, s26, s14, $0xb8;
	[tilespmem:$0x1E500] =	vst v63  }
0x1d: {  	s30 =	sand.u32 $0x380, s14;
	s24 =	sadd.s32 s6, s24  }
0x1e: {  	[tilespmem:s17], [sflag:$0x5] =	stream.linear.gather [hbm4b:s24+s3], $0x80, $0x38;
	[tilespmem:$0x1E500] =	vst v63  }
0x1f: {  	s31 =	sor.u32 s25, s30;
	_ =	swait.ge [sflag:s11], $0x80  }
0x20: {  	s24 =	sshrl.u32 s31, $0x3;
	[sflag:s11] =	ssyncset.done $0x0  }
0x21: {  	s24 =	sadd.s32 s6, s24;
	[sflag:s11] =	ssyncadd.s32 $0xFFFFFF80  }
0x22: {  	[tilespmem:s18], [sflag:$0x5] =	stream.linear.gather [hbm4b:s24+s3], $0x80, $0x38;
	[tilespmem:$0x1E500] =	vst v63  }
0x23: {  	_ =	swait.ge [sflag:s11], $0x80  }
0x24: {  	[sflag:s11] =	ssyncset.done $0x0  }
0x25: {  	[sflag:s11] =	ssyncadd.s32 $0xFFFFFF80  }
0x26: {  	_ =	swait.ge [sflag:s19], $0x4000  }
0x27: {  	[sflag:s19] =	ssyncset.done $0x0  }
0x28: {  	[sflag:s19] =	ssyncadd.s32 $0xFFFFC000  }
0x29: {  	[spmem:s2] =	stream.indirect.scatter.add.f32 [tilespmem:s15], [sflag:$0x3], $0x80, s17, s14, $0xb8;
	[tilespmem:$0x1E500] =	vst v63  }
0x2a: {  	_ =	swait.ge [sflag:s20], $0x4000  }
0x2b: {  	[sflag:s20] =	ssyncset.done $0x0  }
0x2c: {  	s28 =	simm.s32 $0x180;
	[sflag:s20] =	ssyncadd.s32 $0xFFFFC000  }
0x2d: {  	[spmem:s2] =	stream.indirect.scatter.add.f32 [tilespmem:s16], [sflag:$0x4], $0x80, s18, s14, $0xb8;
	[tilespmem:$0x1E500] =	vst v63  }
0x2e: {  	s29 =	simm.s32 $0x100;
	s25 =	simm.s32 $0x100;
	_ =	swait.ge [sflag:s21], $0x4000  }
0x2f: {  	s26 =	simm.s32 $0x280;
	s24 =	simm.s32 $0x180;
	[sflag:s21] =	ssyncset.done $0x0  }
.LBB2_2:
0x30: {  	s30 =	sand.u32 $0x3C00, s29  }
0x31: {  	s31 =	sand.u32 $0x380, s24;
	[sflag:s21] =	ssyncadd.s32 $0xFFFFC000;
	s24 =	smov.u32 s26  }
0x32: {  	s29 =	sand.u32 $0x300, s29;
	s30 =	sadd.s32 s4, s30;
	_ =	swait.ge [sflag:s22], $0x4000  }
0x33: {  	s29 =	sor.u32 s29, s30;
	s30 =	sor.u32 s30, s31;
	[sflag:s22] =	ssyncset.done $0x0  }
0x34: {  	s29 =	sshrl.u32 s29, $0x3;
	s30 =	sshrl.u32 s30, $0x3;
	[sflag:s22] =	ssyncadd.s32 $0xFFFFC000  }
0x35: {  	[tilespmem:s15], [sflag:$0x1] =	stream.indirect.gather [hbm4b:s5+s14], $0x80, s25, s14, $0xb8;
	[tilespmem:$0x1E500] =	vst v63  }
0x36: {  	p0 =	sne.s32 s26, $0x2780;
	s26 =	sadd.s32 $0x100, s26;
	s29 =	sadd.s32 s6, s29  }
0x37: {  	[tilespmem:s16], [sflag:$0x2] =	stream.indirect.gather [hbm4b:s5+s14], $0x80, s28, s14, $0xb8;
	[tilespmem:$0x1E500] =	vst v63  }
0x38: {  	s28 =	sadd.s32 s6, s30  }
0x39: {  	[tilespmem:s17], [sflag:$0x5] =	stream.linear.gather [hbm4b:s29+s3], $0x80, $0x38;
	[tilespmem:$0x1E500] =	vst v63  }
0x3a: {  	_ =	swait.ge [sflag:s11], $0x80  }
0x3b: {  	[sflag:s11] =	ssyncset.done $0x0  }
0x3c: {  	[sflag:s11] =	ssyncadd.s32 $0xFFFFFF80  }
0x3d: {  	[tilespmem:s18], [sflag:$0x5] =	stream.linear.gather [hbm4b:s28+s3], $0x80, $0x38;
	[tilespmem:$0x1E500] =	vst v63  }
0x3e: {  	_ =	swait.ge [sflag:s11], $0x80  }
0x3f: {  	[sflag:s11] =	ssyncset.done $0x0  }
0x40: {  	[sflag:s11] =	ssyncadd.s32 $0xFFFFFF80  }
0x41: {  	_ =	swait.ge [sflag:s19], $0x4000  }
0x42: {  	[sflag:s19] =	ssyncset.done $0x0  }
0x43: {  	[sflag:s19] =	ssyncadd.s32 $0xFFFFC000  }
0x44: {  	[spmem:s2] =	stream.indirect.scatter.add.f32 [tilespmem:s15], [sflag:$0x3], $0x80, s17, s14, $0xb8;
	[tilespmem:$0x1E500] =	vst v63  }
0x45: {  	_ =	swait.ge [sflag:s20], $0x4000  }
.Ltmp0:
0x46: {  	[sflag:s20] =	ssyncset.done $0x0;
	(pc) =	sbr.rel @p0 .LBB2_2-.Ltmp0, $4  }
0x47: {  	[sflag:s20] =	ssyncadd.s32 $0xFFFFC000  }
0x48: {  	[spmem:s2] =	stream.indirect.scatter.add.f32 [tilespmem:s16], [sflag:$0x4], $0x80, s18, s14, $0xb8;
	[tilespmem:$0x1E500] =	vst v63  }
0x49: {  	s25 =	sadd.s32 $0x100, s25;
	_ =	swait.ge [sflag:s21], $0x4000  }
0x4a: {  	s29 =	sadd.s32 $0xFFFFFF80, s24;
	s28 =	sadd.s32 $0x80, s25;
	[sflag:s21] =	ssyncset.done $0x0  }
0x4b: {  	[sflag:s21] =	ssyncadd.s32 $0xFFFFC000  }
0x4c: {  	s26 =	sand.u32 $0x3C00, s29;
	_ =	swait.ge [sflag:s22], $0x4000  }
0x4d: {  	s30 =	sand.u32 $0x300, s29;
	s26 =	sadd.s32 s4, s26;
	[sflag:s22] =	ssyncset.done $0x0  }
0x4e: {  	s29 =	sor.u32 s30, s26;
	[sflag:s22] =	ssyncadd.s32 $0xFFFFC000  }
0x4f: {  	[tilespmem:s15], [sflag:$0x1] =	stream.indirect.gather [hbm4b:s5+s14], $0x80, s25, s14, $0xb8;
	[tilespmem:$0x1E500] =	vst v63  }
0x50: {  	s31 =	sshrl.u32 s29, $0x3  }
0x51: {  	[tilespmem:s16], [sflag:$0x2] =	stream.indirect.gather [hbm4b:s5+s14], $0x80, s28, s14, $0xb8;
	[tilespmem:$0x1E500] =	vst v63  }
0x52: {  	s24 =	sand.u32 $0x380, s24;
	s25 =	sadd.s32 s6, s31  }
0x53: {  	[tilespmem:s17], [sflag:$0x5] =	stream.linear.gather [hbm4b:s25+s3], $0x80, $0x38;
	[tilespmem:$0x1E500] =	vst v63  }
0x54: {  	s24 =	sor.u32 s26, s24;
	_ =	swait.ge [sflag:s11], $0x80  }
0x55: {  	s24 =	sshrl.u32 s24, $0x3;
	[sflag:s11] =	ssyncset.done $0x0  }
0x56: {  	s24 =	sadd.s32 s6, s24;
	[sflag:s11] =	ssyncadd.s32 $0xFFFFFF80  }
0x57: {  	[tilespmem:s18], [sflag:$0x5] =	stream.linear.gather [hbm4b:s24+s3], $0x80, $0x38;
	[tilespmem:$0x1E500] =	vst v63  }
0x58: {  	_ =	swait.ge [sflag:s11], $0x80  }
0x59: {  	[sflag:s11] =	ssyncset.done $0x0  }
0x5a: {  	[sflag:s11] =	ssyncadd.s32 $0xFFFFFF80  }
0x5b: {  	_ =	swait.ge [sflag:s19], $0x4000  }
0x5c: {  	[sflag:s19] =	ssyncset.done $0x0  }
0x5d: {  	[sflag:s19] =	ssyncadd.s32 $0xFFFFC000  }
0x5e: {  	[spmem:s2] =	stream.indirect.scatter.add.f32 [tilespmem:s15], [sflag:$0x3], $0x80, s17, s14, $0xb8;
	[tilespmem:$0x1E500] =	vst v63  }
0x5f: {  	_ =	swait.ge [sflag:s20], $0x4000  }
0x60: {  	[sflag:s20] =	ssyncset.done $0x0  }
0x61: {  	[sflag:s20] =	ssyncadd.s32 $0xFFFFC000  }
0x62: {  	[spmem:s2] =	stream.indirect.scatter.add.f32 [tilespmem:s16], [sflag:$0x4], $0x80, s18, s14, $0xb8;
	[tilespmem:$0x1E500] =	vst v63  }
0x63: {  	_ =	swait.ge [sflag:s21], $0x4000  }
0x64: {  	[sflag:s21] =	ssyncset.done $0x0  }
0x65: {  	[sflag:s21] =	ssyncadd.s32 $0xFFFFC000  }
0x66: {  	_ =	swait.ge [sflag:s22], $0x4000  }
0x67: {  	s23 =	sadd.s32 $0x1, s23;
	[sflag:s22] =	ssyncset.done $0x0  }
0x68: {  	p0 =	sne.s32 s23, s10;
	[sflag:s22] =	ssyncadd.s32 $0xFFFFC000  }
.Ltmp1:
0x69: {  	[bflag:$0x0] =	sbarrier.arrive $0xFFFF;
	(pc) =	sbr.rel @p0 .LBB2_1-.Ltmp1, $4  }
0x6a: {  	[hbm:s9], [sflag:s12] =	dma.local [spmem:s13], $0x2780  }
0x6b: {  	_ =	swait.ge [sflag:s11], $0x2780  }
0x6c: {  	[sflag:s11] =	ssyncset.done $0x0  }
0x6d: {  	[sflag:s11] =	ssyncadd.s32 $0xFFFFD880  }
0x6e: {  	_ =	sfence.sel $0x180000  }
0x6f: {  	[bflag:$0x0] =	sbarrier.arrive $0xFFFF  }
0x70: {  	p0 =	sne.s32 s0, $0x0;
	_ =	strace $0x90000050  }
0x71: {  	s0 =	sadd.s32 @!p0 $0x100000, s1;
	[bflag:$0x2] =	sbarrier.arrive $0xFFFF  }
0x72: {  	[sflag:s0] =	ssyncadd.tile.s32 @!p0 $0x1;
	_ =	shalt  }
.Lfunc_end2:
_tile_overlayer_lowered:
.L_overlay_start_2:
0x73: {  	(tag) =	ssettag $0x2  }
0x74: {  	s0 =	rddreg [dreg:$0x0];
	s2 =	stileid.u32  }
0x75: {  	s1 =	rddreg [dreg:$0x1];
	p0 =	sne.s32 s2, $0x0  }
0x76: {  	s3 =	rddreg [dreg:$0x2];
	[bflag:$0x3] =	sbarrier.arrive $0xFFFF;
	s2 =	simm.s32 @!p0 $0x1C05  }
0x77: {  	[timem:s3], [sflag:s2] =	dma.local @!p0 [hbm:s0], s1  }
0x78: {  	s0 =	simm.s32 @!p0 $0x5  }
0x79: {  	_ =	swait.ge @!p0 [sflag:s0], s1  }
0x7a: {  	s1 =	ssub.s32 @!p0 $0x0, s1;
	[sflag:s0] =	ssyncset.done @!p0 $0x0  }
0x7b: {  	[sflag:s0] =	ssyncadd.s32 @!p0 s1  }
0x7c: {  	[bflag:$0x3] =	sbarrier.arrive $0xFFFF  }
0x7d: {  	_ =	shalt  }

// kernel: kernel.29.cloned.1.call-start
scs
__scs_entry_jumppad:
0x0: {  	(pc) =	sbr.rel $0x88, $3  }
0x1: {  	(tag) =	ssettag $0x0;
	lr =	simm.s32 $0x1  }
0x2: {  	[smem:$0x3F94] =	sst lr;
	_ =	strace $0xD0000000  }
0x3: {  	_ = 	snop  }
0x4: {  	_ = 	snop  }
0x5: {  	_ = 	snop  }
0x6: {  	_ = 	snop  }
0x7: {  	_ = 	snop  }
__scs_overlays_trampoline_lowered:
0x8: {  	[smem:$0x3FA3] =	sst s0  }
0x9: {  	[smem:$0x3FA4] =	sst s1  }
0xa: {  	[smem:$0x3FA5] =	sst s2  }
0xb: {  	[smem:$0x3FA6] =	sst s3  }
0xc: {  	[smem:$0x3FA7] =	sst s4  }
0xd: {  	[smem:$0x3FA8] =	sst s5  }
0xe: {  	[smem:$0x3FA9] =	sst s6  }
0xf: {  	[smem:$0x3FAA] =	sst s7  }
0x10: {  	[smem:$0x3FAB] =	sst s8  }
0x11: {  	[smem:$0x3FAC] =	sst s9;
	s0 =	simm.s32 @!p0 $0x0  }
0x12: {  	s1 =	sld [smem:$0x3F92];
	s0 =	simm.s32 @p0 $0x1  }
0x13: {  	[smem:$0x3FAD] =	sst s0;
	s0 =	simm.s32 @!p1 $0x0  }
0x14: {  	s2 =	sld [smem:$0x3F91];
	s0 =	simm.s32 @p1 $0x1  }
0x15: {  	[smem:$0x3FAE] =	sst s0;
	s0 =	simm.s32 @!p2 $0x0  }
0x16: {  	s3 =	sld [smem:$0x3FDB];
	s0 =	simm.s32 @p2 $0x1  }
0x17: {  	s4 =	simm.s32 $0x1BF5;
	[smem:$0x3FB0] =	sst s0  }
0x18: {  	s0 =	sld [smem:$0x3F93];
	_ =	swait.ge [sflag:s4], $0x0  }
0x19: {  	s7 =	sld [smem:$0x3F94]  }
0x1a: {  	s8 =	sadd.s32 $0xFFFFE003, lr  }
0x1b: {  	s9 =	sadd.s32 $0xFFFFFEF7, lr;
	s5 =	simm.s32 $0xFFFFFFFF;
	p2 =	slt.u32 s8, $0xFFFFF086  }
0x1c: {  	p1 =	slt.u32 s9, $0xF7A;
	s5 =	simm.s32 @!p2 $0x0  }
0x1d: {  	s5 =	simm.s32 @p1 $0x1;
	p0 =	seq.s32 s7, s2  }
0x1e: {  	s7 =	smul.u32 @!p0 $0xF7A, s2;
	p2 =	seq.s32 @!p0 s5, $0x0  }
0x1f: {  	s9 =	smul.u32 $0xF7A, s1;
	s8 =	simm.s32 @!p0 $0x1BF5;
	p2 =	por !p2, p0  }
0x20: {  	[sflag:s8] =	ssyncset.s32 @!p0 $0xFFFFF086;
	s6 =	sadd.s32 @!p0 s3, s7;
	s7 =	simm.s32 @!p0 $0x108  }
0x21: {  	s3 =	sadd.s32 s3, s9;
	s6 =	sadd.s32 @!p0 $0x88, s6;
	s7 =	simm.s32 @p2 $0x1082  }
0x22: {  	[simem:s7], [sflag:s8] =	dma.local @!p0 [hbm:s6], $0xF7A  }
0x23: {  	s9 =	sor.u32 $0xD0000000, s2;
	s6 =	simm.s32 $0x108;
	_ =	swait.ge @!p0 [sflag:s8], $0x0  }
0x24: {  	s3 =	sadd.s32 $0x88, s3;
	s6 =	simm.s32 @!p1 $0x1082;
	[sflag:s4] =	ssyncset.s32 $0xFFFFF086  }
0x25: {  	[simem:s6], [sflag:s4] =	dma.local [hbm:s3], $0xF7A  }
0x26: {  	[smem:$0x3F94] =	sst s1;
	(tag) =	ssettag s2;
	_ =	strace s9  }
0x27: {  	s1 =	sld [smem:$0x3FA4]  }
0x28: {  	s2 =	sld [smem:$0x3FA5]  }
0x29: {  	s4 =	sld [smem:$0x3FA7]  }
0x2a: {  	p0 =	seq.s32 s5, $0x0;
	s5 =	sld [smem:$0x3FA8]  }
0x2b: {  	s6 =	sld [smem:$0x3FA9]  }
0x2c: {  	s7 =	sld [smem:$0x3FAA]  }
0x2d: {  	s3 =	simm.s32 $0x108;
	s8 =	sld [smem:$0x3FAB]  }
0x2e: {  	s3 =	simm.s32 @!p0 $0x1082;
	s9 =	sld [smem:$0x3FAC]  }
0x2f: {  	lr =	sadd.s32 s0, s3;
	s0 =	sld [smem:$0x3FA3]  }
0x30: {  	s3 =	sld [smem:$0x3FA6]  }
0x31: {  	[smem:$0x3FAF] =	sst s10  }
0x32: {  	s10 =	sld [smem:$0x3FAD];
	_ =	sdelay $0x3  }
0x33: {  	p0 =	seq.s32 s10, $0x1;
	s10 =	sld [smem:$0x3FAF];
	_ =	sdelay $0x3  }
0x34: {  	[smem:$0x3FAF] =	sst s10  }
0x35: {  	s10 =	sld [smem:$0x3FAE];
	_ =	sdelay $0x3  }
0x36: {  	p1 =	seq.s32 s10, $0x1;
	s10 =	sld [smem:$0x3FAF];
	_ =	sdelay $0x3  }
0x37: {  	[smem:$0x3FAF] =	sst s10  }
0x38: {  	s10 =	sld [smem:$0x3FB0]  }
0x39: {  	_ = 	snop;
	(pc) =	sbr.ind lr, $3  }
0x3a: {  	_ = 	snop  }
0x3b: {  	_ = 	snop  }
0x3c: {  	p2 =	seq.s32 s10, $0x1;
	s10 =	sld [smem:$0x3FAF]  }
0x3d: {  	_ =	shalt  }
0x3e: {  	_ =	shalt  }
0x3f: {  	_ =	shalt  }
0x40: {  	_ =	shalt  }
0x41: {  	_ =	shalt  }
0x42: {  	_ =	shalt  }
0x43: {  	_ =	shalt  }
0x44: {  	_ =	shalt  }
0x45: {  	_ =	shalt  }
0x46: {  	_ =	shalt  }
0x47: {  	_ =	shalt  }
0x48: {  	_ =	shalt  }
0x49: {  	_ =	shalt  }
0x4a: {  	_ =	shalt  }
0x4b: {  	_ =	shalt  }
0x4c: {  	_ =	shalt  }
0x4d: {  	_ =	shalt  }
0x4e: {  	_ =	shalt  }
0x4f: {  	_ =	shalt  }
0x50: {  	_ =	shalt  }
0x51: {  	_ =	shalt  }
0x52: {  	_ =	shalt  }
0x53: {  	_ =	shalt  }
0x54: {  	_ =	shalt  }
0x55: {  	_ =	shalt  }
0x56: {  	_ =	shalt  }
0x57: {  	_ =	shalt  }
0x58: {  	_ =	shalt  }
0x59: {  	_ =	shalt  }
0x5a: {  	_ =	shalt  }
0x5b: {  	_ =	shalt  }
0x5c: {  	_ =	shalt  }
0x5d: {  	_ =	shalt  }
0x5e: {  	_ =	shalt  }
0x5f: {  	_ =	shalt  }
0x60: {  	_ =	shalt  }
0x61: {  	_ =	shalt  }
0x62: {  	_ =	shalt  }
0x63: {  	_ =	shalt  }
0x64: {  	_ =	shalt  }
0x65: {  	_ =	shalt  }
0x66: {  	_ =	shalt  }
0x67: {  	_ =	shalt  }
0x68: {  	_ =	shalt  }
0x69: {  	_ =	shalt  }
0x6a: {  	_ =	shalt  }
0x6b: {  	_ =	shalt  }
0x6c: {  	_ =	shalt  }
0x6d: {  	_ =	shalt  }
0x6e: {  	_ =	shalt  }
0x6f: {  	_ =	shalt  }
0x70: {  	_ =	shalt  }
0x71: {  	_ =	shalt  }
0x72: {  	_ =	shalt  }
0x73: {  	_ =	shalt  }
0x74: {  	_ =	shalt  }
0x75: {  	_ =	shalt  }
0x76: {  	_ =	shalt  }
0x77: {  	_ =	shalt  }
0x78: {  	_ =	shalt  }
0x79: {  	_ =	shalt  }
0x7a: {  	_ =	shalt  }
0x7b: {  	_ =	shalt  }
0x7c: {  	_ =	shalt  }
0x7d: {  	_ =	shalt  }
0x7e: {  	_ =	shalt  }
0x7f: {  	_ =	shalt  }
0x80: {  	_ =	shalt  }
0x81: {  	_ =	shalt  }
0x82: {  	_ =	shalt  }
0x83: {  	_ =	shalt  }
0x84: {  	_ =	shalt  }
0x85: {  	_ =	shalt  }
0x86: {  	_ =	shalt  }
0x87: {  	_ =	shalt  }
.Lfunc_end0:
.L_simem_size_0:
called_computation.4_lowered:
.L_overlay_start_0:
0x88: {  	s2 =	sld [smem:$0x3FD9]  }
0x89: {  	s3 =	sld [smem:$0x3FFE];
	_ =	sdelay $0x1  }
0x8a: {  	s1 =	srdreg.scid  }
0x8b: {  	s0 =	sand.u32 $0x1, s1  }
0x8c: {  	s16 =	sshll.u32 s0, $0xA;
	s2 =	sadd.s32 s3, s2  }
0x8d: {  	s2 =	sadd.s32 s2, s16  }
0x8e: {  	[smem:$0x3FBB] =	sst s2  }
0x8f: {  	_ = 	snop  }
0x90: {  	(tm) =	ssettm $0x1  }
0x91: {  	s17 =	sld [smem:$0x3FFB];
	_ =	sdelay $0x3  }
0x92: {  	_ =	strace s17  }
0x93: {  	s2 =	sld [smem:$0x3FFC];
	_ =	sdelay $0x3  }
0x94: {  	_ =	strace s2  }
0x95: {  	s2 =	sld [smem:$0x3FFD];
	_ =	sdelay $0x3  }
0x96: {  	_ =	strace s2  }
0x97: {  	_ =	strace $0x8FFFFFFF  }
0x98: {  	s18 =	sld [smem:$0x3FDB];
	_ =	sdelay $0x1  }
0x99: {  	s19 =	simm.s32 $_scs_section_size  }
0x9a: {  	s4 =	simm.s32 $_size__tile_overlayer_lowered;
	s5 =	simm.s32 $_tile_overlayer_lowered  }
0x9b: {  	s22 =	simm.s32 $0x1BFF;
	s21 =	sshll.u32 s5, $0x1;
	s2 =	sadd.s32 s19, s18  }
0x9c: {  	s6 =	simm.s32 $0x0;
	s20 =	sshll.u32 s4, $0x1;
	s4 =	sadd.s32 s21, s2  }
0x9d: {  	[timem:s6], [sflag:s22] =	dma.local [hbm:s4], s20  }
0x9e: {  	_ =	swait.ge [sflag:s22], s20  }
0x9f: {  	s3 =	ssub.s32 $0x0, s20;
	[sflag:s22] =	ssyncset.done $0x0  }
0xa0: {  	[sflag:s22] =	ssyncadd.s32 s3;
	_ =	sdelay $0x1  }
0xa1: {  	s23 =	simm.s32 $0x1B8B  }
0xa2: {  	_ =	swait.ge [sflag:s23], $0x1  }
0xa3: {  	[sflag:s23] =	ssyncset.done $0x0  }
0xa4: {  	s25 =	simm.s32 $0x1B8E;
	s24 =	sld [smem:$0x3FFE];
	[sflag:s23] =	ssyncadd.s32 $0xFFFFFFFF  }
0xa5: {  	s26 =	simm.s32 $execute0_lowered;
	[smem:$0x3FD2] =	sst s25  }
0xa6: {  	s4 =	sshll.u32 s26, $0x1;
	_ =	strace $0x80000052;
	[dreg:$0x1] =	wrdreg $0xFFFFFFFF  }
0xa7: {  	s28 =	simm.s32 $_size_execute0_lowered;
	s2 =	sadd.s32 s2, s4;
	[dreg:$0x0] =	wrdreg $0x0  }
0xa8: {  	s4 =	sshll.u32 s28, $0x1;
	[dreg:$0x2] =	wrdreg s2  }
0xa9: {  	[dreg:$0x3] =	wrdreg s4  }
0xaa: {  	[dreg:$0x4] =	wrdreg $0xC0  }
0xab: {  	_ =	task [dreg:s6], $0x5FFFF  }
0xac: {  	[dreg:$0x1] =	wrdreg $0xFFFFFFFF  }
0xad: {  	[dreg:$0x0] =	wrdreg $0x60  }
0xae: {  	[dreg:$0x2] =	wrdreg s24  }
0xaf: {  	[dreg:$0x3] =	wrdreg $0xA9000  }
0xb0: {  	[dreg:$0x4] =	wrdreg $0x9  }
0xb1: {  	_ =	task.clear_ibuf [dreg:s6], $0x5FFFF;
	_ =	strace $0x90000052  }
0xb2: {  	s29 =	simm.s32 $0x9;
	_ =	strace $0x80000054  }
0xb3: {  	_ =	swait.ge [sflag:s29], $0x1  }
0xb4: {  	[sflag:s29] =	ssyncadd.s32 $0xFFFFFFFF  }
0xb5: {  	_ =	strace $0x90000054  }
0xb6: {  	_ =	sfence  }
0xb7: {  	s30 =	sld [smem:$0x0];
	_ =	sdelay $0x2  }
0xb8: {  	s31 =	sshll.u32 s1, $0xD;
	s1 =	sshrl.u32 s1, $0x2  }
0xb9: {  	s3 =	sand.u32 $0x4000, s31;
	s1 =	sadd.s32 s1, s30  }
0xba: {  	s0 =	sor.u32 s3, s0;
	s1 =	sshll.u32 s1, $0x11  }
0xbb: {  	s0 =	sor.u32 s1, s0  }
0xbc: {  	s0 =	sadd.s32 $0x8F2B, s0  }
0xbd: {  	[sflag:s0] =	ssyncadd.remote.s32 $0x1  }
0xbe: {  	_ =	sfence.sel $0xFFFF  }
0xbf: {  	[dreg:$0x0] =	wrdreg $0xFFFFFFFF;
	(pc) =	sbr.abs _section_cstart, $3  }
0xc0: {  	[dreg:$0x1] =	wrdreg $0xFFFFFFFF  }
0xc1: {  	_ =	task.clear_ibuf [dreg:s6], $0x2FFFF;
	_ =	strace $0x9FFFFFFF  }
0xc2: {  	(tm) =	ssettm $0x7FFFFFFF  }
0xc3: {  	_ =	shalt  }
tec
execute0_lowered:
.L_overlay_start_1:
0x0: {  	(tag) =	ssettag $0x1  }
0x1: {  	s1 =	srdreg.scid  }
0x2: {  	s0 =	stileid.u32;
	s8 =	rddreg [dreg:$0x0]  }
0x3: {  	s2 =	rddreg [dreg:$0x1];
	s3 =	simm.s32 $0x0;
	s14 =	simm.s32 $0x80  }
0x4: {  	s15 =	simm.s32 $0x2900;
	s16 =	simm.s32 $0x6900;
	s17 =	simm.s32 $0x2800  }
0x5: {  	s18 =	simm.s32 $0x2880;
	s19 =	simm.s32 $0x1;
	s20 =	simm.s32 $0x2  }
0x6: {  	s21 =	simm.s32 $0x3;
	s22 =	simm.s32 $0x4;
	s23 =	simm.s32 $0x0  }
0x7: {  	s7 =	sand.u32 $0x1, s1;
	s28 =	sshll.u32 s0, $0x1;
	s1 =	rddreg [dreg:$0x2]  }
0x8: {  	[smem:$0x7FF] =	sst s3;
	s10 =	smul.u32 $0x13C00, s0;
	s5 =	sadd.s32 $0x11A00, s8  }
0x9: {  	s12 =	smul.u32 $0x4F000, s0;
	s31 =	sshll.u32 s0, $0x6;
	s4 =	sor.u32 s7, s28  }
0xa: {  	s9 =	smul.u32 $0x13C000, s7;
	_ =	strace $0x80000053;
	s29 =	ssub.s32 $0x2, s7  }
0xb: {  	s7 =	sadd.s32 $0xF200, s8;
	s4 =	smul.u32 $0x2800, s4;
	s13 =	sshrl.u32 s29, $0x1  }
0xc: {  	s12 =	sshrl.u32 s12, $0x2;
	s9 =	sadd.s32 s10, s9;
	s10 =	ssub.s32 s29, s13  }
0xd: {  	s30 =	sadd.s32 s12, s2;
	s12 =	sor.u32 $0x1C05, s31;
	s6 =	sshrl.u32 s4, $0x3  }
0xe: {  	s9 =	sshrl.u32 s9, $0x3;
	s10 =	smax.u32 s10, $0x1;
	s13 =	sshrl.u32 s30, $0x3  }
0xf: {  	s11 =	sadd.s32 s6, s8;
	s6 =	sadd.s32 $0x5200, s8;
	s9 =	sadd.s32 s9, s8  }
0x10: {  	s8 =	sadd.s32 $0x61200, s11;
	s9 =	sadd.s32 $0x92400, s9;
	s11 =	simm.s32 $0x5  }
.LBB2_1:
0x11: {  	[tilespmem:s3], [sflag:$0x5] =	stream.linear.gather [hbm4b:s8+s3], $0x2800, $0x38;
	[tilespmem:$0x1E500] =	vst v63  }
0x12: {  	_ =	swait.ge [sflag:s11], $0x2800  }
0x13: {  	[sflag:s11] =	ssyncset.done $0x0  }
0x14: {  	[sflag:s11] =	ssyncadd.s32 $0xFFFFD800  }
0x15: {  	[spmem:s13], [sflag:s12] =	dma.local [hbm:s7], $0x2780  }
0x16: {  	s24 =	simm.s32 $0x0;
	_ =	swait.ge [sflag:s11], $0x2780  }
0x17: {  	s25 =	sand.u32 $0x3C00, s24;
	[sflag:s11] =	ssyncset.done $0x0  }
0x18: {  	s24 =	sand.u32 $0x300, s24;
	s25 =	sadd.s32 s4, s25;
	[sflag:s11] =	ssyncadd.s32 $0xFFFFD880  }
0x19: {  	s24 =	sor.u32 s24, s25;
	[bflag:$0x0] =	sbarrier.arrive $0xFFFF  }
0x1a: {  	[tilespmem:s15], [sflag:$0x1] =	stream.indirect.gather [hbm4b:s5+s14], $0x80, s3, s14, $0xb8;
	[tilespmem:$0x1E500] =	vst v63  }
0x1b: {  	s26 =	simm.s32 $0x80;
	s24 =	sshrl.u32 s24, $0x3  }
0x1c: {  	[tilespmem:s16], [sflag:$0x2] =	stream.indirect.gather [hbm4b:s5+s14], $0x80, s26, s14, $0xb8;
	[tilespmem:$0x1E500] =	vst v63  }
0x1d: {  	s30 =	sand.u32 $0x380, s14;
	s24 =	sadd.s32 s6, s24  }
0x1e: {  	[tilespmem:s17], [sflag:$0x5] =	stream.linear.gather [hbm4b:s24+s3], $0x80, $0x38;
	[tilespmem:$0x1E500] =	vst v63  }
0x1f: {  	s31 =	sor.u32 s25, s30;
	_ =	swait.ge [sflag:s11], $0x80  }
0x20: {  	s24 =	sshrl.u32 s31, $0x3;
	[sflag:s11] =	ssyncset.done $0x0  }
0x21: {  	s24 =	sadd.s32 s6, s24;
	[sflag:s11] =	ssyncadd.s32 $0xFFFFFF80  }
0x22: {  	[tilespmem:s18], [sflag:$0x5] =	stream.linear.gather [hbm4b:s24+s3], $0x80, $0x38;
	[tilespmem:$0x1E500] =	vst v63  }
0x23: {  	_ =	swait.ge [sflag:s11], $0x80  }
0x24: {  	[sflag:s11] =	ssyncset.done $0x0  }
0x25: {  	[sflag:s11] =	ssyncadd.s32 $0xFFFFFF80  }
0x26: {  	_ =	swait.ge [sflag:s19], $0x4000  }
0x27: {  	[sflag:s19] =	ssyncset.done $0x0  }
0x28: {  	[sflag:s19] =	ssyncadd.s32 $0xFFFFC000  }
0x29: {  	[spmem:s2] =	stream.indirect.scatter.add.f32 [tilespmem:s15], [sflag:$0x3], $0x80, s17, s14, $0xb8;
	[tilespmem:$0x1E500] =	vst v63  }
0x2a: {  	_ =	swait.ge [sflag:s20], $0x4000  }
0x2b: {  	[sflag:s20] =	ssyncset.done $0x0  }
0x2c: {  	s28 =	simm.s32 $0x180;
	[sflag:s20] =	ssyncadd.s32 $0xFFFFC000  }
0x2d: {  	[spmem:s2] =	stream.indirect.scatter.add.f32 [tilespmem:s16], [sflag:$0x4], $0x80, s18, s14, $0xb8;
	[tilespmem:$0x1E500] =	vst v63  }
0x2e: {  	s29 =	simm.s32 $0x100;
	s25 =	simm.s32 $0x100;
	_ =	swait.ge [sflag:s21], $0x4000  }
0x2f: {  	s26 =	simm.s32 $0x280;
	s24 =	simm.s32 $0x180;
	[sflag:s21] =	ssyncset.done $0x0  }
.LBB2_2:
0x30: {  	s30 =	sand.u32 $0x3C00, s29  }
0x31: {  	s31 =	sand.u32 $0x380, s24;
	[sflag:s21] =	ssyncadd.s32 $0xFFFFC000;
	s24 =	smov.u32 s26  }
0x32: {  	s29 =	sand.u32 $0x300, s29;
	s30 =	sadd.s32 s4, s30;
	_ =	swait.ge [sflag:s22], $0x4000  }
0x33: {  	s29 =	sor.u32 s29, s30;
	s30 =	sor.u32 s30, s31;
	[sflag:s22] =	ssyncset.done $0x0  }
0x34: {  	s29 =	sshrl.u32 s29, $0x3;
	s30 =	sshrl.u32 s30, $0x3;
	[sflag:s22] =	ssyncadd.s32 $0xFFFFC000  }
0x35: {  	[tilespmem:s15], [sflag:$0x1] =	stream.indirect.gather [hbm4b:s5+s14], $0x80, s25, s14, $0xb8;
	[tilespmem:$0x1E500] =	vst v63  }
0x36: {  	p0 =	sne.s32 s26, $0x2780;
	s26 =	sadd.s32 $0x100, s26;
	s29 =	sadd.s32 s6, s29  }
0x37: {  	[tilespmem:s16], [sflag:$0x2] =	stream.indirect.gather [hbm4b:s5+s14], $0x80, s28, s14, $0xb8;
	[tilespmem:$0x1E500] =	vst v63  }
0x38: {  	s28 =	sadd.s32 s6, s30  }
0x39: {  	[tilespmem:s17], [sflag:$0x5] =	stream.linear.gather [hbm4b:s29+s3], $0x80, $0x38;
	[tilespmem:$0x1E500] =	vst v63  }
0x3a: {  	_ =	swait.ge [sflag:s11], $0x80  }
0x3b: {  	[sflag:s11] =	ssyncset.done $0x0  }
0x3c: {  	[sflag:s11] =	ssyncadd.s32 $0xFFFFFF80  }
0x3d: {  	[tilespmem:s18], [sflag:$0x5] =	stream.linear.gather [hbm4b:s28+s3], $0x80, $0x38;
	[tilespmem:$0x1E500] =	vst v63  }
0x3e: {  	_ =	swait.ge [sflag:s11], $0x80  }
0x3f: {  	[sflag:s11] =	ssyncset.done $0x0  }
0x40: {  	[sflag:s11] =	ssyncadd.s32 $0xFFFFFF80  }
0x41: {  	_ =	swait.ge [sflag:s19], $0x4000  }
0x42: {  	[sflag:s19] =	ssyncset.done $0x0  }
0x43: {  	[sflag:s19] =	ssyncadd.s32 $0xFFFFC000  }
0x44: {  	[spmem:s2] =	stream.indirect.scatter.add.f32 [tilespmem:s15], [sflag:$0x3], $0x80, s17, s14, $0xb8;
	[tilespmem:$0x1E500] =	vst v63  }
0x45: {  	_ =	swait.ge [sflag:s20], $0x4000  }
.Ltmp0:
0x46: {  	[sflag:s20] =	ssyncset.done $0x0;
	(pc) =	sbr.rel @p0 .LBB2_2-.Ltmp0, $4  }
0x47: {  	[sflag:s20] =	ssyncadd.s32 $0xFFFFC000  }
0x48: {  	[spmem:s2] =	stream.indirect.scatter.add.f32 [tilespmem:s16], [sflag:$0x4], $0x80, s18, s14, $0xb8;
	[tilespmem:$0x1E500] =	vst v63  }
0x49: {  	s25 =	sadd.s32 $0x100, s25;
	_ =	swait.ge [sflag:s21], $0x4000  }
0x4a: {  	s29 =	sadd.s32 $0xFFFFFF80, s24;
	s28 =	sadd.s32 $0x80, s25;
	[sflag:s21] =	ssyncset.done $0x0  }
0x4b: {  	[sflag:s21] =	ssyncadd.s32 $0xFFFFC000  }
0x4c: {  	s26 =	sand.u32 $0x3C00, s29;
	_ =	swait.ge [sflag:s22], $0x4000  }
0x4d: {  	s30 =	sand.u32 $0x300, s29;
	s26 =	sadd.s32 s4, s26;
	[sflag:s22] =	ssyncset.done $0x0  }
0x4e: {  	s29 =	sor.u32 s30, s26;
	[sflag:s22] =	ssyncadd.s32 $0xFFFFC000  }
0x4f: {  	[tilespmem:s15], [sflag:$0x1] =	stream.indirect.gather [hbm4b:s5+s14], $0x80, s25, s14, $0xb8;
	[tilespmem:$0x1E500] =	vst v63  }
0x50: {  	s31 =	sshrl.u32 s29, $0x3  }
0x51: {  	[tilespmem:s16], [sflag:$0x2] =	stream.indirect.gather [hbm4b:s5+s14], $0x80, s28, s14, $0xb8;
	[tilespmem:$0x1E500] =	vst v63  }
0x52: {  	s24 =	sand.u32 $0x380, s24;
	s25 =	sadd.s32 s6, s31  }
0x53: {  	[tilespmem:s17], [sflag:$0x5] =	stream.linear.gather [hbm4b:s25+s3], $0x80, $0x38;
	[tilespmem:$0x1E500] =	vst v63  }
0x54: {  	s24 =	sor.u32 s26, s24;
	_ =	swait.ge [sflag:s11], $0x80  }
0x55: {  	s24 =	sshrl.u32 s24, $0x3;
	[sflag:s11] =	ssyncset.done $0x0  }
0x56: {  	s24 =	sadd.s32 s6, s24;
	[sflag:s11] =	ssyncadd.s32 $0xFFFFFF80  }
0x57: {  	[tilespmem:s18], [sflag:$0x5] =	stream.linear.gather [hbm4b:s24+s3], $0x80, $0x38;
	[tilespmem:$0x1E500] =	vst v63  }
0x58: {  	_ =	swait.ge [sflag:s11], $0x80  }
0x59: {  	[sflag:s11] =	ssyncset.done $0x0  }
0x5a: {  	[sflag:s11] =	ssyncadd.s32 $0xFFFFFF80  }
0x5b: {  	_ =	swait.ge [sflag:s19], $0x4000  }
0x5c: {  	[sflag:s19] =	ssyncset.done $0x0  }
0x5d: {  	[sflag:s19] =	ssyncadd.s32 $0xFFFFC000  }
0x5e: {  	[spmem:s2] =	stream.indirect.scatter.add.f32 [tilespmem:s15], [sflag:$0x3], $0x80, s17, s14, $0xb8;
	[tilespmem:$0x1E500] =	vst v63  }
0x5f: {  	_ =	swait.ge [sflag:s20], $0x4000  }
0x60: {  	[sflag:s20] =	ssyncset.done $0x0  }
0x61: {  	[sflag:s20] =	ssyncadd.s32 $0xFFFFC000  }
0x62: {  	[spmem:s2] =	stream.indirect.scatter.add.f32 [tilespmem:s16], [sflag:$0x4], $0x80, s18, s14, $0xb8;
	[tilespmem:$0x1E500] =	vst v63  }
0x63: {  	_ =	swait.ge [sflag:s21], $0x4000  }
0x64: {  	[sflag:s21] =	ssyncset.done $0x0  }
0x65: {  	[sflag:s21] =	ssyncadd.s32 $0xFFFFC000  }
0x66: {  	_ =	swait.ge [sflag:s22], $0x4000  }
0x67: {  	s23 =	sadd.s32 $0x1, s23;
	[sflag:s22] =	ssyncset.done $0x0  }
0x68: {  	p0 =	sne.s32 s23, s10;
	[sflag:s22] =	ssyncadd.s32 $0xFFFFC000  }
.Ltmp1:
0x69: {  	[bflag:$0x0] =	sbarrier.arrive $0xFFFF;
	(pc) =	sbr.rel @p0 .LBB2_1-.Ltmp1, $4  }
0x6a: {  	[hbm:s9], [sflag:s12] =	dma.local [spmem:s13], $0x2780  }
0x6b: {  	_ =	swait.ge [sflag:s11], $0x2780  }
0x6c: {  	[sflag:s11] =	ssyncset.done $0x0  }
0x6d: {  	[sflag:s11] =	ssyncadd.s32 $0xFFFFD880  }
0x6e: {  	_ =	sfence.sel $0x180000  }
0x6f: {  	[bflag:$0x0] =	sbarrier.arrive $0xFFFF  }
0x70: {  	p0 =	sne.s32 s0, $0x0;
	_ =	strace $0x90000053  }
0x71: {  	s0 =	sadd.s32 @!p0 $0x100000, s1;
	[bflag:$0x2] =	sbarrier.arrive $0xFFFF  }
0x72: {  	[sflag:s0] =	ssyncadd.tile.s32 @!p0 $0x1;
	_ =	shalt  }
.Lfunc_end2:
_tile_overlayer_lowered:
.L_overlay_start_2:
0x73: {  	(tag) =	ssettag $0x2  }
0x74: {  	s0 =	rddreg [dreg:$0x0];
	s2 =	stileid.u32  }
0x75: {  	s1 =	rddreg [dreg:$0x1];
	p0 =	sne.s32 s2, $0x0  }
0x76: {  	s3 =	rddreg [dreg:$0x2];
	[bflag:$0x3] =	sbarrier.arrive $0xFFFF;
	s2 =	simm.s32 @!p0 $0x1C05  }
0x77: {  	[timem:s3], [sflag:s2] =	dma.local @!p0 [hbm:s0], s1  }
0x78: {  	s0 =	simm.s32 @!p0 $0x5  }
0x79: {  	_ =	swait.ge @!p0 [sflag:s0], s1  }
0x7a: {  	s1 =	ssub.s32 @!p0 $0x0, s1;
	[sflag:s0] =	ssyncset.done @!p0 $0x0  }
0x7b: {  	[sflag:s0] =	ssyncadd.s32 @!p0 s1  }
0x7c: {  	[bflag:$0x3] =	sbarrier.arrive $0xFFFF  }
0x7d: {  	_ =	shalt  }

// kernel: kernel.32.cloned.1.call-start
scs
__scs_entry_jumppad:
0x0: {  	(pc) =	sbr.rel $0x88, $3  }
0x1: {  	(tag) =	ssettag $0x0;
	lr =	simm.s32 $0x1  }
0x2: {  	[smem:$0x3F94] =	sst lr;
	_ =	strace $0xD0000000  }
0x3: {  	_ = 	snop  }
0x4: {  	_ = 	snop  }
0x5: {  	_ = 	snop  }
0x6: {  	_ = 	snop  }
0x7: {  	_ = 	snop  }
__scs_overlays_trampoline_lowered:
0x8: {  	[smem:$0x3FA3] =	sst s0  }
0x9: {  	[smem:$0x3FA4] =	sst s1  }
0xa: {  	[smem:$0x3FA5] =	sst s2  }
0xb: {  	[smem:$0x3FA6] =	sst s3  }
0xc: {  	[smem:$0x3FA7] =	sst s4  }
0xd: {  	[smem:$0x3FA8] =	sst s5  }
0xe: {  	[smem:$0x3FA9] =	sst s6  }
0xf: {  	[smem:$0x3FAA] =	sst s7  }
0x10: {  	[smem:$0x3FAB] =	sst s8  }
0x11: {  	[smem:$0x3FAC] =	sst s9;
	s0 =	simm.s32 @!p0 $0x0  }
0x12: {  	s1 =	sld [smem:$0x3F92];
	s0 =	simm.s32 @p0 $0x1  }
0x13: {  	[smem:$0x3FAD] =	sst s0;
	s0 =	simm.s32 @!p1 $0x0  }
0x14: {  	s2 =	sld [smem:$0x3F91];
	s0 =	simm.s32 @p1 $0x1  }
0x15: {  	[smem:$0x3FAE] =	sst s0;
	s0 =	simm.s32 @!p2 $0x0  }
0x16: {  	s3 =	sld [smem:$0x3FDB];
	s0 =	simm.s32 @p2 $0x1  }
0x17: {  	s4 =	simm.s32 $0x1BF5;
	[smem:$0x3FB0] =	sst s0  }
0x18: {  	s0 =	sld [smem:$0x3F93];
	_ =	swait.ge [sflag:s4], $0x0  }
0x19: {  	s7 =	sld [smem:$0x3F94]  }
0x1a: {  	s8 =	sadd.s32 $0xFFFFE003, lr  }
0x1b: {  	s9 =	sadd.s32 $0xFFFFFEF7, lr;
	s5 =	simm.s32 $0xFFFFFFFF;
	p2 =	slt.u32 s8, $0xFFFFF086  }
0x1c: {  	p1 =	slt.u32 s9, $0xF7A;
	s5 =	simm.s32 @!p2 $0x0  }
0x1d: {  	s5 =	simm.s32 @p1 $0x1;
	p0 =	seq.s32 s7, s2  }
0x1e: {  	s7 =	smul.u32 @!p0 $0xF7A, s2;
	p2 =	seq.s32 @!p0 s5, $0x0  }
0x1f: {  	s9 =	smul.u32 $0xF7A, s1;
	s8 =	simm.s32 @!p0 $0x1BF5;
	p2 =	por !p2, p0  }
0x20: {  	[sflag:s8] =	ssyncset.s32 @!p0 $0xFFFFF086;
	s6 =	sadd.s32 @!p0 s3, s7;
	s7 =	simm.s32 @!p0 $0x108  }
0x21: {  	s3 =	sadd.s32 s3, s9;
	s6 =	sadd.s32 @!p0 $0x88, s6;
	s7 =	simm.s32 @p2 $0x1082  }
0x22: {  	[simem:s7], [sflag:s8] =	dma.local @!p0 [hbm:s6], $0xF7A  }
0x23: {  	s9 =	sor.u32 $0xD0000000, s2;
	s6 =	simm.s32 $0x108;
	_ =	swait.ge @!p0 [sflag:s8], $0x0  }
0x24: {  	s3 =	sadd.s32 $0x88, s3;
	s6 =	simm.s32 @!p1 $0x1082;
	[sflag:s4] =	ssyncset.s32 $0xFFFFF086  }
0x25: {  	[simem:s6], [sflag:s4] =	dma.local [hbm:s3], $0xF7A  }
0x26: {  	[smem:$0x3F94] =	sst s1;
	(tag) =	ssettag s2;
	_ =	strace s9  }
0x27: {  	s1 =	sld [smem:$0x3FA4]  }
0x28: {  	s2 =	sld [smem:$0x3FA5]  }
0x29: {  	s4 =	sld [smem:$0x3FA7]  }
0x2a: {  	p0 =	seq.s32 s5, $0x0;
	s5 =	sld [smem:$0x3FA8]  }
0x2b: {  	s6 =	sld [smem:$0x3FA9]  }
0x2c: {  	s7 =	sld [smem:$0x3FAA]  }
0x2d: {  	s3 =	simm.s32 $0x108;
	s8 =	sld [smem:$0x3FAB]  }
0x2e: {  	s3 =	simm.s32 @!p0 $0x1082;
	s9 =	sld [smem:$0x3FAC]  }
0x2f: {  	lr =	sadd.s32 s0, s3;
	s0 =	sld [smem:$0x3FA3]  }
0x30: {  	s3 =	sld [smem:$0x3FA6]  }
0x31: {  	[smem:$0x3FAF] =	sst s10  }
0x32: {  	s10 =	sld [smem:$0x3FAD];
	_ =	sdelay $0x3  }
0x33: {  	p0 =	seq.s32 s10, $0x1;
	s10 =	sld [smem:$0x3FAF];
	_ =	sdelay $0x3  }
0x34: {  	[smem:$0x3FAF] =	sst s10  }
0x35: {  	s10 =	sld [smem:$0x3FAE];
	_ =	sdelay $0x3  }
0x36: {  	p1 =	seq.s32 s10, $0x1;
	s10 =	sld [smem:$0x3FAF];
	_ =	sdelay $0x3  }
0x37: {  	[smem:$0x3FAF] =	sst s10  }
0x38: {  	s10 =	sld [smem:$0x3FB0]  }
0x39: {  	_ = 	snop;
	(pc) =	sbr.ind lr, $3  }
0x3a: {  	_ = 	snop  }
0x3b: {  	_ = 	snop  }
0x3c: {  	p2 =	seq.s32 s10, $0x1;
	s10 =	sld [smem:$0x3FAF]  }
0x3d: {  	_ =	shalt  }
0x3e: {  	_ =	shalt  }
0x3f: {  	_ =	shalt  }
0x40: {  	_ =	shalt  }
0x41: {  	_ =	shalt  }
0x42: {  	_ =	shalt  }
0x43: {  	_ =	shalt  }
0x44: {  	_ =	shalt  }
0x45: {  	_ =	shalt  }
0x46: {  	_ =	shalt  }
0x47: {  	_ =	shalt  }
0x48: {  	_ =	shalt  }
0x49: {  	_ =	shalt  }
0x4a: {  	_ =	shalt  }
0x4b: {  	_ =	shalt  }
0x4c: {  	_ =	shalt  }
0x4d: {  	_ =	shalt  }
0x4e: {  	_ =	shalt  }
0x4f: {  	_ =	shalt  }
0x50: {  	_ =	shalt  }
0x51: {  	_ =	shalt  }
0x52: {  	_ =	shalt  }
0x53: {  	_ =	shalt  }
0x54: {  	_ =	shalt  }
0x55: {  	_ =	shalt  }
0x56: {  	_ =	shalt  }
0x57: {  	_ =	shalt  }
0x58: {  	_ =	shalt  }
0x59: {  	_ =	shalt  }
0x5a: {  	_ =	shalt  }
0x5b: {  	_ =	shalt  }
0x5c: {  	_ =	shalt  }
0x5d: {  	_ =	shalt  }
0x5e: {  	_ =	shalt  }
0x5f: {  	_ =	shalt  }
0x60: {  	_ =	shalt  }
0x61: {  	_ =	shalt  }
0x62: {  	_ =	shalt  }
0x63: {  	_ =	shalt  }
0x64: {  	_ =	shalt  }
0x65: {  	_ =	shalt  }
0x66: {  	_ =	shalt  }
0x67: {  	_ =	shalt  }
0x68: {  	_ =	shalt  }
0x69: {  	_ =	shalt  }
0x6a: {  	_ =	shalt  }
0x6b: {  	_ =	shalt  }
0x6c: {  	_ =	shalt  }
0x6d: {  	_ =	shalt  }
0x6e: {  	_ =	shalt  }
0x6f: {  	_ =	shalt  }
0x70: {  	_ =	shalt  }
0x71: {  	_ =	shalt  }
0x72: {  	_ =	shalt  }
0x73: {  	_ =	shalt  }
0x74: {  	_ =	shalt  }
0x75: {  	_ =	shalt  }
0x76: {  	_ =	shalt  }
0x77: {  	_ =	shalt  }
0x78: {  	_ =	shalt  }
0x79: {  	_ =	shalt  }
0x7a: {  	_ =	shalt  }
0x7b: {  	_ =	shalt  }
0x7c: {  	_ =	shalt  }
0x7d: {  	_ =	shalt  }
0x7e: {  	_ =	shalt  }
0x7f: {  	_ =	shalt  }
0x80: {  	_ =	shalt  }
0x81: {  	_ =	shalt  }
0x82: {  	_ =	shalt  }
0x83: {  	_ =	shalt  }
0x84: {  	_ =	shalt  }
0x85: {  	_ =	shalt  }
0x86: {  	_ =	shalt  }
0x87: {  	_ =	shalt  }
.Lfunc_end0:
.L_simem_size_0:
called_computation.5_lowered:
.L_overlay_start_0:
0x88: {  	s2 =	sld [smem:$0x3FD9]  }
0x89: {  	s3 =	sld [smem:$0x3FFE];
	_ =	sdelay $0x1  }
0x8a: {  	s1 =	srdreg.scid  }
0x8b: {  	s0 =	sand.u32 $0x1, s1  }
0x8c: {  	s16 =	sshll.u32 s0, $0xA;
	s2 =	sadd.s32 s3, s2  }
0x8d: {  	s2 =	sadd.s32 s2, s16  }
0x8e: {  	[smem:$0x3FBB] =	sst s2  }
0x8f: {  	_ = 	snop  }
0x90: {  	(tm) =	ssettm $0x1  }
0x91: {  	s17 =	sld [smem:$0x3FFB];
	_ =	sdelay $0x3  }
0x92: {  	_ =	strace s17  }
0x93: {  	s2 =	sld [smem:$0x3FFC];
	_ =	sdelay $0x3  }
0x94: {  	_ =	strace s2  }
0x95: {  	s2 =	sld [smem:$0x3FFD];
	_ =	sdelay $0x3  }
0x96: {  	_ =	strace s2  }
0x97: {  	_ =	strace $0x8FFFFFFF  }
0x98: {  	s18 =	sld [smem:$0x3FDB];
	_ =	sdelay $0x1  }
0x99: {  	s19 =	simm.s32 $_scs_section_size  }
0x9a: {  	s4 =	simm.s32 $_size__tile_overlayer_lowered;
	s5 =	simm.s32 $_tile_overlayer_lowered  }
0x9b: {  	s22 =	simm.s32 $0x1BFF;
	s21 =	sshll.u32 s5, $0x1;
	s2 =	sadd.s32 s19, s18  }
0x9c: {  	s6 =	simm.s32 $0x0;
	s20 =	sshll.u32 s4, $0x1;
	s4 =	sadd.s32 s21, s2  }
0x9d: {  	[timem:s6], [sflag:s22] =	dma.local [hbm:s4], s20  }
0x9e: {  	_ =	swait.ge [sflag:s22], s20  }
0x9f: {  	s3 =	ssub.s32 $0x0, s20;
	[sflag:s22] =	ssyncset.done $0x0  }
0xa0: {  	[sflag:s22] =	ssyncadd.s32 s3;
	_ =	sdelay $0x1  }
0xa1: {  	s23 =	simm.s32 $0x1B8B  }
0xa2: {  	_ =	swait.ge [sflag:s23], $0x1  }
0xa3: {  	[sflag:s23] =	ssyncset.done $0x0  }
0xa4: {  	s25 =	simm.s32 $0x1B8E;
	s24 =	sld [smem:$0x3FFE];
	[sflag:s23] =	ssyncadd.s32 $0xFFFFFFFF  }
0xa5: {  	s26 =	simm.s32 $execute0_lowered;
	[smem:$0x3FD2] =	sst s25  }
0xa6: {  	s4 =	sshll.u32 s26, $0x1;
	_ =	strace $0x80000055;
	[dreg:$0x1] =	wrdreg $0xFFFFFFFF  }
0xa7: {  	s28 =	simm.s32 $_size_execute0_lowered;
	s2 =	sadd.s32 s2, s4;
	[dreg:$0x0] =	wrdreg $0x0  }
0xa8: {  	s4 =	sshll.u32 s28, $0x1;
	[dreg:$0x2] =	wrdreg s2  }
0xa9: {  	[dreg:$0x3] =	wrdreg s4  }
0xaa: {  	[dreg:$0x4] =	wrdreg $0xC0  }
0xab: {  	_ =	task [dreg:s6], $0x5FFFF  }
0xac: {  	[dreg:$0x1] =	wrdreg $0xFFFFFFFF  }
0xad: {  	[dreg:$0x0] =	wrdreg $0x60  }
0xae: {  	[dreg:$0x2] =	wrdreg s24  }
0xaf: {  	[dreg:$0x3] =	wrdreg $0xA9000  }
0xb0: {  	[dreg:$0x4] =	wrdreg $0x9  }
0xb1: {  	_ =	task.clear_ibuf [dreg:s6], $0x5FFFF;
	_ =	strace $0x90000055  }
0xb2: {  	s29 =	simm.s32 $0x9;
	_ =	strace $0x80000057  }
0xb3: {  	_ =	swait.ge [sflag:s29], $0x1  }
0xb4: {  	[sflag:s29] =	ssyncadd.s32 $0xFFFFFFFF  }
0xb5: {  	_ =	strace $0x90000057  }
0xb6: {  	_ =	sfence  }
0xb7: {  	s30 =	sld [smem:$0x0];
	_ =	sdelay $0x2  }
0xb8: {  	s31 =	sshll.u32 s1, $0xD;
	s1 =	sshrl.u32 s1, $0x2  }
0xb9: {  	s3 =	sand.u32 $0x4000, s31;
	s1 =	sadd.s32 s1, s30  }
0xba: {  	s0 =	sor.u32 s3, s0;
	s1 =	sshll.u32 s1, $0x11  }
0xbb: {  	s0 =	sor.u32 s1, s0  }
0xbc: {  	s0 =	sadd.s32 $0x8F2B, s0  }
0xbd: {  	[sflag:s0] =	ssyncadd.remote.s32 $0x1  }
0xbe: {  	_ =	sfence.sel $0xFFFF  }
0xbf: {  	[dreg:$0x0] =	wrdreg $0xFFFFFFFF;
	(pc) =	sbr.abs _section_cstart, $3  }
0xc0: {  	[dreg:$0x1] =	wrdreg $0xFFFFFFFF  }
0xc1: {  	_ =	task.clear_ibuf [dreg:s6], $0x2FFFF;
	_ =	strace $0x9FFFFFFF  }
0xc2: {  	(tm) =	ssettm $0x7FFFFFFF  }
0xc3: {  	_ =	shalt  }
tec
execute0_lowered:
.L_overlay_start_1:
0x0: {  	(tag) =	ssettag $0x1  }
0x1: {  	s1 =	srdreg.scid  }
0x2: {  	s0 =	stileid.u32;
	s8 =	rddreg [dreg:$0x0]  }
0x3: {  	s2 =	rddreg [dreg:$0x1];
	s3 =	simm.s32 $0x0;
	s14 =	simm.s32 $0x80  }
0x4: {  	s15 =	simm.s32 $0x2900;
	s16 =	simm.s32 $0x6900;
	s17 =	simm.s32 $0x2800  }
0x5: {  	s18 =	simm.s32 $0x2880;
	s19 =	simm.s32 $0x1;
	s20 =	simm.s32 $0x2  }
0x6: {  	s21 =	simm.s32 $0x3;
	s22 =	simm.s32 $0x4;
	s23 =	simm.s32 $0x0  }
0x7: {  	s7 =	sand.u32 $0x1, s1;
	s28 =	sshll.u32 s0, $0x1;
	s1 =	rddreg [dreg:$0x2]  }
0x8: {  	[smem:$0x7FF] =	sst s3;
	s10 =	smul.u32 $0x13C00, s0;
	s5 =	sadd.s32 $0x11A00, s8  }
0x9: {  	s12 =	smul.u32 $0x4F000, s0;
	s31 =	sshll.u32 s0, $0x6;
	s4 =	sor.u32 s7, s28  }
0xa: {  	s9 =	smul.u32 $0x13C000, s7;
	_ =	strace $0x80000056;
	s29 =	ssub.s32 $0x2, s7  }
0xb: {  	s7 =	sadd.s32 $0xF200, s8;
	s4 =	smul.u32 $0x2800, s4;
	s13 =	sshrl.u32 s29, $0x1  }
0xc: {  	s12 =	sshrl.u32 s12, $0x2;
	s9 =	sadd.s32 s10, s9;
	s10 =	ssub.s32 s29, s13  }
0xd: {  	s30 =	sadd.s32 s12, s2;
	s12 =	sor.u32 $0x1C05, s31;
	s6 =	sshrl.u32 s4, $0x3  }
0xe: {  	s9 =	sshrl.u32 s9, $0x3;
	s10 =	smax.u32 s10, $0x1;
	s13 =	sshrl.u32 s30, $0x3  }
0xf: {  	s11 =	sadd.s32 s6, s8;
	s6 =	sadd.s32 $0x5200, s8;
	s9 =	sadd.s32 s9, s8  }
0x10: {  	s8 =	sadd.s32 $0x61200, s11;
	s9 =	sadd.s32 $0x92400, s9;
	s11 =	simm.s32 $0x5  }
.LBB2_1:
0x11: {  	[tilespmem:s3], [sflag:$0x5] =	stream.linear.gather [hbm4b:s8+s3], $0x2800, $0x38;
	[tilespmem:$0x1E500] =	vst v63  }
0x12: {  	_ =	swait.ge [sflag:s11], $0x2800  }
0x13: {  	[sflag:s11] =	ssyncset.done $0x0  }
0x14: {  	[sflag:s11] =	ssyncadd.s32 $0xFFFFD800  }
0x15: {  	[spmem:s13], [sflag:s12] =	dma.local [hbm:s7], $0x2780  }
0x16: {  	s24 =	simm.s32 $0x0;
	_ =	swait.ge [sflag:s11], $0x2780  }
0x17: {  	s25 =	sand.u32 $0x3C00, s24;
	[sflag:s11] =	ssyncset.done $0x0  }
0x18: {  	s24 =	sand.u32 $0x300, s24;
	s25 =	sadd.s32 s4, s25;
	[sflag:s11] =	ssyncadd.s32 $0xFFFFD880  }
0x19: {  	s24 =	sor.u32 s24, s25;
	[bflag:$0x0] =	sbarrier.arrive $0xFFFF  }
0x1a: {  	[tilespmem:s15], [sflag:$0x1] =	stream.indirect.gather [hbm4b:s5+s14], $0x80, s3, s14, $0xb8;
	[tilespmem:$0x1E500] =	vst v63  }
0x1b: {  	s26 =	simm.s32 $0x80;
	s24 =	sshrl.u32 s24, $0x3  }
0x1c: {  	[tilespmem:s16], [sflag:$0x2] =	stream.indirect.gather [hbm4b:s5+s14], $0x80, s26, s14, $0xb8;
	[tilespmem:$0x1E500] =	vst v63  }
0x1d: {  	s30 =	sand.u32 $0x380, s14;
	s24 =	sadd.s32 s6, s24  }
0x1e: {  	[tilespmem:s17], [sflag:$0x5] =	stream.linear.gather [hbm4b:s24+s3], $0x80, $0x38;
	[tilespmem:$0x1E500] =	vst v63  }
0x1f: {  	s31 =	sor.u32 s25, s30;
	_ =	swait.ge [sflag:s11], $0x80  }
0x20: {  	s24 =	sshrl.u32 s31, $0x3;
	[sflag:s11] =	ssyncset.done $0x0  }
0x21: {  	s24 =	sadd.s32 s6, s24;
	[sflag:s11] =	ssyncadd.s32 $0xFFFFFF80  }
0x22: {  	[tilespmem:s18], [sflag:$0x5] =	stream.linear.gather [hbm4b:s24+s3], $0x80, $0x38;
	[tilespmem:$0x1E500] =	vst v63  }
0x23: {  	_ =	swait.ge [sflag:s11], $0x80  }
0x24: {  	[sflag:s11] =	ssyncset.done $0x0  }
0x25: {  	[sflag:s11] =	ssyncadd.s32 $0xFFFFFF80  }
0x26: {  	_ =	swait.ge [sflag:s19], $0x4000  }
0x27: {  	[sflag:s19] =	ssyncset.done $0x0  }
0x28: {  	[sflag:s19] =	ssyncadd.s32 $0xFFFFC000  }
0x29: {  	[spmem:s2] =	stream.indirect.scatter.add.f32 [tilespmem:s15], [sflag:$0x3], $0x80, s17, s14, $0xb8;
	[tilespmem:$0x1E500] =	vst v63  }
0x2a: {  	_ =	swait.ge [sflag:s20], $0x4000  }
0x2b: {  	[sflag:s20] =	ssyncset.done $0x0  }
0x2c: {  	s28 =	simm.s32 $0x180;
	[sflag:s20] =	ssyncadd.s32 $0xFFFFC000  }
0x2d: {  	[spmem:s2] =	stream.indirect.scatter.add.f32 [tilespmem:s16], [sflag:$0x4], $0x80, s18, s14, $0xb8;
	[tilespmem:$0x1E500] =	vst v63  }
0x2e: {  	s29 =	simm.s32 $0x100;
	s25 =	simm.s32 $0x100;
	_ =	swait.ge [sflag:s21], $0x4000  }
0x2f: {  	s26 =	simm.s32 $0x280;
	s24 =	simm.s32 $0x180;
	[sflag:s21] =	ssyncset.done $0x0  }
.LBB2_2:
0x30: {  	s30 =	sand.u32 $0x3C00, s29  }
0x31: {  	s31 =	sand.u32 $0x380, s24;
	[sflag:s21] =	ssyncadd.s32 $0xFFFFC000;
	s24 =	smov.u32 s26  }
0x32: {  	s29 =	sand.u32 $0x300, s29;
	s30 =	sadd.s32 s4, s30;
	_ =	swait.ge [sflag:s22], $0x4000  }
0x33: {  	s29 =	sor.u32 s29, s30;
	s30 =	sor.u32 s30, s31;
	[sflag:s22] =	ssyncset.done $0x0  }
0x34: {  	s29 =	sshrl.u32 s29, $0x3;
	s30 =	sshrl.u32 s30, $0x3;
	[sflag:s22] =	ssyncadd.s32 $0xFFFFC000  }
0x35: {  	[tilespmem:s15], [sflag:$0x1] =	stream.indirect.gather [hbm4b:s5+s14], $0x80, s25, s14, $0xb8;
	[tilespmem:$0x1E500] =	vst v63  }
0x36: {  	p0 =	sne.s32 s26, $0x2780;
	s26 =	sadd.s32 $0x100, s26;
	s29 =	sadd.s32 s6, s29  }
0x37: {  	[tilespmem:s16], [sflag:$0x2] =	stream.indirect.gather [hbm4b:s5+s14], $0x80, s28, s14, $0xb8;
	[tilespmem:$0x1E500] =	vst v63  }
0x38: {  	s28 =	sadd.s32 s6, s30  }
0x39: {  	[tilespmem:s17], [sflag:$0x5] =	stream.linear.gather [hbm4b:s29+s3], $0x80, $0x38;
	[tilespmem:$0x1E500] =	vst v63  }
0x3a: {  	_ =	swait.ge [sflag:s11], $0x80  }
0x3b: {  	[sflag:s11] =	ssyncset.done $0x0  }
0x3c: {  	[sflag:s11] =	ssyncadd.s32 $0xFFFFFF80  }
0x3d: {  	[tilespmem:s18], [sflag:$0x5] =	stream.linear.gather [hbm4b:s28+s3], $0x80, $0x38;
	[tilespmem:$0x1E500] =	vst v63  }
0x3e: {  	_ =	swait.ge [sflag:s11], $0x80  }
0x3f: {  	[sflag:s11] =	ssyncset.done $0x0  }
0x40: {  	[sflag:s11] =	ssyncadd.s32 $0xFFFFFF80  }
0x41: {  	_ =	swait.ge [sflag:s19], $0x4000  }
0x42: {  	[sflag:s19] =	ssyncset.done $0x0  }
0x43: {  	[sflag:s19] =	ssyncadd.s32 $0xFFFFC000  }
0x44: {  	[spmem:s2] =	stream.indirect.scatter.add.f32 [tilespmem:s15], [sflag:$0x3], $0x80, s17, s14, $0xb8;
	[tilespmem:$0x1E500] =	vst v63  }
0x45: {  	_ =	swait.ge [sflag:s20], $0x4000  }
.Ltmp0:
0x46: {  	[sflag:s20] =	ssyncset.done $0x0;
	(pc) =	sbr.rel @p0 .LBB2_2-.Ltmp0, $4  }
0x47: {  	[sflag:s20] =	ssyncadd.s32 $0xFFFFC000  }
0x48: {  	[spmem:s2] =	stream.indirect.scatter.add.f32 [tilespmem:s16], [sflag:$0x4], $0x80, s18, s14, $0xb8;
	[tilespmem:$0x1E500] =	vst v63  }
0x49: {  	s25 =	sadd.s32 $0x100, s25;
	_ =	swait.ge [sflag:s21], $0x4000  }
0x4a: {  	s29 =	sadd.s32 $0xFFFFFF80, s24;
	s28 =	sadd.s32 $0x80, s25;
	[sflag:s21] =	ssyncset.done $0x0  }
0x4b: {  	[sflag:s21] =	ssyncadd.s32 $0xFFFFC000  }
0x4c: {  	s26 =	sand.u32 $0x3C00, s29;
	_ =	swait.ge [sflag:s22], $0x4000  }
0x4d: {  	s30 =	sand.u32 $0x300, s29;
	s26 =	sadd.s32 s4, s26;
	[sflag:s22] =	ssyncset.done $0x0  }
0x4e: {  	s29 =	sor.u32 s30, s26;
	[sflag:s22] =	ssyncadd.s32 $0xFFFFC000  }
0x4f: {  	[tilespmem:s15], [sflag:$0x1] =	stream.indirect.gather [hbm4b:s5+s14], $0x80, s25, s14, $0xb8;
	[tilespmem:$0x1E500] =	vst v63  }
0x50: {  	s31 =	sshrl.u32 s29, $0x3  }
0x51: {  	[tilespmem:s16], [sflag:$0x2] =	stream.indirect.gather [hbm4b:s5+s14], $0x80, s28, s14, $0xb8;
	[tilespmem:$0x1E500] =	vst v63  }
0x52: {  	s24 =	sand.u32 $0x380, s24;
	s25 =	sadd.s32 s6, s31  }
0x53: {  	[tilespmem:s17], [sflag:$0x5] =	stream.linear.gather [hbm4b:s25+s3], $0x80, $0x38;
	[tilespmem:$0x1E500] =	vst v63  }
0x54: {  	s24 =	sor.u32 s26, s24;
	_ =	swait.ge [sflag:s11], $0x80  }
0x55: {  	s24 =	sshrl.u32 s24, $0x3;
	[sflag:s11] =	ssyncset.done $0x0  }
0x56: {  	s24 =	sadd.s32 s6, s24;
	[sflag:s11] =	ssyncadd.s32 $0xFFFFFF80  }
0x57: {  	[tilespmem:s18], [sflag:$0x5] =	stream.linear.gather [hbm4b:s24+s3], $0x80, $0x38;
	[tilespmem:$0x1E500] =	vst v63  }
0x58: {  	_ =	swait.ge [sflag:s11], $0x80  }
0x59: {  	[sflag:s11] =	ssyncset.done $0x0  }
0x5a: {  	[sflag:s11] =	ssyncadd.s32 $0xFFFFFF80  }
0x5b: {  	_ =	swait.ge [sflag:s19], $0x4000  }
0x5c: {  	[sflag:s19] =	ssyncset.done $0x0  }
0x5d: {  	[sflag:s19] =	ssyncadd.s32 $0xFFFFC000  }
0x5e: {  	[spmem:s2] =	stream.indirect.scatter.add.f32 [tilespmem:s15], [sflag:$0x3], $0x80, s17, s14, $0xb8;
	[tilespmem:$0x1E500] =	vst v63  }
0x5f: {  	_ =	swait.ge [sflag:s20], $0x4000  }
0x60: {  	[sflag:s20] =	ssyncset.done $0x0  }
0x61: {  	[sflag:s20] =	ssyncadd.s32 $0xFFFFC000  }
0x62: {  	[spmem:s2] =	stream.indirect.scatter.add.f32 [tilespmem:s16], [sflag:$0x4], $0x80, s18, s14, $0xb8;
	[tilespmem:$0x1E500] =	vst v63  }
0x63: {  	_ =	swait.ge [sflag:s21], $0x4000  }
0x64: {  	[sflag:s21] =	ssyncset.done $0x0  }
0x65: {  	[sflag:s21] =	ssyncadd.s32 $0xFFFFC000  }
0x66: {  	_ =	swait.ge [sflag:s22], $0x4000  }
0x67: {  	s23 =	sadd.s32 $0x1, s23;
	[sflag:s22] =	ssyncset.done $0x0  }
0x68: {  	p0 =	sne.s32 s23, s10;
	[sflag:s22] =	ssyncadd.s32 $0xFFFFC000  }
.Ltmp1:
0x69: {  	[bflag:$0x0] =	sbarrier.arrive $0xFFFF;
	(pc) =	sbr.rel @p0 .LBB2_1-.Ltmp1, $4  }
0x6a: {  	[hbm:s9], [sflag:s12] =	dma.local [spmem:s13], $0x2780  }
0x6b: {  	_ =	swait.ge [sflag:s11], $0x2780  }
0x6c: {  	[sflag:s11] =	ssyncset.done $0x0  }
0x6d: {  	[sflag:s11] =	ssyncadd.s32 $0xFFFFD880  }
0x6e: {  	_ =	sfence.sel $0x180000  }
0x6f: {  	[bflag:$0x0] =	sbarrier.arrive $0xFFFF  }
0x70: {  	p0 =	sne.s32 s0, $0x0;
	_ =	strace $0x90000056  }
0x71: {  	s0 =	sadd.s32 @!p0 $0x100000, s1;
	[bflag:$0x2] =	sbarrier.arrive $0xFFFF  }
0x72: {  	[sflag:s0] =	ssyncadd.tile.s32 @!p0 $0x1;
	_ =	shalt  }
.Lfunc_end2:
_tile_overlayer_lowered:
.L_overlay_start_2:
0x73: {  	(tag) =	ssettag $0x2  }
0x74: {  	s0 =	rddreg [dreg:$0x0];
	s2 =	stileid.u32  }
0x75: {  	s1 =	rddreg [dreg:$0x1];
	p0 =	sne.s32 s2, $0x0  }
0x76: {  	s3 =	rddreg [dreg:$0x2];
	[bflag:$0x3] =	sbarrier.arrive $0xFFFF;
	s2 =	simm.s32 @!p0 $0x1C05  }
0x77: {  	[timem:s3], [sflag:s2] =	dma.local @!p0 [hbm:s0], s1  }
0x78: {  	s0 =	simm.s32 @!p0 $0x5  }
0x79: {  	_ =	swait.ge @!p0 [sflag:s0], s1  }
0x7a: {  	s1 =	ssub.s32 @!p0 $0x0, s1;
	[sflag:s0] =	ssyncset.done @!p0 $0x0  }
0x7b: {  	[sflag:s0] =	ssyncadd.s32 @!p0 s1  }
0x7c: {  	[bflag:$0x3] =	sbarrier.arrive $0xFFFF  }
0x7d: {  	_ =	shalt  }

// kernel: kernel.35.cloned.1.call-start
scs
__scs_entry_jumppad:
0x0: {  	(pc) =	sbr.rel $0x88, $3  }
0x1: {  	(tag) =	ssettag $0x0;
	lr =	simm.s32 $0x1  }
0x2: {  	[smem:$0x3F94] =	sst lr;
	_ =	strace $0xD0000000  }
0x3: {  	_ = 	snop  }
0x4: {  	_ = 	snop  }
0x5: {  	_ = 	snop  }
0x6: {  	_ = 	snop  }
0x7: {  	_ = 	snop  }
__scs_overlays_trampoline_lowered:
0x8: {  	[smem:$0x3FA3] =	sst s0  }
0x9: {  	[smem:$0x3FA4] =	sst s1  }
0xa: {  	[smem:$0x3FA5] =	sst s2  }
0xb: {  	[smem:$0x3FA6] =	sst s3  }
0xc: {  	[smem:$0x3FA7] =	sst s4  }
0xd: {  	[smem:$0x3FA8] =	sst s5  }
0xe: {  	[smem:$0x3FA9] =	sst s6  }
0xf: {  	[smem:$0x3FAA] =	sst s7  }
0x10: {  	[smem:$0x3FAB] =	sst s8  }
0x11: {  	[smem:$0x3FAC] =	sst s9;
	s0 =	simm.s32 @!p0 $0x0  }
0x12: {  	s1 =	sld [smem:$0x3F92];
	s0 =	simm.s32 @p0 $0x1  }
0x13: {  	[smem:$0x3FAD] =	sst s0;
	s0 =	simm.s32 @!p1 $0x0  }
0x14: {  	s2 =	sld [smem:$0x3F91];
	s0 =	simm.s32 @p1 $0x1  }
0x15: {  	[smem:$0x3FAE] =	sst s0;
	s0 =	simm.s32 @!p2 $0x0  }
0x16: {  	s3 =	sld [smem:$0x3FDB];
	s0 =	simm.s32 @p2 $0x1  }
0x17: {  	s4 =	simm.s32 $0x1BF5;
	[smem:$0x3FB0] =	sst s0  }
0x18: {  	s0 =	sld [smem:$0x3F93];
	_ =	swait.ge [sflag:s4], $0x0  }
0x19: {  	s7 =	sld [smem:$0x3F94]  }
0x1a: {  	s8 =	sadd.s32 $0xFFFFE003, lr  }
0x1b: {  	s9 =	sadd.s32 $0xFFFFFEF7, lr;
	s5 =	simm.s32 $0xFFFFFFFF;
	p2 =	slt.u32 s8, $0xFFFFF086  }
0x1c: {  	p1 =	slt.u32 s9, $0xF7A;
	s5 =	simm.s32 @!p2 $0x0  }
0x1d: {  	s5 =	simm.s32 @p1 $0x1;
	p0 =	seq.s32 s7, s2  }
0x1e: {  	s7 =	smul.u32 @!p0 $0xF7A, s2;
	p2 =	seq.s32 @!p0 s5, $0x0  }
0x1f: {  	s9 =	smul.u32 $0xF7A, s1;
	s8 =	simm.s32 @!p0 $0x1BF5;
	p2 =	por !p2, p0  }
0x20: {  	[sflag:s8] =	ssyncset.s32 @!p0 $0xFFFFF086;
	s6 =	sadd.s32 @!p0 s3, s7;
	s7 =	simm.s32 @!p0 $0x108  }
0x21: {  	s3 =	sadd.s32 s3, s9;
	s6 =	sadd.s32 @!p0 $0x88, s6;
	s7 =	simm.s32 @p2 $0x1082  }
0x22: {  	[simem:s7], [sflag:s8] =	dma.local @!p0 [hbm:s6], $0xF7A  }
0x23: {  	s9 =	sor.u32 $0xD0000000, s2;
	s6 =	simm.s32 $0x108;
	_ =	swait.ge @!p0 [sflag:s8], $0x0  }
0x24: {  	s3 =	sadd.s32 $0x88, s3;
	s6 =	simm.s32 @!p1 $0x1082;
	[sflag:s4] =	ssyncset.s32 $0xFFFFF086  }
0x25: {  	[simem:s6], [sflag:s4] =	dma.local [hbm:s3], $0xF7A  }
0x26: {  	[smem:$0x3F94] =	sst s1;
	(tag) =	ssettag s2;
	_ =	strace s9  }
0x27: {  	s1 =	sld [smem:$0x3FA4]  }
0x28: {  	s2 =	sld [smem:$0x3FA5]  }
0x29: {  	s4 =	sld [smem:$0x3FA7]  }
0x2a: {  	p0 =	seq.s32 s5, $0x0;
	s5 =	sld [smem:$0x3FA8]  }
0x2b: {  	s6 =	sld [smem:$0x3FA9]  }
0x2c: {  	s7 =	sld [smem:$0x3FAA]  }
0x2d: {  	s3 =	simm.s32 $0x108;
	s8 =	sld [smem:$0x3FAB]  }
0x2e: {  	s3 =	simm.s32 @!p0 $0x1082;
	s9 =	sld [smem:$0x3FAC]  }
0x2f: {  	lr =	sadd.s32 s0, s3;
	s0 =	sld [smem:$0x3FA3]  }
0x30: {  	s3 =	sld [smem:$0x3FA6]  }
0x31: {  	[smem:$0x3FAF] =	sst s10  }
0x32: {  	s10 =	sld [smem:$0x3FAD];
	_ =	sdelay $0x3  }
0x33: {  	p0 =	seq.s32 s10, $0x1;
	s10 =	sld [smem:$0x3FAF];
	_ =	sdelay $0x3  }
0x34: {  	[smem:$0x3FAF] =	sst s10  }
0x35: {  	s10 =	sld [smem:$0x3FAE];
	_ =	sdelay $0x3  }
0x36: {  	p1 =	seq.s32 s10, $0x1;
	s10 =	sld [smem:$0x3FAF];
	_ =	sdelay $0x3  }
0x37: {  	[smem:$0x3FAF] =	sst s10  }
0x38: {  	s10 =	sld [smem:$0x3FB0]  }
0x39: {  	_ = 	snop;
	(pc) =	sbr.ind lr, $3  }
0x3a: {  	_ = 	snop  }
0x3b: {  	_ = 	snop  }
0x3c: {  	p2 =	seq.s32 s10, $0x1;
	s10 =	sld [smem:$0x3FAF]  }
0x3d: {  	_ =	shalt  }
0x3e: {  	_ =	shalt  }
0x3f: {  	_ =	shalt  }
0x40: {  	_ =	shalt  }
0x41: {  	_ =	shalt  }
0x42: {  	_ =	shalt  }
0x43: {  	_ =	shalt  }
0x44: {  	_ =	shalt  }
0x45: {  	_ =	shalt  }
0x46: {  	_ =	shalt  }
0x47: {  	_ =	shalt  }
0x48: {  	_ =	shalt  }
0x49: {  	_ =	shalt  }
0x4a: {  	_ =	shalt  }
0x4b: {  	_ =	shalt  }
0x4c: {  	_ =	shalt  }
0x4d: {  	_ =	shalt  }
0x4e: {  	_ =	shalt  }
0x4f: {  	_ =	shalt  }
0x50: {  	_ =	shalt  }
0x51: {  	_ =	shalt  }
0x52: {  	_ =	shalt  }
0x53: {  	_ =	shalt  }
0x54: {  	_ =	shalt  }
0x55: {  	_ =	shalt  }
0x56: {  	_ =	shalt  }
0x57: {  	_ =	shalt  }
0x58: {  	_ =	shalt  }
0x59: {  	_ =	shalt  }
0x5a: {  	_ =	shalt  }
0x5b: {  	_ =	shalt  }
0x5c: {  	_ =	shalt  }
0x5d: {  	_ =	shalt  }
0x5e: {  	_ =	shalt  }
0x5f: {  	_ =	shalt  }
0x60: {  	_ =	shalt  }
0x61: {  	_ =	shalt  }
0x62: {  	_ =	shalt  }
0x63: {  	_ =	shalt  }
0x64: {  	_ =	shalt  }
0x65: {  	_ =	shalt  }
0x66: {  	_ =	shalt  }
0x67: {  	_ =	shalt  }
0x68: {  	_ =	shalt  }
0x69: {  	_ =	shalt  }
0x6a: {  	_ =	shalt  }
0x6b: {  	_ =	shalt  }
0x6c: {  	_ =	shalt  }
0x6d: {  	_ =	shalt  }
0x6e: {  	_ =	shalt  }
0x6f: {  	_ =	shalt  }
0x70: {  	_ =	shalt  }
0x71: {  	_ =	shalt  }
0x72: {  	_ =	shalt  }
0x73: {  	_ =	shalt  }
0x74: {  	_ =	shalt  }
0x75: {  	_ =	shalt  }
0x76: {  	_ =	shalt  }
0x77: {  	_ =	shalt  }
0x78: {  	_ =	shalt  }
0x79: {  	_ =	shalt  }
0x7a: {  	_ =	shalt  }
0x7b: {  	_ =	shalt  }
0x7c: {  	_ =	shalt  }
0x7d: {  	_ =	shalt  }
0x7e: {  	_ =	shalt  }
0x7f: {  	_ =	shalt  }
0x80: {  	_ =	shalt  }
0x81: {  	_ =	shalt  }
0x82: {  	_ =	shalt  }
0x83: {  	_ =	shalt  }
0x84: {  	_ =	shalt  }
0x85: {  	_ =	shalt  }
0x86: {  	_ =	shalt  }
0x87: {  	_ =	shalt  }
.Lfunc_end0:
.L_simem_size_0:
called_computation.6_lowered:
.L_overlay_start_0:
0x88: {  	s2 =	sld [smem:$0x3FD9]  }
0x89: {  	s3 =	sld [smem:$0x3FFE];
	_ =	sdelay $0x1  }
0x8a: {  	s1 =	srdreg.scid  }
0x8b: {  	s0 =	sand.u32 $0x1, s1  }
0x8c: {  	s16 =	sshll.u32 s0, $0xA;
	s2 =	sadd.s32 s3, s2  }
0x8d: {  	s2 =	sadd.s32 s2, s16  }
0x8e: {  	[smem:$0x3FBB] =	sst s2  }
0x8f: {  	_ = 	snop  }
0x90: {  	(tm) =	ssettm $0x1  }
0x91: {  	s17 =	sld [smem:$0x3FFB];
	_ =	sdelay $0x3  }
0x92: {  	_ =	strace s17  }
0x93: {  	s2 =	sld [smem:$0x3FFC];
	_ =	sdelay $0x3  }
0x94: {  	_ =	strace s2  }
0x95: {  	s2 =	sld [smem:$0x3FFD];
	_ =	sdelay $0x3  }
0x96: {  	_ =	strace s2  }
0x97: {  	_ =	strace $0x8FFFFFFF  }
0x98: {  	s18 =	sld [smem:$0x3FDB];
	_ =	sdelay $0x1  }
0x99: {  	s19 =	simm.s32 $_scs_section_size  }
0x9a: {  	s4 =	simm.s32 $_size__tile_overlayer_lowered;
	s5 =	simm.s32 $_tile_overlayer_lowered  }
0x9b: {  	s22 =	simm.s32 $0x1BFF;
	s21 =	sshll.u32 s5, $0x1;
	s2 =	sadd.s32 s19, s18  }
0x9c: {  	s6 =	simm.s32 $0x0;
	s20 =	sshll.u32 s4, $0x1;
	s4 =	sadd.s32 s21, s2  }
0x9d: {  	[timem:s6], [sflag:s22] =	dma.local [hbm:s4], s20  }
0x9e: {  	_ =	swait.ge [sflag:s22], s20  }
0x9f: {  	s3 =	ssub.s32 $0x0, s20;
	[sflag:s22] =	ssyncset.done $0x0  }
0xa0: {  	[sflag:s22] =	ssyncadd.s32 s3;
	_ =	sdelay $0x1  }
0xa1: {  	s23 =	simm.s32 $0x1B8B  }
0xa2: {  	_ =	swait.ge [sflag:s23], $0x1  }
0xa3: {  	[sflag:s23] =	ssyncset.done $0x0  }
0xa4: {  	s25 =	simm.s32 $0x1B8E;
	s24 =	sld [smem:$0x3FFE];
	[sflag:s23] =	ssyncadd.s32 $0xFFFFFFFF  }
0xa5: {  	s26 =	simm.s32 $execute0_lowered;
	[smem:$0x3FD2] =	sst s25  }
0xa6: {  	s4 =	sshll.u32 s26, $0x1;
	_ =	strace $0x80000058;
	[dreg:$0x1] =	wrdreg $0xFFFFFFFF  }
0xa7: {  	s28 =	simm.s32 $_size_execute0_lowered;
	s2 =	sadd.s32 s2, s4;
	[dreg:$0x0] =	wrdreg $0x0  }
0xa8: {  	s4 =	sshll.u32 s28, $0x1;
	[dreg:$0x2] =	wrdreg s2  }
0xa9: {  	[dreg:$0x3] =	wrdreg s4  }
0xaa: {  	[dreg:$0x4] =	wrdreg $0xC0  }
0xab: {  	_ =	task [dreg:s6], $0x5FFFF  }
0xac: {  	[dreg:$0x1] =	wrdreg $0xFFFFFFFF  }
0xad: {  	[dreg:$0x0] =	wrdreg $0x60  }
0xae: {  	[dreg:$0x2] =	wrdreg s24  }
0xaf: {  	[dreg:$0x3] =	wrdreg $0x9  }
0xb0: {  	_ =	task.clear_ibuf [dreg:s6], $0x4FFFF;
	_ =	strace $0x90000058  }
0xb1: {  	s29 =	simm.s32 $0x9;
	_ =	strace $0x8000005A  }
0xb2: {  	_ =	swait.ge [sflag:s29], $0x1  }
0xb3: {  	[sflag:s29] =	ssyncadd.s32 $0xFFFFFFFF  }
0xb4: {  	_ =	strace $0x9000005A  }
0xb5: {  	_ =	sfence  }
0xb6: {  	s30 =	sld [smem:$0x0];
	_ =	sdelay $0x2  }
0xb7: {  	s31 =	sshll.u32 s1, $0xD;
	s1 =	sshrl.u32 s1, $0x2  }
0xb8: {  	s3 =	sand.u32 $0x4000, s31;
	s1 =	sadd.s32 s1, s30  }
0xb9: {  	s0 =	sor.u32 s3, s0;
	s1 =	sshll.u32 s1, $0x11  }
0xba: {  	s0 =	sor.u32 s1, s0  }
0xbb: {  	s0 =	sadd.s32 $0x8F2B, s0  }
0xbc: {  	[sflag:s0] =	ssyncadd.remote.s32 $0x1  }
0xbd: {  	_ =	sfence.sel $0xFFFF  }
0xbe: {  	[dreg:$0x0] =	wrdreg $0xFFFFFFFF;
	(pc) =	sbr.abs _section_cstart, $3  }
0xbf: {  	[dreg:$0x1] =	wrdreg $0xFFFFFFFF  }
0xc0: {  	_ =	task.clear_ibuf [dreg:s6], $0x2FFFF;
	_ =	strace $0x9FFFFFFF  }
0xc1: {  	(tm) =	ssettm $0x7FFFFFFF  }
tec
execute0_lowered:
.L_overlay_start_1:
0x0: {  	(tag) =	ssettag $0x1  }
0x1: {  	s1 =	srdreg.scid;
	s0 =	stileid.u32  }
0x2: {  	s5 =	rddreg [dreg:$0x0];
	s2 =	simm.s32 $0x0;
	s9 =	simm.s32 $0x2  }
0x3: {  	s10 =	simm.s32 $0x680;
	s11 =	simm.s32 $0x80;
	s12 =	simm.s32 $0xD00  }
0x4: {  	s13 =	simm.s32 $0x4D00;
	s14 =	simm.s32 $0x1;
	s15 =	simm.s32 $0x8D00  }
0x5: {  	s16 =	simm.s32 $0xF500;
	s4 =	sand.u32 $0x1, s1;
	s30 =	sshll.u32 s0, $0x1  }
0x6: {  	s17 =	simm.s32 $0x0;
	s1 =	rddreg [dreg:$0x1];
	s3 =	sor.u32 s4, s30  }
0x7: {  	[smem:$0x7FF] =	sst s2;
	s4 =	ssub.s32 $0x2, s4;
	s6 =	smul.u32 $0xD0, s3  }
0x8: {  	_ =	strace $0x80000059;
	s7 =	smul.u32 $0xD00, s3;
	s31 =	sshrl.u32 s4, $0x1  }
0x9: {  	s3 =	sadd.s32 $0x5200, s5;
	s8 =	ssub.s32 s4, s31;
	s6 =	sadd.s32 s6, s5  }
0xa: {  	s7 =	sadd.s32 s7, s5;
	s8 =	smax.u32 s8, $0x1;
	s4 =	sadd.s32 $0xE1400, s6  }
0xb: {  	s5 =	sadd.s32 $0xE2E00, s6;
	s6 =	sadd.s32 $0x2C400, s7;
	s7 =	sadd.s32 $0x46400, s7  }
.LBB2_1:
0xc: {  	[tilespmem:s2], [sflag:$0x2] =	stream.linear.gather [hbm4b:s4+s2], $0x680, $0x38;
	[tilespmem:$0x15D00] =	vst v63  }
0xd: {  	_ =	swait.ge [sflag:s9], $0x680  }
0xe: {  	[sflag:s9] =	ssyncset.done $0x0  }
0xf: {  	[sflag:s9] =	ssyncadd.s32 $0xFFFFF980  }
0x10: {  	[tilespmem:s10], [sflag:$0x2] =	stream.linear.gather [hbm4b:s5+s2], $0x680, $0x38;
	[tilespmem:$0x15D00] =	vst v63  }
0x11: {  	_ =	swait.ge [sflag:s9], $0x680  }
0x12: {  	s18 =	simm.s32 $0x8D00;
	[sflag:s9] =	ssyncset.done $0x0  }
0x13: {  	s19 =	simm.s32 $0xF500;
	s20 =	simm.s32 $0x0;
	[sflag:s9] =	ssyncadd.s32 $0xFFFFF980  }
.LBB2_2:
0x14: {  	s21 =	sshll.u32 s20, $0x7  }
0x15: {  	[tilespmem:s12], [sflag:$0x1] =	stream.indirect.gather [hbm4b:s3+s11], $0x80, s21, s11, $0xb8;
	[tilespmem:$0x15D00] =	vst v63  }
0x16: {  	s21 =	sadd.s32 $0x680, s21  }
0x17: {  	[tilespmem:s13], [sflag:$0x1] =	stream.indirect.gather [hbm4b:s3+s11], $0x80, s21, s11, $0xb8;
	[tilespmem:$0x15D00] =	vst v63  }
0x18: {  	_ =	swait.ge [sflag:s14], $0x4000  }
0x19: {  	[sflag:s14] =	ssyncset.done $0x0  }
0x1a: {  	[sflag:s14] =	ssyncadd.s32 $0xFFFFC000  }
0x1b: {  	_ =	swait.ge [sflag:s14], $0x4000  }
0x1c: {  	[sflag:s14] =	ssyncset.done $0x0  }
0x1d: {  	s21 =	simm.s32 $0xD10;
	[sflag:s14] =	ssyncadd.s32 $0xFFFFC000  }
0x1e: {  	s22 =	simm.s32 $0x4D10;
	v1 =	vld [tilespmem:s21+$0xFFFFFFF0]  }
0x1f: {  	v2 =	vld [tilespmem:s22+$0xFFFFFFF0];
	_ =	sdelay $0x1  }
0x20: {  	v0 =	vmov s18;
	_ =	sdelay $0x2  }
0x21: {  	v1 =	vsub.f32 v1, v2  }
0x22: {  	s24 =	simm.s32 $0x0  }
0x23: {  	[tilespmem:v0+s24+$0x0 ss:$0x1] =	vst.idx.msk $0xffff, v1  }
0x24: {  	v2 =	vld [tilespmem:s21+$0x0]  }
0x25: {  	v3 =	vld [tilespmem:s22+$0x0];
	_ =	sdelay $0x1  }
0x26: {  	v1 =	vmov s19;
	_ =	sdelay $0x2  }
0x27: {  	s23 =	simm.s32 $0x40;
	v2 =	vsub.f32 v2, v3  }
.LBB2_3:
0x28: {  	p0 =	sne.s32 s23, $0x1FC0;
	s21 =	sadd.s32 $0x80, s21;
	s22 =	sadd.s32 $0x80, s22  }
0x29: {  	[tilespmem:v1+s24+$0x0 ss:$0x1] =	vst.idx.msk $0xffff, v2;
	s24 =	smov.u32 s23;
	s23 =	sadd.s32 $0x40, s23  }
0x2a: {  	v2 =	vld [tilespmem:s21+$0xFFFFFFF0]  }
0x2b: {  	v3 =	vld [tilespmem:s22+$0xFFFFFFF0];
	_ =	sdelay $0x4  }
0x2c: {  	v2 =	vsub.f32 v2, v3  }
0x2d: {  	s24 =	sshra.s32 s24, $0x2  }
0x2e: {  	[tilespmem:v0+s24+$0x0 ss:$0x1] =	vst.idx.msk $0xffff, v2  }
0x2f: {  	v2 =	vld [tilespmem:s21+$0x0]  }
0x30: {  	v3 =	vld [tilespmem:s22+$0x0]  }
.Ltmp0:
0x31: {  	(pc) =	sbr.rel @p0 .LBB2_3-.Ltmp0, $2  }
0x32: {  	_ =	sdelay $0x2  }
0x33: {  	v2 =	vsub.f32 v2, v3  }
0x34: {  	s20 =	sadd.s32 $0x1, s20  }
0x35: {  	p0 =	sne.s32 s20, $0xD  }
.Ltmp1:
0x36: {  	_ = 	snop;
	(pc) =	sbr.rel @p0 .LBB2_2-.Ltmp1, $2  }
0x37: {  	_ =	sdelay $0x2  }
0x38: {  	s19 =	sadd.s32 $0x800, s19;
	s18 =	sadd.s32 $0x800, s18;
	[tilespmem:v1+s24+$0x0 ss:$0x1] =	vst.idx.msk $0xffff, v2  }
0x39: {  	[hbm4b:s6+s2] =	stream.linear.scatter [tilespmem:s15], [sflag:$0x2], $0x6800, $0x38;
	[tilespmem:$0x15D00] =	vst v63  }
0x3a: {  	s17 =	sadd.s32 $0x1, s17;
	_ =	swait.ge [sflag:s9], $0x6800  }
0x3b: {  	p0 =	sne.s32 s17, s8;
	[sflag:s9] =	ssyncset.done $0x0  }
.Ltmp2:
0x3c: {  	[sflag:s9] =	ssyncadd.s32 $0xFFFF9800;
	(pc) =	sbr.rel @p0 .LBB2_1-.Ltmp2, $4  }
0x3d: {  	[hbm4b:s7+s2] =	stream.linear.scatter [tilespmem:s16], [sflag:$0x2], $0x6800, $0x38;
	[tilespmem:$0x15D00] =	vst v63  }
0x3e: {  	_ =	swait.ge [sflag:s9], $0x6800  }
0x3f: {  	[sflag:s9] =	ssyncset.done $0x0  }
0x40: {  	[sflag:s9] =	ssyncadd.s32 $0xFFFF9800  }
0x41: {  	_ =	sfence.sel $0x180000  }
0x42: {  	[bflag:$0x0] =	sbarrier.arrive $0xFFFF  }
0x43: {  	p0 =	sne.s32 s0, $0x0;
	_ =	strace $0x90000059  }
0x44: {  	s0 =	sadd.s32 @!p0 $0x100000, s1;
	[bflag:$0x2] =	sbarrier.arrive $0xFFFF  }
0x45: {  	[sflag:s0] =	ssyncadd.tile.s32 @!p0 $0x1;
	_ =	shalt  }
.Lfunc_end2:
_tile_overlayer_lowered:
.L_overlay_start_2:
0x46: {  	(tag) =	ssettag $0x2  }
0x47: {  	s0 =	rddreg [dreg:$0x0];
	s2 =	stileid.u32  }
0x48: {  	s1 =	rddreg [dreg:$0x1];
	p0 =	sne.s32 s2, $0x0  }
0x49: {  	s3 =	rddreg [dreg:$0x2];
	[bflag:$0x3] =	sbarrier.arrive $0xFFFF;
	s2 =	simm.s32 @!p0 $0x1C02  }
0x4a: {  	[timem:s3], [sflag:s2] =	dma.local @!p0 [hbm:s0], s1  }
0x4b: {  	s0 =	simm.s32 @!p0 $0x2  }
0x4c: {  	_ =	swait.ge @!p0 [sflag:s0], s1  }
0x4d: {  	s1 =	ssub.s32 @!p0 $0x0, s1;
	[sflag:s0] =	ssyncset.done @!p0 $0x0  }
0x4e: {  	[sflag:s0] =	ssyncadd.s32 @!p0 s1  }
0x4f: {  	[bflag:$0x3] =	sbarrier.arrive $0xFFFF  }
0x50: {  	_ =	shalt  }

</sc_bundles>
